<compile_context>
chip_gen: v7x
topology: tpu7x:2x2x1
jax: 0.10.2.dev20260603
libtpu: 0.0.44.dev20260713+nightly
codegen_flags: <defaults>
</compile_context>

<pallas_src>
import functools

import jax
import jax.numpy as jnp
from jax import lax
from jax.experimental import pallas as pl
from jax.experimental.pallas import tpu as pltpu
from jax.experimental.pallas import tpu_sc as plsc

N = 10000
N_PAD = 10240
E = 320000
NC = 2
NS = 16
NW = NC * NS
CHUNK = 128
NCHUNK = 80
EPT = NCHUNK * CHUNK
E_PAD = NW * EPT
K = 2
PAIRS = NCHUNK // (2 * K)
ROWS_PT = N_PAD // NS
DEG_W = 16

ROW_BLK = 512
ROW_BLK4 = 400


def _sc_mesh():
  return plsc.VectorSubcoreMesh(core_axis_name="c", subcore_axis_name="s")


_DK = 8


@functools.partial(
    pl.kernel,
    out_type=jax.ShapeDtypeStruct((NC, N_PAD, DEG_W), jnp.float32),
    mesh=_sc_mesh(),
    scratch_types=[
        pltpu.VMEM((NCHUNK, CHUNK), jnp.int32),
        pltpu.VMEM((CHUNK, DEG_W), jnp.float32),
        pltpu.VMEM_SHARED((N_PAD, DEG_W), jnp.float32),
        pltpu.SemaphoreType.DMA,
    ],
    compiler_params=pltpu.CompilerParams(use_tc_tiling_on_sc=False),
)
def _sc_degree(dst3_hbm, ones_hbm, zeros_hbm, out_hbm, didx2, ones_v, acc,
               ssem):
  c = lax.axis_index("c")
  s = lax.axis_index("s")
  r0 = s * ROWS_PT
  w = c * NS + s
  pltpu.sync_copy(dst3_hbm.at[w], didx2)
  pltpu.sync_copy(ones_hbm, ones_v)
  pltpu.sync_copy(zeros_hbm.at[pl.ds(r0, ROWS_PT)], acc.at[pl.ds(r0, ROWS_PT)])
  plsc.subcore_barrier()

  def body(g, _):
    for k in range(_DK):
      pltpu.async_copy(ones_v, acc.at[didx2.at[g * _DK + k]], ssem, add=True)
    for k in range(_DK):
      pltpu.make_async_copy(ones_v, acc.at[didx2.at[g * _DK + k]], ssem).wait()
    return ()

  lax.fori_loop(0, NCHUNK // _DK, body, ())
  plsc.subcore_barrier()
  pltpu.sync_copy(acc.at[pl.ds(r0, ROWS_PT)],
                  out_hbm.at[c].at[pl.ds(r0, ROWS_PT)])


IH = NCHUNK // 2


def _make_prop(D, K, G):
  S = K - G
  assert (IH - G - S) % K == 0

  @functools.partial(
      pl.kernel,
      out_type=jax.ShapeDtypeStruct((NC, N_PAD, D), jnp.float32),
      mesh=_sc_mesh(),
      scratch_types=[
          pltpu.VMEM((IH, CHUNK), jnp.int32),
          pltpu.VMEM((IH, CHUNK), jnp.int32),
          [pltpu.VMEM((CHUNK, D), jnp.float32) for _ in range(K)],
          pltpu.VMEM_SHARED((N_PAD, D), jnp.float32),
          [pltpu.SemaphoreType.DMA for _ in range(K)],
          [pltpu.SemaphoreType.DMA for _ in range(K)],
      ],
      compiler_params=pltpu.CompilerParams(use_tc_tiling_on_sc=False),
  )
  def prop(table_hbm, src3_hbm, dst3_hbm, zeros_hbm, out_hbm,
           sidx2, didx2, rows, acc, gsems, ssems):
    c = lax.axis_index("c")
    s = lax.axis_index("s")
    r0 = s * ROWS_PT
    w = c * NS + s
    pltpu.sync_copy(zeros_hbm.at[pl.ds(r0, ROWS_PT)],
                    acc.at[pl.ds(r0, ROWS_PT)])
    plsc.subcore_barrier()

    def fire_gather(b, i):
      pltpu.async_copy(table_hbm.at[sidx2.at[i]], rows[b], gsems[b])

    def wait_gather(b, i):
      pltpu.make_async_copy(table_hbm.at[sidx2.at[i]], rows[b],
                            gsems[b]).wait()

    def fire_scatter(b, i):
      pltpu.async_copy(rows[b], acc.at[didx2.at[i]], ssems[b], add=True)

    def wait_scatter(b, i):
      pltpu.make_async_copy(rows[b], acc.at[didx2.at[i]], ssems[b]).wait()

    for phase in range(2):
      base = phase * IH
      pltpu.sync_copy(src3_hbm.at[w].at[pl.ds(base, IH)], sidx2)
      pltpu.sync_copy(dst3_hbm.at[w].at[pl.ds(base, IH)], didx2)
      for i in range(G):
        fire_gather(i % K, i)
      for i in range(S):
        wait_gather(i % K, i)
        fire_scatter(i % K, i)
        fire_gather((i + G) % K, i + G)

      def body(j, _):
        for u in range(K):
          i = S + j * K + u
          b = (S + u) % K
          wait_gather(b, i)
          fire_scatter(b, i)
          wait_scatter(u % K, i - S)
          fire_gather((S + u + G) % K, i + G)
        return ()

      lax.fori_loop(0, (IH - G - S) // K, body, ())
      for i in range(IH - G, IH):
        wait_gather(i % K, i)
        fire_scatter(i % K, i)
        wait_scatter((i - S) % K, i - S)
      for i in range(IH - S, IH):
        wait_scatter(i % K, i)

    plsc.subcore_barrier()
    pltpu.sync_copy(acc.at[pl.ds(r0, ROWS_PT)],
                    out_hbm.at[c].at[pl.ds(r0, ROWS_PT)])

  return prop


_prop128 = _make_prop(128, 2, 1)
_prop32 = _make_prop(32, 4, 2)
_prop16 = _make_prop(16, 4, 2)


def _row_valid():
  rid = pl.program_id(0) * ROW_BLK + lax.broadcasted_iota(
      jnp.int32, (ROW_BLK, 1), 0)
  return rid < N


def _tc_k1a_body(x_ref, w1_ref, h_ref):
  h_ref[...] = jnp.dot(x_ref[...], w1_ref[...],
                       preferred_element_type=jnp.float32)


def _tc_k1a(x, w1):
  grid = (N_PAD // ROW_BLK,)
  return pl.pallas_call(
      _tc_k1a_body,
      grid=grid,
      in_specs=[
          pl.BlockSpec((ROW_BLK, 128), lambda i: (i, 0)),
          pl.BlockSpec((128, 128), lambda i: (0, 0)),
      ],
      out_specs=pl.BlockSpec((ROW_BLK, 128), lambda i: (i, 0)),
      out_shape=jax.ShapeDtypeStruct((N_PAD, 128), jnp.float32),
  )(x, w1)


def _tc_k1b_body(d0_ref, d1_ref, h_ref, dinv_ref, hn1_ref):
  deg = d0_ref[...] + d1_ref[...] + 1.0
  dinv = lax.rsqrt(deg)
  dinv_ref[...] = dinv
  hn1_ref[...] = jnp.where(_row_valid(), h_ref[...] * dinv, 0.0)


def _tc_k1b(d0, d1, h):
  grid = (N_PAD // ROW_BLK,)
  return pl.pallas_call(
      _tc_k1b_body,
      grid=grid,
      in_specs=[
          pl.BlockSpec((ROW_BLK, 1), lambda i: (i, 0)),
          pl.BlockSpec((ROW_BLK, 1), lambda i: (i, 0)),
          pl.BlockSpec((ROW_BLK, 128), lambda i: (i, 0)),
      ],
      out_specs=[
          pl.BlockSpec((ROW_BLK, 1), lambda i: (i, 0)),
          pl.BlockSpec((ROW_BLK, 128), lambda i: (i, 0)),
      ],
      out_shape=[
          jax.ShapeDtypeStruct((N_PAD, 1), jnp.float32),
          jax.ShapeDtypeStruct((N_PAD, 128), jnp.float32),
      ],
  )(d0, d1, h)


def _make_tc_mid(d_in, d_out):
  def body(sa_ref, sb_ref, hn_ref, dinv_ref, b_ref, w_ref, out_ref):
    dinv = dinv_ref[...]
    t = dinv * (sa_ref[...] + sb_ref[...] + hn_ref[...]) + b_ref[...]
    t = jnp.maximum(t, 0.0)
    h = jnp.dot(t, w_ref[...], preferred_element_type=jnp.float32)
    out_ref[...] = jnp.where(_row_valid(), h * dinv, 0.0)

  def run(sa, sb, hn, dinv, b, w):
    grid = (N_PAD // ROW_BLK,)
    return pl.pallas_call(
        body,
        grid=grid,
        in_specs=[
            pl.BlockSpec((ROW_BLK, d_in), lambda i: (i, 0)),
            pl.BlockSpec((ROW_BLK, d_in), lambda i: (i, 0)),
            pl.BlockSpec((ROW_BLK, d_in), lambda i: (i, 0)),
            pl.BlockSpec((ROW_BLK, 1), lambda i: (i, 0)),
            pl.BlockSpec((1, d_in), lambda i: (0, 0)),
            pl.BlockSpec((d_in, d_out), lambda i: (0, 0)),
        ],
        out_specs=pl.BlockSpec((ROW_BLK, d_out), lambda i: (i, 0)),
        out_shape=jax.ShapeDtypeStruct((N_PAD, d_out), jnp.float32),
    )(sa, sb, hn, dinv, b, w)

  return run


_tc_k2 = _make_tc_mid(128, 32)
_tc_k3 = _make_tc_mid(32, 16)


def _tc_k4_body(sa_ref, sb_ref, hn_ref, dinv_ref, b_ref, out_ref):
  o = dinv_ref[...] * (sa_ref[...] + sb_ref[...] + hn_ref[...]) + b_ref[...]
  m = jnp.max(o, axis=1, keepdims=True)
  e = jnp.exp(o - m)
  lse = m + jnp.log(jnp.sum(e, axis=1, keepdims=True))
  out_ref[...] = o - lse


def _tc_k4(sa, sb, hn, dinv, b):
  grid = (N // ROW_BLK4,)
  return pl.pallas_call(
      _tc_k4_body,
      grid=grid,
      in_specs=[
          pl.BlockSpec((ROW_BLK4, 16), lambda i: (i, 0)),
          pl.BlockSpec((ROW_BLK4, 16), lambda i: (i, 0)),
          pl.BlockSpec((ROW_BLK4, 16), lambda i: (i, 0)),
          pl.BlockSpec((ROW_BLK4, 1), lambda i: (i, 0)),
          pl.BlockSpec((1, 16), lambda i: (0, 0)),
      ],
      out_specs=pl.BlockSpec((ROW_BLK4, 16), lambda i: (i, 0)),
      out_shape=jax.ShapeDtypeStruct((N, 16), jnp.float32),
  )(sa, sb, hn, dinv, b)


def kernel(x, edge_index, W1, b1, W2, b2, W3, b3):
  src = edge_index[0]
  dst = edge_index[1]

  real_pt = E // NW
  pad_pt = EPT - real_pt
  j = jnp.arange(pad_pt, dtype=jnp.int32)
  w = jnp.arange(NW, dtype=jnp.int32)[:, None]
  pad_dst_deg = jnp.broadcast_to(N + j, (NW, pad_pt))
  pad_src_prop = jnp.broadcast_to(N + j % (N_PAD - N), (NW, pad_pt))
  pad_dst_prop = ((w * pad_pt + j) * 37) % N_PAD
  src3 = jnp.concatenate(
      [src.reshape(NW, real_pt), pad_src_prop], axis=1
  ).reshape(NW, NCHUNK, CHUNK)
  dst3 = jnp.concatenate(
      [dst.reshape(NW, real_pt), pad_dst_prop], axis=1
  ).reshape(NW, NCHUNK, CHUNK)
  dst3_deg = jnp.concatenate(
      [dst.reshape(NW, real_pt), pad_dst_deg], axis=1
  ).reshape(NW, NCHUNK, CHUNK)

  ones_c = jnp.ones((CHUNK, DEG_W), jnp.float32)
  zeros_deg = jnp.zeros((N_PAD, DEG_W), jnp.float32)
  degp = _sc_degree(dst3_deg, ones_c, zeros_deg)
  d0 = degp[0, :, 0:1]
  d1 = degp[1, :, 0:1]

  h1 = _tc_k1a(x, W1)
  dinv, hn1 = _tc_k1b(d0, d1, h1)

  z128 = jnp.zeros((N_PAD, 128), jnp.float32)
  s1 = _prop128(hn1, src3, dst3, z128)
  hn2 = _tc_k2(s1[0], s1[1], hn1, dinv, b1.reshape(1, 128), W2)

  z32 = jnp.zeros((N_PAD, 32), jnp.float32)
  s2 = _prop32(hn2, src3, dst3, z32)
  hn3 = _tc_k3(s2[0], s2[1], hn2, dinv, b2.reshape(1, 32), W3)

  z16 = jnp.zeros((N_PAD, 16), jnp.float32)
  s3 = _prop16(hn3, src3, dst3, z16)
  return _tc_k4(s3[0], s3[1], hn3, dinv, b3.reshape(1, 16))

# --- scband reference (transcript-rebuilt; emitter-appended) ---
"""Pipeline reference for scband-gcn-86045374808468 (READ-ONLY COPY).

The authoritative reference and input builder live on the scoring server;
editing this copy changes nothing except your own understanding.
"""

import jax, jax.numpy as jnp
import numpy as np

N_NODES = 10000
N_EDGES = 320000
D_IN = 128
D_H1 = 128
D_H2 = 32
D_OUT = 16


def setup_inputs(seed: int = 0) -> dict:
    key = jax.random.key(seed)
    ks = jax.random.split(key, 8)
    x = jax.random.normal(ks[0], (N_NODES, D_IN), dtype=jnp.float32)
    edge_index = jax.random.randint(ks[1], (2, N_EDGES), 0, N_NODES, dtype=jnp.int32)
    W1 = jax.random.normal(ks[2], (D_IN, D_H1), dtype=jnp.float32) * (1.0 / np.sqrt(D_IN))
    b1 = jnp.zeros((D_H1,), dtype=jnp.float32)
    W2 = jax.random.normal(ks[3], (D_H1, D_H2), dtype=jnp.float32) * (1.0 / np.sqrt(D_H1))
    b2 = jnp.zeros((D_H2,), dtype=jnp.float32)
    W3 = jax.random.normal(ks[4], (D_H2, D_OUT), dtype=jnp.float32) * (1.0 / np.sqrt(D_H2))
    b3 = jnp.zeros((D_OUT,), dtype=jnp.float32)
    return {"x": x, "edge_index": edge_index, "W1": W1, "b1": b1, "W2": W2, "b2": b2, "W3": W3, "b3": b3}


def _gcn_conv(x, edge_index, W, b):
    # GCNConv: x' = D^{-1/2} (A + I) D^{-1/2} X W + b
    h = x @ W
    src = edge_index[0]
    dst = edge_index[1]
    n = h.shape[0]
    # degree with self-loops
    deg = jax.ops.segment_sum(jnp.ones_like(dst, dtype=h.dtype), dst, num_segments=n) + 1.0
    dinv = jax.lax.rsqrt(deg)
    norm = dinv[src] * dinv[dst]
    msg = h[src] * norm[:, None]
    agg = jnp.zeros_like(h).at[dst].add(msg)
    # self-loop contribution: norm = dinv[i] * dinv[i]
    agg = agg + h * (dinv * dinv)[:, None]
    return agg + b


def reference(x, edge_index, W1, b1, W2, b2, W3, b3):
    h = _gcn_conv(x, edge_index, W1, b1)
    h = jax.nn.relu(h)
    # dropout is identity in eval mode
    h = _gcn_conv(h, edge_index, W2, b2)
    h = jax.nn.relu(h)
    h = _gcn_conv(h, edge_index, W3, b3)
    return jax.nn.log_softmax(h, axis=1)

if __name__ == "__main__":
    import jax
    _d = setup_inputs()
    print(jax.jit(kernel)(*tuple(_d.values())))

</pallas_src>

<mosaic_0001>
#map = affine_map<(d0, d1) -> (0, 0)>
#map1 = affine_map<(d0, d1) -> (0, 0, 0)>
module attributes {stable_mosaic.version = 14 : i64} {
  func.func @prop(%arg0: i32, %arg1: i32, %arg2: memref<10240x16xf32, #tpu.memory_space<hbm>>, %arg3: memref<32x80x128xi32, #tpu.memory_space<hbm>>, %arg4: memref<32x80x128xi32, #tpu.memory_space<hbm>>, %arg5: memref<10240x16xf32, #tpu.memory_space<hbm>>, %arg6: memref<2x10240x16xf32, #tpu.memory_space<hbm>>, %arg7: memref<40x128xi32, #tpu.memory_space<vmem>>, %arg8: memref<40x128xi32, #tpu.memory_space<vmem>>, %arg9: memref<128x16xf32, #tpu.memory_space<vmem>>, %arg10: memref<128x16xf32, #tpu.memory_space<vmem>>, %arg11: memref<128x16xf32, #tpu.memory_space<vmem>>, %arg12: memref<128x16xf32, #tpu.memory_space<vmem>>, %arg13: memref<10240x16xf32, #tpu.memory_space<vmem_shared>>, %arg14: memref<!tpu.dma_semaphore, #tpu.memory_space<semaphore_mem>>, %arg15: memref<!tpu.dma_semaphore, #tpu.memory_space<semaphore_mem>>, %arg16: memref<!tpu.dma_semaphore, #tpu.memory_space<semaphore_mem>>, %arg17: memref<!tpu.dma_semaphore, #tpu.memory_space<semaphore_mem>>, %arg18: memref<!tpu.dma_semaphore, #tpu.memory_space<semaphore_mem>>, %arg19: memref<!tpu.dma_semaphore, #tpu.memory_space<semaphore_mem>>, %arg20: memref<!tpu.dma_semaphore, #tpu.memory_space<semaphore_mem>>, %arg21: memref<!tpu.dma_semaphore, #tpu.memory_space<semaphore_mem>>) attributes {dimension_semantics = [#tpu.dimension_semantics<core_parallel>, #tpu.dimension_semantics<subcore_parallel>], iteration_bounds = array<i64: 2, 16>, scalar_prefetch = 0 : i64, scratch_operands = 15 : i64, tpu.core_type = #tpu.core_type<sc_vector_subcore>, window_params = [{transform_indices = #map}, {transform_indices = #map1}, {transform_indices = #map1}, {transform_indices = #map}, {transform_indices = #map1}]} {
    %mul3A = arith.constant 640 : i32
    %mul3A_0 = arith.muli %arg1, %mul3A : i32
    %mul3A_1 = arith.constant 16 : i32
    %mul3A_2 = arith.muli %arg0, %mul3A_1 : i32
    %add3A = arith.addi %mul3A_2, %arg1 : i32
    "tpu.region"() ({
      %run_scoped3A = tpu.sem_alloc : memref<!tpu.dma_semaphore, #tpu.memory_space<semaphore_mem>>
      %dma_start3A_235 = arith.constant 0 : i32
      %dma_start3A_236 = tpu.memref_slice %arg13[%mul3A_0, %dma_start3A_235] : memref<10240x16xf32, #tpu.memory_space<vmem_shared>> -> memref<640x16xf32, #tpu.memory_space<vmem_shared>>
      %dma_start3A_237 = arith.constant 0 : i32
      %dma_start3A_238 = tpu.memref_slice %arg5[%mul3A_0, %dma_start3A_237] : memref<10240x16xf32, #tpu.memory_space<hbm>> -> memref<640x16xf32, #tpu.memory_space<hbm>>
      tpu.enqueue_dma source(%dma_start3A_238 : memref<640x16xf32, #tpu.memory_space<hbm>>) target(%dma_start3A_236 : memref<640x16xf32, #tpu.memory_space<vmem_shared>>) target_semaphore(%run_scoped3A : memref<!tpu.dma_semaphore, #tpu.memory_space<semaphore_mem>>)
      %dma_wait3A_239 = arith.constant 0 : i32
      %dma_wait3A_240 = tpu.memref_slice %arg13[%mul3A_0, %dma_wait3A_239] : memref<10240x16xf32, #tpu.memory_space<vmem_shared>> -> memref<640x16xf32, #tpu.memory_space<vmem_shared>>
      %dma_wait3A_241 = arith.constant 0 : i32
      %dma_wait3A_242 = tpu.memref_slice %arg5[%mul3A_0, %dma_wait3A_241] : memref<10240x16xf32, #tpu.memory_space<hbm>> -> memref<640x16xf32, #tpu.memory_space<hbm>>
      tpu.wait_dma2 semaphore(%run_scoped3A : memref<!tpu.dma_semaphore, #tpu.memory_space<semaphore_mem>>) src(%dma_wait3A_242 : memref<640x16xf32, #tpu.memory_space<hbm>>) dst(%dma_wait3A_240 : memref<640x16xf32, #tpu.memory_space<vmem_shared>>)
      tpu.yield
    }) : () -> ()
    %barrier3A = arith.constant 0 : index
    tpu.barrier barrier_id(%barrier3A)
    "tpu.region"() ({
      %run_scoped3A = tpu.sem_alloc : memref<!tpu.dma_semaphore, #tpu.memory_space<semaphore_mem>>
      %dma_start3A_235 = arith.constant 0 : i32
      %dma_start3A_236 = arith.constant 0 : i32
      %dma_start3A_237 = tpu.memref_slice %arg3[%add3A, %dma_start3A_235, %dma_start3A_236] : memref<32x80x128xi32, #tpu.memory_space<hbm>> -> memref<1x80x128xi32, #tpu.memory_space<hbm>>
      %dma_start3A_238 = tpu.memref_squeeze %dma_start3A_237 : memref<1x80x128xi32, #tpu.memory_space<hbm>> -> memref<80x128xi32, #tpu.memory_space<hbm>>
      %dma_start3A_239 = arith.constant 0 : i32
      %dma_start3A_240 = arith.constant 0 : i32
      %dma_start3A_241 = tpu.memref_slice %dma_start3A_238[%dma_start3A_239, %dma_start3A_240] : memref<80x128xi32, #tpu.memory_space<hbm>> -> memref<40x128xi32, #tpu.memory_space<hbm>>
      %dma_start3A_242 = arith.constant 0 : i32
      %dma_start3A_243 = arith.constant 0 : i32
      %dma_start3A_244 = tpu.memref_slice %arg3[%add3A, %dma_start3A_242, %dma_start3A_243] : memref<32x80x128xi32, #tpu.memory_space<hbm>> -> memref<1x80x128xi32, #tpu.memory_space<hbm>>
      %dma_start3A_245 = tpu.memref_squeeze %dma_start3A_244 : memref<1x80x128xi32, #tpu.memory_space<hbm>> -> memref<80x128xi32, #tpu.memory_space<hbm>>
      %dma_start3A_246 = arith.constant 0 : i32
      %dma_start3A_247 = arith.constant 0 : i32
      %dma_start3A_248 = tpu.memref_slice %dma_start3A_245[%dma_start3A_246, %dma_start3A_247] : memref<80x128xi32, #tpu.memory_space<hbm>> -> memref<40x128xi32, #tpu.memory_space<hbm>>
      tpu.enqueue_dma source(%dma_start3A_248 : memref<40x128xi32, #tpu.memory_space<hbm>>) target(%arg7 : memref<40x128xi32, #tpu.memory_space<vmem>>) target_semaphore(%run_scoped3A : memref<!tpu.dma_semaphore, #tpu.memory_space<semaphore_mem>>)
      %dma_wait3A_249 = arith.constant 0 : i32
      %dma_wait3A_250 = arith.constant 0 : i32
      %dma_wait3A_251 = tpu.memref_slice %arg3[%add3A, %dma_wait3A_249, %dma_wait3A_250] : memref<32x80x128xi32, #tpu.memory_space<hbm>> -> memref<1x80x128xi32, #tpu.memory_space<hbm>>
      %dma_wait3A_252 = tpu.memref_squeeze %dma_wait3A_251 : memref<1x80x128xi32, #tpu.memory_space<hbm>> -> memref<80x128xi32, #tpu.memory_space<hbm>>
      %dma_wait3A_253 = arith.constant 0 : i32
      %dma_wait3A_254 = arith.constant 0 : i32
      %dma_wait3A_255 = tpu.memref_slice %dma_wait3A_252[%dma_wait3A_253, %dma_wait3A_254] : memref<80x128xi32, #tpu.memory_space<hbm>> -> memref<40x128xi32, #tpu.memory_space<hbm>>
      %dma_wait3A_256 = arith.constant 0 : i32
      %dma_wait3A_257 = arith.constant 0 : i32
      %dma_wait3A_258 = tpu.memref_slice %arg3[%add3A, %dma_wait3A_256, %dma_wait3A_257] : memref<32x80x128xi32, #tpu.memory_space<hbm>> -> memref<1x80x128xi32, #tpu.memory_space<hbm>>
      %dma_wait3A_259 = tpu.memref_squeeze %dma_wait3A_258 : memref<1x80x128xi32, #tpu.memory_space<hbm>> -> memref<80x128xi32, #tpu.memory_space<hbm>>
      %dma_wait3A_260 = arith.constant 0 : i32
      %dma_wait3A_261 = arith.constant 0 : i32
      %dma_wait3A_262 = tpu.memref_slice %dma_wait3A_259[%dma_wait3A_260, %dma_wait3A_261] : memref<80x128xi32, #tpu.memory_space<hbm>> -> memref<40x128xi32, #tpu.memory_space<hbm>>
      tpu.wait_dma2 semaphore(%run_scoped3A : memref<!tpu.dma_semaphore, #tpu.memory_space<semaphore_mem>>) src(%dma_wait3A_262 : memref<40x128xi32, #tpu.memory_space<hbm>>) dst(%arg7 : memref<40x128xi32, #tpu.memory_space<vmem>>)
      tpu.yield
    }) : () -> ()
    "tpu.region"() ({
      %run_scoped3A = tpu.sem_alloc : memref<!tpu.dma_semaphore, #tpu.memory_space<semaphore_mem>>
      %dma_start3A_235 = arith.constant 0 : i32
      %dma_start3A_236 = arith.constant 0 : i32
      %dma_start3A_237 = tpu.memref_slice %arg4[%add3A, %dma_start3A_235, %dma_start3A_236] : memref<32x80x128xi32, #tpu.memory_space<hbm>> -> memref<1x80x128xi32, #tpu.memory_space<hbm>>
      %dma_start3A_238 = tpu.memref_squeeze %dma_start3A_237 : memref<1x80x128xi32, #tpu.memory_space<hbm>> -> memref<80x128xi32, #tpu.memory_space<hbm>>
      %dma_start3A_239 = arith.constant 0 : i32
      %dma_start3A_240 = arith.constant 0 : i32
      %dma_start3A_241 = tpu.memref_slice %dma_start3A_238[%dma_start3A_239, %dma_start3A_240] : memref<80x128xi32, #tpu.memory_space<hbm>> -> memref<40x128xi32, #tpu.memory_space<hbm>>
      %dma_start3A_242 = arith.constant 0 : i32
      %dma_start3A_243 = arith.constant 0 : i32
      %dma_start3A_244 = tpu.memref_slice %arg4[%add3A, %dma_start3A_242, %dma_start3A_243] : memref<32x80x128xi32, #tpu.memory_space<hbm>> -> memref<1x80x128xi32, #tpu.memory_space<hbm>>
      %dma_start3A_245 = tpu.memref_squeeze %dma_start3A_244 : memref<1x80x128xi32, #tpu.memory_space<hbm>> -> memref<80x128xi32, #tpu.memory_space<hbm>>
      %dma_start3A_246 = arith.constant 0 : i32
      %dma_start3A_247 = arith.constant 0 : i32
      %dma_start3A_248 = tpu.memref_slice %dma_start3A_245[%dma_start3A_246, %dma_start3A_247] : memref<80x128xi32, #tpu.memory_space<hbm>> -> memref<40x128xi32, #tpu.memory_space<hbm>>
      tpu.enqueue_dma source(%dma_start3A_248 : memref<40x128xi32, #tpu.memory_space<hbm>>) target(%arg8 : memref<40x128xi32, #tpu.memory_space<vmem>>) target_semaphore(%run_scoped3A : memref<!tpu.dma_semaphore, #tpu.memory_space<semaphore_mem>>)
      %dma_wait3A_249 = arith.constant 0 : i32
      %dma_wait3A_250 = arith.constant 0 : i32
      %dma_wait3A_251 = tpu.memref_slice %arg4[%add3A, %dma_wait3A_249, %dma_wait3A_250] : memref<32x80x128xi32, #tpu.memory_space<hbm>> -> memref<1x80x128xi32, #tpu.memory_space<hbm>>
      %dma_wait3A_252 = tpu.memref_squeeze %dma_wait3A_251 : memref<1x80x128xi32, #tpu.memory_space<hbm>> -> memref<80x128xi32, #tpu.memory_space<hbm>>
      %dma_wait3A_253 = arith.constant 0 : i32
      %dma_wait3A_254 = arith.constant 0 : i32
      %dma_wait3A_255 = tpu.memref_slice %dma_wait3A_252[%dma_wait3A_253, %dma_wait3A_254] : memref<80x128xi32, #tpu.memory_space<hbm>> -> memref<40x128xi32, #tpu.memory_space<hbm>>
      %dma_wait3A_256 = arith.constant 0 : i32
      %dma_wait3A_257 = arith.constant 0 : i32
      %dma_wait3A_258 = tpu.memref_slice %arg4[%add3A, %dma_wait3A_256, %dma_wait3A_257] : memref<32x80x128xi32, #tpu.memory_space<hbm>> -> memref<1x80x128xi32, #tpu.memory_space<hbm>>
      %dma_wait3A_259 = tpu.memref_squeeze %dma_wait3A_258 : memref<1x80x128xi32, #tpu.memory_space<hbm>> -> memref<80x128xi32, #tpu.memory_space<hbm>>
      %dma_wait3A_260 = arith.constant 0 : i32
      %dma_wait3A_261 = arith.constant 0 : i32
      %dma_wait3A_262 = tpu.memref_slice %dma_wait3A_259[%dma_wait3A_260, %dma_wait3A_261] : memref<80x128xi32, #tpu.memory_space<hbm>> -> memref<40x128xi32, #tpu.memory_space<hbm>>
      tpu.wait_dma2 semaphore(%run_scoped3A : memref<!tpu.dma_semaphore, #tpu.memory_space<semaphore_mem>>) src(%dma_wait3A_262 : memref<40x128xi32, #tpu.memory_space<hbm>>) dst(%arg8 : memref<40x128xi32, #tpu.memory_space<vmem>>)
      tpu.yield
    }) : () -> ()
    %dma_start3A = arith.constant 0 : i32
    %dma_start3A_3 = arith.constant 0 : i32
    %dma_start3A_4 = tpu.memref_slice %arg7[%dma_start3A, %dma_start3A_3] : memref<40x128xi32, #tpu.memory_space<vmem>> -> memref<1x128xi32, #tpu.memory_space<vmem>>
    %dma_start3A_5 = tpu.memref_squeeze %dma_start3A_4 : memref<1x128xi32, #tpu.memory_space<vmem>> -> memref<128xi32, #tpu.memory_space<vmem>>
    %dma_start3A_6 = arith.constant 0 : i32
    %dma_start3A_7 = arith.constant 0 : i32
    %dma_start3A_8 = tpu.memref_slice %arg2[%dma_start3A_6, %dma_start3A_7] : memref<10240x16xf32, #tpu.memory_space<hbm>> -> memref<10240x16xf32, #tpu.memory_space<hbm>>
    tpu.enqueue_indirect_dma source(%dma_start3A_8 : memref<10240x16xf32, #tpu.memory_space<hbm>>) target(%arg9 : memref<128x16xf32, #tpu.memory_space<vmem>>) offsets(%dma_start3A_5 : memref<128xi32, #tpu.memory_space<vmem>>) semaphore(%arg14 : memref<!tpu.dma_semaphore, #tpu.memory_space<semaphore_mem>>)
    %dma_start3A_9 = arith.constant 1 : i32
    %dma_start3A_10 = arith.constant 0 : i32
    %dma_start3A_11 = tpu.memref_slice %arg7[%dma_start3A_9, %dma_start3A_10] : memref<40x128xi32, #tpu.memory_space<vmem>> -> memref<1x128xi32, #tpu.memory_space<vmem>>
    %dma_start3A_12 = tpu.memref_squeeze %dma_start3A_11 : memref<1x128xi32, #tpu.memory_space<vmem>> -> memref<128xi32, #tpu.memory_space<vmem>>
    %dma_start3A_13 = arith.constant 0 : i32
    %dma_start3A_14 = arith.constant 0 : i32
    %dma_start3A_15 = tpu.memref_slice %arg2[%dma_start3A_13, %dma_start3A_14] : memref<10240x16xf32, #tpu.memory_space<hbm>> -> memref<10240x16xf32, #tpu.memory_space<hbm>>
    tpu.enqueue_indirect_dma source(%dma_start3A_15 : memref<10240x16xf32, #tpu.memory_space<hbm>>) target(%arg10 : memref<128x16xf32, #tpu.memory_space<vmem>>) offsets(%dma_start3A_12 : memref<128xi32, #tpu.memory_space<vmem>>) semaphore(%arg15 : memref<!tpu.dma_semaphore, #tpu.memory_space<semaphore_mem>>)
    %dma_wait3A = arith.constant 0 : i32
    %dma_wait3A_16 = arith.constant 0 : i32
    %dma_wait3A_17 = tpu.memref_slice %arg7[%dma_wait3A, %dma_wait3A_16] : memref<40x128xi32, #tpu.memory_space<vmem>> -> memref<1x128xi32, #tpu.memory_space<vmem>>
    %dma_wait3A_18 = tpu.memref_squeeze %dma_wait3A_17 : memref<1x128xi32, #tpu.memory_space<vmem>> -> memref<128xi32, #tpu.memory_space<vmem>>
    %dma_wait3A_19 = arith.constant 0 : i32
    %dma_wait3A_20 = arith.constant 0 : i32
    %dma_wait3A_21 = tpu.memref_slice %arg2[%dma_wait3A_19, %dma_wait3A_20] : memref<10240x16xf32, #tpu.memory_space<hbm>> -> memref<10240x16xf32, #tpu.memory_space<hbm>>
    tpu.wait_indirect_dma semaphore(%arg14 : memref<!tpu.dma_semaphore, #tpu.memory_space<semaphore_mem>>) src(%dma_wait3A_21 : memref<10240x16xf32, #tpu.memory_space<hbm>>) dst(%arg9 : memref<128x16xf32, #tpu.memory_space<vmem>>)
    %dma_start3A_22 = arith.constant 0 : i32
    %dma_start3A_23 = arith.constant 0 : i32
    %dma_start3A_24 = tpu.memref_slice %arg8[%dma_start3A_22, %dma_start3A_23] : memref<40x128xi32, #tpu.memory_space<vmem>> -> memref<1x128xi32, #tpu.memory_space<vmem>>
    %dma_start3A_25 = tpu.memref_squeeze %dma_start3A_24 : memref<1x128xi32, #tpu.memory_space<vmem>> -> memref<128xi32, #tpu.memory_space<vmem>>
    %dma_start3A_26 = arith.constant 0 : i32
    %dma_start3A_27 = arith.constant 0 : i32
    %dma_start3A_28 = tpu.memref_slice %arg13[%dma_start3A_26, %dma_start3A_27] : memref<10240x16xf32, #tpu.memory_space<vmem_shared>> -> memref<10240x16xf32, #tpu.memory_space<vmem_shared>>
    tpu.enqueue_indirect_dma source(%arg9 : memref<128x16xf32, #tpu.memory_space<vmem>>) target(%dma_start3A_28 : memref<10240x16xf32, #tpu.memory_space<vmem_shared>>) offsets(%dma_start3A_25 : memref<128xi32, #tpu.memory_space<vmem>>) semaphore(%arg18 : memref<!tpu.dma_semaphore, #tpu.memory_space<semaphore_mem>>) {add = true}
    %dma_start3A_29 = arith.constant 2 : i32
    %dma_start3A_30 = arith.constant 0 : i32
    %dma_start3A_31 = tpu.memref_slice %arg7[%dma_start3A_29, %dma_start3A_30] : memref<40x128xi32, #tpu.memory_space<vmem>> -> memref<1x128xi32, #tpu.memory_space<vmem>>
    %dma_start3A_32 = tpu.memref_squeeze %dma_start3A_31 : memref<1x128xi32, #tpu.memory_space<vmem>> -> memref<128xi32, #tpu.memory_space<vmem>>
    %dma_start3A_33 = arith.constant 0 : i32
    %dma_start3A_34 = arith.constant 0 : i32
    %dma_start3A_35 = tpu.memref_slice %arg2[%dma_start3A_33, %dma_start3A_34] : memref<10240x16xf32, #tpu.memory_space<hbm>> -> memref<10240x16xf32, #tpu.memory_space<hbm>>
    tpu.enqueue_indirect_dma source(%dma_start3A_35 : memref<10240x16xf32, #tpu.memory_space<hbm>>) target(%arg11 : memref<128x16xf32, #tpu.memory_space<vmem>>) offsets(%dma_start3A_32 : memref<128xi32, #tpu.memory_space<vmem>>) semaphore(%arg16 : memref<!tpu.dma_semaphore, #tpu.memory_space<semaphore_mem>>)
    %dma_wait3A_36 = arith.constant 1 : i32
    %dma_wait3A_37 = arith.constant 0 : i32
    %dma_wait3A_38 = tpu.memref_slice %arg7[%dma_wait3A_36, %dma_wait3A_37] : memref<40x128xi32, #tpu.memory_space<vmem>> -> memref<1x128xi32, #tpu.memory_space<vmem>>
    %dma_wait3A_39 = tpu.memref_squeeze %dma_wait3A_38 : memref<1x128xi32, #tpu.memory_space<vmem>> -> memref<128xi32, #tpu.memory_space<vmem>>
    %dma_wait3A_40 = arith.constant 0 : i32
    %dma_wait3A_41 = arith.constant 0 : i32
    %dma_wait3A_42 = tpu.memref_slice %arg2[%dma_wait3A_40, %dma_wait3A_41] : memref<10240x16xf32, #tpu.memory_space<hbm>> -> memref<10240x16xf32, #tpu.memory_space<hbm>>
    tpu.wait_indirect_dma semaphore(%arg15 : memref<!tpu.dma_semaphore, #tpu.memory_space<semaphore_mem>>) src(%dma_wait3A_42 : memref<10240x16xf32, #tpu.memory_space<hbm>>) dst(%arg10 : memref<128x16xf32, #tpu.memory_space<vmem>>)
    %dma_start3A_43 = arith.constant 1 : i32
    %dma_start3A_44 = arith.constant 0 : i32
    %dma_start3A_45 = tpu.memref_slice %arg8[%dma_start3A_43, %dma_start3A_44] : memref<40x128xi32, #tpu.memory_space<vmem>> -> memref<1x128xi32, #tpu.memory_space<vmem>>
    %dma_start3A_46 = tpu.memref_squeeze %dma_start3A_45 : memref<1x128xi32, #tpu.memory_space<vmem>> -> memref<128xi32, #tpu.memory_space<vmem>>
    %dma_start3A_47 = arith.constant 0 : i32
    %dma_start3A_48 = arith.constant 0 : i32
    %dma_start3A_49 = tpu.memref_slice %arg13[%dma_start3A_47, %dma_start3A_48] : memref<10240x16xf32, #tpu.memory_space<vmem_shared>> -> memref<10240x16xf32, #tpu.memory_space<vmem_shared>>
    tpu.enqueue_indirect_dma source(%arg10 : memref<128x16xf32, #tpu.memory_space<vmem>>) target(%dma_start3A_49 : memref<10240x16xf32, #tpu.memory_space<vmem_shared>>) offsets(%dma_start3A_46 : memref<128xi32, #tpu.memory_space<vmem>>) semaphore(%arg19 : memref<!tpu.dma_semaphore, #tpu.memory_space<semaphore_mem>>) {add = true}
    %dma_start3A_50 = arith.constant 3 : i32
    %dma_start3A_51 = arith.constant 0 : i32
    %dma_start3A_52 = tpu.memref_slice %arg7[%dma_start3A_50, %dma_start3A_51] : memref<40x128xi32, #tpu.memory_space<vmem>> -> memref<1x128xi32, #tpu.memory_space<vmem>>
    %dma_start3A_53 = tpu.memref_squeeze %dma_start3A_52 : memref<1x128xi32, #tpu.memory_space<vmem>> -> memref<128xi32, #tpu.memory_space<vmem>>
    %dma_start3A_54 = arith.constant 0 : i32
    %dma_start3A_55 = arith.constant 0 : i32
    %dma_start3A_56 = tpu.memref_slice %arg2[%dma_start3A_54, %dma_start3A_55] : memref<10240x16xf32, #tpu.memory_space<hbm>> -> memref<10240x16xf32, #tpu.memory_space<hbm>>
    tpu.enqueue_indirect_dma source(%dma_start3A_56 : memref<10240x16xf32, #tpu.memory_space<hbm>>) target(%arg12 : memref<128x16xf32, #tpu.memory_space<vmem>>) offsets(%dma_start3A_53 : memref<128xi32, #tpu.memory_space<vmem>>) semaphore(%arg17 : memref<!tpu.dma_semaphore, #tpu.memory_space<semaphore_mem>>)
    %scan3A = arith.constant 0 : i32
    %scan3A_57 = arith.constant 9 : i32
    %scan3A_58 = arith.addi %scan3A, %scan3A_57 : i32
    %scan3A_59 = arith.constant 1 : i32
    scf.for %scan3A_235 = %scan3A to %scan3A_58 step %scan3A_59  : i32 {
      %mul3A_236 = arith.constant 4 : i32
      %mul3A_237 = arith.muli %scan3A_235, %mul3A_236 : i32
      %add3A_238 = arith.constant 2 : i32
      %add3A_239 = arith.addi %add3A_238, %mul3A_237 : i32
      %add3A_240 = arith.constant 0 : i32
      %add3A_241 = arith.addi %add3A_239, %add3A_240 : i32
      %dma_wait3A_242 = arith.constant 0 : i32
      %dma_wait3A_243 = tpu.memref_slice %arg7[%add3A_241, %dma_wait3A_242] : memref<40x128xi32, #tpu.memory_space<vmem>> -> memref<1x128xi32, #tpu.memory_space<vmem>>
      %dma_wait3A_244 = tpu.memref_squeeze %dma_wait3A_243 : memref<1x128xi32, #tpu.memory_space<vmem>> -> memref<128xi32, #tpu.memory_space<vmem>>
      %dma_wait3A_245 = arith.constant 0 : i32
      %dma_wait3A_246 = arith.constant 0 : i32
      %dma_wait3A_247 = tpu.memref_slice %arg2[%dma_wait3A_245, %dma_wait3A_246] : memref<10240x16xf32, #tpu.memory_space<hbm>> -> memref<10240x16xf32, #tpu.memory_space<hbm>>
      tpu.wait_indirect_dma semaphore(%arg16 : memref<!tpu.dma_semaphore, #tpu.memory_space<semaphore_mem>>) src(%dma_wait3A_247 : memref<10240x16xf32, #tpu.memory_space<hbm>>) dst(%arg11 : memref<128x16xf32, #tpu.memory_space<vmem>>)
      %dma_start3A_248 = arith.constant 0 : i32
      %dma_start3A_249 = tpu.memref_slice %arg8[%add3A_241, %dma_start3A_248] : memref<40x128xi32, #tpu.memory_space<vmem>> -> memref<1x128xi32, #tpu.memory_space<vmem>>
      %dma_start3A_250 = tpu.memref_squeeze %dma_start3A_249 : memref<1x128xi32, #tpu.memory_space<vmem>> -> memref<128xi32, #tpu.memory_space<vmem>>
      %dma_start3A_251 = arith.constant 0 : i32
      %dma_start3A_252 = arith.constant 0 : i32
      %dma_start3A_253 = tpu.memref_slice %arg13[%dma_start3A_251, %dma_start3A_252] : memref<10240x16xf32, #tpu.memory_space<vmem_shared>> -> memref<10240x16xf32, #tpu.memory_space<vmem_shared>>
      tpu.enqueue_indirect_dma source(%arg11 : memref<128x16xf32, #tpu.memory_space<vmem>>) target(%dma_start3A_253 : memref<10240x16xf32, #tpu.memory_space<vmem_shared>>) offsets(%dma_start3A_250 : memref<128xi32, #tpu.memory_space<vmem>>) semaphore(%arg20 : memref<!tpu.dma_semaphore, #tpu.memory_space<semaphore_mem>>) {add = true}
      %sub3A = arith.constant 2 : i32
      %sub3A_254 = arith.subi %add3A_241, %sub3A : i32
      %dma_wait3A_255 = arith.constant 0 : i32
      %dma_wait3A_256 = tpu.memref_slice %arg8[%sub3A_254, %dma_wait3A_255] : memref<40x128xi32, #tpu.memory_space<vmem>> -> memref<1x128xi32, #tpu.memory_space<vmem>>
      %dma_wait3A_257 = tpu.memref_squeeze %dma_wait3A_256 : memref<1x128xi32, #tpu.memory_space<vmem>> -> memref<128xi32, #tpu.memory_space<vmem>>
      %dma_wait3A_258 = arith.constant 0 : i32
      %dma_wait3A_259 = arith.constant 0 : i32
      %dma_wait3A_260 = tpu.memref_slice %arg13[%dma_wait3A_258, %dma_wait3A_259] : memref<10240x16xf32, #tpu.memory_space<vmem_shared>> -> memref<10240x16xf32, #tpu.memory_space<vmem_shared>>
      tpu.wait_indirect_dma semaphore(%arg18 : memref<!tpu.dma_semaphore, #tpu.memory_space<semaphore_mem>>) src(%arg9 : memref<128x16xf32, #tpu.memory_space<vmem>>) dst(%dma_wait3A_260 : memref<10240x16xf32, #tpu.memory_space<vmem_shared>>)
      %add3A_261 = arith.constant 2 : i32
      %add3A_262 = arith.addi %add3A_241, %add3A_261 : i32
      %dma_start3A_263 = arith.constant 0 : i32
      %dma_start3A_264 = tpu.memref_slice %arg7[%add3A_262, %dma_start3A_263] : memref<40x128xi32, #tpu.memory_space<vmem>> -> memref<1x128xi32, #tpu.memory_space<vmem>>
      %dma_start3A_265 = tpu.memref_squeeze %dma_start3A_264 : memref<1x128xi32, #tpu.memory_space<vmem>> -> memref<128xi32, #tpu.memory_space<vmem>>
      %dma_start3A_266 = arith.constant 0 : i32
      %dma_start3A_267 = arith.constant 0 : i32
      %dma_start3A_268 = tpu.memref_slice %arg2[%dma_start3A_266, %dma_start3A_267] : memref<10240x16xf32, #tpu.memory_space<hbm>> -> memref<10240x16xf32, #tpu.memory_space<hbm>>
      tpu.enqueue_indirect_dma source(%dma_start3A_268 : memref<10240x16xf32, #tpu.memory_space<hbm>>) target(%arg9 : memref<128x16xf32, #tpu.memory_space<vmem>>) offsets(%dma_start3A_265 : memref<128xi32, #tpu.memory_space<vmem>>) semaphore(%arg14 : memref<!tpu.dma_semaphore, #tpu.memory_space<semaphore_mem>>)
      %mul3A_269 = arith.constant 4 : i32
      %mul3A_270 = arith.muli %scan3A_235, %mul3A_269 : i32
      %add3A_271 = arith.constant 2 : i32
      %add3A_272 = arith.addi %add3A_271, %mul3A_270 : i32
      %add3A_273 = arith.constant 1 : i32
      %add3A_274 = arith.addi %add3A_272, %add3A_273 : i32
      %dma_wait3A_275 = arith.constant 0 : i32
      %dma_wait3A_276 = tpu.memref_slice %arg7[%add3A_274, %dma_wait3A_275] : memref<40x128xi32, #tpu.memory_space<vmem>> -> memref<1x128xi32, #tpu.memory_space<vmem>>
      %dma_wait3A_277 = tpu.memref_squeeze %dma_wait3A_276 : memref<1x128xi32, #tpu.memory_space<vmem>> -> memref<128xi32, #tpu.memory_space<vmem>>
      %dma_wait3A_278 = arith.constant 0 : i32
      %dma_wait3A_279 = arith.constant 0 : i32
      %dma_wait3A_280 = tpu.memref_slice %arg2[%dma_wait3A_278, %dma_wait3A_279] : memref<10240x16xf32, #tpu.memory_space<hbm>> -> memref<10240x16xf32, #tpu.memory_space<hbm>>
      tpu.wait_indirect_dma semaphore(%arg17 : memref<!tpu.dma_semaphore, #tpu.memory_space<semaphore_mem>>) src(%dma_wait3A_280 : memref<10240x16xf32, #tpu.memory_space<hbm>>) dst(%arg12 : memref<128x16xf32, #tpu.memory_space<vmem>>)
      %dma_start3A_281 = arith.constant 0 : i32
      %dma_start3A_282 = tpu.memref_slice %arg8[%add3A_274, %dma_start3A_281] : memref<40x128xi32, #tpu.memory_space<vmem>> -> memref<1x128xi32, #tpu.memory_space<vmem>>
      %dma_start3A_283 = tpu.memref_squeeze %dma_start3A_282 : memref<1x128xi32, #tpu.memory_space<vmem>> -> memref<128xi32, #tpu.memory_space<vmem>>
      %dma_start3A_284 = arith.constant 0 : i32
      %dma_start3A_285 = arith.constant 0 : i32
      %dma_start3A_286 = tpu.memref_slice %arg13[%dma_start3A_284, %dma_start3A_285] : memref<10240x16xf32, #tpu.memory_space<vmem_shared>> -> memref<10240x16xf32, #tpu.memory_space<vmem_shared>>
      tpu.enqueue_indirect_dma source(%arg12 : memref<128x16xf32, #tpu.memory_space<vmem>>) target(%dma_start3A_286 : memref<10240x16xf32, #tpu.memory_space<vmem_shared>>) offsets(%dma_start3A_283 : memref<128xi32, #tpu.memory_space<vmem>>) semaphore(%arg21 : memref<!tpu.dma_semaphore, #tpu.memory_space<semaphore_mem>>) {add = true}
      %sub3A_287 = arith.constant 2 : i32
      %sub3A_288 = arith.subi %add3A_274, %sub3A_287 : i32
      %dma_wait3A_289 = arith.constant 0 : i32
      %dma_wait3A_290 = tpu.memref_slice %arg8[%sub3A_288, %dma_wait3A_289] : memref<40x128xi32, #tpu.memory_space<vmem>> -> memref<1x128xi32, #tpu.memory_space<vmem>>
      %dma_wait3A_291 = tpu.memref_squeeze %dma_wait3A_290 : memref<1x128xi32, #tpu.memory_space<vmem>> -> memref<128xi32, #tpu.memory_space<vmem>>
      %dma_wait3A_292 = arith.constant 0 : i32
      %dma_wait3A_293 = arith.constant 0 : i32
      %dma_wait3A_294 = tpu.memref_slice %arg13[%dma_wait3A_292, %dma_wait3A_293] : memref<10240x16xf32, #tpu.memory_space<vmem_shared>> -> memref<10240x16xf32, #tpu.memory_space<vmem_shared>>
      tpu.wait_indirect_dma semaphore(%arg19 : memref<!tpu.dma_semaphore, #tpu.memory_space<semaphore_mem>>) src(%arg10 : memref<128x16xf32, #tpu.memory_space<vmem>>) dst(%dma_wait3A_294 : memref<10240x16xf32, #tpu.memory_space<vmem_shared>>)
      %add3A_295 = arith.constant 2 : i32
      %add3A_296 = arith.addi %add3A_274, %add3A_295 : i32
      %dma_start3A_297 = arith.constant 0 : i32
      %dma_start3A_298 = tpu.memref_slice %arg7[%add3A_296, %dma_start3A_297] : memref<40x128xi32, #tpu.memory_space<vmem>> -> memref<1x128xi32, #tpu.memory_space<vmem>>
      %dma_start3A_299 = tpu.memref_squeeze %dma_start3A_298 : memref<1x128xi32, #tpu.memory_space<vmem>> -> memref<128xi32, #tpu.memory_space<vmem>>
      %dma_start3A_300 = arith.constant 0 : i32
      %dma_start3A_301 = arith.constant 0 : i32
      %dma_start3A_302 = tpu.memref_slice %arg2[%dma_start3A_300, %dma_start3A_301] : memref<10240x16xf32, #tpu.memory_space<hbm>> -> memref<10240x16xf32, #tpu.memory_space<hbm>>
      tpu.enqueue_indirect_dma source(%dma_start3A_302 : memref<10240x16xf32, #tpu.memory_space<hbm>>) target(%arg10 : memref<128x16xf32, #tpu.memory_space<vmem>>) offsets(%dma_start3A_299 : memref<128xi32, #tpu.memory_space<vmem>>) semaphore(%arg15 : memref<!tpu.dma_semaphore, #tpu.memory_space<semaphore_mem>>)
      %mul3A_303 = arith.constant 4 : i32
      %mul3A_304 = arith.muli %scan3A_235, %mul3A_303 : i32
      %add3A_305 = arith.constant 2 : i32
      %add3A_306 = arith.addi %add3A_305, %mul3A_304 : i32
      %add3A_307 = arith.constant 2 : i32
      %add3A_308 = arith.addi %add3A_306, %add3A_307 : i32
      %dma_wait3A_309 = arith.constant 0 : i32
      %dma_wait3A_310 = tpu.memref_slice %arg7[%add3A_308, %dma_wait3A_309] : memref<40x128xi32, #tpu.memory_space<vmem>> -> memref<1x128xi32, #tpu.memory_space<vmem>>
      %dma_wait3A_311 = tpu.memref_squeeze %dma_wait3A_310 : memref<1x128xi32, #tpu.memory_space<vmem>> -> memref<128xi32, #tpu.memory_space<vmem>>
      %dma_wait3A_312 = arith.constant 0 : i32
      %dma_wait3A_313 = arith.constant 0 : i32
      %dma_wait3A_314 = tpu.memref_slice %arg2[%dma_wait3A_312, %dma_wait3A_313] : memref<10240x16xf32, #tpu.memory_space<hbm>> -> memref<10240x16xf32, #tpu.memory_space<hbm>>
      tpu.wait_indirect_dma semaphore(%arg14 : memref<!tpu.dma_semaphore, #tpu.memory_space<semaphore_mem>>) src(%dma_wait3A_314 : memref<10240x16xf32, #tpu.memory_space<hbm>>) dst(%arg9 : memref<128x16xf32, #tpu.memory_space<vmem>>)
      %dma_start3A_315 = arith.constant 0 : i32
      %dma_start3A_316 = tpu.memref_slice %arg8[%add3A_308, %dma_start3A_315] : memref<40x128xi32, #tpu.memory_space<vmem>> -> memref<1x128xi32, #tpu.memory_space<vmem>>
      %dma_start3A_317 = tpu.memref_squeeze %dma_start3A_316 : memref<1x128xi32, #tpu.memory_space<vmem>> -> memref<128xi32, #tpu.memory_space<vmem>>
      %dma_start3A_318 = arith.constant 0 : i32
      %dma_start3A_319 = arith.constant 0 : i32
      %dma_start3A_320 = tpu.memref_slice %arg13[%dma_start3A_318, %dma_start3A_319] : memref<10240x16xf32, #tpu.memory_space<vmem_shared>> -> memref<10240x16xf32, #tpu.memory_space<vmem_shared>>
      tpu.enqueue_indirect_dma source(%arg9 : memref<128x16xf32, #tpu.memory_space<vmem>>) target(%dma_start3A_320 : memref<10240x16xf32, #tpu.memory_space<vmem_shared>>) offsets(%dma_start3A_317 : memref<128xi32, #tpu.memory_space<vmem>>) semaphore(%arg18 : memref<!tpu.dma_semaphore, #tpu.memory_space<semaphore_mem>>) {add = true}
      %sub3A_321 = arith.constant 2 : i32
      %sub3A_322 = arith.subi %add3A_308, %sub3A_321 : i32
      %dma_wait3A_323 = arith.constant 0 : i32
      %dma_wait3A_324 = tpu.memref_slice %arg8[%sub3A_322, %dma_wait3A_323] : memref<40x128xi32, #tpu.memory_space<vmem>> -> memref<1x128xi32, #tpu.memory_space<vmem>>
      %dma_wait3A_325 = tpu.memref_squeeze %dma_wait3A_324 : memref<1x128xi32, #tpu.memory_space<vmem>> -> memref<128xi32, #tpu.memory_space<vmem>>
      %dma_wait3A_326 = arith.constant 0 : i32
      %dma_wait3A_327 = arith.constant 0 : i32
      %dma_wait3A_328 = tpu.memref_slice %arg13[%dma_wait3A_326, %dma_wait3A_327] : memref<10240x16xf32, #tpu.memory_space<vmem_shared>> -> memref<10240x16xf32, #tpu.memory_space<vmem_shared>>
      tpu.wait_indirect_dma semaphore(%arg20 : memref<!tpu.dma_semaphore, #tpu.memory_space<semaphore_mem>>) src(%arg11 : memref<128x16xf32, #tpu.memory_space<vmem>>) dst(%dma_wait3A_328 : memref<10240x16xf32, #tpu.memory_space<vmem_shared>>)
      %add3A_329 = arith.constant 2 : i32
      %add3A_330 = arith.addi %add3A_308, %add3A_329 : i32
      %dma_start3A_331 = arith.constant 0 : i32
      %dma_start3A_332 = tpu.memref_slice %arg7[%add3A_330, %dma_start3A_331] : memref<40x128xi32, #tpu.memory_space<vmem>> -> memref<1x128xi32, #tpu.memory_space<vmem>>
      %dma_start3A_333 = tpu.memref_squeeze %dma_start3A_332 : memref<1x128xi32, #tpu.memory_space<vmem>> -> memref<128xi32, #tpu.memory_space<vmem>>
      %dma_start3A_334 = arith.constant 0 : i32
      %dma_start3A_335 = arith.constant 0 : i32
      %dma_start3A_336 = tpu.memref_slice %arg2[%dma_start3A_334, %dma_start3A_335] : memref<10240x16xf32, #tpu.memory_space<hbm>> -> memref<10240x16xf32, #tpu.memory_space<hbm>>
      tpu.enqueue_indirect_dma source(%dma_start3A_336 : memref<10240x16xf32, #tpu.memory_space<hbm>>) target(%arg11 : memref<128x16xf32, #tpu.memory_space<vmem>>) offsets(%dma_start3A_333 : memref<128xi32, #tpu.memory_space<vmem>>) semaphore(%arg16 : memref<!tpu.dma_semaphore, #tpu.memory_space<semaphore_mem>>)
      %mul3A_337 = arith.constant 4 : i32
      %mul3A_338 = arith.muli %scan3A_235, %mul3A_337 : i32
      %add3A_339 = arith.constant 2 : i32
      %add3A_340 = arith.addi %add3A_339, %mul3A_338 : i32
      %add3A_341 = arith.constant 3 : i32
      %add3A_342 = arith.addi %add3A_340, %add3A_341 : i32
      %dma_wait3A_343 = arith.constant 0 : i32
      %dma_wait3A_344 = tpu.memref_slice %arg7[%add3A_342, %dma_wait3A_343] : memref<40x128xi32, #tpu.memory_space<vmem>> -> memref<1x128xi32, #tpu.memory_space<vmem>>
      %dma_wait3A_345 = tpu.memref_squeeze %dma_wait3A_344 : memref<1x128xi32, #tpu.memory_space<vmem>> -> memref<128xi32, #tpu.memory_space<vmem>>
      %dma_wait3A_346 = arith.constant 0 : i32
      %dma_wait3A_347 = arith.constant 0 : i32
      %dma_wait3A_348 = tpu.memref_slice %arg2[%dma_wait3A_346, %dma_wait3A_347] : memref<10240x16xf32, #tpu.memory_space<hbm>> -> memref<10240x16xf32, #tpu.memory_space<hbm>>
      tpu.wait_indirect_dma semaphore(%arg15 : memref<!tpu.dma_semaphore, #tpu.memory_space<semaphore_mem>>) src(%dma_wait3A_348 : memref<10240x16xf32, #tpu.memory_space<hbm>>) dst(%arg10 : memref<128x16xf32, #tpu.memory_space<vmem>>)
      %dma_start3A_349 = arith.constant 0 : i32
      %dma_start3A_350 = tpu.memref_slice %arg8[%add3A_342, %dma_start3A_349] : memref<40x128xi32, #tpu.memory_space<vmem>> -> memref<1x128xi32, #tpu.memory_space<vmem>>
      %dma_start3A_351 = tpu.memref_squeeze %dma_start3A_350 : memref<1x128xi32, #tpu.memory_space<vmem>> -> memref<128xi32, #tpu.memory_space<vmem>>
      %dma_start3A_352 = arith.constant 0 : i32
      %dma_start3A_353 = arith.constant 0 : i32
      %dma_start3A_354 = tpu.memref_slice %arg13[%dma_start3A_352, %dma_start3A_353] : memref<10240x16xf32, #tpu.memory_space<vmem_shared>> -> memref<10240x16xf32, #tpu.memory_space<vmem_shared>>
      tpu.enqueue_indirect_dma source(%arg10 : memref<128x16xf32, #tpu.memory_space<vmem>>) target(%dma_start3A_354 : memref<10240x16xf32, #tpu.memory_space<vmem_shared>>) offsets(%dma_start3A_351 : memref<128xi32, #tpu.memory_space<vmem>>) semaphore(%arg19 : memref<!tpu.dma_semaphore, #tpu.memory_space<semaphore_mem>>) {add = true}
      %sub3A_355 = arith.constant 2 : i32
      %sub3A_356 = arith.subi %add3A_342, %sub3A_355 : i32
      %dma_wait3A_357 = arith.constant 0 : i32
      %dma_wait3A_358 = tpu.memref_slice %arg8[%sub3A_356, %dma_wait3A_357] : memref<40x128xi32, #tpu.memory_space<vmem>> -> memref<1x128xi32, #tpu.memory_space<vmem>>
      %dma_wait3A_359 = tpu.memref_squeeze %dma_wait3A_358 : memref<1x128xi32, #tpu.memory_space<vmem>> -> memref<128xi32, #tpu.memory_space<vmem>>
      %dma_wait3A_360 = arith.constant 0 : i32
      %dma_wait3A_361 = arith.constant 0 : i32
      %dma_wait3A_362 = tpu.memref_slice %arg13[%dma_wait3A_360, %dma_wait3A_361] : memref<10240x16xf32, #tpu.memory_space<vmem_shared>> -> memref<10240x16xf32, #tpu.memory_space<vmem_shared>>
      tpu.wait_indirect_dma semaphore(%arg21 : memref<!tpu.dma_semaphore, #tpu.memory_space<semaphore_mem>>) src(%arg12 : memref<128x16xf32, #tpu.memory_space<vmem>>) dst(%dma_wait3A_362 : memref<10240x16xf32, #tpu.memory_space<vmem_shared>>)
      %add3A_363 = arith.constant 2 : i32
      %add3A_364 = arith.addi %add3A_342, %add3A_363 : i32
      %dma_start3A_365 = arith.constant 0 : i32
      %dma_start3A_366 = tpu.memref_slice %arg7[%add3A_364, %dma_start3A_365] : memref<40x128xi32, #tpu.memory_space<vmem>> -> memref<1x128xi32, #tpu.memory_space<vmem>>
      %dma_start3A_367 = tpu.memref_squeeze %dma_start3A_366 : memref<1x128xi32, #tpu.memory_space<vmem>> -> memref<128xi32, #tpu.memory_space<vmem>>
      %dma_start3A_368 = arith.constant 0 : i32
      %dma_start3A_369 = arith.constant 0 : i32
      %dma_start3A_370 = tpu.memref_slice %arg2[%dma_start3A_368, %dma_start3A_369] : memref<10240x16xf32, #tpu.memory_space<hbm>> -> memref<10240x16xf32, #tpu.memory_space<hbm>>
      tpu.enqueue_indirect_dma source(%dma_start3A_370 : memref<10240x16xf32, #tpu.memory_space<hbm>>) target(%arg12 : memref<128x16xf32, #tpu.memory_space<vmem>>) offsets(%dma_start3A_367 : memref<128xi32, #tpu.memory_space<vmem>>) semaphore(%arg17 : memref<!tpu.dma_semaphore, #tpu.memory_space<semaphore_mem>>)
    }
    %scan3A_60 = arith.constant 9 : i32
    %dma_wait3A_61 = arith.constant 38 : i32
    %dma_wait3A_62 = arith.constant 0 : i32
    %dma_wait3A_63 = tpu.memref_slice %arg7[%dma_wait3A_61, %dma_wait3A_62] : memref<40x128xi32, #tpu.memory_space<vmem>> -> memref<1x128xi32, #tpu.memory_space<vmem>>
    %dma_wait3A_64 = tpu.memref_squeeze %dma_wait3A_63 : memref<1x128xi32, #tpu.memory_space<vmem>> -> memref<128xi32, #tpu.memory_space<vmem>>
    %dma_wait3A_65 = arith.constant 0 : i32
    %dma_wait3A_66 = arith.constant 0 : i32
    %dma_wait3A_67 = tpu.memref_slice %arg2[%dma_wait3A_65, %dma_wait3A_66] : memref<10240x16xf32, #tpu.memory_space<hbm>> -> memref<10240x16xf32, #tpu.memory_space<hbm>>
    tpu.wait_indirect_dma semaphore(%arg16 : memref<!tpu.dma_semaphore, #tpu.memory_space<semaphore_mem>>) src(%dma_wait3A_67 : memref<10240x16xf32, #tpu.memory_space<hbm>>) dst(%arg11 : memref<128x16xf32, #tpu.memory_space<vmem>>)
    %dma_start3A_68 = arith.constant 38 : i32
    %dma_start3A_69 = arith.constant 0 : i32
    %dma_start3A_70 = tpu.memref_slice %arg8[%dma_start3A_68, %dma_start3A_69] : memref<40x128xi32, #tpu.memory_space<vmem>> -> memref<1x128xi32, #tpu.memory_space<vmem>>
    %dma_start3A_71 = tpu.memref_squeeze %dma_start3A_70 : memref<1x128xi32, #tpu.memory_space<vmem>> -> memref<128xi32, #tpu.memory_space<vmem>>
    %dma_start3A_72 = arith.constant 0 : i32
    %dma_start3A_73 = arith.constant 0 : i32
    %dma_start3A_74 = tpu.memref_slice %arg13[%dma_start3A_72, %dma_start3A_73] : memref<10240x16xf32, #tpu.memory_space<vmem_shared>> -> memref<10240x16xf32, #tpu.memory_space<vmem_shared>>
    tpu.enqueue_indirect_dma source(%arg11 : memref<128x16xf32, #tpu.memory_space<vmem>>) target(%dma_start3A_74 : memref<10240x16xf32, #tpu.memory_space<vmem_shared>>) offsets(%dma_start3A_71 : memref<128xi32, #tpu.memory_space<vmem>>) semaphore(%arg20 : memref<!tpu.dma_semaphore, #tpu.memory_space<semaphore_mem>>) {add = true}
    %dma_wait3A_75 = arith.constant 36 : i32
    %dma_wait3A_76 = arith.constant 0 : i32
    %dma_wait3A_77 = tpu.memref_slice %arg8[%dma_wait3A_75, %dma_wait3A_76] : memref<40x128xi32, #tpu.memory_space<vmem>> -> memref<1x128xi32, #tpu.memory_space<vmem>>
    %dma_wait3A_78 = tpu.memref_squeeze %dma_wait3A_77 : memref<1x128xi32, #tpu.memory_space<vmem>> -> memref<128xi32, #tpu.memory_space<vmem>>
    %dma_wait3A_79 = arith.constant 0 : i32
    %dma_wait3A_80 = arith.constant 0 : i32
    %dma_wait3A_81 = tpu.memref_slice %arg13[%dma_wait3A_79, %dma_wait3A_80] : memref<10240x16xf32, #tpu.memory_space<vmem_shared>> -> memref<10240x16xf32, #tpu.memory_space<vmem_shared>>
    tpu.wait_indirect_dma semaphore(%arg18 : memref<!tpu.dma_semaphore, #tpu.memory_space<semaphore_mem>>) src(%arg9 : memref<128x16xf32, #tpu.memory_space<vmem>>) dst(%dma_wait3A_81 : memref<10240x16xf32, #tpu.memory_space<vmem_shared>>)
    %dma_wait3A_82 = arith.constant 39 : i32
    %dma_wait3A_83 = arith.constant 0 : i32
    %dma_wait3A_84 = tpu.memref_slice %arg7[%dma_wait3A_82, %dma_wait3A_83] : memref<40x128xi32, #tpu.memory_space<vmem>> -> memref<1x128xi32, #tpu.memory_space<vmem>>
    %dma_wait3A_85 = tpu.memref_squeeze %dma_wait3A_84 : memref<1x128xi32, #tpu.memory_space<vmem>> -> memref<128xi32, #tpu.memory_space<vmem>>
    %dma_wait3A_86 = arith.constant 0 : i32
    %dma_wait3A_87 = arith.constant 0 : i32
    %dma_wait3A_88 = tpu.memref_slice %arg2[%dma_wait3A_86, %dma_wait3A_87] : memref<10240x16xf32, #tpu.memory_space<hbm>> -> memref<10240x16xf32, #tpu.memory_space<hbm>>
    tpu.wait_indirect_dma semaphore(%arg17 : memref<!tpu.dma_semaphore, #tpu.memory_space<semaphore_mem>>) src(%dma_wait3A_88 : memref<10240x16xf32, #tpu.memory_space<hbm>>) dst(%arg12 : memref<128x16xf32, #tpu.memory_space<vmem>>)
    %dma_start3A_89 = arith.constant 39 : i32
    %dma_start3A_90 = arith.constant 0 : i32
    %dma_start3A_91 = tpu.memref_slice %arg8[%dma_start3A_89, %dma_start3A_90] : memref<40x128xi32, #tpu.memory_space<vmem>> -> memref<1x128xi32, #tpu.memory_space<vmem>>
    %dma_start3A_92 = tpu.memref_squeeze %dma_start3A_91 : memref<1x128xi32, #tpu.memory_space<vmem>> -> memref<128xi32, #tpu.memory_space<vmem>>
    %dma_start3A_93 = arith.constant 0 : i32
    %dma_start3A_94 = arith.constant 0 : i32
    %dma_start3A_95 = tpu.memref_slice %arg13[%dma_start3A_93, %dma_start3A_94] : memref<10240x16xf32, #tpu.memory_space<vmem_shared>> -> memref<10240x16xf32, #tpu.memory_space<vmem_shared>>
    tpu.enqueue_indirect_dma source(%arg12 : memref<128x16xf32, #tpu.memory_space<vmem>>) target(%dma_start3A_95 : memref<10240x16xf32, #tpu.memory_space<vmem_shared>>) offsets(%dma_start3A_92 : memref<128xi32, #tpu.memory_space<vmem>>) semaphore(%arg21 : memref<!tpu.dma_semaphore, #tpu.memory_space<semaphore_mem>>) {add = true}
    %dma_wait3A_96 = arith.constant 37 : i32
    %dma_wait3A_97 = arith.constant 0 : i32
    %dma_wait3A_98 = tpu.memref_slice %arg8[%dma_wait3A_96, %dma_wait3A_97] : memref<40x128xi32, #tpu.memory_space<vmem>> -> memref<1x128xi32, #tpu.memory_space<vmem>>
    %dma_wait3A_99 = tpu.memref_squeeze %dma_wait3A_98 : memref<1x128xi32, #tpu.memory_space<vmem>> -> memref<128xi32, #tpu.memory_space<vmem>>
    %dma_wait3A_100 = arith.constant 0 : i32
    %dma_wait3A_101 = arith.constant 0 : i32
    %dma_wait3A_102 = tpu.memref_slice %arg13[%dma_wait3A_100, %dma_wait3A_101] : memref<10240x16xf32, #tpu.memory_space<vmem_shared>> -> memref<10240x16xf32, #tpu.memory_space<vmem_shared>>
    tpu.wait_indirect_dma semaphore(%arg19 : memref<!tpu.dma_semaphore, #tpu.memory_space<semaphore_mem>>) src(%arg10 : memref<128x16xf32, #tpu.memory_space<vmem>>) dst(%dma_wait3A_102 : memref<10240x16xf32, #tpu.memory_space<vmem_shared>>)
    %dma_wait3A_103 = arith.constant 38 : i32
    %dma_wait3A_104 = arith.constant 0 : i32
    %dma_wait3A_105 = tpu.memref_slice %arg8[%dma_wait3A_103, %dma_wait3A_104] : memref<40x128xi32, #tpu.memory_space<vmem>> -> memref<1x128xi32, #tpu.memory_space<vmem>>
    %dma_wait3A_106 = tpu.memref_squeeze %dma_wait3A_105 : memref<1x128xi32, #tpu.memory_space<vmem>> -> memref<128xi32, #tpu.memory_space<vmem>>
    %dma_wait3A_107 = arith.constant 0 : i32
    %dma_wait3A_108 = arith.constant 0 : i32
    %dma_wait3A_109 = tpu.memref_slice %arg13[%dma_wait3A_107, %dma_wait3A_108] : memref<10240x16xf32, #tpu.memory_space<vmem_shared>> -> memref<10240x16xf32, #tpu.memory_space<vmem_shared>>
    tpu.wait_indirect_dma semaphore(%arg20 : memref<!tpu.dma_semaphore, #tpu.memory_space<semaphore_mem>>) src(%arg11 : memref<128x16xf32, #tpu.memory_space<vmem>>) dst(%dma_wait3A_109 : memref<10240x16xf32, #tpu.memory_space<vmem_shared>>)
    %dma_wait3A_110 = arith.constant 39 : i32
    %dma_wait3A_111 = arith.constant 0 : i32
    %dma_wait3A_112 = tpu.memref_slice %arg8[%dma_wait3A_110, %dma_wait3A_111] : memref<40x128xi32, #tpu.memory_space<vmem>> -> memref<1x128xi32, #tpu.memory_space<vmem>>
    %dma_wait3A_113 = tpu.memref_squeeze %dma_wait3A_112 : memref<1x128xi32, #tpu.memory_space<vmem>> -> memref<128xi32, #tpu.memory_space<vmem>>
    %dma_wait3A_114 = arith.constant 0 : i32
    %dma_wait3A_115 = arith.constant 0 : i32
    %dma_wait3A_116 = tpu.memref_slice %arg13[%dma_wait3A_114, %dma_wait3A_115] : memref<10240x16xf32, #tpu.memory_space<vmem_shared>> -> memref<10240x16xf32, #tpu.memory_space<vmem_shared>>
    tpu.wait_indirect_dma semaphore(%arg21 : memref<!tpu.dma_semaphore, #tpu.memory_space<semaphore_mem>>) src(%arg12 : memref<128x16xf32, #tpu.memory_space<vmem>>) dst(%dma_wait3A_116 : memref<10240x16xf32, #tpu.memory_space<vmem_shared>>)
    "tpu.region"() ({
      %run_scoped3A = tpu.sem_alloc : memref<!tpu.dma_semaphore, #tpu.memory_space<semaphore_mem>>
      %dma_start3A_235 = arith.constant 0 : i32
      %dma_start3A_236 = arith.constant 0 : i32
      %dma_start3A_237 = tpu.memref_slice %arg3[%add3A, %dma_start3A_235, %dma_start3A_236] : memref<32x80x128xi32, #tpu.memory_space<hbm>> -> memref<1x80x128xi32, #tpu.memory_space<hbm>>
      %dma_start3A_238 = tpu.memref_squeeze %dma_start3A_237 : memref<1x80x128xi32, #tpu.memory_space<hbm>> -> memref<80x128xi32, #tpu.memory_space<hbm>>
      %dma_start3A_239 = arith.constant 40 : i32
      %dma_start3A_240 = arith.constant 0 : i32
      %dma_start3A_241 = tpu.memref_slice %dma_start3A_238[%dma_start3A_239, %dma_start3A_240] : memref<80x128xi32, #tpu.memory_space<hbm>> -> memref<40x128xi32, #tpu.memory_space<hbm>>
      %dma_start3A_242 = arith.constant 0 : i32
      %dma_start3A_243 = arith.constant 0 : i32
      %dma_start3A_244 = tpu.memref_slice %arg3[%add3A, %dma_start3A_242, %dma_start3A_243] : memref<32x80x128xi32, #tpu.memory_space<hbm>> -> memref<1x80x128xi32, #tpu.memory_space<hbm>>
      %dma_start3A_245 = tpu.memref_squeeze %dma_start3A_244 : memref<1x80x128xi32, #tpu.memory_space<hbm>> -> memref<80x128xi32, #tpu.memory_space<hbm>>
      %dma_start3A_246 = arith.constant 40 : i32
      %dma_start3A_247 = arith.constant 0 : i32
      %dma_start3A_248 = tpu.memref_slice %dma_start3A_245[%dma_start3A_246, %dma_start3A_247] : memref<80x128xi32, #tpu.memory_space<hbm>> -> memref<40x128xi32, #tpu.memory_space<hbm>>
      tpu.enqueue_dma source(%dma_start3A_248 : memref<40x128xi32, #tpu.memory_space<hbm>>) target(%arg7 : memref<40x128xi32, #tpu.memory_space<vmem>>) target_semaphore(%run_scoped3A : memref<!tpu.dma_semaphore, #tpu.memory_space<semaphore_mem>>)
      %dma_wait3A_249 = arith.constant 0 : i32
      %dma_wait3A_250 = arith.constant 0 : i32
      %dma_wait3A_251 = tpu.memref_slice %arg3[%add3A, %dma_wait3A_249, %dma_wait3A_250] : memref<32x80x128xi32, #tpu.memory_space<hbm>> -> memref<1x80x128xi32, #tpu.memory_space<hbm>>
      %dma_wait3A_252 = tpu.memref_squeeze %dma_wait3A_251 : memref<1x80x128xi32, #tpu.memory_space<hbm>> -> memref<80x128xi32, #tpu.memory_space<hbm>>
      %dma_wait3A_253 = arith.constant 40 : i32
      %dma_wait3A_254 = arith.constant 0 : i32
      %dma_wait3A_255 = tpu.memref_slice %dma_wait3A_252[%dma_wait3A_253, %dma_wait3A_254] : memref<80x128xi32, #tpu.memory_space<hbm>> -> memref<40x128xi32, #tpu.memory_space<hbm>>
      %dma_wait3A_256 = arith.constant 0 : i32
      %dma_wait3A_257 = arith.constant 0 : i32
      %dma_wait3A_258 = tpu.memref_slice %arg3[%add3A, %dma_wait3A_256, %dma_wait3A_257] : memref<32x80x128xi32, #tpu.memory_space<hbm>> -> memref<1x80x128xi32, #tpu.memory_space<hbm>>
      %dma_wait3A_259 = tpu.memref_squeeze %dma_wait3A_258 : memref<1x80x128xi32, #tpu.memory_space<hbm>> -> memref<80x128xi32, #tpu.memory_space<hbm>>
      %dma_wait3A_260 = arith.constant 40 : i32
      %dma_wait3A_261 = arith.constant 0 : i32
      %dma_wait3A_262 = tpu.memref_slice %dma_wait3A_259[%dma_wait3A_260, %dma_wait3A_261] : memref<80x128xi32, #tpu.memory_space<hbm>> -> memref<40x128xi32, #tpu.memory_space<hbm>>
      tpu.wait_dma2 semaphore(%run_scoped3A : memref<!tpu.dma_semaphore, #tpu.memory_space<semaphore_mem>>) src(%dma_wait3A_262 : memref<40x128xi32, #tpu.memory_space<hbm>>) dst(%arg7 : memref<40x128xi32, #tpu.memory_space<vmem>>)
      tpu.yield
    }) : () -> ()
    "tpu.region"() ({
      %run_scoped3A = tpu.sem_alloc : memref<!tpu.dma_semaphore, #tpu.memory_space<semaphore_mem>>
      %dma_start3A_235 = arith.constant 0 : i32
      %dma_start3A_236 = arith.constant 0 : i32
      %dma_start3A_237 = tpu.memref_slice %arg4[%add3A, %dma_start3A_235, %dma_start3A_236] : memref<32x80x128xi32, #tpu.memory_space<hbm>> -> memref<1x80x128xi32, #tpu.memory_space<hbm>>
      %dma_start3A_238 = tpu.memref_squeeze %dma_start3A_237 : memref<1x80x128xi32, #tpu.memory_space<hbm>> -> memref<80x128xi32, #tpu.memory_space<hbm>>
      %dma_start3A_239 = arith.constant 40 : i32
      %dma_start3A_240 = arith.constant 0 : i32
      %dma_start3A_241 = tpu.memref_slice %dma_start3A_238[%dma_start3A_239, %dma_start3A_240] : memref<80x128xi32, #tpu.memory_space<hbm>> -> memref<40x128xi32, #tpu.memory_space<hbm>>
      %dma_start3A_242 = arith.constant 0 : i32
      %dma_start3A_243 = arith.constant 0 : i32
      %dma_start3A_244 = tpu.memref_slice %arg4[%add3A, %dma_start3A_242, %dma_start3A_243] : memref<32x80x128xi32, #tpu.memory_space<hbm>> -> memref<1x80x128xi32, #tpu.memory_space<hbm>>
      %dma_start3A_245 = tpu.memref_squeeze %dma_start3A_244 : memref<1x80x128xi32, #tpu.memory_space<hbm>> -> memref<80x128xi32, #tpu.memory_space<hbm>>
      %dma_start3A_246 = arith.constant 40 : i32
      %dma_start3A_247 = arith.constant 0 : i32
      %dma_start3A_248 = tpu.memref_slice %dma_start3A_245[%dma_start3A_246, %dma_start3A_247] : memref<80x128xi32, #tpu.memory_space<hbm>> -> memref<40x128xi32, #tpu.memory_space<hbm>>
      tpu.enqueue_dma source(%dma_start3A_248 : memref<40x128xi32, #tpu.memory_space<hbm>>) target(%arg8 : memref<40x128xi32, #tpu.memory_space<vmem>>) target_semaphore(%run_scoped3A : memref<!tpu.dma_semaphore, #tpu.memory_space<semaphore_mem>>)
      %dma_wait3A_249 = arith.constant 0 : i32
      %dma_wait3A_250 = arith.constant 0 : i32
      %dma_wait3A_251 = tpu.memref_slice %arg4[%add3A, %dma_wait3A_249, %dma_wait3A_250] : memref<32x80x128xi32, #tpu.memory_space<hbm>> -> memref<1x80x128xi32, #tpu.memory_space<hbm>>
      %dma_wait3A_252 = tpu.memref_squeeze %dma_wait3A_251 : memref<1x80x128xi32, #tpu.memory_space<hbm>> -> memref<80x128xi32, #tpu.memory_space<hbm>>
      %dma_wait3A_253 = arith.constant 40 : i32
      %dma_wait3A_254 = arith.constant 0 : i32
      %dma_wait3A_255 = tpu.memref_slice %dma_wait3A_252[%dma_wait3A_253, %dma_wait3A_254] : memref<80x128xi32, #tpu.memory_space<hbm>> -> memref<40x128xi32, #tpu.memory_space<hbm>>
      %dma_wait3A_256 = arith.constant 0 : i32
      %dma_wait3A_257 = arith.constant 0 : i32
      %dma_wait3A_258 = tpu.memref_slice %arg4[%add3A, %dma_wait3A_256, %dma_wait3A_257] : memref<32x80x128xi32, #tpu.memory_space<hbm>> -> memref<1x80x128xi32, #tpu.memory_space<hbm>>
      %dma_wait3A_259 = tpu.memref_squeeze %dma_wait3A_258 : memref<1x80x128xi32, #tpu.memory_space<hbm>> -> memref<80x128xi32, #tpu.memory_space<hbm>>
      %dma_wait3A_260 = arith.constant 40 : i32
      %dma_wait3A_261 = arith.constant 0 : i32
      %dma_wait3A_262 = tpu.memref_slice %dma_wait3A_259[%dma_wait3A_260, %dma_wait3A_261] : memref<80x128xi32, #tpu.memory_space<hbm>> -> memref<40x128xi32, #tpu.memory_space<hbm>>
      tpu.wait_dma2 semaphore(%run_scoped3A : memref<!tpu.dma_semaphore, #tpu.memory_space<semaphore_mem>>) src(%dma_wait3A_262 : memref<40x128xi32, #tpu.memory_space<hbm>>) dst(%arg8 : memref<40x128xi32, #tpu.memory_space<vmem>>)
      tpu.yield
    }) : () -> ()
    %dma_start3A_117 = arith.constant 0 : i32
    %dma_start3A_118 = arith.constant 0 : i32
    %dma_start3A_119 = tpu.memref_slice %arg7[%dma_start3A_117, %dma_start3A_118] : memref<40x128xi32, #tpu.memory_space<vmem>> -> memref<1x128xi32, #tpu.memory_space<vmem>>
    %dma_start3A_120 = tpu.memref_squeeze %dma_start3A_119 : memref<1x128xi32, #tpu.memory_space<vmem>> -> memref<128xi32, #tpu.memory_space<vmem>>
    %dma_start3A_121 = arith.constant 0 : i32
    %dma_start3A_122 = arith.constant 0 : i32
    %dma_start3A_123 = tpu.memref_slice %arg2[%dma_start3A_121, %dma_start3A_122] : memref<10240x16xf32, #tpu.memory_space<hbm>> -> memref<10240x16xf32, #tpu.memory_space<hbm>>
    tpu.enqueue_indirect_dma source(%dma_start3A_123 : memref<10240x16xf32, #tpu.memory_space<hbm>>) target(%arg9 : memref<128x16xf32, #tpu.memory_space<vmem>>) offsets(%dma_start3A_120 : memref<128xi32, #tpu.memory_space<vmem>>) semaphore(%arg14 : memref<!tpu.dma_semaphore, #tpu.memory_space<semaphore_mem>>)
    %dma_start3A_124 = arith.constant 1 : i32
    %dma_start3A_125 = arith.constant 0 : i32
    %dma_start3A_126 = tpu.memref_slice %arg7[%dma_start3A_124, %dma_start3A_125] : memref<40x128xi32, #tpu.memory_space<vmem>> -> memref<1x128xi32, #tpu.memory_space<vmem>>
    %dma_start3A_127 = tpu.memref_squeeze %dma_start3A_126 : memref<1x128xi32, #tpu.memory_space<vmem>> -> memref<128xi32, #tpu.memory_space<vmem>>
    %dma_start3A_128 = arith.constant 0 : i32
    %dma_start3A_129 = arith.constant 0 : i32
    %dma_start3A_130 = tpu.memref_slice %arg2[%dma_start3A_128, %dma_start3A_129] : memref<10240x16xf32, #tpu.memory_space<hbm>> -> memref<10240x16xf32, #tpu.memory_space<hbm>>
    tpu.enqueue_indirect_dma source(%dma_start3A_130 : memref<10240x16xf32, #tpu.memory_space<hbm>>) target(%arg10 : memref<128x16xf32, #tpu.memory_space<vmem>>) offsets(%dma_start3A_127 : memref<128xi32, #tpu.memory_space<vmem>>) semaphore(%arg15 : memref<!tpu.dma_semaphore, #tpu.memory_space<semaphore_mem>>)
    %dma_wait3A_131 = arith.constant 0 : i32
    %dma_wait3A_132 = arith.constant 0 : i32
    %dma_wait3A_133 = tpu.memref_slice %arg7[%dma_wait3A_131, %dma_wait3A_132] : memref<40x128xi32, #tpu.memory_space<vmem>> -> memref<1x128xi32, #tpu.memory_space<vmem>>
    %dma_wait3A_134 = tpu.memref_squeeze %dma_wait3A_133 : memref<1x128xi32, #tpu.memory_space<vmem>> -> memref<128xi32, #tpu.memory_space<vmem>>
    %dma_wait3A_135 = arith.constant 0 : i32
    %dma_wait3A_136 = arith.constant 0 : i32
    %dma_wait3A_137 = tpu.memref_slice %arg2[%dma_wait3A_135, %dma_wait3A_136] : memref<10240x16xf32, #tpu.memory_space<hbm>> -> memref<10240x16xf32, #tpu.memory_space<hbm>>
    tpu.wait_indirect_dma semaphore(%arg14 : memref<!tpu.dma_semaphore, #tpu.memory_space<semaphore_mem>>) src(%dma_wait3A_137 : memref<10240x16xf32, #tpu.memory_space<hbm>>) dst(%arg9 : memref<128x16xf32, #tpu.memory_space<vmem>>)
    %dma_start3A_138 = arith.constant 0 : i32
    %dma_start3A_139 = arith.constant 0 : i32
    %dma_start3A_140 = tpu.memref_slice %arg8[%dma_start3A_138, %dma_start3A_139] : memref<40x128xi32, #tpu.memory_space<vmem>> -> memref<1x128xi32, #tpu.memory_space<vmem>>
    %dma_start3A_141 = tpu.memref_squeeze %dma_start3A_140 : memref<1x128xi32, #tpu.memory_space<vmem>> -> memref<128xi32, #tpu.memory_space<vmem>>
    %dma_start3A_142 = arith.constant 0 : i32
    %dma_start3A_143 = arith.constant 0 : i32
    %dma_start3A_144 = tpu.memref_slice %arg13[%dma_start3A_142, %dma_start3A_143] : memref<10240x16xf32, #tpu.memory_space<vmem_shared>> -> memref<10240x16xf32, #tpu.memory_space<vmem_shared>>
    tpu.enqueue_indirect_dma source(%arg9 : memref<128x16xf32, #tpu.memory_space<vmem>>) target(%dma_start3A_144 : memref<10240x16xf32, #tpu.memory_space<vmem_shared>>) offsets(%dma_start3A_141 : memref<128xi32, #tpu.memory_space<vmem>>) semaphore(%arg18 : memref<!tpu.dma_semaphore, #tpu.memory_space<semaphore_mem>>) {add = true}
    %dma_start3A_145 = arith.constant 2 : i32
    %dma_start3A_146 = arith.constant 0 : i32
    %dma_start3A_147 = tpu.memref_slice %arg7[%dma_start3A_145, %dma_start3A_146] : memref<40x128xi32, #tpu.memory_space<vmem>> -> memref<1x128xi32, #tpu.memory_space<vmem>>
    %dma_start3A_148 = tpu.memref_squeeze %dma_start3A_147 : memref<1x128xi32, #tpu.memory_space<vmem>> -> memref<128xi32, #tpu.memory_space<vmem>>
    %dma_start3A_149 = arith.constant 0 : i32
    %dma_start3A_150 = arith.constant 0 : i32
    %dma_start3A_151 = tpu.memref_slice %arg2[%dma_start3A_149, %dma_start3A_150] : memref<10240x16xf32, #tpu.memory_space<hbm>> -> memref<10240x16xf32, #tpu.memory_space<hbm>>
    tpu.enqueue_indirect_dma source(%dma_start3A_151 : memref<10240x16xf32, #tpu.memory_space<hbm>>) target(%arg11 : memref<128x16xf32, #tpu.memory_space<vmem>>) offsets(%dma_start3A_148 : memref<128xi32, #tpu.memory_space<vmem>>) semaphore(%arg16 : memref<!tpu.dma_semaphore, #tpu.memory_space<semaphore_mem>>)
    %dma_wait3A_152 = arith.constant 1 : i32
    %dma_wait3A_153 = arith.constant 0 : i32
    %dma_wait3A_154 = tpu.memref_slice %arg7[%dma_wait3A_152, %dma_wait3A_153] : memref<40x128xi32, #tpu.memory_space<vmem>> -> memref<1x128xi32, #tpu.memory_space<vmem>>
    %dma_wait3A_155 = tpu.memref_squeeze %dma_wait3A_154 : memref<1x128xi32, #tpu.memory_space<vmem>> -> memref<128xi32, #tpu.memory_space<vmem>>
    %dma_wait3A_156 = arith.constant 0 : i32
    %dma_wait3A_157 = arith.constant 0 : i32
    %dma_wait3A_158 = tpu.memref_slice %arg2[%dma_wait3A_156, %dma_wait3A_157] : memref<10240x16xf32, #tpu.memory_space<hbm>> -> memref<10240x16xf32, #tpu.memory_space<hbm>>
    tpu.wait_indirect_dma semaphore(%arg15 : memref<!tpu.dma_semaphore, #tpu.memory_space<semaphore_mem>>) src(%dma_wait3A_158 : memref<10240x16xf32, #tpu.memory_space<hbm>>) dst(%arg10 : memref<128x16xf32, #tpu.memory_space<vmem>>)
    %dma_start3A_159 = arith.constant 1 : i32
    %dma_start3A_160 = arith.constant 0 : i32
    %dma_start3A_161 = tpu.memref_slice %arg8[%dma_start3A_159, %dma_start3A_160] : memref<40x128xi32, #tpu.memory_space<vmem>> -> memref<1x128xi32, #tpu.memory_space<vmem>>
    %dma_start3A_162 = tpu.memref_squeeze %dma_start3A_161 : memref<1x128xi32, #tpu.memory_space<vmem>> -> memref<128xi32, #tpu.memory_space<vmem>>
    %dma_start3A_163 = arith.constant 0 : i32
    %dma_start3A_164 = arith.constant 0 : i32
    %dma_start3A_165 = tpu.memref_slice %arg13[%dma_start3A_163, %dma_start3A_164] : memref<10240x16xf32, #tpu.memory_space<vmem_shared>> -> memref<10240x16xf32, #tpu.memory_space<vmem_shared>>
    tpu.enqueue_indirect_dma source(%arg10 : memref<128x16xf32, #tpu.memory_space<vmem>>) target(%dma_start3A_165 : memref<10240x16xf32, #tpu.memory_space<vmem_shared>>) offsets(%dma_start3A_162 : memref<128xi32, #tpu.memory_space<vmem>>) semaphore(%arg19 : memref<!tpu.dma_semaphore, #tpu.memory_space<semaphore_mem>>) {add = true}
    %dma_start3A_166 = arith.constant 3 : i32
    %dma_start3A_167 = arith.constant 0 : i32
    %dma_start3A_168 = tpu.memref_slice %arg7[%dma_start3A_166, %dma_start3A_167] : memref<40x128xi32, #tpu.memory_space<vmem>> -> memref<1x128xi32, #tpu.memory_space<vmem>>
    %dma_start3A_169 = tpu.memref_squeeze %dma_start3A_168 : memref<1x128xi32, #tpu.memory_space<vmem>> -> memref<128xi32, #tpu.memory_space<vmem>>
    %dma_start3A_170 = arith.constant 0 : i32
    %dma_start3A_171 = arith.constant 0 : i32
    %dma_start3A_172 = tpu.memref_slice %arg2[%dma_start3A_170, %dma_start3A_171] : memref<10240x16xf32, #tpu.memory_space<hbm>> -> memref<10240x16xf32, #tpu.memory_space<hbm>>
    tpu.enqueue_indirect_dma source(%dma_start3A_172 : memref<10240x16xf32, #tpu.memory_space<hbm>>) target(%arg12 : memref<128x16xf32, #tpu.memory_space<vmem>>) offsets(%dma_start3A_169 : memref<128xi32, #tpu.memory_space<vmem>>) semaphore(%arg17 : memref<!tpu.dma_semaphore, #tpu.memory_space<semaphore_mem>>)
    %scan3A_173 = arith.constant 0 : i32
    %scan3A_174 = arith.constant 9 : i32
    %scan3A_175 = arith.addi %scan3A_173, %scan3A_174 : i32
    %scan3A_176 = arith.constant 1 : i32
    scf.for %scan3A_235 = %scan3A_173 to %scan3A_175 step %scan3A_176  : i32 {
      %mul3A_236 = arith.constant 4 : i32
      %mul3A_237 = arith.muli %scan3A_235, %mul3A_236 : i32
      %add3A_238 = arith.constant 2 : i32
      %add3A_239 = arith.addi %add3A_238, %mul3A_237 : i32
      %add3A_240 = arith.constant 0 : i32
      %add3A_241 = arith.addi %add3A_239, %add3A_240 : i32
      %dma_wait3A_242 = arith.constant 0 : i32
      %dma_wait3A_243 = tpu.memref_slice %arg7[%add3A_241, %dma_wait3A_242] : memref<40x128xi32, #tpu.memory_space<vmem>> -> memref<1x128xi32, #tpu.memory_space<vmem>>
      %dma_wait3A_244 = tpu.memref_squeeze %dma_wait3A_243 : memref<1x128xi32, #tpu.memory_space<vmem>> -> memref<128xi32, #tpu.memory_space<vmem>>
      %dma_wait3A_245 = arith.constant 0 : i32
      %dma_wait3A_246 = arith.constant 0 : i32
      %dma_wait3A_247 = tpu.memref_slice %arg2[%dma_wait3A_245, %dma_wait3A_246] : memref<10240x16xf32, #tpu.memory_space<hbm>> -> memref<10240x16xf32, #tpu.memory_space<hbm>>
      tpu.wait_indirect_dma semaphore(%arg16 : memref<!tpu.dma_semaphore, #tpu.memory_space<semaphore_mem>>) src(%dma_wait3A_247 : memref<10240x16xf32, #tpu.memory_space<hbm>>) dst(%arg11 : memref<128x16xf32, #tpu.memory_space<vmem>>)
      %dma_start3A_248 = arith.constant 0 : i32
      %dma_start3A_249 = tpu.memref_slice %arg8[%add3A_241, %dma_start3A_248] : memref<40x128xi32, #tpu.memory_space<vmem>> -> memref<1x128xi32, #tpu.memory_space<vmem>>
      %dma_start3A_250 = tpu.memref_squeeze %dma_start3A_249 : memref<1x128xi32, #tpu.memory_space<vmem>> -> memref<128xi32, #tpu.memory_space<vmem>>
      %dma_start3A_251 = arith.constant 0 : i32
      %dma_start3A_252 = arith.constant 0 : i32
      %dma_start3A_253 = tpu.memref_slice %arg13[%dma_start3A_251, %dma_start3A_252] : memref<10240x16xf32, #tpu.memory_space<vmem_shared>> -> memref<10240x16xf32, #tpu.memory_space<vmem_shared>>
      tpu.enqueue_indirect_dma source(%arg11 : memref<128x16xf32, #tpu.memory_space<vmem>>) target(%dma_start3A_253 : memref<10240x16xf32, #tpu.memory_space<vmem_shared>>) offsets(%dma_start3A_250 : memref<128xi32, #tpu.memory_space<vmem>>) semaphore(%arg20 : memref<!tpu.dma_semaphore, #tpu.memory_space<semaphore_mem>>) {add = true}
      %sub3A = arith.constant 2 : i32
      %sub3A_254 = arith.subi %add3A_241, %sub3A : i32
      %dma_wait3A_255 = arith.constant 0 : i32
      %dma_wait3A_256 = tpu.memref_slice %arg8[%sub3A_254, %dma_wait3A_255] : memref<40x128xi32, #tpu.memory_space<vmem>> -> memref<1x128xi32, #tpu.memory_space<vmem>>
      %dma_wait3A_257 = tpu.memref_squeeze %dma_wait3A_256 : memref<1x128xi32, #tpu.memory_space<vmem>> -> memref<128xi32, #tpu.memory_space<vmem>>
      %dma_wait3A_258 = arith.constant 0 : i32
      %dma_wait3A_259 = arith.constant 0 : i32
      %dma_wait3A_260 = tpu.memref_slice %arg13[%dma_wait3A_258, %dma_wait3A_259] : memref<10240x16xf32, #tpu.memory_space<vmem_shared>> -> memref<10240x16xf32, #tpu.memory_space<vmem_shared>>
      tpu.wait_indirect_dma semaphore(%arg18 : memref<!tpu.dma_semaphore, #tpu.memory_space<semaphore_mem>>) src(%arg9 : memref<128x16xf32, #tpu.memory_space<vmem>>) dst(%dma_wait3A_260 : memref<10240x16xf32, #tpu.memory_space<vmem_shared>>)
      %add3A_261 = arith.constant 2 : i32
      %add3A_262 = arith.addi %add3A_241, %add3A_261 : i32
      %dma_start3A_263 = arith.constant 0 : i32
      %dma_start3A_264 = tpu.memref_slice %arg7[%add3A_262, %dma_start3A_263] : memref<40x128xi32, #tpu.memory_space<vmem>> -> memref<1x128xi32, #tpu.memory_space<vmem>>
      %dma_start3A_265 = tpu.memref_squeeze %dma_start3A_264 : memref<1x128xi32, #tpu.memory_space<vmem>> -> memref<128xi32, #tpu.memory_space<vmem>>
      %dma_start3A_266 = arith.constant 0 : i32
      %dma_start3A_267 = arith.constant 0 : i32
      %dma_start3A_268 = tpu.memref_slice %arg2[%dma_start3A_266, %dma_start3A_267] : memref<10240x16xf32, #tpu.memory_space<hbm>> -> memref<10240x16xf32, #tpu.memory_space<hbm>>
      tpu.enqueue_indirect_dma source(%dma_start3A_268 : memref<10240x16xf32, #tpu.memory_space<hbm>>) target(%arg9 : memref<128x16xf32, #tpu.memory_space<vmem>>) offsets(%dma_start3A_265 : memref<128xi32, #tpu.memory_space<vmem>>) semaphore(%arg14 : memref<!tpu.dma_semaphore, #tpu.memory_space<semaphore_mem>>)
      %mul3A_269 = arith.constant 4 : i32
      %mul3A_270 = arith.muli %scan3A_235, %mul3A_269 : i32
      %add3A_271 = arith.constant 2 : i32
      %add3A_272 = arith.addi %add3A_271, %mul3A_270 : i32
      %add3A_273 = arith.constant 1 : i32
      %add3A_274 = arith.addi %add3A_272, %add3A_273 : i32
      %dma_wait3A_275 = arith.constant 0 : i32
      %dma_wait3A_276 = tpu.memref_slice %arg7[%add3A_274, %dma_wait3A_275] : memref<40x128xi32, #tpu.memory_space<vmem>> -> memref<1x128xi32, #tpu.memory_space<vmem>>
      %dma_wait3A_277 = tpu.memref_squeeze %dma_wait3A_276 : memref<1x128xi32, #tpu.memory_space<vmem>> -> memref<128xi32, #tpu.memory_space<vmem>>
      %dma_wait3A_278 = arith.constant 0 : i32
      %dma_wait3A_279 = arith.constant 0 : i32
      %dma_wait3A_280 = tpu.memref_slice %arg2[%dma_wait3A_278, %dma_wait3A_279] : memref<10240x16xf32, #tpu.memory_space<hbm>> -> memref<10240x16xf32, #tpu.memory_space<hbm>>
      tpu.wait_indirect_dma semaphore(%arg17 : memref<!tpu.dma_semaphore, #tpu.memory_space<semaphore_mem>>) src(%dma_wait3A_280 : memref<10240x16xf32, #tpu.memory_space<hbm>>) dst(%arg12 : memref<128x16xf32, #tpu.memory_space<vmem>>)
      %dma_start3A_281 = arith.constant 0 : i32
      %dma_start3A_282 = tpu.memref_slice %arg8[%add3A_274, %dma_start3A_281] : memref<40x128xi32, #tpu.memory_space<vmem>> -> memref<1x128xi32, #tpu.memory_space<vmem>>
      %dma_start3A_283 = tpu.memref_squeeze %dma_start3A_282 : memref<1x128xi32, #tpu.memory_space<vmem>> -> memref<128xi32, #tpu.memory_space<vmem>>
      %dma_start3A_284 = arith.constant 0 : i32
      %dma_start3A_285 = arith.constant 0 : i32
      %dma_start3A_286 = tpu.memref_slice %arg13[%dma_start3A_284, %dma_start3A_285] : memref<10240x16xf32, #tpu.memory_space<vmem_shared>> -> memref<10240x16xf32, #tpu.memory_space<vmem_shared>>
      tpu.enqueue_indirect_dma source(%arg12 : memref<128x16xf32, #tpu.memory_space<vmem>>) target(%dma_start3A_286 : memref<10240x16xf32, #tpu.memory_space<vmem_shared>>) offsets(%dma_start3A_283 : memref<128xi32, #tpu.memory_space<vmem>>) semaphore(%arg21 : memref<!tpu.dma_semaphore, #tpu.memory_space<semaphore_mem>>) {add = true}
      %sub3A_287 = arith.constant 2 : i32
      %sub3A_288 = arith.subi %add3A_274, %sub3A_287 : i32
      %dma_wait3A_289 = arith.constant 0 : i32
      %dma_wait3A_290 = tpu.memref_slice %arg8[%sub3A_288, %dma_wait3A_289] : memref<40x128xi32, #tpu.memory_space<vmem>> -> memref<1x128xi32, #tpu.memory_space<vmem>>
      %dma_wait3A_291 = tpu.memref_squeeze %dma_wait3A_290 : memref<1x128xi32, #tpu.memory_space<vmem>> -> memref<128xi32, #tpu.memory_space<vmem>>
      %dma_wait3A_292 = arith.constant 0 : i32
      %dma_wait3A_293 = arith.constant 0 : i32
      %dma_wait3A_294 = tpu.memref_slice %arg13[%dma_wait3A_292, %dma_wait3A_293] : memref<10240x16xf32, #tpu.memory_space<vmem_shared>> -> memref<10240x16xf32, #tpu.memory_space<vmem_shared>>
      tpu.wait_indirect_dma semaphore(%arg19 : memref<!tpu.dma_semaphore, #tpu.memory_space<semaphore_mem>>) src(%arg10 : memref<128x16xf32, #tpu.memory_space<vmem>>) dst(%dma_wait3A_294 : memref<10240x16xf32, #tpu.memory_space<vmem_shared>>)
      %add3A_295 = arith.constant 2 : i32
      %add3A_296 = arith.addi %add3A_274, %add3A_295 : i32
      %dma_start3A_297 = arith.constant 0 : i32
      %dma_start3A_298 = tpu.memref_slice %arg7[%add3A_296, %dma_start3A_297] : memref<40x128xi32, #tpu.memory_space<vmem>> -> memref<1x128xi32, #tpu.memory_space<vmem>>
      %dma_start3A_299 = tpu.memref_squeeze %dma_start3A_298 : memref<1x128xi32, #tpu.memory_space<vmem>> -> memref<128xi32, #tpu.memory_space<vmem>>
      %dma_start3A_300 = arith.constant 0 : i32
      %dma_start3A_301 = arith.constant 0 : i32
      %dma_start3A_302 = tpu.memref_slice %arg2[%dma_start3A_300, %dma_start3A_301] : memref<10240x16xf32, #tpu.memory_space<hbm>> -> memref<10240x16xf32, #tpu.memory_space<hbm>>
      tpu.enqueue_indirect_dma source(%dma_start3A_302 : memref<10240x16xf32, #tpu.memory_space<hbm>>) target(%arg10 : memref<128x16xf32, #tpu.memory_space<vmem>>) offsets(%dma_start3A_299 : memref<128xi32, #tpu.memory_space<vmem>>) semaphore(%arg15 : memref<!tpu.dma_semaphore, #tpu.memory_space<semaphore_mem>>)
      %mul3A_303 = arith.constant 4 : i32
      %mul3A_304 = arith.muli %scan3A_235, %mul3A_303 : i32
      %add3A_305 = arith.constant 2 : i32
      %add3A_306 = arith.addi %add3A_305, %mul3A_304 : i32
      %add3A_307 = arith.constant 2 : i32
      %add3A_308 = arith.addi %add3A_306, %add3A_307 : i32
      %dma_wait3A_309 = arith.constant 0 : i32
      %dma_wait3A_310 = tpu.memref_slice %arg7[%add3A_308, %dma_wait3A_309] : memref<40x128xi32, #tpu.memory_space<vmem>> -> memref<1x128xi32, #tpu.memory_space<vmem>>
      %dma_wait3A_311 = tpu.memref_squeeze %dma_wait3A_310 : memref<1x128xi32, #tpu.memory_space<vmem>> -> memref<128xi32, #tpu.memory_space<vmem>>
      %dma_wait3A_312 = arith.constant 0 : i32
      %dma_wait3A_313 = arith.constant 0 : i32
      %dma_wait3A_314 = tpu.memref_slice %arg2[%dma_wait3A_312, %dma_wait3A_313] : memref<10240x16xf32, #tpu.memory_space<hbm>> -> memref<10240x16xf32, #tpu.memory_space<hbm>>
      tpu.wait_indirect_dma semaphore(%arg14 : memref<!tpu.dma_semaphore, #tpu.memory_space<semaphore_mem>>) src(%dma_wait3A_314 : memref<10240x16xf32, #tpu.memory_space<hbm>>) dst(%arg9 : memref<128x16xf32, #tpu.memory_space<vmem>>)
      %dma_start3A_315 = arith.constant 0 : i32
      %dma_start3A_316 = tpu.memref_slice %arg8[%add3A_308, %dma_start3A_315] : memref<40x128xi32, #tpu.memory_space<vmem>> -> memref<1x128xi32, #tpu.memory_space<vmem>>
      %dma_start3A_317 = tpu.memref_squeeze %dma_start3A_316 : memref<1x128xi32, #tpu.memory_space<vmem>> -> memref<128xi32, #tpu.memory_space<vmem>>
      %dma_start3A_318 = arith.constant 0 : i32
      %dma_start3A_319 = arith.constant 0 : i32
      %dma_start3A_320 = tpu.memref_slice %arg13[%dma_start3A_318, %dma_start3A_319] : memref<10240x16xf32, #tpu.memory_space<vmem_shared>> -> memref<10240x16xf32, #tpu.memory_space<vmem_shared>>
      tpu.enqueue_indirect_dma source(%arg9 : memref<128x16xf32, #tpu.memory_space<vmem>>) target(%dma_start3A_320 : memref<10240x16xf32, #tpu.memory_space<vmem_shared>>) offsets(%dma_start3A_317 : memref<128xi32, #tpu.memory_space<vmem>>) semaphore(%arg18 : memref<!tpu.dma_semaphore, #tpu.memory_space<semaphore_mem>>) {add = true}
      %sub3A_321 = arith.constant 2 : i32
      %sub3A_322 = arith.subi %add3A_308, %sub3A_321 : i32
      %dma_wait3A_323 = arith.constant 0 : i32
      %dma_wait3A_324 = tpu.memref_slice %arg8[%sub3A_322, %dma_wait3A_323] : memref<40x128xi32, #tpu.memory_space<vmem>> -> memref<1x128xi32, #tpu.memory_space<vmem>>
      %dma_wait3A_325 = tpu.memref_squeeze %dma_wait3A_324 : memref<1x128xi32, #tpu.memory_space<vmem>> -> memref<128xi32, #tpu.memory_space<vmem>>
      %dma_wait3A_326 = arith.constant 0 : i32
      %dma_wait3A_327 = arith.constant 0 : i32
      %dma_wait3A_328 = tpu.memref_slice %arg13[%dma_wait3A_326, %dma_wait3A_327] : memref<10240x16xf32, #tpu.memory_space<vmem_shared>> -> memref<10240x16xf32, #tpu.memory_space<vmem_shared>>
      tpu.wait_indirect_dma semaphore(%arg20 : memref<!tpu.dma_semaphore, #tpu.memory_space<semaphore_mem>>) src(%arg11 : memref<128x16xf32, #tpu.memory_space<vmem>>) dst(%dma_wait3A_328 : memref<10240x16xf32, #tpu.memory_space<vmem_shared>>)
      %add3A_329 = arith.constant 2 : i32
      %add3A_330 = arith.addi %add3A_308, %add3A_329 : i32
      %dma_start3A_331 = arith.constant 0 : i32
      %dma_start3A_332 = tpu.memref_slice %arg7[%add3A_330, %dma_start3A_331] : memref<40x128xi32, #tpu.memory_space<vmem>> -> memref<1x128xi32, #tpu.memory_space<vmem>>
      %dma_start3A_333 = tpu.memref_squeeze %dma_start3A_332 : memref<1x128xi32, #tpu.memory_space<vmem>> -> memref<128xi32, #tpu.memory_space<vmem>>
      %dma_start3A_334 = arith.constant 0 : i32
      %dma_start3A_335 = arith.constant 0 : i32
      %dma_start3A_336 = tpu.memref_slice %arg2[%dma_start3A_334, %dma_start3A_335] : memref<10240x16xf32, #tpu.memory_space<hbm>> -> memref<10240x16xf32, #tpu.memory_space<hbm>>
      tpu.enqueue_indirect_dma source(%dma_start3A_336 : memref<10240x16xf32, #tpu.memory_space<hbm>>) target(%arg11 : memref<128x16xf32, #tpu.memory_space<vmem>>) offsets(%dma_start3A_333 : memref<128xi32, #tpu.memory_space<vmem>>) semaphore(%arg16 : memref<!tpu.dma_semaphore, #tpu.memory_space<semaphore_mem>>)
      %mul3A_337 = arith.constant 4 : i32
      %mul3A_338 = arith.muli %scan3A_235, %mul3A_337 : i32
      %add3A_339 = arith.constant 2 : i32
      %add3A_340 = arith.addi %add3A_339, %mul3A_338 : i32
      %add3A_341 = arith.constant 3 : i32
      %add3A_342 = arith.addi %add3A_340, %add3A_341 : i32
      %dma_wait3A_343 = arith.constant 0 : i32
      %dma_wait3A_344 = tpu.memref_slice %arg7[%add3A_342, %dma_wait3A_343] : memref<40x128xi32, #tpu.memory_space<vmem>> -> memref<1x128xi32, #tpu.memory_space<vmem>>
      %dma_wait3A_345 = tpu.memref_squeeze %dma_wait3A_344 : memref<1x128xi32, #tpu.memory_space<vmem>> -> memref<128xi32, #tpu.memory_space<vmem>>
      %dma_wait3A_346 = arith.constant 0 : i32
      %dma_wait3A_347 = arith.constant 0 : i32
      %dma_wait3A_348 = tpu.memref_slice %arg2[%dma_wait3A_346, %dma_wait3A_347] : memref<10240x16xf32, #tpu.memory_space<hbm>> -> memref<10240x16xf32, #tpu.memory_space<hbm>>
      tpu.wait_indirect_dma semaphore(%arg15 : memref<!tpu.dma_semaphore, #tpu.memory_space<semaphore_mem>>) src(%dma_wait3A_348 : memref<10240x16xf32, #tpu.memory_space<hbm>>) dst(%arg10 : memref<128x16xf32, #tpu.memory_space<vmem>>)
      %dma_start3A_349 = arith.constant 0 : i32
      %dma_start3A_350 = tpu.memref_slice %arg8[%add3A_342, %dma_start3A_349] : memref<40x128xi32, #tpu.memory_space<vmem>> -> memref<1x128xi32, #tpu.memory_space<vmem>>
      %dma_start3A_351 = tpu.memref_squeeze %dma_start3A_350 : memref<1x128xi32, #tpu.memory_space<vmem>> -> memref<128xi32, #tpu.memory_space<vmem>>
      %dma_start3A_352 = arith.constant 0 : i32
      %dma_start3A_353 = arith.constant 0 : i32
      %dma_start3A_354 = tpu.memref_slice %arg13[%dma_start3A_352, %dma_start3A_353] : memref<10240x16xf32, #tpu.memory_space<vmem_shared>> -> memref<10240x16xf32, #tpu.memory_space<vmem_shared>>
      tpu.enqueue_indirect_dma source(%arg10 : memref<128x16xf32, #tpu.memory_space<vmem>>) target(%dma_start3A_354 : memref<10240x16xf32, #tpu.memory_space<vmem_shared>>) offsets(%dma_start3A_351 : memref<128xi32, #tpu.memory_space<vmem>>) semaphore(%arg19 : memref<!tpu.dma_semaphore, #tpu.memory_space<semaphore_mem>>) {add = true}
      %sub3A_355 = arith.constant 2 : i32
      %sub3A_356 = arith.subi %add3A_342, %sub3A_355 : i32
      %dma_wait3A_357 = arith.constant 0 : i32
      %dma_wait3A_358 = tpu.memref_slice %arg8[%sub3A_356, %dma_wait3A_357] : memref<40x128xi32, #tpu.memory_space<vmem>> -> memref<1x128xi32, #tpu.memory_space<vmem>>
      %dma_wait3A_359 = tpu.memref_squeeze %dma_wait3A_358 : memref<1x128xi32, #tpu.memory_space<vmem>> -> memref<128xi32, #tpu.memory_space<vmem>>
      %dma_wait3A_360 = arith.constant 0 : i32
      %dma_wait3A_361 = arith.constant 0 : i32
      %dma_wait3A_362 = tpu.memref_slice %arg13[%dma_wait3A_360, %dma_wait3A_361] : memref<10240x16xf32, #tpu.memory_space<vmem_shared>> -> memref<10240x16xf32, #tpu.memory_space<vmem_shared>>
      tpu.wait_indirect_dma semaphore(%arg21 : memref<!tpu.dma_semaphore, #tpu.memory_space<semaphore_mem>>) src(%arg12 : memref<128x16xf32, #tpu.memory_space<vmem>>) dst(%dma_wait3A_362 : memref<10240x16xf32, #tpu.memory_space<vmem_shared>>)
      %add3A_363 = arith.constant 2 : i32
      %add3A_364 = arith.addi %add3A_342, %add3A_363 : i32
      %dma_start3A_365 = arith.constant 0 : i32
      %dma_start3A_366 = tpu.memref_slice %arg7[%add3A_364, %dma_start3A_365] : memref<40x128xi32, #tpu.memory_space<vmem>> -> memref<1x128xi32, #tpu.memory_space<vmem>>
      %dma_start3A_367 = tpu.memref_squeeze %dma_start3A_366 : memref<1x128xi32, #tpu.memory_space<vmem>> -> memref<128xi32, #tpu.memory_space<vmem>>
      %dma_start3A_368 = arith.constant 0 : i32
      %dma_start3A_369 = arith.constant 0 : i32
      %dma_start3A_370 = tpu.memref_slice %arg2[%dma_start3A_368, %dma_start3A_369] : memref<10240x16xf32, #tpu.memory_space<hbm>> -> memref<10240x16xf32, #tpu.memory_space<hbm>>
      tpu.enqueue_indirect_dma source(%dma_start3A_370 : memref<10240x16xf32, #tpu.memory_space<hbm>>) target(%arg12 : memref<128x16xf32, #tpu.memory_space<vmem>>) offsets(%dma_start3A_367 : memref<128xi32, #tpu.memory_space<vmem>>) semaphore(%arg17 : memref<!tpu.dma_semaphore, #tpu.memory_space<semaphore_mem>>)
    }
    %scan3A_177 = arith.constant 9 : i32
    %dma_wait3A_178 = arith.constant 38 : i32
    %dma_wait3A_179 = arith.constant 0 : i32
    %dma_wait3A_180 = tpu.memref_slice %arg7[%dma_wait3A_178, %dma_wait3A_179] : memref<40x128xi32, #tpu.memory_space<vmem>> -> memref<1x128xi32, #tpu.memory_space<vmem>>
    %dma_wait3A_181 = tpu.memref_squeeze %dma_wait3A_180 : memref<1x128xi32, #tpu.memory_space<vmem>> -> memref<128xi32, #tpu.memory_space<vmem>>
    %dma_wait3A_182 = arith.constant 0 : i32
    %dma_wait3A_183 = arith.constant 0 : i32
    %dma_wait3A_184 = tpu.memref_slice %arg2[%dma_wait3A_182, %dma_wait3A_183] : memref<10240x16xf32, #tpu.memory_space<hbm>> -> memref<10240x16xf32, #tpu.memory_space<hbm>>
    tpu.wait_indirect_dma semaphore(%arg16 : memref<!tpu.dma_semaphore, #tpu.memory_space<semaphore_mem>>) src(%dma_wait3A_184 : memref<10240x16xf32, #tpu.memory_space<hbm>>) dst(%arg11 : memref<128x16xf32, #tpu.memory_space<vmem>>)
    %dma_start3A_185 = arith.constant 38 : i32
    %dma_start3A_186 = arith.constant 0 : i32
    %dma_start3A_187 = tpu.memref_slice %arg8[%dma_start3A_185, %dma_start3A_186] : memref<40x128xi32, #tpu.memory_space<vmem>> -> memref<1x128xi32, #tpu.memory_space<vmem>>
    %dma_start3A_188 = tpu.memref_squeeze %dma_start3A_187 : memref<1x128xi32, #tpu.memory_space<vmem>> -> memref<128xi32, #tpu.memory_space<vmem>>
    %dma_start3A_189 = arith.constant 0 : i32
    %dma_start3A_190 = arith.constant 0 : i32
    %dma_start3A_191 = tpu.memref_slice %arg13[%dma_start3A_189, %dma_start3A_190] : memref<10240x16xf32, #tpu.memory_space<vmem_shared>> -> memref<10240x16xf32, #tpu.memory_space<vmem_shared>>
    tpu.enqueue_indirect_dma source(%arg11 : memref<128x16xf32, #tpu.memory_space<vmem>>) target(%dma_start3A_191 : memref<10240x16xf32, #tpu.memory_space<vmem_shared>>) offsets(%dma_start3A_188 : memref<128xi32, #tpu.memory_space<vmem>>) semaphore(%arg20 : memref<!tpu.dma_semaphore, #tpu.memory_space<semaphore_mem>>) {add = true}
    %dma_wait3A_192 = arith.constant 36 : i32
    %dma_wait3A_193 = arith.constant 0 : i32
    %dma_wait3A_194 = tpu.memref_slice %arg8[%dma_wait3A_192, %dma_wait3A_193] : memref<40x128xi32, #tpu.memory_space<vmem>> -> memref<1x128xi32, #tpu.memory_space<vmem>>
    %dma_wait3A_195 = tpu.memref_squeeze %dma_wait3A_194 : memref<1x128xi32, #tpu.memory_space<vmem>> -> memref<128xi32, #tpu.memory_space<vmem>>
    %dma_wait3A_196 = arith.constant 0 : i32
    %dma_wait3A_197 = arith.constant 0 : i32
    %dma_wait3A_198 = tpu.memref_slice %arg13[%dma_wait3A_196, %dma_wait3A_197] : memref<10240x16xf32, #tpu.memory_space<vmem_shared>> -> memref<10240x16xf32, #tpu.memory_space<vmem_shared>>
    tpu.wait_indirect_dma semaphore(%arg18 : memref<!tpu.dma_semaphore, #tpu.memory_space<semaphore_mem>>) src(%arg9 : memref<128x16xf32, #tpu.memory_space<vmem>>) dst(%dma_wait3A_198 : memref<10240x16xf32, #tpu.memory_space<vmem_shared>>)
    %dma_wait3A_199 = arith.constant 39 : i32
    %dma_wait3A_200 = arith.constant 0 : i32
    %dma_wait3A_201 = tpu.memref_slice %arg7[%dma_wait3A_199, %dma_wait3A_200] : memref<40x128xi32, #tpu.memory_space<vmem>> -> memref<1x128xi32, #tpu.memory_space<vmem>>
    %dma_wait3A_202 = tpu.memref_squeeze %dma_wait3A_201 : memref<1x128xi32, #tpu.memory_space<vmem>> -> memref<128xi32, #tpu.memory_space<vmem>>
    %dma_wait3A_203 = arith.constant 0 : i32
    %dma_wait3A_204 = arith.constant 0 : i32
    %dma_wait3A_205 = tpu.memref_slice %arg2[%dma_wait3A_203, %dma_wait3A_204] : memref<10240x16xf32, #tpu.memory_space<hbm>> -> memref<10240x16xf32, #tpu.memory_space<hbm>>
    tpu.wait_indirect_dma semaphore(%arg17 : memref<!tpu.dma_semaphore, #tpu.memory_space<semaphore_mem>>) src(%dma_wait3A_205 : memref<10240x16xf32, #tpu.memory_space<hbm>>) dst(%arg12 : memref<128x16xf32, #tpu.memory_space<vmem>>)
    %dma_start3A_206 = arith.constant 39 : i32
    %dma_start3A_207 = arith.constant 0 : i32
    %dma_start3A_208 = tpu.memref_slice %arg8[%dma_start3A_206, %dma_start3A_207] : memref<40x128xi32, #tpu.memory_space<vmem>> -> memref<1x128xi32, #tpu.memory_space<vmem>>
    %dma_start3A_209 = tpu.memref_squeeze %dma_start3A_208 : memref<1x128xi32, #tpu.memory_space<vmem>> -> memref<128xi32, #tpu.memory_space<vmem>>
    %dma_start3A_210 = arith.constant 0 : i32
    %dma_start3A_211 = arith.constant 0 : i32
    %dma_start3A_212 = tpu.memref_slice %arg13[%dma_start3A_210, %dma_start3A_211] : memref<10240x16xf32, #tpu.memory_space<vmem_shared>> -> memref<10240x16xf32, #tpu.memory_space<vmem_shared>>
    tpu.enqueue_indirect_dma source(%arg12 : memref<128x16xf32, #tpu.memory_space<vmem>>) target(%dma_start3A_212 : memref<10240x16xf32, #tpu.memory_space<vmem_shared>>) offsets(%dma_start3A_209 : memref<128xi32, #tpu.memory_space<vmem>>) semaphore(%arg21 : memref<!tpu.dma_semaphore, #tpu.memory_space<semaphore_mem>>) {add = true}
    %dma_wait3A_213 = arith.constant 37 : i32
    %dma_wait3A_214 = arith.constant 0 : i32
    %dma_wait3A_215 = tpu.memref_slice %arg8[%dma_wait3A_213, %dma_wait3A_214] : memref<40x128xi32, #tpu.memory_space<vmem>> -> memref<1x128xi32, #tpu.memory_space<vmem>>
    %dma_wait3A_216 = tpu.memref_squeeze %dma_wait3A_215 : memref<1x128xi32, #tpu.memory_space<vmem>> -> memref<128xi32, #tpu.memory_space<vmem>>
    %dma_wait3A_217 = arith.constant 0 : i32
    %dma_wait3A_218 = arith.constant 0 : i32
    %dma_wait3A_219 = tpu.memref_slice %arg13[%dma_wait3A_217, %dma_wait3A_218] : memref<10240x16xf32, #tpu.memory_space<vmem_shared>> -> memref<10240x16xf32, #tpu.memory_space<vmem_shared>>
    tpu.wait_indirect_dma semaphore(%arg19 : memref<!tpu.dma_semaphore, #tpu.memory_space<semaphore_mem>>) src(%arg10 : memref<128x16xf32, #tpu.memory_space<vmem>>) dst(%dma_wait3A_219 : memref<10240x16xf32, #tpu.memory_space<vmem_shared>>)
    %dma_wait3A_220 = arith.constant 38 : i32
    %dma_wait3A_221 = arith.constant 0 : i32
    %dma_wait3A_222 = tpu.memref_slice %arg8[%dma_wait3A_220, %dma_wait3A_221] : memref<40x128xi32, #tpu.memory_space<vmem>> -> memref<1x128xi32, #tpu.memory_space<vmem>>
    %dma_wait3A_223 = tpu.memref_squeeze %dma_wait3A_222 : memref<1x128xi32, #tpu.memory_space<vmem>> -> memref<128xi32, #tpu.memory_space<vmem>>
    %dma_wait3A_224 = arith.constant 0 : i32
    %dma_wait3A_225 = arith.constant 0 : i32
    %dma_wait3A_226 = tpu.memref_slice %arg13[%dma_wait3A_224, %dma_wait3A_225] : memref<10240x16xf32, #tpu.memory_space<vmem_shared>> -> memref<10240x16xf32, #tpu.memory_space<vmem_shared>>
    tpu.wait_indirect_dma semaphore(%arg20 : memref<!tpu.dma_semaphore, #tpu.memory_space<semaphore_mem>>) src(%arg11 : memref<128x16xf32, #tpu.memory_space<vmem>>) dst(%dma_wait3A_226 : memref<10240x16xf32, #tpu.memory_space<vmem_shared>>)
    %dma_wait3A_227 = arith.constant 39 : i32
    %dma_wait3A_228 = arith.constant 0 : i32
    %dma_wait3A_229 = tpu.memref_slice %arg8[%dma_wait3A_227, %dma_wait3A_228] : memref<40x128xi32, #tpu.memory_space<vmem>> -> memref<1x128xi32, #tpu.memory_space<vmem>>
    %dma_wait3A_230 = tpu.memref_squeeze %dma_wait3A_229 : memref<1x128xi32, #tpu.memory_space<vmem>> -> memref<128xi32, #tpu.memory_space<vmem>>
    %dma_wait3A_231 = arith.constant 0 : i32
    %dma_wait3A_232 = arith.constant 0 : i32
    %dma_wait3A_233 = tpu.memref_slice %arg13[%dma_wait3A_231, %dma_wait3A_232] : memref<10240x16xf32, #tpu.memory_space<vmem_shared>> -> memref<10240x16xf32, #tpu.memory_space<vmem_shared>>
    tpu.wait_indirect_dma semaphore(%arg21 : memref<!tpu.dma_semaphore, #tpu.memory_space<semaphore_mem>>) src(%arg12 : memref<128x16xf32, #tpu.memory_space<vmem>>) dst(%dma_wait3A_233 : memref<10240x16xf32, #tpu.memory_space<vmem_shared>>)
    %barrier3A_234 = arith.constant 0 : index
    tpu.barrier barrier_id(%barrier3A_234)
    "tpu.region"() ({
      %run_scoped3A = tpu.sem_alloc : memref<!tpu.dma_semaphore, #tpu.memory_space<semaphore_mem>>
      %dma_start3A_235 = arith.constant 0 : i32
      %dma_start3A_236 = arith.constant 0 : i32
      %dma_start3A_237 = tpu.memref_slice %arg6[%arg0, %dma_start3A_235, %dma_start3A_236] : memref<2x10240x16xf32, #tpu.memory_space<hbm>> -> memref<1x10240x16xf32, #tpu.memory_space<hbm>>
      %dma_start3A_238 = tpu.memref_squeeze %dma_start3A_237 : memref<1x10240x16xf32, #tpu.memory_space<hbm>> -> memref<10240x16xf32, #tpu.memory_space<hbm>>
      %dma_start3A_239 = arith.constant 0 : i32
      %dma_start3A_240 = tpu.memref_slice %dma_start3A_238[%mul3A_0, %dma_start3A_239] : memref<10240x16xf32, #tpu.memory_space<hbm>> -> memref<640x16xf32, #tpu.memory_space<hbm>>
      %dma_start3A_241 = arith.constant 0 : i32
      %dma_start3A_242 = tpu.memref_slice %arg13[%mul3A_0, %dma_start3A_241] : memref<10240x16xf32, #tpu.memory_space<vmem_shared>> -> memref<640x16xf32, #tpu.memory_space<vmem_shared>>
      tpu.enqueue_dma source(%dma_start3A_242 : memref<640x16xf32, #tpu.memory_space<vmem_shared>>) target(%dma_start3A_240 : memref<640x16xf32, #tpu.memory_space<hbm>>) target_semaphore(%run_scoped3A : memref<!tpu.dma_semaphore, #tpu.memory_space<semaphore_mem>>)
      %dma_wait3A_243 = arith.constant 0 : i32
      %dma_wait3A_244 = arith.constant 0 : i32
      %dma_wait3A_245 = tpu.memref_slice %arg6[%arg0, %dma_wait3A_243, %dma_wait3A_244] : memref<2x10240x16xf32, #tpu.memory_space<hbm>> -> memref<1x10240x16xf32, #tpu.memory_space<hbm>>
      %dma_wait3A_246 = tpu.memref_squeeze %dma_wait3A_245 : memref<1x10240x16xf32, #tpu.memory_space<hbm>> -> memref<10240x16xf32, #tpu.memory_space<hbm>>
      %dma_wait3A_247 = arith.constant 0 : i32
      %dma_wait3A_248 = tpu.memref_slice %dma_wait3A_246[%mul3A_0, %dma_wait3A_247] : memref<10240x16xf32, #tpu.memory_space<hbm>> -> memref<640x16xf32, #tpu.memory_space<hbm>>
      %dma_wait3A_249 = arith.constant 0 : i32
      %dma_wait3A_250 = tpu.memref_slice %arg13[%mul3A_0, %dma_wait3A_249] : memref<10240x16xf32, #tpu.memory_space<vmem_shared>> -> memref<640x16xf32, #tpu.memory_space<vmem_shared>>
      tpu.wait_dma2 semaphore(%run_scoped3A : memref<!tpu.dma_semaphore, #tpu.memory_space<semaphore_mem>>) src(%dma_wait3A_250 : memref<640x16xf32, #tpu.memory_space<vmem_shared>>) dst(%dma_wait3A_248 : memref<640x16xf32, #tpu.memory_space<hbm>>)
      tpu.yield
    }) : () -> ()
    return
  }
}

#map = affine_map<(d0, d1) -> (0, 0, 0)>
#map1 = affine_map<(d0, d1) -> (0, 0)>
module attributes {stable_mosaic.version = 14 : i64} {
  func.func @_sc_degree(%arg0: i32, %arg1: i32, %arg2: memref<32x80x128xi32, #tpu.memory_space<hbm>>, %arg3: memref<128x16xf32, #tpu.memory_space<hbm>>, %arg4: memref<10240x16xf32, #tpu.memory_space<hbm>>, %arg5: memref<2x10240x16xf32, #tpu.memory_space<hbm>>, %arg6: memref<80x128xi32, #tpu.memory_space<vmem>>, %arg7: memref<128x16xf32, #tpu.memory_space<vmem>>, %arg8: memref<10240x16xf32, #tpu.memory_space<vmem_shared>>, %arg9: memref<!tpu.dma_semaphore, #tpu.memory_space<semaphore_mem>>) attributes {dimension_semantics = [#tpu.dimension_semantics<core_parallel>, #tpu.dimension_semantics<subcore_parallel>], iteration_bounds = array<i64: 2, 16>, scalar_prefetch = 0 : i64, scratch_operands = 4 : i64, tpu.core_type = #tpu.core_type<sc_vector_subcore>, window_params = [{transform_indices = #map}, {transform_indices = #map1}, {transform_indices = #map1}, {transform_indices = #map}]} {
    %mul3A = arith.constant 640 : i32
    %mul3A_0 = arith.muli %arg1, %mul3A : i32
    %mul3A_1 = arith.constant 16 : i32
    %mul3A_2 = arith.muli %arg0, %mul3A_1 : i32
    %add3A = arith.addi %mul3A_2, %arg1 : i32
    "tpu.region"() ({
      %run_scoped3A = tpu.sem_alloc : memref<!tpu.dma_semaphore, #tpu.memory_space<semaphore_mem>>
      %dma_start3A = arith.constant 0 : i32
      %dma_start3A_8 = arith.constant 0 : i32
      %dma_start3A_9 = tpu.memref_slice %arg2[%add3A, %dma_start3A, %dma_start3A_8] : memref<32x80x128xi32, #tpu.memory_space<hbm>> -> memref<1x80x128xi32, #tpu.memory_space<hbm>>
      %dma_start3A_10 = tpu.memref_squeeze %dma_start3A_9 : memref<1x80x128xi32, #tpu.memory_space<hbm>> -> memref<80x128xi32, #tpu.memory_space<hbm>>
      %dma_start3A_11 = arith.constant 0 : i32
      %dma_start3A_12 = arith.constant 0 : i32
      %dma_start3A_13 = tpu.memref_slice %arg2[%add3A, %dma_start3A_11, %dma_start3A_12] : memref<32x80x128xi32, #tpu.memory_space<hbm>> -> memref<1x80x128xi32, #tpu.memory_space<hbm>>
      %dma_start3A_14 = tpu.memref_squeeze %dma_start3A_13 : memref<1x80x128xi32, #tpu.memory_space<hbm>> -> memref<80x128xi32, #tpu.memory_space<hbm>>
      tpu.enqueue_dma source(%dma_start3A_14 : memref<80x128xi32, #tpu.memory_space<hbm>>) target(%arg6 : memref<80x128xi32, #tpu.memory_space<vmem>>) target_semaphore(%run_scoped3A : memref<!tpu.dma_semaphore, #tpu.memory_space<semaphore_mem>>)
      %dma_wait3A = arith.constant 0 : i32
      %dma_wait3A_15 = arith.constant 0 : i32
      %dma_wait3A_16 = tpu.memref_slice %arg2[%add3A, %dma_wait3A, %dma_wait3A_15] : memref<32x80x128xi32, #tpu.memory_space<hbm>> -> memref<1x80x128xi32, #tpu.memory_space<hbm>>
      %dma_wait3A_17 = tpu.memref_squeeze %dma_wait3A_16 : memref<1x80x128xi32, #tpu.memory_space<hbm>> -> memref<80x128xi32, #tpu.memory_space<hbm>>
      %dma_wait3A_18 = arith.constant 0 : i32
      %dma_wait3A_19 = arith.constant 0 : i32
      %dma_wait3A_20 = tpu.memref_slice %arg2[%add3A, %dma_wait3A_18, %dma_wait3A_19] : memref<32x80x128xi32, #tpu.memory_space<hbm>> -> memref<1x80x128xi32, #tpu.memory_space<hbm>>
      %dma_wait3A_21 = tpu.memref_squeeze %dma_wait3A_20 : memref<1x80x128xi32, #tpu.memory_space<hbm>> -> memref<80x128xi32, #tpu.memory_space<hbm>>
      tpu.wait_dma2 semaphore(%run_scoped3A : memref<!tpu.dma_semaphore, #tpu.memory_space<semaphore_mem>>) src(%dma_wait3A_21 : memref<80x128xi32, #tpu.memory_space<hbm>>) dst(%arg6 : memref<80x128xi32, #tpu.memory_space<vmem>>)
      tpu.yield
    }) : () -> ()
    "tpu.region"() ({
      %run_scoped3A = tpu.sem_alloc : memref<!tpu.dma_semaphore, #tpu.memory_space<semaphore_mem>>
      tpu.enqueue_dma source(%arg3 : memref<128x16xf32, #tpu.memory_space<hbm>>) target(%arg7 : memref<128x16xf32, #tpu.memory_space<vmem>>) target_semaphore(%run_scoped3A : memref<!tpu.dma_semaphore, #tpu.memory_space<semaphore_mem>>)
      tpu.wait_dma2 semaphore(%run_scoped3A : memref<!tpu.dma_semaphore, #tpu.memory_space<semaphore_mem>>) src(%arg3 : memref<128x16xf32, #tpu.memory_space<hbm>>) dst(%arg7 : memref<128x16xf32, #tpu.memory_space<vmem>>)
      tpu.yield
    }) : () -> ()
    "tpu.region"() ({
      %run_scoped3A = tpu.sem_alloc : memref<!tpu.dma_semaphore, #tpu.memory_space<semaphore_mem>>
      %dma_start3A = arith.constant 0 : i32
      %dma_start3A_8 = tpu.memref_slice %arg8[%mul3A_0, %dma_start3A] : memref<10240x16xf32, #tpu.memory_space<vmem_shared>> -> memref<640x16xf32, #tpu.memory_space<vmem_shared>>
      %dma_start3A_9 = arith.constant 0 : i32
      %dma_start3A_10 = tpu.memref_slice %arg4[%mul3A_0, %dma_start3A_9] : memref<10240x16xf32, #tpu.memory_space<hbm>> -> memref<640x16xf32, #tpu.memory_space<hbm>>
      tpu.enqueue_dma source(%dma_start3A_10 : memref<640x16xf32, #tpu.memory_space<hbm>>) target(%dma_start3A_8 : memref<640x16xf32, #tpu.memory_space<vmem_shared>>) target_semaphore(%run_scoped3A : memref<!tpu.dma_semaphore, #tpu.memory_space<semaphore_mem>>)
      %dma_wait3A = arith.constant 0 : i32
      %dma_wait3A_11 = tpu.memref_slice %arg8[%mul3A_0, %dma_wait3A] : memref<10240x16xf32, #tpu.memory_space<vmem_shared>> -> memref<640x16xf32, #tpu.memory_space<vmem_shared>>
      %dma_wait3A_12 = arith.constant 0 : i32
      %dma_wait3A_13 = tpu.memref_slice %arg4[%mul3A_0, %dma_wait3A_12] : memref<10240x16xf32, #tpu.memory_space<hbm>> -> memref<640x16xf32, #tpu.memory_space<hbm>>
      tpu.wait_dma2 semaphore(%run_scoped3A : memref<!tpu.dma_semaphore, #tpu.memory_space<semaphore_mem>>) src(%dma_wait3A_13 : memref<640x16xf32, #tpu.memory_space<hbm>>) dst(%dma_wait3A_11 : memref<640x16xf32, #tpu.memory_space<vmem_shared>>)
      tpu.yield
    }) : () -> ()
    %barrier3A = arith.constant 0 : index
    tpu.barrier barrier_id(%barrier3A)
    %scan3A = arith.constant 0 : i32
    %scan3A_3 = arith.constant 10 : i32
    %scan3A_4 = arith.addi %scan3A, %scan3A_3 : i32
    %scan3A_5 = arith.constant 1 : i32
    scf.for %scan3A_8 = %scan3A to %scan3A_4 step %scan3A_5  : i32 {
      %mul3A_9 = arith.constant 8 : i32
      %mul3A_10 = arith.muli %scan3A_8, %mul3A_9 : i32
      %add3A_11 = arith.constant 0 : i32
      %add3A_12 = arith.addi %mul3A_10, %add3A_11 : i32
      %dma_start3A = arith.constant 0 : i32
      %dma_start3A_13 = tpu.memref_slice %arg6[%add3A_12, %dma_start3A] : memref<80x128xi32, #tpu.memory_space<vmem>> -> memref<1x128xi32, #tpu.memory_space<vmem>>
      %dma_start3A_14 = tpu.memref_squeeze %dma_start3A_13 : memref<1x128xi32, #tpu.memory_space<vmem>> -> memref<128xi32, #tpu.memory_space<vmem>>
      %dma_start3A_15 = arith.constant 0 : i32
      %dma_start3A_16 = arith.constant 0 : i32
      %dma_start3A_17 = tpu.memref_slice %arg8[%dma_start3A_15, %dma_start3A_16] : memref<10240x16xf32, #tpu.memory_space<vmem_shared>> -> memref<10240x16xf32, #tpu.memory_space<vmem_shared>>
      tpu.enqueue_indirect_dma source(%arg7 : memref<128x16xf32, #tpu.memory_space<vmem>>) target(%dma_start3A_17 : memref<10240x16xf32, #tpu.memory_space<vmem_shared>>) offsets(%dma_start3A_14 : memref<128xi32, #tpu.memory_space<vmem>>) semaphore(%arg9 : memref<!tpu.dma_semaphore, #tpu.memory_space<semaphore_mem>>) {add = true}
      %mul3A_18 = arith.constant 8 : i32
      %mul3A_19 = arith.muli %scan3A_8, %mul3A_18 : i32
      %add3A_20 = arith.constant 1 : i32
      %add3A_21 = arith.addi %mul3A_19, %add3A_20 : i32
      %dma_start3A_22 = arith.constant 0 : i32
      %dma_start3A_23 = tpu.memref_slice %arg6[%add3A_21, %dma_start3A_22] : memref<80x128xi32, #tpu.memory_space<vmem>> -> memref<1x128xi32, #tpu.memory_space<vmem>>
      %dma_start3A_24 = tpu.memref_squeeze %dma_start3A_23 : memref<1x128xi32, #tpu.memory_space<vmem>> -> memref<128xi32, #tpu.memory_space<vmem>>
      %dma_start3A_25 = arith.constant 0 : i32
      %dma_start3A_26 = arith.constant 0 : i32
      %dma_start3A_27 = tpu.memref_slice %arg8[%dma_start3A_25, %dma_start3A_26] : memref<10240x16xf32, #tpu.memory_space<vmem_shared>> -> memref<10240x16xf32, #tpu.memory_space<vmem_shared>>
      tpu.enqueue_indirect_dma source(%arg7 : memref<128x16xf32, #tpu.memory_space<vmem>>) target(%dma_start3A_27 : memref<10240x16xf32, #tpu.memory_space<vmem_shared>>) offsets(%dma_start3A_24 : memref<128xi32, #tpu.memory_space<vmem>>) semaphore(%arg9 : memref<!tpu.dma_semaphore, #tpu.memory_space<semaphore_mem>>) {add = true}
      %mul3A_28 = arith.constant 8 : i32
      %mul3A_29 = arith.muli %scan3A_8, %mul3A_28 : i32
      %add3A_30 = arith.constant 2 : i32
      %add3A_31 = arith.addi %mul3A_29, %add3A_30 : i32
      %dma_start3A_32 = arith.constant 0 : i32
      %dma_start3A_33 = tpu.memref_slice %arg6[%add3A_31, %dma_start3A_32] : memref<80x128xi32, #tpu.memory_space<vmem>> -> memref<1x128xi32, #tpu.memory_space<vmem>>
      %dma_start3A_34 = tpu.memref_squeeze %dma_start3A_33 : memref<1x128xi32, #tpu.memory_space<vmem>> -> memref<128xi32, #tpu.memory_space<vmem>>
      %dma_start3A_35 = arith.constant 0 : i32
      %dma_start3A_36 = arith.constant 0 : i32
      %dma_start3A_37 = tpu.memref_slice %arg8[%dma_start3A_35, %dma_start3A_36] : memref<10240x16xf32, #tpu.memory_space<vmem_shared>> -> memref<10240x16xf32, #tpu.memory_space<vmem_shared>>
      tpu.enqueue_indirect_dma source(%arg7 : memref<128x16xf32, #tpu.memory_space<vmem>>) target(%dma_start3A_37 : memref<10240x16xf32, #tpu.memory_space<vmem_shared>>) offsets(%dma_start3A_34 : memref<128xi32, #tpu.memory_space<vmem>>) semaphore(%arg9 : memref<!tpu.dma_semaphore, #tpu.memory_space<semaphore_mem>>) {add = true}
      %mul3A_38 = arith.constant 8 : i32
      %mul3A_39 = arith.muli %scan3A_8, %mul3A_38 : i32
      %add3A_40 = arith.constant 3 : i32
      %add3A_41 = arith.addi %mul3A_39, %add3A_40 : i32
      %dma_start3A_42 = arith.constant 0 : i32
      %dma_start3A_43 = tpu.memref_slice %arg6[%add3A_41, %dma_start3A_42] : memref<80x128xi32, #tpu.memory_space<vmem>> -> memref<1x128xi32, #tpu.memory_space<vmem>>
      %dma_start3A_44 = tpu.memref_squeeze %dma_start3A_43 : memref<1x128xi32, #tpu.memory_space<vmem>> -> memref<128xi32, #tpu.memory_space<vmem>>
      %dma_start3A_45 = arith.constant 0 : i32
      %dma_start3A_46 = arith.constant 0 : i32
      %dma_start3A_47 = tpu.memref_slice %arg8[%dma_start3A_45, %dma_start3A_46] : memref<10240x16xf32, #tpu.memory_space<vmem_shared>> -> memref<10240x16xf32, #tpu.memory_space<vmem_shared>>
      tpu.enqueue_indirect_dma source(%arg7 : memref<128x16xf32, #tpu.memory_space<vmem>>) target(%dma_start3A_47 : memref<10240x16xf32, #tpu.memory_space<vmem_shared>>) offsets(%dma_start3A_44 : memref<128xi32, #tpu.memory_space<vmem>>) semaphore(%arg9 : memref<!tpu.dma_semaphore, #tpu.memory_space<semaphore_mem>>) {add = true}
      %mul3A_48 = arith.constant 8 : i32
      %mul3A_49 = arith.muli %scan3A_8, %mul3A_48 : i32
      %add3A_50 = arith.constant 4 : i32
      %add3A_51 = arith.addi %mul3A_49, %add3A_50 : i32
      %dma_start3A_52 = arith.constant 0 : i32
      %dma_start3A_53 = tpu.memref_slice %arg6[%add3A_51, %dma_start3A_52] : memref<80x128xi32, #tpu.memory_space<vmem>> -> memref<1x128xi32, #tpu.memory_space<vmem>>
      %dma_start3A_54 = tpu.memref_squeeze %dma_start3A_53 : memref<1x128xi32, #tpu.memory_space<vmem>> -> memref<128xi32, #tpu.memory_space<vmem>>
      %dma_start3A_55 = arith.constant 0 : i32
      %dma_start3A_56 = arith.constant 0 : i32
      %dma_start3A_57 = tpu.memref_slice %arg8[%dma_start3A_55, %dma_start3A_56] : memref<10240x16xf32, #tpu.memory_space<vmem_shared>> -> memref<10240x16xf32, #tpu.memory_space<vmem_shared>>
      tpu.enqueue_indirect_dma source(%arg7 : memref<128x16xf32, #tpu.memory_space<vmem>>) target(%dma_start3A_57 : memref<10240x16xf32, #tpu.memory_space<vmem_shared>>) offsets(%dma_start3A_54 : memref<128xi32, #tpu.memory_space<vmem>>) semaphore(%arg9 : memref<!tpu.dma_semaphore, #tpu.memory_space<semaphore_mem>>) {add = true}
      %mul3A_58 = arith.constant 8 : i32
      %mul3A_59 = arith.muli %scan3A_8, %mul3A_58 : i32
      %add3A_60 = arith.constant 5 : i32
      %add3A_61 = arith.addi %mul3A_59, %add3A_60 : i32
      %dma_start3A_62 = arith.constant 0 : i32
      %dma_start3A_63 = tpu.memref_slice %arg6[%add3A_61, %dma_start3A_62] : memref<80x128xi32, #tpu.memory_space<vmem>> -> memref<1x128xi32, #tpu.memory_space<vmem>>
      %dma_start3A_64 = tpu.memref_squeeze %dma_start3A_63 : memref<1x128xi32, #tpu.memory_space<vmem>> -> memref<128xi32, #tpu.memory_space<vmem>>
      %dma_start3A_65 = arith.constant 0 : i32
      %dma_start3A_66 = arith.constant 0 : i32
      %dma_start3A_67 = tpu.memref_slice %arg8[%dma_start3A_65, %dma_start3A_66] : memref<10240x16xf32, #tpu.memory_space<vmem_shared>> -> memref<10240x16xf32, #tpu.memory_space<vmem_shared>>
      tpu.enqueue_indirect_dma source(%arg7 : memref<128x16xf32, #tpu.memory_space<vmem>>) target(%dma_start3A_67 : memref<10240x16xf32, #tpu.memory_space<vmem_shared>>) offsets(%dma_start3A_64 : memref<128xi32, #tpu.memory_space<vmem>>) semaphore(%arg9 : memref<!tpu.dma_semaphore, #tpu.memory_space<semaphore_mem>>) {add = true}
      %mul3A_68 = arith.constant 8 : i32
      %mul3A_69 = arith.muli %scan3A_8, %mul3A_68 : i32
      %add3A_70 = arith.constant 6 : i32
      %add3A_71 = arith.addi %mul3A_69, %add3A_70 : i32
      %dma_start3A_72 = arith.constant 0 : i32
      %dma_start3A_73 = tpu.memref_slice %arg6[%add3A_71, %dma_start3A_72] : memref<80x128xi32, #tpu.memory_space<vmem>> -> memref<1x128xi32, #tpu.memory_space<vmem>>
      %dma_start3A_74 = tpu.memref_squeeze %dma_start3A_73 : memref<1x128xi32, #tpu.memory_space<vmem>> -> memref<128xi32, #tpu.memory_space<vmem>>
      %dma_start3A_75 = arith.constant 0 : i32
      %dma_start3A_76 = arith.constant 0 : i32
      %dma_start3A_77 = tpu.memref_slice %arg8[%dma_start3A_75, %dma_start3A_76] : memref<10240x16xf32, #tpu.memory_space<vmem_shared>> -> memref<10240x16xf32, #tpu.memory_space<vmem_shared>>
      tpu.enqueue_indirect_dma source(%arg7 : memref<128x16xf32, #tpu.memory_space<vmem>>) target(%dma_start3A_77 : memref<10240x16xf32, #tpu.memory_space<vmem_shared>>) offsets(%dma_start3A_74 : memref<128xi32, #tpu.memory_space<vmem>>) semaphore(%arg9 : memref<!tpu.dma_semaphore, #tpu.memory_space<semaphore_mem>>) {add = true}
      %mul3A_78 = arith.constant 8 : i32
      %mul3A_79 = arith.muli %scan3A_8, %mul3A_78 : i32
      %add3A_80 = arith.constant 7 : i32
      %add3A_81 = arith.addi %mul3A_79, %add3A_80 : i32
      %dma_start3A_82 = arith.constant 0 : i32
      %dma_start3A_83 = tpu.memref_slice %arg6[%add3A_81, %dma_start3A_82] : memref<80x128xi32, #tpu.memory_space<vmem>> -> memref<1x128xi32, #tpu.memory_space<vmem>>
      %dma_start3A_84 = tpu.memref_squeeze %dma_start3A_83 : memref<1x128xi32, #tpu.memory_space<vmem>> -> memref<128xi32, #tpu.memory_space<vmem>>
      %dma_start3A_85 = arith.constant 0 : i32
      %dma_start3A_86 = arith.constant 0 : i32
      %dma_start3A_87 = tpu.memref_slice %arg8[%dma_start3A_85, %dma_start3A_86] : memref<10240x16xf32, #tpu.memory_space<vmem_shared>> -> memref<10240x16xf32, #tpu.memory_space<vmem_shared>>
      tpu.enqueue_indirect_dma source(%arg7 : memref<128x16xf32, #tpu.memory_space<vmem>>) target(%dma_start3A_87 : memref<10240x16xf32, #tpu.memory_space<vmem_shared>>) offsets(%dma_start3A_84 : memref<128xi32, #tpu.memory_space<vmem>>) semaphore(%arg9 : memref<!tpu.dma_semaphore, #tpu.memory_space<semaphore_mem>>) {add = true}
      %mul3A_88 = arith.constant 8 : i32
      %mul3A_89 = arith.muli %scan3A_8, %mul3A_88 : i32
      %add3A_90 = arith.constant 0 : i32
      %add3A_91 = arith.addi %mul3A_89, %add3A_90 : i32
      %dma_wait3A = arith.constant 0 : i32
      %dma_wait3A_92 = tpu.memref_slice %arg6[%add3A_91, %dma_wait3A] : memref<80x128xi32, #tpu.memory_space<vmem>> -> memref<1x128xi32, #tpu.memory_space<vmem>>
      %dma_wait3A_93 = tpu.memref_squeeze %dma_wait3A_92 : memref<1x128xi32, #tpu.memory_space<vmem>> -> memref<128xi32, #tpu.memory_space<vmem>>
      %dma_wait3A_94 = arith.constant 0 : i32
      %dma_wait3A_95 = arith.constant 0 : i32
      %dma_wait3A_96 = tpu.memref_slice %arg8[%dma_wait3A_94, %dma_wait3A_95] : memref<10240x16xf32, #tpu.memory_space<vmem_shared>> -> memref<10240x16xf32, #tpu.memory_space<vmem_shared>>
      tpu.wait_indirect_dma semaphore(%arg9 : memref<!tpu.dma_semaphore, #tpu.memory_space<semaphore_mem>>) src(%arg7 : memref<128x16xf32, #tpu.memory_space<vmem>>) dst(%dma_wait3A_96 : memref<10240x16xf32, #tpu.memory_space<vmem_shared>>)
      %mul3A_97 = arith.constant 8 : i32
      %mul3A_98 = arith.muli %scan3A_8, %mul3A_97 : i32
      %add3A_99 = arith.constant 1 : i32
      %add3A_100 = arith.addi %mul3A_98, %add3A_99 : i32
      %dma_wait3A_101 = arith.constant 0 : i32
      %dma_wait3A_102 = tpu.memref_slice %arg6[%add3A_100, %dma_wait3A_101] : memref<80x128xi32, #tpu.memory_space<vmem>> -> memref<1x128xi32, #tpu.memory_space<vmem>>
      %dma_wait3A_103 = tpu.memref_squeeze %dma_wait3A_102 : memref<1x128xi32, #tpu.memory_space<vmem>> -> memref<128xi32, #tpu.memory_space<vmem>>
      %dma_wait3A_104 = arith.constant 0 : i32
      %dma_wait3A_105 = arith.constant 0 : i32
      %dma_wait3A_106 = tpu.memref_slice %arg8[%dma_wait3A_104, %dma_wait3A_105] : memref<10240x16xf32, #tpu.memory_space<vmem_shared>> -> memref<10240x16xf32, #tpu.memory_space<vmem_shared>>
      tpu.wait_indirect_dma semaphore(%arg9 : memref<!tpu.dma_semaphore, #tpu.memory_space<semaphore_mem>>) src(%arg7 : memref<128x16xf32, #tpu.memory_space<vmem>>) dst(%dma_wait3A_106 : memref<10240x16xf32, #tpu.memory_space<vmem_shared>>)
      %mul3A_107 = arith.constant 8 : i32
      %mul3A_108 = arith.muli %scan3A_8, %mul3A_107 : i32
      %add3A_109 = arith.constant 2 : i32
      %add3A_110 = arith.addi %mul3A_108, %add3A_109 : i32
      %dma_wait3A_111 = arith.constant 0 : i32
      %dma_wait3A_112 = tpu.memref_slice %arg6[%add3A_110, %dma_wait3A_111] : memref<80x128xi32, #tpu.memory_space<vmem>> -> memref<1x128xi32, #tpu.memory_space<vmem>>
      %dma_wait3A_113 = tpu.memref_squeeze %dma_wait3A_112 : memref<1x128xi32, #tpu.memory_space<vmem>> -> memref<128xi32, #tpu.memory_space<vmem>>
      %dma_wait3A_114 = arith.constant 0 : i32
      %dma_wait3A_115 = arith.constant 0 : i32
      %dma_wait3A_116 = tpu.memref_slice %arg8[%dma_wait3A_114, %dma_wait3A_115] : memref<10240x16xf32, #tpu.memory_space<vmem_shared>> -> memref<10240x16xf32, #tpu.memory_space<vmem_shared>>
      tpu.wait_indirect_dma semaphore(%arg9 : memref<!tpu.dma_semaphore, #tpu.memory_space<semaphore_mem>>) src(%arg7 : memref<128x16xf32, #tpu.memory_space<vmem>>) dst(%dma_wait3A_116 : memref<10240x16xf32, #tpu.memory_space<vmem_shared>>)
      %mul3A_117 = arith.constant 8 : i32
      %mul3A_118 = arith.muli %scan3A_8, %mul3A_117 : i32
      %add3A_119 = arith.constant 3 : i32
      %add3A_120 = arith.addi %mul3A_118, %add3A_119 : i32
      %dma_wait3A_121 = arith.constant 0 : i32
      %dma_wait3A_122 = tpu.memref_slice %arg6[%add3A_120, %dma_wait3A_121] : memref<80x128xi32, #tpu.memory_space<vmem>> -> memref<1x128xi32, #tpu.memory_space<vmem>>
      %dma_wait3A_123 = tpu.memref_squeeze %dma_wait3A_122 : memref<1x128xi32, #tpu.memory_space<vmem>> -> memref<128xi32, #tpu.memory_space<vmem>>
      %dma_wait3A_124 = arith.constant 0 : i32
      %dma_wait3A_125 = arith.constant 0 : i32
      %dma_wait3A_126 = tpu.memref_slice %arg8[%dma_wait3A_124, %dma_wait3A_125] : memref<10240x16xf32, #tpu.memory_space<vmem_shared>> -> memref<10240x16xf32, #tpu.memory_space<vmem_shared>>
      tpu.wait_indirect_dma semaphore(%arg9 : memref<!tpu.dma_semaphore, #tpu.memory_space<semaphore_mem>>) src(%arg7 : memref<128x16xf32, #tpu.memory_space<vmem>>) dst(%dma_wait3A_126 : memref<10240x16xf32, #tpu.memory_space<vmem_shared>>)
      %mul3A_127 = arith.constant 8 : i32
      %mul3A_128 = arith.muli %scan3A_8, %mul3A_127 : i32
      %add3A_129 = arith.constant 4 : i32
      %add3A_130 = arith.addi %mul3A_128, %add3A_129 : i32
      %dma_wait3A_131 = arith.constant 0 : i32
      %dma_wait3A_132 = tpu.memref_slice %arg6[%add3A_130, %dma_wait3A_131] : memref<80x128xi32, #tpu.memory_space<vmem>> -> memref<1x128xi32, #tpu.memory_space<vmem>>
      %dma_wait3A_133 = tpu.memref_squeeze %dma_wait3A_132 : memref<1x128xi32, #tpu.memory_space<vmem>> -> memref<128xi32, #tpu.memory_space<vmem>>
      %dma_wait3A_134 = arith.constant 0 : i32
      %dma_wait3A_135 = arith.constant 0 : i32
      %dma_wait3A_136 = tpu.memref_slice %arg8[%dma_wait3A_134, %dma_wait3A_135] : memref<10240x16xf32, #tpu.memory_space<vmem_shared>> -> memref<10240x16xf32, #tpu.memory_space<vmem_shared>>
      tpu.wait_indirect_dma semaphore(%arg9 : memref<!tpu.dma_semaphore, #tpu.memory_space<semaphore_mem>>) src(%arg7 : memref<128x16xf32, #tpu.memory_space<vmem>>) dst(%dma_wait3A_136 : memref<10240x16xf32, #tpu.memory_space<vmem_shared>>)
      %mul3A_137 = arith.constant 8 : i32
      %mul3A_138 = arith.muli %scan3A_8, %mul3A_137 : i32
      %add3A_139 = arith.constant 5 : i32
      %add3A_140 = arith.addi %mul3A_138, %add3A_139 : i32
      %dma_wait3A_141 = arith.constant 0 : i32
      %dma_wait3A_142 = tpu.memref_slice %arg6[%add3A_140, %dma_wait3A_141] : memref<80x128xi32, #tpu.memory_space<vmem>> -> memref<1x128xi32, #tpu.memory_space<vmem>>
      %dma_wait3A_143 = tpu.memref_squeeze %dma_wait3A_142 : memref<1x128xi32, #tpu.memory_space<vmem>> -> memref<128xi32, #tpu.memory_space<vmem>>
      %dma_wait3A_144 = arith.constant 0 : i32
      %dma_wait3A_145 = arith.constant 0 : i32
      %dma_wait3A_146 = tpu.memref_slice %arg8[%dma_wait3A_144, %dma_wait3A_145] : memref<10240x16xf32, #tpu.memory_space<vmem_shared>> -> memref<10240x16xf32, #tpu.memory_space<vmem_shared>>
      tpu.wait_indirect_dma semaphore(%arg9 : memref<!tpu.dma_semaphore, #tpu.memory_space<semaphore_mem>>) src(%arg7 : memref<128x16xf32, #tpu.memory_space<vmem>>) dst(%dma_wait3A_146 : memref<10240x16xf32, #tpu.memory_space<vmem_shared>>)
      %mul3A_147 = arith.constant 8 : i32
      %mul3A_148 = arith.muli %scan3A_8, %mul3A_147 : i32
      %add3A_149 = arith.constant 6 : i32
      %add3A_150 = arith.addi %mul3A_148, %add3A_149 : i32
      %dma_wait3A_151 = arith.constant 0 : i32
      %dma_wait3A_152 = tpu.memref_slice %arg6[%add3A_150, %dma_wait3A_151] : memref<80x128xi32, #tpu.memory_space<vmem>> -> memref<1x128xi32, #tpu.memory_space<vmem>>
      %dma_wait3A_153 = tpu.memref_squeeze %dma_wait3A_152 : memref<1x128xi32, #tpu.memory_space<vmem>> -> memref<128xi32, #tpu.memory_space<vmem>>
      %dma_wait3A_154 = arith.constant 0 : i32
      %dma_wait3A_155 = arith.constant 0 : i32
      %dma_wait3A_156 = tpu.memref_slice %arg8[%dma_wait3A_154, %dma_wait3A_155] : memref<10240x16xf32, #tpu.memory_space<vmem_shared>> -> memref<10240x16xf32, #tpu.memory_space<vmem_shared>>
      tpu.wait_indirect_dma semaphore(%arg9 : memref<!tpu.dma_semaphore, #tpu.memory_space<semaphore_mem>>) src(%arg7 : memref<128x16xf32, #tpu.memory_space<vmem>>) dst(%dma_wait3A_156 : memref<10240x16xf32, #tpu.memory_space<vmem_shared>>)
      %mul3A_157 = arith.constant 8 : i32
      %mul3A_158 = arith.muli %scan3A_8, %mul3A_157 : i32
      %add3A_159 = arith.constant 7 : i32
      %add3A_160 = arith.addi %mul3A_158, %add3A_159 : i32
      %dma_wait3A_161 = arith.constant 0 : i32
      %dma_wait3A_162 = tpu.memref_slice %arg6[%add3A_160, %dma_wait3A_161] : memref<80x128xi32, #tpu.memory_space<vmem>> -> memref<1x128xi32, #tpu.memory_space<vmem>>
      %dma_wait3A_163 = tpu.memref_squeeze %dma_wait3A_162 : memref<1x128xi32, #tpu.memory_space<vmem>> -> memref<128xi32, #tpu.memory_space<vmem>>
      %dma_wait3A_164 = arith.constant 0 : i32
      %dma_wait3A_165 = arith.constant 0 : i32
      %dma_wait3A_166 = tpu.memref_slice %arg8[%dma_wait3A_164, %dma_wait3A_165] : memref<10240x16xf32, #tpu.memory_space<vmem_shared>> -> memref<10240x16xf32, #tpu.memory_space<vmem_shared>>
      tpu.wait_indirect_dma semaphore(%arg9 : memref<!tpu.dma_semaphore, #tpu.memory_space<semaphore_mem>>) src(%arg7 : memref<128x16xf32, #tpu.memory_space<vmem>>) dst(%dma_wait3A_166 : memref<10240x16xf32, #tpu.memory_space<vmem_shared>>)
    }
    %scan3A_6 = arith.constant 10 : i32
    %barrier3A_7 = arith.constant 0 : index
    tpu.barrier barrier_id(%barrier3A_7)
    "tpu.region"() ({
      %run_scoped3A = tpu.sem_alloc : memref<!tpu.dma_semaphore, #tpu.memory_space<semaphore_mem>>
      %dma_start3A = arith.constant 0 : i32
      %dma_start3A_8 = arith.constant 0 : i32
      %dma_start3A_9 = tpu.memref_slice %arg5[%arg0, %dma_start3A, %dma_start3A_8] : memref<2x10240x16xf32, #tpu.memory_space<hbm>> -> memref<1x10240x16xf32, #tpu.memory_space<hbm>>
      %dma_start3A_10 = tpu.memref_squeeze %dma_start3A_9 : memref<1x10240x16xf32, #tpu.memory_space<hbm>> -> memref<10240x16xf32, #tpu.memory_space<hbm>>
      %dma_start3A_11 = arith.constant 0 : i32
      %dma_start3A_12 = tpu.memref_slice %dma_start3A_10[%mul3A_0, %dma_start3A_11] : memref<10240x16xf32, #tpu.memory_space<hbm>> -> memref<640x16xf32, #tpu.memory_space<hbm>>
      %dma_start3A_13 = arith.constant 0 : i32
      %dma_start3A_14 = tpu.memref_slice %arg8[%mul3A_0, %dma_start3A_13] : memref<10240x16xf32, #tpu.memory_space<vmem_shared>> -> memref<640x16xf32, #tpu.memory_space<vmem_shared>>
      tpu.enqueue_dma source(%dma_start3A_14 : memref<640x16xf32, #tpu.memory_space<vmem_shared>>) target(%dma_start3A_12 : memref<640x16xf32, #tpu.memory_space<hbm>>) target_semaphore(%run_scoped3A : memref<!tpu.dma_semaphore, #tpu.memory_space<semaphore_mem>>)
      %dma_wait3A = arith.constant 0 : i32
      %dma_wait3A_15 = arith.constant 0 : i32
      %dma_wait3A_16 = tpu.memref_slice %arg5[%arg0, %dma_wait3A, %dma_wait3A_15] : memref<2x10240x16xf32, #tpu.memory_space<hbm>> -> memref<1x10240x16xf32, #tpu.memory_space<hbm>>
      %dma_wait3A_17 = tpu.memref_squeeze %dma_wait3A_16 : memref<1x10240x16xf32, #tpu.memory_space<hbm>> -> memref<10240x16xf32, #tpu.memory_space<hbm>>
      %dma_wait3A_18 = arith.constant 0 : i32
      %dma_wait3A_19 = tpu.memref_slice %dma_wait3A_17[%mul3A_0, %dma_wait3A_18] : memref<10240x16xf32, #tpu.memory_space<hbm>> -> memref<640x16xf32, #tpu.memory_space<hbm>>
      %dma_wait3A_20 = arith.constant 0 : i32
      %dma_wait3A_21 = tpu.memref_slice %arg8[%mul3A_0, %dma_wait3A_20] : memref<10240x16xf32, #tpu.memory_space<vmem_shared>> -> memref<640x16xf32, #tpu.memory_space<vmem_shared>>
      tpu.wait_dma2 semaphore(%run_scoped3A : memref<!tpu.dma_semaphore, #tpu.memory_space<semaphore_mem>>) src(%dma_wait3A_21 : memref<640x16xf32, #tpu.memory_space<vmem_shared>>) dst(%dma_wait3A_19 : memref<640x16xf32, #tpu.memory_space<hbm>>)
      tpu.yield
    }) : () -> ()
    return
  }
}

#map = affine_map<(d0, d1) -> (0, 0)>
#map1 = affine_map<(d0, d1) -> (0, 0, 0)>
module attributes {stable_mosaic.version = 14 : i64} {
  func.func @prop(%arg0: i32, %arg1: i32, %arg2: memref<10240x128xf32, #tpu.memory_space<hbm>>, %arg3: memref<32x80x128xi32, #tpu.memory_space<hbm>>, %arg4: memref<32x80x128xi32, #tpu.memory_space<hbm>>, %arg5: memref<10240x128xf32, #tpu.memory_space<hbm>>, %arg6: memref<2x10240x128xf32, #tpu.memory_space<hbm>>, %arg7: memref<40x128xi32, #tpu.memory_space<vmem>>, %arg8: memref<40x128xi32, #tpu.memory_space<vmem>>, %arg9: memref<128x128xf32, #tpu.memory_space<vmem>>, %arg10: memref<128x128xf32, #tpu.memory_space<vmem>>, %arg11: memref<10240x128xf32, #tpu.memory_space<vmem_shared>>, %arg12: memref<!tpu.dma_semaphore, #tpu.memory_space<semaphore_mem>>, %arg13: memref<!tpu.dma_semaphore, #tpu.memory_space<semaphore_mem>>, %arg14: memref<!tpu.dma_semaphore, #tpu.memory_space<semaphore_mem>>, %arg15: memref<!tpu.dma_semaphore, #tpu.memory_space<semaphore_mem>>) attributes {dimension_semantics = [#tpu.dimension_semantics<core_parallel>, #tpu.dimension_semantics<subcore_parallel>], iteration_bounds = array<i64: 2, 16>, scalar_prefetch = 0 : i64, scratch_operands = 9 : i64, tpu.core_type = #tpu.core_type<sc_vector_subcore>, window_params = [{transform_indices = #map}, {transform_indices = #map1}, {transform_indices = #map1}, {transform_indices = #map}, {transform_indices = #map1}]} {
    %mul3A = arith.constant 640 : i32
    %mul3A_0 = arith.muli %arg1, %mul3A : i32
    %mul3A_1 = arith.constant 16 : i32
    %mul3A_2 = arith.muli %arg0, %mul3A_1 : i32
    %add3A = arith.addi %mul3A_2, %arg1 : i32
    "tpu.region"() ({
      %run_scoped3A = tpu.sem_alloc : memref<!tpu.dma_semaphore, #tpu.memory_space<semaphore_mem>>
      %dma_start3A_123 = arith.constant 0 : i32
      %dma_start3A_124 = tpu.memref_slice %arg11[%mul3A_0, %dma_start3A_123] : memref<10240x128xf32, #tpu.memory_space<vmem_shared>> -> memref<640x128xf32, #tpu.memory_space<vmem_shared>>
      %dma_start3A_125 = arith.constant 0 : i32
      %dma_start3A_126 = tpu.memref_slice %arg5[%mul3A_0, %dma_start3A_125] : memref<10240x128xf32, #tpu.memory_space<hbm>> -> memref<640x128xf32, #tpu.memory_space<hbm>>
      tpu.enqueue_dma source(%dma_start3A_126 : memref<640x128xf32, #tpu.memory_space<hbm>>) target(%dma_start3A_124 : memref<640x128xf32, #tpu.memory_space<vmem_shared>>) target_semaphore(%run_scoped3A : memref<!tpu.dma_semaphore, #tpu.memory_space<semaphore_mem>>)
      %dma_wait3A_127 = arith.constant 0 : i32
      %dma_wait3A_128 = tpu.memref_slice %arg11[%mul3A_0, %dma_wait3A_127] : memref<10240x128xf32, #tpu.memory_space<vmem_shared>> -> memref<640x128xf32, #tpu.memory_space<vmem_shared>>
      %dma_wait3A_129 = arith.constant 0 : i32
      %dma_wait3A_130 = tpu.memref_slice %arg5[%mul3A_0, %dma_wait3A_129] : memref<10240x128xf32, #tpu.memory_space<hbm>> -> memref<640x128xf32, #tpu.memory_space<hbm>>
      tpu.wait_dma2 semaphore(%run_scoped3A : memref<!tpu.dma_semaphore, #tpu.memory_space<semaphore_mem>>) src(%dma_wait3A_130 : memref<640x128xf32, #tpu.memory_space<hbm>>) dst(%dma_wait3A_128 : memref<640x128xf32, #tpu.memory_space<vmem_shared>>)
      tpu.yield
    }) : () -> ()
    %barrier3A = arith.constant 0 : index
    tpu.barrier barrier_id(%barrier3A)
    "tpu.region"() ({
      %run_scoped3A = tpu.sem_alloc : memref<!tpu.dma_semaphore, #tpu.memory_space<semaphore_mem>>
      %dma_start3A_123 = arith.constant 0 : i32
      %dma_start3A_124 = arith.constant 0 : i32
      %dma_start3A_125 = tpu.memref_slice %arg3[%add3A, %dma_start3A_123, %dma_start3A_124] : memref<32x80x128xi32, #tpu.memory_space<hbm>> -> memref<1x80x128xi32, #tpu.memory_space<hbm>>
      %dma_start3A_126 = tpu.memref_squeeze %dma_start3A_125 : memref<1x80x128xi32, #tpu.memory_space<hbm>> -> memref<80x128xi32, #tpu.memory_space<hbm>>
      %dma_start3A_127 = arith.constant 0 : i32
      %dma_start3A_128 = arith.constant 0 : i32
      %dma_start3A_129 = tpu.memref_slice %dma_start3A_126[%dma_start3A_127, %dma_start3A_128] : memref<80x128xi32, #tpu.memory_space<hbm>> -> memref<40x128xi32, #tpu.memory_space<hbm>>
      %dma_start3A_130 = arith.constant 0 : i32
      %dma_start3A_131 = arith.constant 0 : i32
      %dma_start3A_132 = tpu.memref_slice %arg3[%add3A, %dma_start3A_130, %dma_start3A_131] : memref<32x80x128xi32, #tpu.memory_space<hbm>> -> memref<1x80x128xi32, #tpu.memory_space<hbm>>
      %dma_start3A_133 = tpu.memref_squeeze %dma_start3A_132 : memref<1x80x128xi32, #tpu.memory_space<hbm>> -> memref<80x128xi32, #tpu.memory_space<hbm>>
      %dma_start3A_134 = arith.constant 0 : i32
      %dma_start3A_135 = arith.constant 0 : i32
      %dma_start3A_136 = tpu.memref_slice %dma_start3A_133[%dma_start3A_134, %dma_start3A_135] : memref<80x128xi32, #tpu.memory_space<hbm>> -> memref<40x128xi32, #tpu.memory_space<hbm>>
      tpu.enqueue_dma source(%dma_start3A_136 : memref<40x128xi32, #tpu.memory_space<hbm>>) target(%arg7 : memref<40x128xi32, #tpu.memory_space<vmem>>) target_semaphore(%run_scoped3A : memref<!tpu.dma_semaphore, #tpu.memory_space<semaphore_mem>>)
      %dma_wait3A_137 = arith.constant 0 : i32
      %dma_wait3A_138 = arith.constant 0 : i32
      %dma_wait3A_139 = tpu.memref_slice %arg3[%add3A, %dma_wait3A_137, %dma_wait3A_138] : memref<32x80x128xi32, #tpu.memory_space<hbm>> -> memref<1x80x128xi32, #tpu.memory_space<hbm>>
      %dma_wait3A_140 = tpu.memref_squeeze %dma_wait3A_139 : memref<1x80x128xi32, #tpu.memory_space<hbm>> -> memref<80x128xi32, #tpu.memory_space<hbm>>
      %dma_wait3A_141 = arith.constant 0 : i32
      %dma_wait3A_142 = arith.constant 0 : i32
      %dma_wait3A_143 = tpu.memref_slice %dma_wait3A_140[%dma_wait3A_141, %dma_wait3A_142] : memref<80x128xi32, #tpu.memory_space<hbm>> -> memref<40x128xi32, #tpu.memory_space<hbm>>
      %dma_wait3A_144 = arith.constant 0 : i32
      %dma_wait3A_145 = arith.constant 0 : i32
      %dma_wait3A_146 = tpu.memref_slice %arg3[%add3A, %dma_wait3A_144, %dma_wait3A_145] : memref<32x80x128xi32, #tpu.memory_space<hbm>> -> memref<1x80x128xi32, #tpu.memory_space<hbm>>
      %dma_wait3A_147 = tpu.memref_squeeze %dma_wait3A_146 : memref<1x80x128xi32, #tpu.memory_space<hbm>> -> memref<80x128xi32, #tpu.memory_space<hbm>>
      %dma_wait3A_148 = arith.constant 0 : i32
      %dma_wait3A_149 = arith.constant 0 : i32
      %dma_wait3A_150 = tpu.memref_slice %dma_wait3A_147[%dma_wait3A_148, %dma_wait3A_149] : memref<80x128xi32, #tpu.memory_space<hbm>> -> memref<40x128xi32, #tpu.memory_space<hbm>>
      tpu.wait_dma2 semaphore(%run_scoped3A : memref<!tpu.dma_semaphore, #tpu.memory_space<semaphore_mem>>) src(%dma_wait3A_150 : memref<40x128xi32, #tpu.memory_space<hbm>>) dst(%arg7 : memref<40x128xi32, #tpu.memory_space<vmem>>)
      tpu.yield
    }) : () -> ()
    "tpu.region"() ({
      %run_scoped3A = tpu.sem_alloc : memref<!tpu.dma_semaphore, #tpu.memory_space<semaphore_mem>>
      %dma_start3A_123 = arith.constant 0 : i32
      %dma_start3A_124 = arith.constant 0 : i32
      %dma_start3A_125 = tpu.memref_slice %arg4[%add3A, %dma_start3A_123, %dma_start3A_124] : memref<32x80x128xi32, #tpu.memory_space<hbm>> -> memref<1x80x128xi32, #tpu.memory_space<hbm>>
      %dma_start3A_126 = tpu.memref_squeeze %dma_start3A_125 : memref<1x80x128xi32, #tpu.memory_space<hbm>> -> memref<80x128xi32, #tpu.memory_space<hbm>>
      %dma_start3A_127 = arith.constant 0 : i32
      %dma_start3A_128 = arith.constant 0 : i32
      %dma_start3A_129 = tpu.memref_slice %dma_start3A_126[%dma_start3A_127, %dma_start3A_128] : memref<80x128xi32, #tpu.memory_space<hbm>> -> memref<40x128xi32, #tpu.memory_space<hbm>>
      %dma_start3A_130 = arith.constant 0 : i32
      %dma_start3A_131 = arith.constant 0 : i32
      %dma_start3A_132 = tpu.memref_slice %arg4[%add3A, %dma_start3A_130, %dma_start3A_131] : memref<32x80x128xi32, #tpu.memory_space<hbm>> -> memref<1x80x128xi32, #tpu.memory_space<hbm>>
      %dma_start3A_133 = tpu.memref_squeeze %dma_start3A_132 : memref<1x80x128xi32, #tpu.memory_space<hbm>> -> memref<80x128xi32, #tpu.memory_space<hbm>>
      %dma_start3A_134 = arith.constant 0 : i32
      %dma_start3A_135 = arith.constant 0 : i32
      %dma_start3A_136 = tpu.memref_slice %dma_start3A_133[%dma_start3A_134, %dma_start3A_135] : memref<80x128xi32, #tpu.memory_space<hbm>> -> memref<40x128xi32, #tpu.memory_space<hbm>>
      tpu.enqueue_dma source(%dma_start3A_136 : memref<40x128xi32, #tpu.memory_space<hbm>>) target(%arg8 : memref<40x128xi32, #tpu.memory_space<vmem>>) target_semaphore(%run_scoped3A : memref<!tpu.dma_semaphore, #tpu.memory_space<semaphore_mem>>)
      %dma_wait3A_137 = arith.constant 0 : i32
      %dma_wait3A_138 = arith.constant 0 : i32
      %dma_wait3A_139 = tpu.memref_slice %arg4[%add3A, %dma_wait3A_137, %dma_wait3A_138] : memref<32x80x128xi32, #tpu.memory_space<hbm>> -> memref<1x80x128xi32, #tpu.memory_space<hbm>>
      %dma_wait3A_140 = tpu.memref_squeeze %dma_wait3A_139 : memref<1x80x128xi32, #tpu.memory_space<hbm>> -> memref<80x128xi32, #tpu.memory_space<hbm>>
      %dma_wait3A_141 = arith.constant 0 : i32
      %dma_wait3A_142 = arith.constant 0 : i32
      %dma_wait3A_143 = tpu.memref_slice %dma_wait3A_140[%dma_wait3A_141, %dma_wait3A_142] : memref<80x128xi32, #tpu.memory_space<hbm>> -> memref<40x128xi32, #tpu.memory_space<hbm>>
      %dma_wait3A_144 = arith.constant 0 : i32
      %dma_wait3A_145 = arith.constant 0 : i32
      %dma_wait3A_146 = tpu.memref_slice %arg4[%add3A, %dma_wait3A_144, %dma_wait3A_145] : memref<32x80x128xi32, #tpu.memory_space<hbm>> -> memref<1x80x128xi32, #tpu.memory_space<hbm>>
      %dma_wait3A_147 = tpu.memref_squeeze %dma_wait3A_146 : memref<1x80x128xi32, #tpu.memory_space<hbm>> -> memref<80x128xi32, #tpu.memory_space<hbm>>
      %dma_wait3A_148 = arith.constant 0 : i32
      %dma_wait3A_149 = arith.constant 0 : i32
      %dma_wait3A_150 = tpu.memref_slice %dma_wait3A_147[%dma_wait3A_148, %dma_wait3A_149] : memref<80x128xi32, #tpu.memory_space<hbm>> -> memref<40x128xi32, #tpu.memory_space<hbm>>
      tpu.wait_dma2 semaphore(%run_scoped3A : memref<!tpu.dma_semaphore, #tpu.memory_space<semaphore_mem>>) src(%dma_wait3A_150 : memref<40x128xi32, #tpu.memory_space<hbm>>) dst(%arg8 : memref<40x128xi32, #tpu.memory_space<vmem>>)
      tpu.yield
    }) : () -> ()
    %dma_start3A = arith.constant 0 : i32
    %dma_start3A_3 = arith.constant 0 : i32
    %dma_start3A_4 = tpu.memref_slice %arg7[%dma_start3A, %dma_start3A_3] : memref<40x128xi32, #tpu.memory_space<vmem>> -> memref<1x128xi32, #tpu.memory_space<vmem>>
    %dma_start3A_5 = tpu.memref_squeeze %dma_start3A_4 : memref<1x128xi32, #tpu.memory_space<vmem>> -> memref<128xi32, #tpu.memory_space<vmem>>
    %dma_start3A_6 = arith.constant 0 : i32
    %dma_start3A_7 = arith.constant 0 : i32
    %dma_start3A_8 = tpu.memref_slice %arg2[%dma_start3A_6, %dma_start3A_7] : memref<10240x128xf32, #tpu.memory_space<hbm>> -> memref<10240x128xf32, #tpu.memory_space<hbm>>
    tpu.enqueue_indirect_dma source(%dma_start3A_8 : memref<10240x128xf32, #tpu.memory_space<hbm>>) target(%arg9 : memref<128x128xf32, #tpu.memory_space<vmem>>) offsets(%dma_start3A_5 : memref<128xi32, #tpu.memory_space<vmem>>) semaphore(%arg12 : memref<!tpu.dma_semaphore, #tpu.memory_space<semaphore_mem>>)
    %dma_wait3A = arith.constant 0 : i32
    %dma_wait3A_9 = arith.constant 0 : i32
    %dma_wait3A_10 = tpu.memref_slice %arg7[%dma_wait3A, %dma_wait3A_9] : memref<40x128xi32, #tpu.memory_space<vmem>> -> memref<1x128xi32, #tpu.memory_space<vmem>>
    %dma_wait3A_11 = tpu.memref_squeeze %dma_wait3A_10 : memref<1x128xi32, #tpu.memory_space<vmem>> -> memref<128xi32, #tpu.memory_space<vmem>>
    %dma_wait3A_12 = arith.constant 0 : i32
    %dma_wait3A_13 = arith.constant 0 : i32
    %dma_wait3A_14 = tpu.memref_slice %arg2[%dma_wait3A_12, %dma_wait3A_13] : memref<10240x128xf32, #tpu.memory_space<hbm>> -> memref<10240x128xf32, #tpu.memory_space<hbm>>
    tpu.wait_indirect_dma semaphore(%arg12 : memref<!tpu.dma_semaphore, #tpu.memory_space<semaphore_mem>>) src(%dma_wait3A_14 : memref<10240x128xf32, #tpu.memory_space<hbm>>) dst(%arg9 : memref<128x128xf32, #tpu.memory_space<vmem>>)
    %dma_start3A_15 = arith.constant 0 : i32
    %dma_start3A_16 = arith.constant 0 : i32
    %dma_start3A_17 = tpu.memref_slice %arg8[%dma_start3A_15, %dma_start3A_16] : memref<40x128xi32, #tpu.memory_space<vmem>> -> memref<1x128xi32, #tpu.memory_space<vmem>>
    %dma_start3A_18 = tpu.memref_squeeze %dma_start3A_17 : memref<1x128xi32, #tpu.memory_space<vmem>> -> memref<128xi32, #tpu.memory_space<vmem>>
    %dma_start3A_19 = arith.constant 0 : i32
    %dma_start3A_20 = arith.constant 0 : i32
    %dma_start3A_21 = tpu.memref_slice %arg11[%dma_start3A_19, %dma_start3A_20] : memref<10240x128xf32, #tpu.memory_space<vmem_shared>> -> memref<10240x128xf32, #tpu.memory_space<vmem_shared>>
    tpu.enqueue_indirect_dma source(%arg9 : memref<128x128xf32, #tpu.memory_space<vmem>>) target(%dma_start3A_21 : memref<10240x128xf32, #tpu.memory_space<vmem_shared>>) offsets(%dma_start3A_18 : memref<128xi32, #tpu.memory_space<vmem>>) semaphore(%arg14 : memref<!tpu.dma_semaphore, #tpu.memory_space<semaphore_mem>>) {add = true}
    %dma_start3A_22 = arith.constant 1 : i32
    %dma_start3A_23 = arith.constant 0 : i32
    %dma_start3A_24 = tpu.memref_slice %arg7[%dma_start3A_22, %dma_start3A_23] : memref<40x128xi32, #tpu.memory_space<vmem>> -> memref<1x128xi32, #tpu.memory_space<vmem>>
    %dma_start3A_25 = tpu.memref_squeeze %dma_start3A_24 : memref<1x128xi32, #tpu.memory_space<vmem>> -> memref<128xi32, #tpu.memory_space<vmem>>
    %dma_start3A_26 = arith.constant 0 : i32
    %dma_start3A_27 = arith.constant 0 : i32
    %dma_start3A_28 = tpu.memref_slice %arg2[%dma_start3A_26, %dma_start3A_27] : memref<10240x128xf32, #tpu.memory_space<hbm>> -> memref<10240x128xf32, #tpu.memory_space<hbm>>
    tpu.enqueue_indirect_dma source(%dma_start3A_28 : memref<10240x128xf32, #tpu.memory_space<hbm>>) target(%arg10 : memref<128x128xf32, #tpu.memory_space<vmem>>) offsets(%dma_start3A_25 : memref<128xi32, #tpu.memory_space<vmem>>) semaphore(%arg13 : memref<!tpu.dma_semaphore, #tpu.memory_space<semaphore_mem>>)
    %scan3A = arith.constant 0 : i32
    %scan3A_29 = arith.constant 19 : i32
    %scan3A_30 = arith.addi %scan3A, %scan3A_29 : i32
    %scan3A_31 = arith.constant 1 : i32
    scf.for %scan3A_123 = %scan3A to %scan3A_30 step %scan3A_31  : i32 {
      %mul3A_124 = arith.constant 2 : i32
      %mul3A_125 = arith.muli %scan3A_123, %mul3A_124 : i32
      %add3A_126 = arith.constant 1 : i32
      %add3A_127 = arith.addi %add3A_126, %mul3A_125 : i32
      %add3A_128 = arith.constant 0 : i32
      %add3A_129 = arith.addi %add3A_127, %add3A_128 : i32
      %dma_wait3A_130 = arith.constant 0 : i32
      %dma_wait3A_131 = tpu.memref_slice %arg7[%add3A_129, %dma_wait3A_130] : memref<40x128xi32, #tpu.memory_space<vmem>> -> memref<1x128xi32, #tpu.memory_space<vmem>>
      %dma_wait3A_132 = tpu.memref_squeeze %dma_wait3A_131 : memref<1x128xi32, #tpu.memory_space<vmem>> -> memref<128xi32, #tpu.memory_space<vmem>>
      %dma_wait3A_133 = arith.constant 0 : i32
      %dma_wait3A_134 = arith.constant 0 : i32
      %dma_wait3A_135 = tpu.memref_slice %arg2[%dma_wait3A_133, %dma_wait3A_134] : memref<10240x128xf32, #tpu.memory_space<hbm>> -> memref<10240x128xf32, #tpu.memory_space<hbm>>
      tpu.wait_indirect_dma semaphore(%arg13 : memref<!tpu.dma_semaphore, #tpu.memory_space<semaphore_mem>>) src(%dma_wait3A_135 : memref<10240x128xf32, #tpu.memory_space<hbm>>) dst(%arg10 : memref<128x128xf32, #tpu.memory_space<vmem>>)
      %dma_start3A_136 = arith.constant 0 : i32
      %dma_start3A_137 = tpu.memref_slice %arg8[%add3A_129, %dma_start3A_136] : memref<40x128xi32, #tpu.memory_space<vmem>> -> memref<1x128xi32, #tpu.memory_space<vmem>>
      %dma_start3A_138 = tpu.memref_squeeze %dma_start3A_137 : memref<1x128xi32, #tpu.memory_space<vmem>> -> memref<128xi32, #tpu.memory_space<vmem>>
      %dma_start3A_139 = arith.constant 0 : i32
      %dma_start3A_140 = arith.constant 0 : i32
      %dma_start3A_141 = tpu.memref_slice %arg11[%dma_start3A_139, %dma_start3A_140] : memref<10240x128xf32, #tpu.memory_space<vmem_shared>> -> memref<10240x128xf32, #tpu.memory_space<vmem_shared>>
      tpu.enqueue_indirect_dma source(%arg10 : memref<128x128xf32, #tpu.memory_space<vmem>>) target(%dma_start3A_141 : memref<10240x128xf32, #tpu.memory_space<vmem_shared>>) offsets(%dma_start3A_138 : memref<128xi32, #tpu.memory_space<vmem>>) semaphore(%arg15 : memref<!tpu.dma_semaphore, #tpu.memory_space<semaphore_mem>>) {add = true}
      %sub3A = arith.constant 1 : i32
      %sub3A_142 = arith.subi %add3A_129, %sub3A : i32
      %dma_wait3A_143 = arith.constant 0 : i32
      %dma_wait3A_144 = tpu.memref_slice %arg8[%sub3A_142, %dma_wait3A_143] : memref<40x128xi32, #tpu.memory_space<vmem>> -> memref<1x128xi32, #tpu.memory_space<vmem>>
      %dma_wait3A_145 = tpu.memref_squeeze %dma_wait3A_144 : memref<1x128xi32, #tpu.memory_space<vmem>> -> memref<128xi32, #tpu.memory_space<vmem>>
      %dma_wait3A_146 = arith.constant 0 : i32
      %dma_wait3A_147 = arith.constant 0 : i32
      %dma_wait3A_148 = tpu.memref_slice %arg11[%dma_wait3A_146, %dma_wait3A_147] : memref<10240x128xf32, #tpu.memory_space<vmem_shared>> -> memref<10240x128xf32, #tpu.memory_space<vmem_shared>>
      tpu.wait_indirect_dma semaphore(%arg14 : memref<!tpu.dma_semaphore, #tpu.memory_space<semaphore_mem>>) src(%arg9 : memref<128x128xf32, #tpu.memory_space<vmem>>) dst(%dma_wait3A_148 : memref<10240x128xf32, #tpu.memory_space<vmem_shared>>)
      %add3A_149 = arith.constant 1 : i32
      %add3A_150 = arith.addi %add3A_129, %add3A_149 : i32
      %dma_start3A_151 = arith.constant 0 : i32
      %dma_start3A_152 = tpu.memref_slice %arg7[%add3A_150, %dma_start3A_151] : memref<40x128xi32, #tpu.memory_space<vmem>> -> memref<1x128xi32, #tpu.memory_space<vmem>>
      %dma_start3A_153 = tpu.memref_squeeze %dma_start3A_152 : memref<1x128xi32, #tpu.memory_space<vmem>> -> memref<128xi32, #tpu.memory_space<vmem>>
      %dma_start3A_154 = arith.constant 0 : i32
      %dma_start3A_155 = arith.constant 0 : i32
      %dma_start3A_156 = tpu.memref_slice %arg2[%dma_start3A_154, %dma_start3A_155] : memref<10240x128xf32, #tpu.memory_space<hbm>> -> memref<10240x128xf32, #tpu.memory_space<hbm>>
      tpu.enqueue_indirect_dma source(%dma_start3A_156 : memref<10240x128xf32, #tpu.memory_space<hbm>>) target(%arg9 : memref<128x128xf32, #tpu.memory_space<vmem>>) offsets(%dma_start3A_153 : memref<128xi32, #tpu.memory_space<vmem>>) semaphore(%arg12 : memref<!tpu.dma_semaphore, #tpu.memory_space<semaphore_mem>>)
      %mul3A_157 = arith.constant 2 : i32
      %mul3A_158 = arith.muli %scan3A_123, %mul3A_157 : i32
      %add3A_159 = arith.constant 1 : i32
      %add3A_160 = arith.addi %add3A_159, %mul3A_158 : i32
      %add3A_161 = arith.constant 1 : i32
      %add3A_162 = arith.addi %add3A_160, %add3A_161 : i32
      %dma_wait3A_163 = arith.constant 0 : i32
      %dma_wait3A_164 = tpu.memref_slice %arg7[%add3A_162, %dma_wait3A_163] : memref<40x128xi32, #tpu.memory_space<vmem>> -> memref<1x128xi32, #tpu.memory_space<vmem>>
      %dma_wait3A_165 = tpu.memref_squeeze %dma_wait3A_164 : memref<1x128xi32, #tpu.memory_space<vmem>> -> memref<128xi32, #tpu.memory_space<vmem>>
      %dma_wait3A_166 = arith.constant 0 : i32
      %dma_wait3A_167 = arith.constant 0 : i32
      %dma_wait3A_168 = tpu.memref_slice %arg2[%dma_wait3A_166, %dma_wait3A_167] : memref<10240x128xf32, #tpu.memory_space<hbm>> -> memref<10240x128xf32, #tpu.memory_space<hbm>>
      tpu.wait_indirect_dma semaphore(%arg12 : memref<!tpu.dma_semaphore, #tpu.memory_space<semaphore_mem>>) src(%dma_wait3A_168 : memref<10240x128xf32, #tpu.memory_space<hbm>>) dst(%arg9 : memref<128x128xf32, #tpu.memory_space<vmem>>)
      %dma_start3A_169 = arith.constant 0 : i32
      %dma_start3A_170 = tpu.memref_slice %arg8[%add3A_162, %dma_start3A_169] : memref<40x128xi32, #tpu.memory_space<vmem>> -> memref<1x128xi32, #tpu.memory_space<vmem>>
      %dma_start3A_171 = tpu.memref_squeeze %dma_start3A_170 : memref<1x128xi32, #tpu.memory_space<vmem>> -> memref<128xi32, #tpu.memory_space<vmem>>
      %dma_start3A_172 = arith.constant 0 : i32
      %dma_start3A_173 = arith.constant 0 : i32
      %dma_start3A_174 = tpu.memref_slice %arg11[%dma_start3A_172, %dma_start3A_173] : memref<10240x128xf32, #tpu.memory_space<vmem_shared>> -> memref<10240x128xf32, #tpu.memory_space<vmem_shared>>
      tpu.enqueue_indirect_dma source(%arg9 : memref<128x128xf32, #tpu.memory_space<vmem>>) target(%dma_start3A_174 : memref<10240x128xf32, #tpu.memory_space<vmem_shared>>) offsets(%dma_start3A_171 : memref<128xi32, #tpu.memory_space<vmem>>) semaphore(%arg14 : memref<!tpu.dma_semaphore, #tpu.memory_space<semaphore_mem>>) {add = true}
      %sub3A_175 = arith.constant 1 : i32
      %sub3A_176 = arith.subi %add3A_162, %sub3A_175 : i32
      %dma_wait3A_177 = arith.constant 0 : i32
      %dma_wait3A_178 = tpu.memref_slice %arg8[%sub3A_176, %dma_wait3A_177] : memref<40x128xi32, #tpu.memory_space<vmem>> -> memref<1x128xi32, #tpu.memory_space<vmem>>
      %dma_wait3A_179 = tpu.memref_squeeze %dma_wait3A_178 : memref<1x128xi32, #tpu.memory_space<vmem>> -> memref<128xi32, #tpu.memory_space<vmem>>
      %dma_wait3A_180 = arith.constant 0 : i32
      %dma_wait3A_181 = arith.constant 0 : i32
      %dma_wait3A_182 = tpu.memref_slice %arg11[%dma_wait3A_180, %dma_wait3A_181] : memref<10240x128xf32, #tpu.memory_space<vmem_shared>> -> memref<10240x128xf32, #tpu.memory_space<vmem_shared>>
      tpu.wait_indirect_dma semaphore(%arg15 : memref<!tpu.dma_semaphore, #tpu.memory_space<semaphore_mem>>) src(%arg10 : memref<128x128xf32, #tpu.memory_space<vmem>>) dst(%dma_wait3A_182 : memref<10240x128xf32, #tpu.memory_space<vmem_shared>>)
      %add3A_183 = arith.constant 1 : i32
      %add3A_184 = arith.addi %add3A_162, %add3A_183 : i32
      %dma_start3A_185 = arith.constant 0 : i32
      %dma_start3A_186 = tpu.memref_slice %arg7[%add3A_184, %dma_start3A_185] : memref<40x128xi32, #tpu.memory_space<vmem>> -> memref<1x128xi32, #tpu.memory_space<vmem>>
      %dma_start3A_187 = tpu.memref_squeeze %dma_start3A_186 : memref<1x128xi32, #tpu.memory_space<vmem>> -> memref<128xi32, #tpu.memory_space<vmem>>
      %dma_start3A_188 = arith.constant 0 : i32
      %dma_start3A_189 = arith.constant 0 : i32
      %dma_start3A_190 = tpu.memref_slice %arg2[%dma_start3A_188, %dma_start3A_189] : memref<10240x128xf32, #tpu.memory_space<hbm>> -> memref<10240x128xf32, #tpu.memory_space<hbm>>
      tpu.enqueue_indirect_dma source(%dma_start3A_190 : memref<10240x128xf32, #tpu.memory_space<hbm>>) target(%arg10 : memref<128x128xf32, #tpu.memory_space<vmem>>) offsets(%dma_start3A_187 : memref<128xi32, #tpu.memory_space<vmem>>) semaphore(%arg13 : memref<!tpu.dma_semaphore, #tpu.memory_space<semaphore_mem>>)
    }
    %scan3A_32 = arith.constant 19 : i32
    %dma_wait3A_33 = arith.constant 39 : i32
    %dma_wait3A_34 = arith.constant 0 : i32
    %dma_wait3A_35 = tpu.memref_slice %arg7[%dma_wait3A_33, %dma_wait3A_34] : memref<40x128xi32, #tpu.memory_space<vmem>> -> memref<1x128xi32, #tpu.memory_space<vmem>>
    %dma_wait3A_36 = tpu.memref_squeeze %dma_wait3A_35 : memref<1x128xi32, #tpu.memory_space<vmem>> -> memref<128xi32, #tpu.memory_space<vmem>>
    %dma_wait3A_37 = arith.constant 0 : i32
    %dma_wait3A_38 = arith.constant 0 : i32
    %dma_wait3A_39 = tpu.memref_slice %arg2[%dma_wait3A_37, %dma_wait3A_38] : memref<10240x128xf32, #tpu.memory_space<hbm>> -> memref<10240x128xf32, #tpu.memory_space<hbm>>
    tpu.wait_indirect_dma semaphore(%arg13 : memref<!tpu.dma_semaphore, #tpu.memory_space<semaphore_mem>>) src(%dma_wait3A_39 : memref<10240x128xf32, #tpu.memory_space<hbm>>) dst(%arg10 : memref<128x128xf32, #tpu.memory_space<vmem>>)
    %dma_start3A_40 = arith.constant 39 : i32
    %dma_start3A_41 = arith.constant 0 : i32
    %dma_start3A_42 = tpu.memref_slice %arg8[%dma_start3A_40, %dma_start3A_41] : memref<40x128xi32, #tpu.memory_space<vmem>> -> memref<1x128xi32, #tpu.memory_space<vmem>>
    %dma_start3A_43 = tpu.memref_squeeze %dma_start3A_42 : memref<1x128xi32, #tpu.memory_space<vmem>> -> memref<128xi32, #tpu.memory_space<vmem>>
    %dma_start3A_44 = arith.constant 0 : i32
    %dma_start3A_45 = arith.constant 0 : i32
    %dma_start3A_46 = tpu.memref_slice %arg11[%dma_start3A_44, %dma_start3A_45] : memref<10240x128xf32, #tpu.memory_space<vmem_shared>> -> memref<10240x128xf32, #tpu.memory_space<vmem_shared>>
    tpu.enqueue_indirect_dma source(%arg10 : memref<128x128xf32, #tpu.memory_space<vmem>>) target(%dma_start3A_46 : memref<10240x128xf32, #tpu.memory_space<vmem_shared>>) offsets(%dma_start3A_43 : memref<128xi32, #tpu.memory_space<vmem>>) semaphore(%arg15 : memref<!tpu.dma_semaphore, #tpu.memory_space<semaphore_mem>>) {add = true}
    %dma_wait3A_47 = arith.constant 38 : i32
    %dma_wait3A_48 = arith.constant 0 : i32
    %dma_wait3A_49 = tpu.memref_slice %arg8[%dma_wait3A_47, %dma_wait3A_48] : memref<40x128xi32, #tpu.memory_space<vmem>> -> memref<1x128xi32, #tpu.memory_space<vmem>>
    %dma_wait3A_50 = tpu.memref_squeeze %dma_wait3A_49 : memref<1x128xi32, #tpu.memory_space<vmem>> -> memref<128xi32, #tpu.memory_space<vmem>>
    %dma_wait3A_51 = arith.constant 0 : i32
    %dma_wait3A_52 = arith.constant 0 : i32
    %dma_wait3A_53 = tpu.memref_slice %arg11[%dma_wait3A_51, %dma_wait3A_52] : memref<10240x128xf32, #tpu.memory_space<vmem_shared>> -> memref<10240x128xf32, #tpu.memory_space<vmem_shared>>
    tpu.wait_indirect_dma semaphore(%arg14 : memref<!tpu.dma_semaphore, #tpu.memory_space<semaphore_mem>>) src(%arg9 : memref<128x128xf32, #tpu.memory_space<vmem>>) dst(%dma_wait3A_53 : memref<10240x128xf32, #tpu.memory_space<vmem_shared>>)
    %dma_wait3A_54 = arith.constant 39 : i32
    %dma_wait3A_55 = arith.constant 0 : i32
    %dma_wait3A_56 = tpu.memref_slice %arg8[%dma_wait3A_54, %dma_wait3A_55] : memref<40x128xi32, #tpu.memory_space<vmem>> -> memref<1x128xi32, #tpu.memory_space<vmem>>
    %dma_wait3A_57 = tpu.memref_squeeze %dma_wait3A_56 : memref<1x128xi32, #tpu.memory_space<vmem>> -> memref<128xi32, #tpu.memory_space<vmem>>
    %dma_wait3A_58 = arith.constant 0 : i32
    %dma_wait3A_59 = arith.constant 0 : i32
    %dma_wait3A_60 = tpu.memref_slice %arg11[%dma_wait3A_58, %dma_wait3A_59] : memref<10240x128xf32, #tpu.memory_space<vmem_shared>> -> memref<10240x128xf32, #tpu.memory_space<vmem_shared>>
    tpu.wait_indirect_dma semaphore(%arg15 : memref<!tpu.dma_semaphore, #tpu.memory_space<semaphore_mem>>) src(%arg10 : memref<128x128xf32, #tpu.memory_space<vmem>>) dst(%dma_wait3A_60 : memref<10240x128xf32, #tpu.memory_space<vmem_shared>>)
    "tpu.region"() ({
      %run_scoped3A = tpu.sem_alloc : memref<!tpu.dma_semaphore, #tpu.memory_space<semaphore_mem>>
      %dma_start3A_123 = arith.constant 0 : i32
      %dma_start3A_124 = arith.constant 0 : i32
      %dma_start3A_125 = tpu.memref_slice %arg3[%add3A, %dma_start3A_123, %dma_start3A_124] : memref<32x80x128xi32, #tpu.memory_space<hbm>> -> memref<1x80x128xi32, #tpu.memory_space<hbm>>
      %dma_start3A_126 = tpu.memref_squeeze %dma_start3A_125 : memref<1x80x128xi32, #tpu.memory_space<hbm>> -> memref<80x128xi32, #tpu.memory_space<hbm>>
      %dma_start3A_127 = arith.constant 40 : i32
      %dma_start3A_128 = arith.constant 0 : i32
      %dma_start3A_129 = tpu.memref_slice %dma_start3A_126[%dma_start3A_127, %dma_start3A_128] : memref<80x128xi32, #tpu.memory_space<hbm>> -> memref<40x128xi32, #tpu.memory_space<hbm>>
      %dma_start3A_130 = arith.constant 0 : i32
      %dma_start3A_131 = arith.constant 0 : i32
      %dma_start3A_132 = tpu.memref_slice %arg3[%add3A, %dma_start3A_130, %dma_start3A_131] : memref<32x80x128xi32, #tpu.memory_space<hbm>> -> memref<1x80x128xi32, #tpu.memory_space<hbm>>
      %dma_start3A_133 = tpu.memref_squeeze %dma_start3A_132 : memref<1x80x128xi32, #tpu.memory_space<hbm>> -> memref<80x128xi32, #tpu.memory_space<hbm>>
      %dma_start3A_134 = arith.constant 40 : i32
      %dma_start3A_135 = arith.constant 0 : i32
      %dma_start3A_136 = tpu.memref_slice %dma_start3A_133[%dma_start3A_134, %dma_start3A_135] : memref<80x128xi32, #tpu.memory_space<hbm>> -> memref<40x128xi32, #tpu.memory_space<hbm>>
      tpu.enqueue_dma source(%dma_start3A_136 : memref<40x128xi32, #tpu.memory_space<hbm>>) target(%arg7 : memref<40x128xi32, #tpu.memory_space<vmem>>) target_semaphore(%run_scoped3A : memref<!tpu.dma_semaphore, #tpu.memory_space<semaphore_mem>>)
      %dma_wait3A_137 = arith.constant 0 : i32
      %dma_wait3A_138 = arith.constant 0 : i32
      %dma_wait3A_139 = tpu.memref_slice %arg3[%add3A, %dma_wait3A_137, %dma_wait3A_138] : memref<32x80x128xi32, #tpu.memory_space<hbm>> -> memref<1x80x128xi32, #tpu.memory_space<hbm>>
      %dma_wait3A_140 = tpu.memref_squeeze %dma_wait3A_139 : memref<1x80x128xi32, #tpu.memory_space<hbm>> -> memref<80x128xi32, #tpu.memory_space<hbm>>
      %dma_wait3A_141 = arith.constant 40 : i32
      %dma_wait3A_142 = arith.constant 0 : i32
      %dma_wait3A_143 = tpu.memref_slice %dma_wait3A_140[%dma_wait3A_141, %dma_wait3A_142] : memref<80x128xi32, #tpu.memory_space<hbm>> -> memref<40x128xi32, #tpu.memory_space<hbm>>
      %dma_wait3A_144 = arith.constant 0 : i32
      %dma_wait3A_145 = arith.constant 0 : i32
      %dma_wait3A_146 = tpu.memref_slice %arg3[%add3A, %dma_wait3A_144, %dma_wait3A_145] : memref<32x80x128xi32, #tpu.memory_space<hbm>> -> memref<1x80x128xi32, #tpu.memory_space<hbm>>
      %dma_wait3A_147 = tpu.memref_squeeze %dma_wait3A_146 : memref<1x80x128xi32, #tpu.memory_space<hbm>> -> memref<80x128xi32, #tpu.memory_space<hbm>>
      %dma_wait3A_148 = arith.constant 40 : i32
      %dma_wait3A_149 = arith.constant 0 : i32
      %dma_wait3A_150 = tpu.memref_slice %dma_wait3A_147[%dma_wait3A_148, %dma_wait3A_149] : memref<80x128xi32, #tpu.memory_space<hbm>> -> memref<40x128xi32, #tpu.memory_space<hbm>>
      tpu.wait_dma2 semaphore(%run_scoped3A : memref<!tpu.dma_semaphore, #tpu.memory_space<semaphore_mem>>) src(%dma_wait3A_150 : memref<40x128xi32, #tpu.memory_space<hbm>>) dst(%arg7 : memref<40x128xi32, #tpu.memory_space<vmem>>)
      tpu.yield
    }) : () -> ()
    "tpu.region"() ({
      %run_scoped3A = tpu.sem_alloc : memref<!tpu.dma_semaphore, #tpu.memory_space<semaphore_mem>>
      %dma_start3A_123 = arith.constant 0 : i32
      %dma_start3A_124 = arith.constant 0 : i32
      %dma_start3A_125 = tpu.memref_slice %arg4[%add3A, %dma_start3A_123, %dma_start3A_124] : memref<32x80x128xi32, #tpu.memory_space<hbm>> -> memref<1x80x128xi32, #tpu.memory_space<hbm>>
      %dma_start3A_126 = tpu.memref_squeeze %dma_start3A_125 : memref<1x80x128xi32, #tpu.memory_space<hbm>> -> memref<80x128xi32, #tpu.memory_space<hbm>>
      %dma_start3A_127 = arith.constant 40 : i32
      %dma_start3A_128 = arith.constant 0 : i32
      %dma_start3A_129 = tpu.memref_slice %dma_start3A_126[%dma_start3A_127, %dma_start3A_128] : memref<80x128xi32, #tpu.memory_space<hbm>> -> memref<40x128xi32, #tpu.memory_space<hbm>>
      %dma_start3A_130 = arith.constant 0 : i32
      %dma_start3A_131 = arith.constant 0 : i32
      %dma_start3A_132 = tpu.memref_slice %arg4[%add3A, %dma_start3A_130, %dma_start3A_131] : memref<32x80x128xi32, #tpu.memory_space<hbm>> -> memref<1x80x128xi32, #tpu.memory_space<hbm>>
      %dma_start3A_133 = tpu.memref_squeeze %dma_start3A_132 : memref<1x80x128xi32, #tpu.memory_space<hbm>> -> memref<80x128xi32, #tpu.memory_space<hbm>>
      %dma_start3A_134 = arith.constant 40 : i32
      %dma_start3A_135 = arith.constant 0 : i32
      %dma_start3A_136 = tpu.memref_slice %dma_start3A_133[%dma_start3A_134, %dma_start3A_135] : memref<80x128xi32, #tpu.memory_space<hbm>> -> memref<40x128xi32, #tpu.memory_space<hbm>>
      tpu.enqueue_dma source(%dma_start3A_136 : memref<40x128xi32, #tpu.memory_space<hbm>>) target(%arg8 : memref<40x128xi32, #tpu.memory_space<vmem>>) target_semaphore(%run_scoped3A : memref<!tpu.dma_semaphore, #tpu.memory_space<semaphore_mem>>)
      %dma_wait3A_137 = arith.constant 0 : i32
      %dma_wait3A_138 = arith.constant 0 : i32
      %dma_wait3A_139 = tpu.memref_slice %arg4[%add3A, %dma_wait3A_137, %dma_wait3A_138] : memref<32x80x128xi32, #tpu.memory_space<hbm>> -> memref<1x80x128xi32, #tpu.memory_space<hbm>>
      %dma_wait3A_140 = tpu.memref_squeeze %dma_wait3A_139 : memref<1x80x128xi32, #tpu.memory_space<hbm>> -> memref<80x128xi32, #tpu.memory_space<hbm>>
      %dma_wait3A_141 = arith.constant 40 : i32
      %dma_wait3A_142 = arith.constant 0 : i32
      %dma_wait3A_143 = tpu.memref_slice %dma_wait3A_140[%dma_wait3A_141, %dma_wait3A_142] : memref<80x128xi32, #tpu.memory_space<hbm>> -> memref<40x128xi32, #tpu.memory_space<hbm>>
      %dma_wait3A_144 = arith.constant 0 : i32
      %dma_wait3A_145 = arith.constant 0 : i32
      %dma_wait3A_146 = tpu.memref_slice %arg4[%add3A, %dma_wait3A_144, %dma_wait3A_145] : memref<32x80x128xi32, #tpu.memory_space<hbm>> -> memref<1x80x128xi32, #tpu.memory_space<hbm>>
      %dma_wait3A_147 = tpu.memref_squeeze %dma_wait3A_146 : memref<1x80x128xi32, #tpu.memory_space<hbm>> -> memref<80x128xi32, #tpu.memory_space<hbm>>
      %dma_wait3A_148 = arith.constant 40 : i32
      %dma_wait3A_149 = arith.constant 0 : i32
      %dma_wait3A_150 = tpu.memref_slice %dma_wait3A_147[%dma_wait3A_148, %dma_wait3A_149] : memref<80x128xi32, #tpu.memory_space<hbm>> -> memref<40x128xi32, #tpu.memory_space<hbm>>
      tpu.wait_dma2 semaphore(%run_scoped3A : memref<!tpu.dma_semaphore, #tpu.memory_space<semaphore_mem>>) src(%dma_wait3A_150 : memref<40x128xi32, #tpu.memory_space<hbm>>) dst(%arg8 : memref<40x128xi32, #tpu.memory_space<vmem>>)
      tpu.yield
    }) : () -> ()
    %dma_start3A_61 = arith.constant 0 : i32
    %dma_start3A_62 = arith.constant 0 : i32
    %dma_start3A_63 = tpu.memref_slice %arg7[%dma_start3A_61, %dma_start3A_62] : memref<40x128xi32, #tpu.memory_space<vmem>> -> memref<1x128xi32, #tpu.memory_space<vmem>>
    %dma_start3A_64 = tpu.memref_squeeze %dma_start3A_63 : memref<1x128xi32, #tpu.memory_space<vmem>> -> memref<128xi32, #tpu.memory_space<vmem>>
    %dma_start3A_65 = arith.constant 0 : i32
    %dma_start3A_66 = arith.constant 0 : i32
    %dma_start3A_67 = tpu.memref_slice %arg2[%dma_start3A_65, %dma_start3A_66] : memref<10240x128xf32, #tpu.memory_space<hbm>> -> memref<10240x128xf32, #tpu.memory_space<hbm>>
    tpu.enqueue_indirect_dma source(%dma_start3A_67 : memref<10240x128xf32, #tpu.memory_space<hbm>>) target(%arg9 : memref<128x128xf32, #tpu.memory_space<vmem>>) offsets(%dma_start3A_64 : memref<128xi32, #tpu.memory_space<vmem>>) semaphore(%arg12 : memref<!tpu.dma_semaphore, #tpu.memory_space<semaphore_mem>>)
    %dma_wait3A_68 = arith.constant 0 : i32
    %dma_wait3A_69 = arith.constant 0 : i32
    %dma_wait3A_70 = tpu.memref_slice %arg7[%dma_wait3A_68, %dma_wait3A_69] : memref<40x128xi32, #tpu.memory_space<vmem>> -> memref<1x128xi32, #tpu.memory_space<vmem>>
    %dma_wait3A_71 = tpu.memref_squeeze %dma_wait3A_70 : memref<1x128xi32, #tpu.memory_space<vmem>> -> memref<128xi32, #tpu.memory_space<vmem>>
    %dma_wait3A_72 = arith.constant 0 : i32
    %dma_wait3A_73 = arith.constant 0 : i32
    %dma_wait3A_74 = tpu.memref_slice %arg2[%dma_wait3A_72, %dma_wait3A_73] : memref<10240x128xf32, #tpu.memory_space<hbm>> -> memref<10240x128xf32, #tpu.memory_space<hbm>>
    tpu.wait_indirect_dma semaphore(%arg12 : memref<!tpu.dma_semaphore, #tpu.memory_space<semaphore_mem>>) src(%dma_wait3A_74 : memref<10240x128xf32, #tpu.memory_space<hbm>>) dst(%arg9 : memref<128x128xf32, #tpu.memory_space<vmem>>)
    %dma_start3A_75 = arith.constant 0 : i32
    %dma_start3A_76 = arith.constant 0 : i32
    %dma_start3A_77 = tpu.memref_slice %arg8[%dma_start3A_75, %dma_start3A_76] : memref<40x128xi32, #tpu.memory_space<vmem>> -> memref<1x128xi32, #tpu.memory_space<vmem>>
    %dma_start3A_78 = tpu.memref_squeeze %dma_start3A_77 : memref<1x128xi32, #tpu.memory_space<vmem>> -> memref<128xi32, #tpu.memory_space<vmem>>
    %dma_start3A_79 = arith.constant 0 : i32
    %dma_start3A_80 = arith.constant 0 : i32
    %dma_start3A_81 = tpu.memref_slice %arg11[%dma_start3A_79, %dma_start3A_80] : memref<10240x128xf32, #tpu.memory_space<vmem_shared>> -> memref<10240x128xf32, #tpu.memory_space<vmem_shared>>
    tpu.enqueue_indirect_dma source(%arg9 : memref<128x128xf32, #tpu.memory_space<vmem>>) target(%dma_start3A_81 : memref<10240x128xf32, #tpu.memory_space<vmem_shared>>) offsets(%dma_start3A_78 : memref<128xi32, #tpu.memory_space<vmem>>) semaphore(%arg14 : memref<!tpu.dma_semaphore, #tpu.memory_space<semaphore_mem>>) {add = true}
    %dma_start3A_82 = arith.constant 1 : i32
    %dma_start3A_83 = arith.constant 0 : i32
    %dma_start3A_84 = tpu.memref_slice %arg7[%dma_start3A_82, %dma_start3A_83] : memref<40x128xi32, #tpu.memory_space<vmem>> -> memref<1x128xi32, #tpu.memory_space<vmem>>
    %dma_start3A_85 = tpu.memref_squeeze %dma_start3A_84 : memref<1x128xi32, #tpu.memory_space<vmem>> -> memref<128xi32, #tpu.memory_space<vmem>>
    %dma_start3A_86 = arith.constant 0 : i32
    %dma_start3A_87 = arith.constant 0 : i32
    %dma_start3A_88 = tpu.memref_slice %arg2[%dma_start3A_86, %dma_start3A_87] : memref<10240x128xf32, #tpu.memory_space<hbm>> -> memref<10240x128xf32, #tpu.memory_space<hbm>>
    tpu.enqueue_indirect_dma source(%dma_start3A_88 : memref<10240x128xf32, #tpu.memory_space<hbm>>) target(%arg10 : memref<128x128xf32, #tpu.memory_space<vmem>>) offsets(%dma_start3A_85 : memref<128xi32, #tpu.memory_space<vmem>>) semaphore(%arg13 : memref<!tpu.dma_semaphore, #tpu.memory_space<semaphore_mem>>)
    %scan3A_89 = arith.constant 0 : i32
    %scan3A_90 = arith.constant 19 : i32
    %scan3A_91 = arith.addi %scan3A_89, %scan3A_90 : i32
    %scan3A_92 = arith.constant 1 : i32
    scf.for %scan3A_123 = %scan3A_89 to %scan3A_91 step %scan3A_92  : i32 {
      %mul3A_124 = arith.constant 2 : i32
      %mul3A_125 = arith.muli %scan3A_123, %mul3A_124 : i32
      %add3A_126 = arith.constant 1 : i32
      %add3A_127 = arith.addi %add3A_126, %mul3A_125 : i32
      %add3A_128 = arith.constant 0 : i32
      %add3A_129 = arith.addi %add3A_127, %add3A_128 : i32
      %dma_wait3A_130 = arith.constant 0 : i32
      %dma_wait3A_131 = tpu.memref_slice %arg7[%add3A_129, %dma_wait3A_130] : memref<40x128xi32, #tpu.memory_space<vmem>> -> memref<1x128xi32, #tpu.memory_space<vmem>>
      %dma_wait3A_132 = tpu.memref_squeeze %dma_wait3A_131 : memref<1x128xi32, #tpu.memory_space<vmem>> -> memref<128xi32, #tpu.memory_space<vmem>>
      %dma_wait3A_133 = arith.constant 0 : i32
      %dma_wait3A_134 = arith.constant 0 : i32
      %dma_wait3A_135 = tpu.memref_slice %arg2[%dma_wait3A_133, %dma_wait3A_134] : memref<10240x128xf32, #tpu.memory_space<hbm>> -> memref<10240x128xf32, #tpu.memory_space<hbm>>
      tpu.wait_indirect_dma semaphore(%arg13 : memref<!tpu.dma_semaphore, #tpu.memory_space<semaphore_mem>>) src(%dma_wait3A_135 : memref<10240x128xf32, #tpu.memory_space<hbm>>) dst(%arg10 : memref<128x128xf32, #tpu.memory_space<vmem>>)
      %dma_start3A_136 = arith.constant 0 : i32
      %dma_start3A_137 = tpu.memref_slice %arg8[%add3A_129, %dma_start3A_136] : memref<40x128xi32, #tpu.memory_space<vmem>> -> memref<1x128xi32, #tpu.memory_space<vmem>>
      %dma_start3A_138 = tpu.memref_squeeze %dma_start3A_137 : memref<1x128xi32, #tpu.memory_space<vmem>> -> memref<128xi32, #tpu.memory_space<vmem>>
      %dma_start3A_139 = arith.constant 0 : i32
      %dma_start3A_140 = arith.constant 0 : i32
      %dma_start3A_141 = tpu.memref_slice %arg11[%dma_start3A_139, %dma_start3A_140] : memref<10240x128xf32, #tpu.memory_space<vmem_shared>> -> memref<10240x128xf32, #tpu.memory_space<vmem_shared>>
      tpu.enqueue_indirect_dma source(%arg10 : memref<128x128xf32, #tpu.memory_space<vmem>>) target(%dma_start3A_141 : memref<10240x128xf32, #tpu.memory_space<vmem_shared>>) offsets(%dma_start3A_138 : memref<128xi32, #tpu.memory_space<vmem>>) semaphore(%arg15 : memref<!tpu.dma_semaphore, #tpu.memory_space<semaphore_mem>>) {add = true}
      %sub3A = arith.constant 1 : i32
      %sub3A_142 = arith.subi %add3A_129, %sub3A : i32
      %dma_wait3A_143 = arith.constant 0 : i32
      %dma_wait3A_144 = tpu.memref_slice %arg8[%sub3A_142, %dma_wait3A_143] : memref<40x128xi32, #tpu.memory_space<vmem>> -> memref<1x128xi32, #tpu.memory_space<vmem>>
      %dma_wait3A_145 = tpu.memref_squeeze %dma_wait3A_144 : memref<1x128xi32, #tpu.memory_space<vmem>> -> memref<128xi32, #tpu.memory_space<vmem>>
      %dma_wait3A_146 = arith.constant 0 : i32
      %dma_wait3A_147 = arith.constant 0 : i32
      %dma_wait3A_148 = tpu.memref_slice %arg11[%dma_wait3A_146, %dma_wait3A_147] : memref<10240x128xf32, #tpu.memory_space<vmem_shared>> -> memref<10240x128xf32, #tpu.memory_space<vmem_shared>>
      tpu.wait_indirect_dma semaphore(%arg14 : memref<!tpu.dma_semaphore, #tpu.memory_space<semaphore_mem>>) src(%arg9 : memref<128x128xf32, #tpu.memory_space<vmem>>) dst(%dma_wait3A_148 : memref<10240x128xf32, #tpu.memory_space<vmem_shared>>)
      %add3A_149 = arith.constant 1 : i32
      %add3A_150 = arith.addi %add3A_129, %add3A_149 : i32
      %dma_start3A_151 = arith.constant 0 : i32
      %dma_start3A_152 = tpu.memref_slice %arg7[%add3A_150, %dma_start3A_151] : memref<40x128xi32, #tpu.memory_space<vmem>> -> memref<1x128xi32, #tpu.memory_space<vmem>>
      %dma_start3A_153 = tpu.memref_squeeze %dma_start3A_152 : memref<1x128xi32, #tpu.memory_space<vmem>> -> memref<128xi32, #tpu.memory_space<vmem>>
      %dma_start3A_154 = arith.constant 0 : i32
      %dma_start3A_155 = arith.constant 0 : i32
      %dma_start3A_156 = tpu.memref_slice %arg2[%dma_start3A_154, %dma_start3A_155] : memref<10240x128xf32, #tpu.memory_space<hbm>> -> memref<10240x128xf32, #tpu.memory_space<hbm>>
      tpu.enqueue_indirect_dma source(%dma_start3A_156 : memref<10240x128xf32, #tpu.memory_space<hbm>>) target(%arg9 : memref<128x128xf32, #tpu.memory_space<vmem>>) offsets(%dma_start3A_153 : memref<128xi32, #tpu.memory_space<vmem>>) semaphore(%arg12 : memref<!tpu.dma_semaphore, #tpu.memory_space<semaphore_mem>>)
      %mul3A_157 = arith.constant 2 : i32
      %mul3A_158 = arith.muli %scan3A_123, %mul3A_157 : i32
      %add3A_159 = arith.constant 1 : i32
      %add3A_160 = arith.addi %add3A_159, %mul3A_158 : i32
      %add3A_161 = arith.constant 1 : i32
      %add3A_162 = arith.addi %add3A_160, %add3A_161 : i32
      %dma_wait3A_163 = arith.constant 0 : i32
      %dma_wait3A_164 = tpu.memref_slice %arg7[%add3A_162, %dma_wait3A_163] : memref<40x128xi32, #tpu.memory_space<vmem>> -> memref<1x128xi32, #tpu.memory_space<vmem>>
      %dma_wait3A_165 = tpu.memref_squeeze %dma_wait3A_164 : memref<1x128xi32, #tpu.memory_space<vmem>> -> memref<128xi32, #tpu.memory_space<vmem>>
      %dma_wait3A_166 = arith.constant 0 : i32
      %dma_wait3A_167 = arith.constant 0 : i32
      %dma_wait3A_168 = tpu.memref_slice %arg2[%dma_wait3A_166, %dma_wait3A_167] : memref<10240x128xf32, #tpu.memory_space<hbm>> -> memref<10240x128xf32, #tpu.memory_space<hbm>>
      tpu.wait_indirect_dma semaphore(%arg12 : memref<!tpu.dma_semaphore, #tpu.memory_space<semaphore_mem>>) src(%dma_wait3A_168 : memref<10240x128xf32, #tpu.memory_space<hbm>>) dst(%arg9 : memref<128x128xf32, #tpu.memory_space<vmem>>)
      %dma_start3A_169 = arith.constant 0 : i32
      %dma_start3A_170 = tpu.memref_slice %arg8[%add3A_162, %dma_start3A_169] : memref<40x128xi32, #tpu.memory_space<vmem>> -> memref<1x128xi32, #tpu.memory_space<vmem>>
      %dma_start3A_171 = tpu.memref_squeeze %dma_start3A_170 : memref<1x128xi32, #tpu.memory_space<vmem>> -> memref<128xi32, #tpu.memory_space<vmem>>
      %dma_start3A_172 = arith.constant 0 : i32
      %dma_start3A_173 = arith.constant 0 : i32
      %dma_start3A_174 = tpu.memref_slice %arg11[%dma_start3A_172, %dma_start3A_173] : memref<10240x128xf32, #tpu.memory_space<vmem_shared>> -> memref<10240x128xf32, #tpu.memory_space<vmem_shared>>
      tpu.enqueue_indirect_dma source(%arg9 : memref<128x128xf32, #tpu.memory_space<vmem>>) target(%dma_start3A_174 : memref<10240x128xf32, #tpu.memory_space<vmem_shared>>) offsets(%dma_start3A_171 : memref<128xi32, #tpu.memory_space<vmem>>) semaphore(%arg14 : memref<!tpu.dma_semaphore, #tpu.memory_space<semaphore_mem>>) {add = true}
      %sub3A_175 = arith.constant 1 : i32
      %sub3A_176 = arith.subi %add3A_162, %sub3A_175 : i32
      %dma_wait3A_177 = arith.constant 0 : i32
      %dma_wait3A_178 = tpu.memref_slice %arg8[%sub3A_176, %dma_wait3A_177] : memref<40x128xi32, #tpu.memory_space<vmem>> -> memref<1x128xi32, #tpu.memory_space<vmem>>
      %dma_wait3A_179 = tpu.memref_squeeze %dma_wait3A_178 : memref<1x128xi32, #tpu.memory_space<vmem>> -> memref<128xi32, #tpu.memory_space<vmem>>
      %dma_wait3A_180 = arith.constant 0 : i32
      %dma_wait3A_181 = arith.constant 0 : i32
      %dma_wait3A_182 = tpu.memref_slice %arg11[%dma_wait3A_180, %dma_wait3A_181] : memref<10240x128xf32, #tpu.memory_space<vmem_shared>> -> memref<10240x128xf32, #tpu.memory_space<vmem_shared>>
      tpu.wait_indirect_dma semaphore(%arg15 : memref<!tpu.dma_semaphore, #tpu.memory_space<semaphore_mem>>) src(%arg10 : memref<128x128xf32, #tpu.memory_space<vmem>>) dst(%dma_wait3A_182 : memref<10240x128xf32, #tpu.memory_space<vmem_shared>>)
      %add3A_183 = arith.constant 1 : i32
      %add3A_184 = arith.addi %add3A_162, %add3A_183 : i32
      %dma_start3A_185 = arith.constant 0 : i32
      %dma_start3A_186 = tpu.memref_slice %arg7[%add3A_184, %dma_start3A_185] : memref<40x128xi32, #tpu.memory_space<vmem>> -> memref<1x128xi32, #tpu.memory_space<vmem>>
      %dma_start3A_187 = tpu.memref_squeeze %dma_start3A_186 : memref<1x128xi32, #tpu.memory_space<vmem>> -> memref<128xi32, #tpu.memory_space<vmem>>
      %dma_start3A_188 = arith.constant 0 : i32
      %dma_start3A_189 = arith.constant 0 : i32
      %dma_start3A_190 = tpu.memref_slice %arg2[%dma_start3A_188, %dma_start3A_189] : memref<10240x128xf32, #tpu.memory_space<hbm>> -> memref<10240x128xf32, #tpu.memory_space<hbm>>
      tpu.enqueue_indirect_dma source(%dma_start3A_190 : memref<10240x128xf32, #tpu.memory_space<hbm>>) target(%arg10 : memref<128x128xf32, #tpu.memory_space<vmem>>) offsets(%dma_start3A_187 : memref<128xi32, #tpu.memory_space<vmem>>) semaphore(%arg13 : memref<!tpu.dma_semaphore, #tpu.memory_space<semaphore_mem>>)
    }
    %scan3A_93 = arith.constant 19 : i32
    %dma_wait3A_94 = arith.constant 39 : i32
    %dma_wait3A_95 = arith.constant 0 : i32
    %dma_wait3A_96 = tpu.memref_slice %arg7[%dma_wait3A_94, %dma_wait3A_95] : memref<40x128xi32, #tpu.memory_space<vmem>> -> memref<1x128xi32, #tpu.memory_space<vmem>>
    %dma_wait3A_97 = tpu.memref_squeeze %dma_wait3A_96 : memref<1x128xi32, #tpu.memory_space<vmem>> -> memref<128xi32, #tpu.memory_space<vmem>>
    %dma_wait3A_98 = arith.constant 0 : i32
    %dma_wait3A_99 = arith.constant 0 : i32
    %dma_wait3A_100 = tpu.memref_slice %arg2[%dma_wait3A_98, %dma_wait3A_99] : memref<10240x128xf32, #tpu.memory_space<hbm>> -> memref<10240x128xf32, #tpu.memory_space<hbm>>
    tpu.wait_indirect_dma semaphore(%arg13 : memref<!tpu.dma_semaphore, #tpu.memory_space<semaphore_mem>>) src(%dma_wait3A_100 : memref<10240x128xf32, #tpu.memory_space<hbm>>) dst(%arg10 : memref<128x128xf32, #tpu.memory_space<vmem>>)
    %dma_start3A_101 = arith.constant 39 : i32
    %dma_start3A_102 = arith.constant 0 : i32
    %dma_start3A_103 = tpu.memref_slice %arg8[%dma_start3A_101, %dma_start3A_102] : memref<40x128xi32, #tpu.memory_space<vmem>> -> memref<1x128xi32, #tpu.memory_space<vmem>>
    %dma_start3A_104 = tpu.memref_squeeze %dma_start3A_103 : memref<1x128xi32, #tpu.memory_space<vmem>> -> memref<128xi32, #tpu.memory_space<vmem>>
    %dma_start3A_105 = arith.constant 0 : i32
    %dma_start3A_106 = arith.constant 0 : i32
    %dma_start3A_107 = tpu.memref_slice %arg11[%dma_start3A_105, %dma_start3A_106] : memref<10240x128xf32, #tpu.memory_space<vmem_shared>> -> memref<10240x128xf32, #tpu.memory_space<vmem_shared>>
    tpu.enqueue_indirect_dma source(%arg10 : memref<128x128xf32, #tpu.memory_space<vmem>>) target(%dma_start3A_107 : memref<10240x128xf32, #tpu.memory_space<vmem_shared>>) offsets(%dma_start3A_104 : memref<128xi32, #tpu.memory_space<vmem>>) semaphore(%arg15 : memref<!tpu.dma_semaphore, #tpu.memory_space<semaphore_mem>>) {add = true}
    %dma_wait3A_108 = arith.constant 38 : i32
    %dma_wait3A_109 = arith.constant 0 : i32
    %dma_wait3A_110 = tpu.memref_slice %arg8[%dma_wait3A_108, %dma_wait3A_109] : memref<40x128xi32, #tpu.memory_space<vmem>> -> memref<1x128xi32, #tpu.memory_space<vmem>>
    %dma_wait3A_111 = tpu.memref_squeeze %dma_wait3A_110 : memref<1x128xi32, #tpu.memory_space<vmem>> -> memref<128xi32, #tpu.memory_space<vmem>>
    %dma_wait3A_112 = arith.constant 0 : i32
    %dma_wait3A_113 = arith.constant 0 : i32
    %dma_wait3A_114 = tpu.memref_slice %arg11[%dma_wait3A_112, %dma_wait3A_113] : memref<10240x128xf32, #tpu.memory_space<vmem_shared>> -> memref<10240x128xf32, #tpu.memory_space<vmem_shared>>
    tpu.wait_indirect_dma semaphore(%arg14 : memref<!tpu.dma_semaphore, #tpu.memory_space<semaphore_mem>>) src(%arg9 : memref<128x128xf32, #tpu.memory_space<vmem>>) dst(%dma_wait3A_114 : memref<10240x128xf32, #tpu.memory_space<vmem_shared>>)
    %dma_wait3A_115 = arith.constant 39 : i32
    %dma_wait3A_116 = arith.constant 0 : i32
    %dma_wait3A_117 = tpu.memref_slice %arg8[%dma_wait3A_115, %dma_wait3A_116] : memref<40x128xi32, #tpu.memory_space<vmem>> -> memref<1x128xi32, #tpu.memory_space<vmem>>
    %dma_wait3A_118 = tpu.memref_squeeze %dma_wait3A_117 : memref<1x128xi32, #tpu.memory_space<vmem>> -> memref<128xi32, #tpu.memory_space<vmem>>
    %dma_wait3A_119 = arith.constant 0 : i32
    %dma_wait3A_120 = arith.constant 0 : i32
    %dma_wait3A_121 = tpu.memref_slice %arg11[%dma_wait3A_119, %dma_wait3A_120] : memref<10240x128xf32, #tpu.memory_space<vmem_shared>> -> memref<10240x128xf32, #tpu.memory_space<vmem_shared>>
    tpu.wait_indirect_dma semaphore(%arg15 : memref<!tpu.dma_semaphore, #tpu.memory_space<semaphore_mem>>) src(%arg10 : memref<128x128xf32, #tpu.memory_space<vmem>>) dst(%dma_wait3A_121 : memref<10240x128xf32, #tpu.memory_space<vmem_shared>>)
    %barrier3A_122 = arith.constant 0 : index
    tpu.barrier barrier_id(%barrier3A_122)
    "tpu.region"() ({
      %run_scoped3A = tpu.sem_alloc : memref<!tpu.dma_semaphore, #tpu.memory_space<semaphore_mem>>
      %dma_start3A_123 = arith.constant 0 : i32
      %dma_start3A_124 = arith.constant 0 : i32
      %dma_start3A_125 = tpu.memref_slice %arg6[%arg0, %dma_start3A_123, %dma_start3A_124] : memref<2x10240x128xf32, #tpu.memory_space<hbm>> -> memref<1x10240x128xf32, #tpu.memory_space<hbm>>
      %dma_start3A_126 = tpu.memref_squeeze %dma_start3A_125 : memref<1x10240x128xf32, #tpu.memory_space<hbm>> -> memref<10240x128xf32, #tpu.memory_space<hbm>>
      %dma_start3A_127 = arith.constant 0 : i32
      %dma_start3A_128 = tpu.memref_slice %dma_start3A_126[%mul3A_0, %dma_start3A_127] : memref<10240x128xf32, #tpu.memory_space<hbm>> -> memref<640x128xf32, #tpu.memory_space<hbm>>
      %dma_start3A_129 = arith.constant 0 : i32
      %dma_start3A_130 = tpu.memref_slice %arg11[%mul3A_0, %dma_start3A_129] : memref<10240x128xf32, #tpu.memory_space<vmem_shared>> -> memref<640x128xf32, #tpu.memory_space<vmem_shared>>
      tpu.enqueue_dma source(%dma_start3A_130 : memref<640x128xf32, #tpu.memory_space<vmem_shared>>) target(%dma_start3A_128 : memref<640x128xf32, #tpu.memory_space<hbm>>) target_semaphore(%run_scoped3A : memref<!tpu.dma_semaphore, #tpu.memory_space<semaphore_mem>>)
      %dma_wait3A_131 = arith.constant 0 : i32
      %dma_wait3A_132 = arith.constant 0 : i32
      %dma_wait3A_133 = tpu.memref_slice %arg6[%arg0, %dma_wait3A_131, %dma_wait3A_132] : memref<2x10240x128xf32, #tpu.memory_space<hbm>> -> memref<1x10240x128xf32, #tpu.memory_space<hbm>>
      %dma_wait3A_134 = tpu.memref_squeeze %dma_wait3A_133 : memref<1x10240x128xf32, #tpu.memory_space<hbm>> -> memref<10240x128xf32, #tpu.memory_space<hbm>>
      %dma_wait3A_135 = arith.constant 0 : i32
      %dma_wait3A_136 = tpu.memref_slice %dma_wait3A_134[%mul3A_0, %dma_wait3A_135] : memref<10240x128xf32, #tpu.memory_space<hbm>> -> memref<640x128xf32, #tpu.memory_space<hbm>>
      %dma_wait3A_137 = arith.constant 0 : i32
      %dma_wait3A_138 = tpu.memref_slice %arg11[%mul3A_0, %dma_wait3A_137] : memref<10240x128xf32, #tpu.memory_space<vmem_shared>> -> memref<640x128xf32, #tpu.memory_space<vmem_shared>>
      tpu.wait_dma2 semaphore(%run_scoped3A : memref<!tpu.dma_semaphore, #tpu.memory_space<semaphore_mem>>) src(%dma_wait3A_138 : memref<640x128xf32, #tpu.memory_space<vmem_shared>>) dst(%dma_wait3A_136 : memref<640x128xf32, #tpu.memory_space<hbm>>)
      tpu.yield
    }) : () -> ()
    return
  }
}

#map = affine_map<(d0, d1) -> (0, 0)>
#map1 = affine_map<(d0, d1) -> (0, 0, 0)>
module attributes {stable_mosaic.version = 14 : i64} {
  func.func @prop(%arg0: i32, %arg1: i32, %arg2: memref<10240x32xf32, #tpu.memory_space<hbm>>, %arg3: memref<32x80x128xi32, #tpu.memory_space<hbm>>, %arg4: memref<32x80x128xi32, #tpu.memory_space<hbm>>, %arg5: memref<10240x32xf32, #tpu.memory_space<hbm>>, %arg6: memref<2x10240x32xf32, #tpu.memory_space<hbm>>, %arg7: memref<40x128xi32, #tpu.memory_space<vmem>>, %arg8: memref<40x128xi32, #tpu.memory_space<vmem>>, %arg9: memref<128x32xf32, #tpu.memory_space<vmem>>, %arg10: memref<128x32xf32, #tpu.memory_space<vmem>>, %arg11: memref<128x32xf32, #tpu.memory_space<vmem>>, %arg12: memref<128x32xf32, #tpu.memory_space<vmem>>, %arg13: memref<10240x32xf32, #tpu.memory_space<vmem_shared>>, %arg14: memref<!tpu.dma_semaphore, #tpu.memory_space<semaphore_mem>>, %arg15: memref<!tpu.dma_semaphore, #tpu.memory_space<semaphore_mem>>, %arg16: memref<!tpu.dma_semaphore, #tpu.memory_space<semaphore_mem>>, %arg17: memref<!tpu.dma_semaphore, #tpu.memory_space<semaphore_mem>>, %arg18: memref<!tpu.dma_semaphore, #tpu.memory_space<semaphore_mem>>, %arg19: memref<!tpu.dma_semaphore, #tpu.memory_space<semaphore_mem>>, %arg20: memref<!tpu.dma_semaphore, #tpu.memory_space<semaphore_mem>>, %arg21: memref<!tpu.dma_semaphore, #tpu.memory_space<semaphore_mem>>) attributes {dimension_semantics = [#tpu.dimension_semantics<core_parallel>, #tpu.dimension_semantics<subcore_parallel>], iteration_bounds = array<i64: 2, 16>, scalar_prefetch = 0 : i64, scratch_operands = 15 : i64, tpu.core_type = #tpu.core_type<sc_vector_subcore>, window_params = [{transform_indices = #map}, {transform_indices = #map1}, {transform_indices = #map1}, {transform_indices = #map}, {transform_indices = #map1}]} {
    %mul3A = arith.constant 640 : i32
    %mul3A_0 = arith.muli %arg1, %mul3A : i32
    %mul3A_1 = arith.constant 16 : i32
    %mul3A_2 = arith.muli %arg0, %mul3A_1 : i32
    %add3A = arith.addi %mul3A_2, %arg1 : i32
    "tpu.region"() ({
      %run_scoped3A = tpu.sem_alloc : memref<!tpu.dma_semaphore, #tpu.memory_space<semaphore_mem>>
      %dma_start3A_235 = arith.constant 0 : i32
      %dma_start3A_236 = tpu.memref_slice %arg13[%mul3A_0, %dma_start3A_235] : memref<10240x32xf32, #tpu.memory_space<vmem_shared>> -> memref<640x32xf32, #tpu.memory_space<vmem_shared>>
      %dma_start3A_237 = arith.constant 0 : i32
      %dma_start3A_238 = tpu.memref_slice %arg5[%mul3A_0, %dma_start3A_237] : memref<10240x32xf32, #tpu.memory_space<hbm>> -> memref<640x32xf32, #tpu.memory_space<hbm>>
      tpu.enqueue_dma source(%dma_start3A_238 : memref<640x32xf32, #tpu.memory_space<hbm>>) target(%dma_start3A_236 : memref<640x32xf32, #tpu.memory_space<vmem_shared>>) target_semaphore(%run_scoped3A : memref<!tpu.dma_semaphore, #tpu.memory_space<semaphore_mem>>)
      %dma_wait3A_239 = arith.constant 0 : i32
      %dma_wait3A_240 = tpu.memref_slice %arg13[%mul3A_0, %dma_wait3A_239] : memref<10240x32xf32, #tpu.memory_space<vmem_shared>> -> memref<640x32xf32, #tpu.memory_space<vmem_shared>>
      %dma_wait3A_241 = arith.constant 0 : i32
      %dma_wait3A_242 = tpu.memref_slice %arg5[%mul3A_0, %dma_wait3A_241] : memref<10240x32xf32, #tpu.memory_space<hbm>> -> memref<640x32xf32, #tpu.memory_space<hbm>>
      tpu.wait_dma2 semaphore(%run_scoped3A : memref<!tpu.dma_semaphore, #tpu.memory_space<semaphore_mem>>) src(%dma_wait3A_242 : memref<640x32xf32, #tpu.memory_space<hbm>>) dst(%dma_wait3A_240 : memref<640x32xf32, #tpu.memory_space<vmem_shared>>)
      tpu.yield
    }) : () -> ()
    %barrier3A = arith.constant 0 : index
    tpu.barrier barrier_id(%barrier3A)
    "tpu.region"() ({
      %run_scoped3A = tpu.sem_alloc : memref<!tpu.dma_semaphore, #tpu.memory_space<semaphore_mem>>
      %dma_start3A_235 = arith.constant 0 : i32
      %dma_start3A_236 = arith.constant 0 : i32
      %dma_start3A_237 = tpu.memref_slice %arg3[%add3A, %dma_start3A_235, %dma_start3A_236] : memref<32x80x128xi32, #tpu.memory_space<hbm>> -> memref<1x80x128xi32, #tpu.memory_space<hbm>>
      %dma_start3A_238 = tpu.memref_squeeze %dma_start3A_237 : memref<1x80x128xi32, #tpu.memory_space<hbm>> -> memref<80x128xi32, #tpu.memory_space<hbm>>
      %dma_start3A_239 = arith.constant 0 : i32
      %dma_start3A_240 = arith.constant 0 : i32
      %dma_start3A_241 = tpu.memref_slice %dma_start3A_238[%dma_start3A_239, %dma_start3A_240] : memref<80x128xi32, #tpu.memory_space<hbm>> -> memref<40x128xi32, #tpu.memory_space<hbm>>
      %dma_start3A_242 = arith.constant 0 : i32
      %dma_start3A_243 = arith.constant 0 : i32
      %dma_start3A_244 = tpu.memref_slice %arg3[%add3A, %dma_start3A_242, %dma_start3A_243] : memref<32x80x128xi32, #tpu.memory_space<hbm>> -> memref<1x80x128xi32, #tpu.memory_space<hbm>>
      %dma_start3A_245 = tpu.memref_squeeze %dma_start3A_244 : memref<1x80x128xi32, #tpu.memory_space<hbm>> -> memref<80x128xi32, #tpu.memory_space<hbm>>
      %dma_start3A_246 = arith.constant 0 : i32
      %dma_start3A_247 = arith.constant 0 : i32
      %dma_start3A_248 = tpu.memref_slice %dma_start3A_245[%dma_start3A_246, %dma_start3A_247] : memref<80x128xi32, #tpu.memory_space<hbm>> -> memref<40x128xi32, #tpu.memory_space<hbm>>
      tpu.enqueue_dma source(%dma_start3A_248 : memref<40x128xi32, #tpu.memory_space<hbm>>) target(%arg7 : memref<40x128xi32, #tpu.memory_space<vmem>>) target_semaphore(%run_scoped3A : memref<!tpu.dma_semaphore, #tpu.memory_space<semaphore_mem>>)
      %dma_wait3A_249 = arith.constant 0 : i32
      %dma_wait3A_250 = arith.constant 0 : i32
      %dma_wait3A_251 = tpu.memref_slice %arg3[%add3A, %dma_wait3A_249, %dma_wait3A_250] : memref<32x80x128xi32, #tpu.memory_space<hbm>> -> memref<1x80x128xi32, #tpu.memory_space<hbm>>
      %dma_wait3A_252 = tpu.memref_squeeze %dma_wait3A_251 : memref<1x80x128xi32, #tpu.memory_space<hbm>> -> memref<80x128xi32, #tpu.memory_space<hbm>>
      %dma_wait3A_253 = arith.constant 0 : i32
      %dma_wait3A_254 = arith.constant 0 : i32
      %dma_wait3A_255 = tpu.memref_slice %dma_wait3A_252[%dma_wait3A_253, %dma_wait3A_254] : memref<80x128xi32, #tpu.memory_space<hbm>> -> memref<40x128xi32, #tpu.memory_space<hbm>>
      %dma_wait3A_256 = arith.constant 0 : i32
      %dma_wait3A_257 = arith.constant 0 : i32
      %dma_wait3A_258 = tpu.memref_slice %arg3[%add3A, %dma_wait3A_256, %dma_wait3A_257] : memref<32x80x128xi32, #tpu.memory_space<hbm>> -> memref<1x80x128xi32, #tpu.memory_space<hbm>>
      %dma_wait3A_259 = tpu.memref_squeeze %dma_wait3A_258 : memref<1x80x128xi32, #tpu.memory_space<hbm>> -> memref<80x128xi32, #tpu.memory_space<hbm>>
      %dma_wait3A_260 = arith.constant 0 : i32
      %dma_wait3A_261 = arith.constant 0 : i32
      %dma_wait3A_262 = tpu.memref_slice %dma_wait3A_259[%dma_wait3A_260, %dma_wait3A_261] : memref<80x128xi32, #tpu.memory_space<hbm>> -> memref<40x128xi32, #tpu.memory_space<hbm>>
      tpu.wait_dma2 semaphore(%run_scoped3A : memref<!tpu.dma_semaphore, #tpu.memory_space<semaphore_mem>>) src(%dma_wait3A_262 : memref<40x128xi32, #tpu.memory_space<hbm>>) dst(%arg7 : memref<40x128xi32, #tpu.memory_space<vmem>>)
      tpu.yield
    }) : () -> ()
    "tpu.region"() ({
      %run_scoped3A = tpu.sem_alloc : memref<!tpu.dma_semaphore, #tpu.memory_space<semaphore_mem>>
      %dma_start3A_235 = arith.constant 0 : i32
      %dma_start3A_236 = arith.constant 0 : i32
      %dma_start3A_237 = tpu.memref_slice %arg4[%add3A, %dma_start3A_235, %dma_start3A_236] : memref<32x80x128xi32, #tpu.memory_space<hbm>> -> memref<1x80x128xi32, #tpu.memory_space<hbm>>
      %dma_start3A_238 = tpu.memref_squeeze %dma_start3A_237 : memref<1x80x128xi32, #tpu.memory_space<hbm>> -> memref<80x128xi32, #tpu.memory_space<hbm>>
      %dma_start3A_239 = arith.constant 0 : i32
      %dma_start3A_240 = arith.constant 0 : i32
      %dma_start3A_241 = tpu.memref_slice %dma_start3A_238[%dma_start3A_239, %dma_start3A_240] : memref<80x128xi32, #tpu.memory_space<hbm>> -> memref<40x128xi32, #tpu.memory_space<hbm>>
      %dma_start3A_242 = arith.constant 0 : i32
      %dma_start3A_243 = arith.constant 0 : i32
      %dma_start3A_244 = tpu.memref_slice %arg4[%add3A, %dma_start3A_242, %dma_start3A_243] : memref<32x80x128xi32, #tpu.memory_space<hbm>> -> memref<1x80x128xi32, #tpu.memory_space<hbm>>
      %dma_start3A_245 = tpu.memref_squeeze %dma_start3A_244 : memref<1x80x128xi32, #tpu.memory_space<hbm>> -> memref<80x128xi32, #tpu.memory_space<hbm>>
      %dma_start3A_246 = arith.constant 0 : i32
      %dma_start3A_247 = arith.constant 0 : i32
      %dma_start3A_248 = tpu.memref_slice %dma_start3A_245[%dma_start3A_246, %dma_start3A_247] : memref<80x128xi32, #tpu.memory_space<hbm>> -> memref<40x128xi32, #tpu.memory_space<hbm>>
      tpu.enqueue_dma source(%dma_start3A_248 : memref<40x128xi32, #tpu.memory_space<hbm>>) target(%arg8 : memref<40x128xi32, #tpu.memory_space<vmem>>) target_semaphore(%run_scoped3A : memref<!tpu.dma_semaphore, #tpu.memory_space<semaphore_mem>>)
      %dma_wait3A_249 = arith.constant 0 : i32
      %dma_wait3A_250 = arith.constant 0 : i32
      %dma_wait3A_251 = tpu.memref_slice %arg4[%add3A, %dma_wait3A_249, %dma_wait3A_250] : memref<32x80x128xi32, #tpu.memory_space<hbm>> -> memref<1x80x128xi32, #tpu.memory_space<hbm>>
      %dma_wait3A_252 = tpu.memref_squeeze %dma_wait3A_251 : memref<1x80x128xi32, #tpu.memory_space<hbm>> -> memref<80x128xi32, #tpu.memory_space<hbm>>
      %dma_wait3A_253 = arith.constant 0 : i32
      %dma_wait3A_254 = arith.constant 0 : i32
      %dma_wait3A_255 = tpu.memref_slice %dma_wait3A_252[%dma_wait3A_253, %dma_wait3A_254] : memref<80x128xi32, #tpu.memory_space<hbm>> -> memref<40x128xi32, #tpu.memory_space<hbm>>
      %dma_wait3A_256 = arith.constant 0 : i32
      %dma_wait3A_257 = arith.constant 0 : i32
      %dma_wait3A_258 = tpu.memref_slice %arg4[%add3A, %dma_wait3A_256, %dma_wait3A_257] : memref<32x80x128xi32, #tpu.memory_space<hbm>> -> memref<1x80x128xi32, #tpu.memory_space<hbm>>
      %dma_wait3A_259 = tpu.memref_squeeze %dma_wait3A_258 : memref<1x80x128xi32, #tpu.memory_space<hbm>> -> memref<80x128xi32, #tpu.memory_space<hbm>>
      %dma_wait3A_260 = arith.constant 0 : i32
      %dma_wait3A_261 = arith.constant 0 : i32
      %dma_wait3A_262 = tpu.memref_slice %dma_wait3A_259[%dma_wait3A_260, %dma_wait3A_261] : memref<80x128xi32, #tpu.memory_space<hbm>> -> memref<40x128xi32, #tpu.memory_space<hbm>>
      tpu.wait_dma2 semaphore(%run_scoped3A : memref<!tpu.dma_semaphore, #tpu.memory_space<semaphore_mem>>) src(%dma_wait3A_262 : memref<40x128xi32, #tpu.memory_space<hbm>>) dst(%arg8 : memref<40x128xi32, #tpu.memory_space<vmem>>)
      tpu.yield
    }) : () -> ()
    %dma_start3A = arith.constant 0 : i32
    %dma_start3A_3 = arith.constant 0 : i32
    %dma_start3A_4 = tpu.memref_slice %arg7[%dma_start3A, %dma_start3A_3] : memref<40x128xi32, #tpu.memory_space<vmem>> -> memref<1x128xi32, #tpu.memory_space<vmem>>
    %dma_start3A_5 = tpu.memref_squeeze %dma_start3A_4 : memref<1x128xi32, #tpu.memory_space<vmem>> -> memref<128xi32, #tpu.memory_space<vmem>>
    %dma_start3A_6 = arith.constant 0 : i32
    %dma_start3A_7 = arith.constant 0 : i32
    %dma_start3A_8 = tpu.memref_slice %arg2[%dma_start3A_6, %dma_start3A_7] : memref<10240x32xf32, #tpu.memory_space<hbm>> -> memref<10240x32xf32, #tpu.memory_space<hbm>>
    tpu.enqueue_indirect_dma source(%dma_start3A_8 : memref<10240x32xf32, #tpu.memory_space<hbm>>) target(%arg9 : memref<128x32xf32, #tpu.memory_space<vmem>>) offsets(%dma_start3A_5 : memref<128xi32, #tpu.memory_space<vmem>>) semaphore(%arg14 : memref<!tpu.dma_semaphore, #tpu.memory_space<semaphore_mem>>)
    %dma_start3A_9 = arith.constant 1 : i32
    %dma_start3A_10 = arith.constant 0 : i32
    %dma_start3A_11 = tpu.memref_slice %arg7[%dma_start3A_9, %dma_start3A_10] : memref<40x128xi32, #tpu.memory_space<vmem>> -> memref<1x128xi32, #tpu.memory_space<vmem>>
    %dma_start3A_12 = tpu.memref_squeeze %dma_start3A_11 : memref<1x128xi32, #tpu.memory_space<vmem>> -> memref<128xi32, #tpu.memory_space<vmem>>
    %dma_start3A_13 = arith.constant 0 : i32
    %dma_start3A_14 = arith.constant 0 : i32
    %dma_start3A_15 = tpu.memref_slice %arg2[%dma_start3A_13, %dma_start3A_14] : memref<10240x32xf32, #tpu.memory_space<hbm>> -> memref<10240x32xf32, #tpu.memory_space<hbm>>
    tpu.enqueue_indirect_dma source(%dma_start3A_15 : memref<10240x32xf32, #tpu.memory_space<hbm>>) target(%arg10 : memref<128x32xf32, #tpu.memory_space<vmem>>) offsets(%dma_start3A_12 : memref<128xi32, #tpu.memory_space<vmem>>) semaphore(%arg15 : memref<!tpu.dma_semaphore, #tpu.memory_space<semaphore_mem>>)
    %dma_wait3A = arith.constant 0 : i32
    %dma_wait3A_16 = arith.constant 0 : i32
    %dma_wait3A_17 = tpu.memref_slice %arg7[%dma_wait3A, %dma_wait3A_16] : memref<40x128xi32, #tpu.memory_space<vmem>> -> memref<1x128xi32, #tpu.memory_space<vmem>>
    %dma_wait3A_18 = tpu.memref_squeeze %dma_wait3A_17 : memref<1x128xi32, #tpu.memory_space<vmem>> -> memref<128xi32, #tpu.memory_space<vmem>>
    %dma_wait3A_19 = arith.constant 0 : i32
    %dma_wait3A_20 = arith.constant 0 : i32
    %dma_wait3A_21 = tpu.memref_slice %arg2[%dma_wait3A_19, %dma_wait3A_20] : memref<10240x32xf32, #tpu.memory_space<hbm>> -> memref<10240x32xf32, #tpu.memory_space<hbm>>
    tpu.wait_indirect_dma semaphore(%arg14 : memref<!tpu.dma_semaphore, #tpu.memory_space<semaphore_mem>>) src(%dma_wait3A_21 : memref<10240x32xf32, #tpu.memory_space<hbm>>) dst(%arg9 : memref<128x32xf32, #tpu.memory_space<vmem>>)
    %dma_start3A_22 = arith.constant 0 : i32
    %dma_start3A_23 = arith.constant 0 : i32
    %dma_start3A_24 = tpu.memref_slice %arg8[%dma_start3A_22, %dma_start3A_23] : memref<40x128xi32, #tpu.memory_space<vmem>> -> memref<1x128xi32, #tpu.memory_space<vmem>>
    %dma_start3A_25 = tpu.memref_squeeze %dma_start3A_24 : memref<1x128xi32, #tpu.memory_space<vmem>> -> memref<128xi32, #tpu.memory_space<vmem>>
    %dma_start3A_26 = arith.constant 0 : i32
    %dma_start3A_27 = arith.constant 0 : i32
    %dma_start3A_28 = tpu.memref_slice %arg13[%dma_start3A_26, %dma_start3A_27] : memref<10240x32xf32, #tpu.memory_space<vmem_shared>> -> memref<10240x32xf32, #tpu.memory_space<vmem_shared>>
    tpu.enqueue_indirect_dma source(%arg9 : memref<128x32xf32, #tpu.memory_space<vmem>>) target(%dma_start3A_28 : memref<10240x32xf32, #tpu.memory_space<vmem_shared>>) offsets(%dma_start3A_25 : memref<128xi32, #tpu.memory_space<vmem>>) semaphore(%arg18 : memref<!tpu.dma_semaphore, #tpu.memory_space<semaphore_mem>>) {add = true}
    %dma_start3A_29 = arith.constant 2 : i32
    %dma_start3A_30 = arith.constant 0 : i32
    %dma_start3A_31 = tpu.memref_slice %arg7[%dma_start3A_29, %dma_start3A_30] : memref<40x128xi32, #tpu.memory_space<vmem>> -> memref<1x128xi32, #tpu.memory_space<vmem>>
    %dma_start3A_32 = tpu.memref_squeeze %dma_start3A_31 : memref<1x128xi32, #tpu.memory_space<vmem>> -> memref<128xi32, #tpu.memory_space<vmem>>
    %dma_start3A_33 = arith.constant 0 : i32
    %dma_start3A_34 = arith.constant 0 : i32
    %dma_start3A_35 = tpu.memref_slice %arg2[%dma_start3A_33, %dma_start3A_34] : memref<10240x32xf32, #tpu.memory_space<hbm>> -> memref<10240x32xf32, #tpu.memory_space<hbm>>
    tpu.enqueue_indirect_dma source(%dma_start3A_35 : memref<10240x32xf32, #tpu.memory_space<hbm>>) target(%arg11 : memref<128x32xf32, #tpu.memory_space<vmem>>) offsets(%dma_start3A_32 : memref<128xi32, #tpu.memory_space<vmem>>) semaphore(%arg16 : memref<!tpu.dma_semaphore, #tpu.memory_space<semaphore_mem>>)
    %dma_wait3A_36 = arith.constant 1 : i32
    %dma_wait3A_37 = arith.constant 0 : i32
    %dma_wait3A_38 = tpu.memref_slice %arg7[%dma_wait3A_36, %dma_wait3A_37] : memref<40x128xi32, #tpu.memory_space<vmem>> -> memref<1x128xi32, #tpu.memory_space<vmem>>
    %dma_wait3A_39 = tpu.memref_squeeze %dma_wait3A_38 : memref<1x128xi32, #tpu.memory_space<vmem>> -> memref<128xi32, #tpu.memory_space<vmem>>
    %dma_wait3A_40 = arith.constant 0 : i32
    %dma_wait3A_41 = arith.constant 0 : i32
    %dma_wait3A_42 = tpu.memref_slice %arg2[%dma_wait3A_40, %dma_wait3A_41] : memref<10240x32xf32, #tpu.memory_space<hbm>> -> memref<10240x32xf32, #tpu.memory_space<hbm>>
    tpu.wait_indirect_dma semaphore(%arg15 : memref<!tpu.dma_semaphore, #tpu.memory_space<semaphore_mem>>) src(%dma_wait3A_42 : memref<10240x32xf32, #tpu.memory_space<hbm>>) dst(%arg10 : memref<128x32xf32, #tpu.memory_space<vmem>>)
    %dma_start3A_43 = arith.constant 1 : i32
    %dma_start3A_44 = arith.constant 0 : i32
    %dma_start3A_45 = tpu.memref_slice %arg8[%dma_start3A_43, %dma_start3A_44] : memref<40x128xi32, #tpu.memory_space<vmem>> -> memref<1x128xi32, #tpu.memory_space<vmem>>
    %dma_start3A_46 = tpu.memref_squeeze %dma_start3A_45 : memref<1x128xi32, #tpu.memory_space<vmem>> -> memref<128xi32, #tpu.memory_space<vmem>>
    %dma_start3A_47 = arith.constant 0 : i32
    %dma_start3A_48 = arith.constant 0 : i32
    %dma_start3A_49 = tpu.memref_slice %arg13[%dma_start3A_47, %dma_start3A_48] : memref<10240x32xf32, #tpu.memory_space<vmem_shared>> -> memref<10240x32xf32, #tpu.memory_space<vmem_shared>>
    tpu.enqueue_indirect_dma source(%arg10 : memref<128x32xf32, #tpu.memory_space<vmem>>) target(%dma_start3A_49 : memref<10240x32xf32, #tpu.memory_space<vmem_shared>>) offsets(%dma_start3A_46 : memref<128xi32, #tpu.memory_space<vmem>>) semaphore(%arg19 : memref<!tpu.dma_semaphore, #tpu.memory_space<semaphore_mem>>) {add = true}
    %dma_start3A_50 = arith.constant 3 : i32
    %dma_start3A_51 = arith.constant 0 : i32
    %dma_start3A_52 = tpu.memref_slice %arg7[%dma_start3A_50, %dma_start3A_51] : memref<40x128xi32, #tpu.memory_space<vmem>> -> memref<1x128xi32, #tpu.memory_space<vmem>>
    %dma_start3A_53 = tpu.memref_squeeze %dma_start3A_52 : memref<1x128xi32, #tpu.memory_space<vmem>> -> memref<128xi32, #tpu.memory_space<vmem>>
    %dma_start3A_54 = arith.constant 0 : i32
    %dma_start3A_55 = arith.constant 0 : i32
    %dma_start3A_56 = tpu.memref_slice %arg2[%dma_start3A_54, %dma_start3A_55] : memref<10240x32xf32, #tpu.memory_space<hbm>> -> memref<10240x32xf32, #tpu.memory_space<hbm>>
    tpu.enqueue_indirect_dma source(%dma_start3A_56 : memref<10240x32xf32, #tpu.memory_space<hbm>>) target(%arg12 : memref<128x32xf32, #tpu.memory_space<vmem>>) offsets(%dma_start3A_53 : memref<128xi32, #tpu.memory_space<vmem>>) semaphore(%arg17 : memref<!tpu.dma_semaphore, #tpu.memory_space<semaphore_mem>>)
    %scan3A = arith.constant 0 : i32
    %scan3A_57 = arith.constant 9 : i32
    %scan3A_58 = arith.addi %scan3A, %scan3A_57 : i32
    %scan3A_59 = arith.constant 1 : i32
    scf.for %scan3A_235 = %scan3A to %scan3A_58 step %scan3A_59  : i32 {
      %mul3A_236 = arith.constant 4 : i32
      %mul3A_237 = arith.muli %scan3A_235, %mul3A_236 : i32
      %add3A_238 = arith.constant 2 : i32
      %add3A_239 = arith.addi %add3A_238, %mul3A_237 : i32
      %add3A_240 = arith.constant 0 : i32
      %add3A_241 = arith.addi %add3A_239, %add3A_240 : i32
      %dma_wait3A_242 = arith.constant 0 : i32
      %dma_wait3A_243 = tpu.memref_slice %arg7[%add3A_241, %dma_wait3A_242] : memref<40x128xi32, #tpu.memory_space<vmem>> -> memref<1x128xi32, #tpu.memory_space<vmem>>
      %dma_wait3A_244 = tpu.memref_squeeze %dma_wait3A_243 : memref<1x128xi32, #tpu.memory_space<vmem>> -> memref<128xi32, #tpu.memory_space<vmem>>
      %dma_wait3A_245 = arith.constant 0 : i32
      %dma_wait3A_246 = arith.constant 0 : i32
      %dma_wait3A_247 = tpu.memref_slice %arg2[%dma_wait3A_245, %dma_wait3A_246] : memref<10240x32xf32, #tpu.memory_space<hbm>> -> memref<10240x32xf32, #tpu.memory_space<hbm>>
      tpu.wait_indirect_dma semaphore(%arg16 : memref<!tpu.dma_semaphore, #tpu.memory_space<semaphore_mem>>) src(%dma_wait3A_247 : memref<10240x32xf32, #tpu.memory_space<hbm>>) dst(%arg11 : memref<128x32xf32, #tpu.memory_space<vmem>>)
      %dma_start3A_248 = arith.constant 0 : i32
      %dma_start3A_249 = tpu.memref_slice %arg8[%add3A_241, %dma_start3A_248] : memref<40x128xi32, #tpu.memory_space<vmem>> -> memref<1x128xi32, #tpu.memory_space<vmem>>
      %dma_start3A_250 = tpu.memref_squeeze %dma_start3A_249 : memref<1x128xi32, #tpu.memory_space<vmem>> -> memref<128xi32, #tpu.memory_space<vmem>>
      %dma_start3A_251 = arith.constant 0 : i32
      %dma_start3A_252 = arith.constant 0 : i32
      %dma_start3A_253 = tpu.memref_slice %arg13[%dma_start3A_251, %dma_start3A_252] : memref<10240x32xf32, #tpu.memory_space<vmem_shared>> -> memref<10240x32xf32, #tpu.memory_space<vmem_shared>>
      tpu.enqueue_indirect_dma source(%arg11 : memref<128x32xf32, #tpu.memory_space<vmem>>) target(%dma_start3A_253 : memref<10240x32xf32, #tpu.memory_space<vmem_shared>>) offsets(%dma_start3A_250 : memref<128xi32, #tpu.memory_space<vmem>>) semaphore(%arg20 : memref<!tpu.dma_semaphore, #tpu.memory_space<semaphore_mem>>) {add = true}
      %sub3A = arith.constant 2 : i32
      %sub3A_254 = arith.subi %add3A_241, %sub3A : i32
      %dma_wait3A_255 = arith.constant 0 : i32
      %dma_wait3A_256 = tpu.memref_slice %arg8[%sub3A_254, %dma_wait3A_255] : memref<40x128xi32, #tpu.memory_space<vmem>> -> memref<1x128xi32, #tpu.memory_space<vmem>>
      %dma_wait3A_257 = tpu.memref_squeeze %dma_wait3A_256 : memref<1x128xi32, #tpu.memory_space<vmem>> -> memref<128xi32, #tpu.memory_space<vmem>>
      %dma_wait3A_258 = arith.constant 0 : i32
      %dma_wait3A_259 = arith.constant 0 : i32
      %dma_wait3A_260 = tpu.memref_slice %arg13[%dma_wait3A_258, %dma_wait3A_259] : memref<10240x32xf32, #tpu.memory_space<vmem_shared>> -> memref<10240x32xf32, #tpu.memory_space<vmem_shared>>
      tpu.wait_indirect_dma semaphore(%arg18 : memref<!tpu.dma_semaphore, #tpu.memory_space<semaphore_mem>>) src(%arg9 : memref<128x32xf32, #tpu.memory_space<vmem>>) dst(%dma_wait3A_260 : memref<10240x32xf32, #tpu.memory_space<vmem_shared>>)
      %add3A_261 = arith.constant 2 : i32
      %add3A_262 = arith.addi %add3A_241, %add3A_261 : i32
      %dma_start3A_263 = arith.constant 0 : i32
      %dma_start3A_264 = tpu.memref_slice %arg7[%add3A_262, %dma_start3A_263] : memref<40x128xi32, #tpu.memory_space<vmem>> -> memref<1x128xi32, #tpu.memory_space<vmem>>
      %dma_start3A_265 = tpu.memref_squeeze %dma_start3A_264 : memref<1x128xi32, #tpu.memory_space<vmem>> -> memref<128xi32, #tpu.memory_space<vmem>>
      %dma_start3A_266 = arith.constant 0 : i32
      %dma_start3A_267 = arith.constant 0 : i32
      %dma_start3A_268 = tpu.memref_slice %arg2[%dma_start3A_266, %dma_start3A_267] : memref<10240x32xf32, #tpu.memory_space<hbm>> -> memref<10240x32xf32, #tpu.memory_space<hbm>>
      tpu.enqueue_indirect_dma source(%dma_start3A_268 : memref<10240x32xf32, #tpu.memory_space<hbm>>) target(%arg9 : memref<128x32xf32, #tpu.memory_space<vmem>>) offsets(%dma_start3A_265 : memref<128xi32, #tpu.memory_space<vmem>>) semaphore(%arg14 : memref<!tpu.dma_semaphore, #tpu.memory_space<semaphore_mem>>)
      %mul3A_269 = arith.constant 4 : i32
      %mul3A_270 = arith.muli %scan3A_235, %mul3A_269 : i32
      %add3A_271 = arith.constant 2 : i32
      %add3A_272 = arith.addi %add3A_271, %mul3A_270 : i32
      %add3A_273 = arith.constant 1 : i32
      %add3A_274 = arith.addi %add3A_272, %add3A_273 : i32
      %dma_wait3A_275 = arith.constant 0 : i32
      %dma_wait3A_276 = tpu.memref_slice %arg7[%add3A_274, %dma_wait3A_275] : memref<40x128xi32, #tpu.memory_space<vmem>> -> memref<1x128xi32, #tpu.memory_space<vmem>>
      %dma_wait3A_277 = tpu.memref_squeeze %dma_wait3A_276 : memref<1x128xi32, #tpu.memory_space<vmem>> -> memref<128xi32, #tpu.memory_space<vmem>>
      %dma_wait3A_278 = arith.constant 0 : i32
      %dma_wait3A_279 = arith.constant 0 : i32
      %dma_wait3A_280 = tpu.memref_slice %arg2[%dma_wait3A_278, %dma_wait3A_279] : memref<10240x32xf32, #tpu.memory_space<hbm>> -> memref<10240x32xf32, #tpu.memory_space<hbm>>
      tpu.wait_indirect_dma semaphore(%arg17 : memref<!tpu.dma_semaphore, #tpu.memory_space<semaphore_mem>>) src(%dma_wait3A_280 : memref<10240x32xf32, #tpu.memory_space<hbm>>) dst(%arg12 : memref<128x32xf32, #tpu.memory_space<vmem>>)
      %dma_start3A_281 = arith.constant 0 : i32
      %dma_start3A_282 = tpu.memref_slice %arg8[%add3A_274, %dma_start3A_281] : memref<40x128xi32, #tpu.memory_space<vmem>> -> memref<1x128xi32, #tpu.memory_space<vmem>>
      %dma_start3A_283 = tpu.memref_squeeze %dma_start3A_282 : memref<1x128xi32, #tpu.memory_space<vmem>> -> memref<128xi32, #tpu.memory_space<vmem>>
      %dma_start3A_284 = arith.constant 0 : i32
      %dma_start3A_285 = arith.constant 0 : i32
      %dma_start3A_286 = tpu.memref_slice %arg13[%dma_start3A_284, %dma_start3A_285] : memref<10240x32xf32, #tpu.memory_space<vmem_shared>> -> memref<10240x32xf32, #tpu.memory_space<vmem_shared>>
      tpu.enqueue_indirect_dma source(%arg12 : memref<128x32xf32, #tpu.memory_space<vmem>>) target(%dma_start3A_286 : memref<10240x32xf32, #tpu.memory_space<vmem_shared>>) offsets(%dma_start3A_283 : memref<128xi32, #tpu.memory_space<vmem>>) semaphore(%arg21 : memref<!tpu.dma_semaphore, #tpu.memory_space<semaphore_mem>>) {add = true}
      %sub3A_287 = arith.constant 2 : i32
      %sub3A_288 = arith.subi %add3A_274, %sub3A_287 : i32
      %dma_wait3A_289 = arith.constant 0 : i32
      %dma_wait3A_290 = tpu.memref_slice %arg8[%sub3A_288, %dma_wait3A_289] : memref<40x128xi32, #tpu.memory_space<vmem>> -> memref<1x128xi32, #tpu.memory_space<vmem>>
      %dma_wait3A_291 = tpu.memref_squeeze %dma_wait3A_290 : memref<1x128xi32, #tpu.memory_space<vmem>> -> memref<128xi32, #tpu.memory_space<vmem>>
      %dma_wait3A_292 = arith.constant 0 : i32
      %dma_wait3A_293 = arith.constant 0 : i32
      %dma_wait3A_294 = tpu.memref_slice %arg13[%dma_wait3A_292, %dma_wait3A_293] : memref<10240x32xf32, #tpu.memory_space<vmem_shared>> -> memref<10240x32xf32, #tpu.memory_space<vmem_shared>>
      tpu.wait_indirect_dma semaphore(%arg19 : memref<!tpu.dma_semaphore, #tpu.memory_space<semaphore_mem>>) src(%arg10 : memref<128x32xf32, #tpu.memory_space<vmem>>) dst(%dma_wait3A_294 : memref<10240x32xf32, #tpu.memory_space<vmem_shared>>)
      %add3A_295 = arith.constant 2 : i32
      %add3A_296 = arith.addi %add3A_274, %add3A_295 : i32
      %dma_start3A_297 = arith.constant 0 : i32
      %dma_start3A_298 = tpu.memref_slice %arg7[%add3A_296, %dma_start3A_297] : memref<40x128xi32, #tpu.memory_space<vmem>> -> memref<1x128xi32, #tpu.memory_space<vmem>>
      %dma_start3A_299 = tpu.memref_squeeze %dma_start3A_298 : memref<1x128xi32, #tpu.memory_space<vmem>> -> memref<128xi32, #tpu.memory_space<vmem>>
      %dma_start3A_300 = arith.constant 0 : i32
      %dma_start3A_301 = arith.constant 0 : i32
      %dma_start3A_302 = tpu.memref_slice %arg2[%dma_start3A_300, %dma_start3A_301] : memref<10240x32xf32, #tpu.memory_space<hbm>> -> memref<10240x32xf32, #tpu.memory_space<hbm>>
      tpu.enqueue_indirect_dma source(%dma_start3A_302 : memref<10240x32xf32, #tpu.memory_space<hbm>>) target(%arg10 : memref<128x32xf32, #tpu.memory_space<vmem>>) offsets(%dma_start3A_299 : memref<128xi32, #tpu.memory_space<vmem>>) semaphore(%arg15 : memref<!tpu.dma_semaphore, #tpu.memory_space<semaphore_mem>>)
      %mul3A_303 = arith.constant 4 : i32
      %mul3A_304 = arith.muli %scan3A_235, %mul3A_303 : i32
      %add3A_305 = arith.constant 2 : i32
      %add3A_306 = arith.addi %add3A_305, %mul3A_304 : i32
      %add3A_307 = arith.constant 2 : i32
      %add3A_308 = arith.addi %add3A_306, %add3A_307 : i32
      %dma_wait3A_309 = arith.constant 0 : i32
      %dma_wait3A_310 = tpu.memref_slice %arg7[%add3A_308, %dma_wait3A_309] : memref<40x128xi32, #tpu.memory_space<vmem>> -> memref<1x128xi32, #tpu.memory_space<vmem>>
      %dma_wait3A_311 = tpu.memref_squeeze %dma_wait3A_310 : memref<1x128xi32, #tpu.memory_space<vmem>> -> memref<128xi32, #tpu.memory_space<vmem>>
      %dma_wait3A_312 = arith.constant 0 : i32
      %dma_wait3A_313 = arith.constant 0 : i32
      %dma_wait3A_314 = tpu.memref_slice %arg2[%dma_wait3A_312, %dma_wait3A_313] : memref<10240x32xf32, #tpu.memory_space<hbm>> -> memref<10240x32xf32, #tpu.memory_space<hbm>>
      tpu.wait_indirect_dma semaphore(%arg14 : memref<!tpu.dma_semaphore, #tpu.memory_space<semaphore_mem>>) src(%dma_wait3A_314 : memref<10240x32xf32, #tpu.memory_space<hbm>>) dst(%arg9 : memref<128x32xf32, #tpu.memory_space<vmem>>)
      %dma_start3A_315 = arith.constant 0 : i32
      %dma_start3A_316 = tpu.memref_slice %arg8[%add3A_308, %dma_start3A_315] : memref<40x128xi32, #tpu.memory_space<vmem>> -> memref<1x128xi32, #tpu.memory_space<vmem>>
      %dma_start3A_317 = tpu.memref_squeeze %dma_start3A_316 : memref<1x128xi32, #tpu.memory_space<vmem>> -> memref<128xi32, #tpu.memory_space<vmem>>
      %dma_start3A_318 = arith.constant 0 : i32
      %dma_start3A_319 = arith.constant 0 : i32
      %dma_start3A_320 = tpu.memref_slice %arg13[%dma_start3A_318, %dma_start3A_319] : memref<10240x32xf32, #tpu.memory_space<vmem_shared>> -> memref<10240x32xf32, #tpu.memory_space<vmem_shared>>
      tpu.enqueue_indirect_dma source(%arg9 : memref<128x32xf32, #tpu.memory_space<vmem>>) target(%dma_start3A_320 : memref<10240x32xf32, #tpu.memory_space<vmem_shared>>) offsets(%dma_start3A_317 : memref<128xi32, #tpu.memory_space<vmem>>) semaphore(%arg18 : memref<!tpu.dma_semaphore, #tpu.memory_space<semaphore_mem>>) {add = true}
      %sub3A_321 = arith.constant 2 : i32
      %sub3A_322 = arith.subi %add3A_308, %sub3A_321 : i32
      %dma_wait3A_323 = arith.constant 0 : i32
      %dma_wait3A_324 = tpu.memref_slice %arg8[%sub3A_322, %dma_wait3A_323] : memref<40x128xi32, #tpu.memory_space<vmem>> -> memref<1x128xi32, #tpu.memory_space<vmem>>
      %dma_wait3A_325 = tpu.memref_squeeze %dma_wait3A_324 : memref<1x128xi32, #tpu.memory_space<vmem>> -> memref<128xi32, #tpu.memory_space<vmem>>
      %dma_wait3A_326 = arith.constant 0 : i32
      %dma_wait3A_327 = arith.constant 0 : i32
      %dma_wait3A_328 = tpu.memref_slice %arg13[%dma_wait3A_326, %dma_wait3A_327] : memref<10240x32xf32, #tpu.memory_space<vmem_shared>> -> memref<10240x32xf32, #tpu.memory_space<vmem_shared>>
      tpu.wait_indirect_dma semaphore(%arg20 : memref<!tpu.dma_semaphore, #tpu.memory_space<semaphore_mem>>) src(%arg11 : memref<128x32xf32, #tpu.memory_space<vmem>>) dst(%dma_wait3A_328 : memref<10240x32xf32, #tpu.memory_space<vmem_shared>>)
      %add3A_329 = arith.constant 2 : i32
      %add3A_330 = arith.addi %add3A_308, %add3A_329 : i32
      %dma_start3A_331 = arith.constant 0 : i32
      %dma_start3A_332 = tpu.memref_slice %arg7[%add3A_330, %dma_start3A_331] : memref<40x128xi32, #tpu.memory_space<vmem>> -> memref<1x128xi32, #tpu.memory_space<vmem>>
      %dma_start3A_333 = tpu.memref_squeeze %dma_start3A_332 : memref<1x128xi32, #tpu.memory_space<vmem>> -> memref<128xi32, #tpu.memory_space<vmem>>
      %dma_start3A_334 = arith.constant 0 : i32
      %dma_start3A_335 = arith.constant 0 : i32
      %dma_start3A_336 = tpu.memref_slice %arg2[%dma_start3A_334, %dma_start3A_335] : memref<10240x32xf32, #tpu.memory_space<hbm>> -> memref<10240x32xf32, #tpu.memory_space<hbm>>
      tpu.enqueue_indirect_dma source(%dma_start3A_336 : memref<10240x32xf32, #tpu.memory_space<hbm>>) target(%arg11 : memref<128x32xf32, #tpu.memory_space<vmem>>) offsets(%dma_start3A_333 : memref<128xi32, #tpu.memory_space<vmem>>) semaphore(%arg16 : memref<!tpu.dma_semaphore, #tpu.memory_space<semaphore_mem>>)
      %mul3A_337 = arith.constant 4 : i32
      %mul3A_338 = arith.muli %scan3A_235, %mul3A_337 : i32
      %add3A_339 = arith.constant 2 : i32
      %add3A_340 = arith.addi %add3A_339, %mul3A_338 : i32
      %add3A_341 = arith.constant 3 : i32
      %add3A_342 = arith.addi %add3A_340, %add3A_341 : i32
      %dma_wait3A_343 = arith.constant 0 : i32
      %dma_wait3A_344 = tpu.memref_slice %arg7[%add3A_342, %dma_wait3A_343] : memref<40x128xi32, #tpu.memory_space<vmem>> -> memref<1x128xi32, #tpu.memory_space<vmem>>
      %dma_wait3A_345 = tpu.memref_squeeze %dma_wait3A_344 : memref<1x128xi32, #tpu.memory_space<vmem>> -> memref<128xi32, #tpu.memory_space<vmem>>
      %dma_wait3A_346 = arith.constant 0 : i32
      %dma_wait3A_347 = arith.constant 0 : i32
      %dma_wait3A_348 = tpu.memref_slice %arg2[%dma_wait3A_346, %dma_wait3A_347] : memref<10240x32xf32, #tpu.memory_space<hbm>> -> memref<10240x32xf32, #tpu.memory_space<hbm>>
      tpu.wait_indirect_dma semaphore(%arg15 : memref<!tpu.dma_semaphore, #tpu.memory_space<semaphore_mem>>) src(%dma_wait3A_348 : memref<10240x32xf32, #tpu.memory_space<hbm>>) dst(%arg10 : memref<128x32xf32, #tpu.memory_space<vmem>>)
      %dma_start3A_349 = arith.constant 0 : i32
      %dma_start3A_350 = tpu.memref_slice %arg8[%add3A_342, %dma_start3A_349] : memref<40x128xi32, #tpu.memory_space<vmem>> -> memref<1x128xi32, #tpu.memory_space<vmem>>
      %dma_start3A_351 = tpu.memref_squeeze %dma_start3A_350 : memref<1x128xi32, #tpu.memory_space<vmem>> -> memref<128xi32, #tpu.memory_space<vmem>>
      %dma_start3A_352 = arith.constant 0 : i32
      %dma_start3A_353 = arith.constant 0 : i32
      %dma_start3A_354 = tpu.memref_slice %arg13[%dma_start3A_352, %dma_start3A_353] : memref<10240x32xf32, #tpu.memory_space<vmem_shared>> -> memref<10240x32xf32, #tpu.memory_space<vmem_shared>>
      tpu.enqueue_indirect_dma source(%arg10 : memref<128x32xf32, #tpu.memory_space<vmem>>) target(%dma_start3A_354 : memref<10240x32xf32, #tpu.memory_space<vmem_shared>>) offsets(%dma_start3A_351 : memref<128xi32, #tpu.memory_space<vmem>>) semaphore(%arg19 : memref<!tpu.dma_semaphore, #tpu.memory_space<semaphore_mem>>) {add = true}
      %sub3A_355 = arith.constant 2 : i32
      %sub3A_356 = arith.subi %add3A_342, %sub3A_355 : i32
      %dma_wait3A_357 = arith.constant 0 : i32
      %dma_wait3A_358 = tpu.memref_slice %arg8[%sub3A_356, %dma_wait3A_357] : memref<40x128xi32, #tpu.memory_space<vmem>> -> memref<1x128xi32, #tpu.memory_space<vmem>>
      %dma_wait3A_359 = tpu.memref_squeeze %dma_wait3A_358 : memref<1x128xi32, #tpu.memory_space<vmem>> -> memref<128xi32, #tpu.memory_space<vmem>>
      %dma_wait3A_360 = arith.constant 0 : i32
      %dma_wait3A_361 = arith.constant 0 : i32
      %dma_wait3A_362 = tpu.memref_slice %arg13[%dma_wait3A_360, %dma_wait3A_361] : memref<10240x32xf32, #tpu.memory_space<vmem_shared>> -> memref<10240x32xf32, #tpu.memory_space<vmem_shared>>
      tpu.wait_indirect_dma semaphore(%arg21 : memref<!tpu.dma_semaphore, #tpu.memory_space<semaphore_mem>>) src(%arg12 : memref<128x32xf32, #tpu.memory_space<vmem>>) dst(%dma_wait3A_362 : memref<10240x32xf32, #tpu.memory_space<vmem_shared>>)
      %add3A_363 = arith.constant 2 : i32
      %add3A_364 = arith.addi %add3A_342, %add3A_363 : i32
      %dma_start3A_365 = arith.constant 0 : i32
      %dma_start3A_366 = tpu.memref_slice %arg7[%add3A_364, %dma_start3A_365] : memref<40x128xi32, #tpu.memory_space<vmem>> -> memref<1x128xi32, #tpu.memory_space<vmem>>
      %dma_start3A_367 = tpu.memref_squeeze %dma_start3A_366 : memref<1x128xi32, #tpu.memory_space<vmem>> -> memref<128xi32, #tpu.memory_space<vmem>>
      %dma_start3A_368 = arith.constant 0 : i32
      %dma_start3A_369 = arith.constant 0 : i32
      %dma_start3A_370 = tpu.memref_slice %arg2[%dma_start3A_368, %dma_start3A_369] : memref<10240x32xf32, #tpu.memory_space<hbm>> -> memref<10240x32xf32, #tpu.memory_space<hbm>>
      tpu.enqueue_indirect_dma source(%dma_start3A_370 : memref<10240x32xf32, #tpu.memory_space<hbm>>) target(%arg12 : memref<128x32xf32, #tpu.memory_space<vmem>>) offsets(%dma_start3A_367 : memref<128xi32, #tpu.memory_space<vmem>>) semaphore(%arg17 : memref<!tpu.dma_semaphore, #tpu.memory_space<semaphore_mem>>)
    }
    %scan3A_60 = arith.constant 9 : i32
    %dma_wait3A_61 = arith.constant 38 : i32
    %dma_wait3A_62 = arith.constant 0 : i32
    %dma_wait3A_63 = tpu.memref_slice %arg7[%dma_wait3A_61, %dma_wait3A_62] : memref<40x128xi32, #tpu.memory_space<vmem>> -> memref<1x128xi32, #tpu.memory_space<vmem>>
    %dma_wait3A_64 = tpu.memref_squeeze %dma_wait3A_63 : memref<1x128xi32, #tpu.memory_space<vmem>> -> memref<128xi32, #tpu.memory_space<vmem>>
    %dma_wait3A_65 = arith.constant 0 : i32
    %dma_wait3A_66 = arith.constant 0 : i32
    %dma_wait3A_67 = tpu.memref_slice %arg2[%dma_wait3A_65, %dma_wait3A_66] : memref<10240x32xf32, #tpu.memory_space<hbm>> -> memref<10240x32xf32, #tpu.memory_space<hbm>>
    tpu.wait_indirect_dma semaphore(%arg16 : memref<!tpu.dma_semaphore, #tpu.memory_space<semaphore_mem>>) src(%dma_wait3A_67 : memref<10240x32xf32, #tpu.memory_space<hbm>>) dst(%arg11 : memref<128x32xf32, #tpu.memory_space<vmem>>)
    %dma_start3A_68 = arith.constant 38 : i32
    %dma_start3A_69 = arith.constant 0 : i32
    %dma_start3A_70 = tpu.memref_slice %arg8[%dma_start3A_68, %dma_start3A_69] : memref<40x128xi32, #tpu.memory_space<vmem>> -> memref<1x128xi32, #tpu.memory_space<vmem>>
    %dma_start3A_71 = tpu.memref_squeeze %dma_start3A_70 : memref<1x128xi32, #tpu.memory_space<vmem>> -> memref<128xi32, #tpu.memory_space<vmem>>
    %dma_start3A_72 = arith.constant 0 : i32
    %dma_start3A_73 = arith.constant 0 : i32
    %dma_start3A_74 = tpu.memref_slice %arg13[%dma_start3A_72, %dma_start3A_73] : memref<10240x32xf32, #tpu.memory_space<vmem_shared>> -> memref<10240x32xf32, #tpu.memory_space<vmem_shared>>
    tpu.enqueue_indirect_dma source(%arg11 : memref<128x32xf32, #tpu.memory_space<vmem>>) target(%dma_start3A_74 : memref<10240x32xf32, #tpu.memory_space<vmem_shared>>) offsets(%dma_start3A_71 : memref<128xi32, #tpu.memory_space<vmem>>) semaphore(%arg20 : memref<!tpu.dma_semaphore, #tpu.memory_space<semaphore_mem>>) {add = true}
    %dma_wait3A_75 = arith.constant 36 : i32
    %dma_wait3A_76 = arith.constant 0 : i32
    %dma_wait3A_77 = tpu.memref_slice %arg8[%dma_wait3A_75, %dma_wait3A_76] : memref<40x128xi32, #tpu.memory_space<vmem>> -> memref<1x128xi32, #tpu.memory_space<vmem>>
    %dma_wait3A_78 = tpu.memref_squeeze %dma_wait3A_77 : memref<1x128xi32, #tpu.memory_space<vmem>> -> memref<128xi32, #tpu.memory_space<vmem>>
    %dma_wait3A_79 = arith.constant 0 : i32
    %dma_wait3A_80 = arith.constant 0 : i32
    %dma_wait3A_81 = tpu.memref_slice %arg13[%dma_wait3A_79, %dma_wait3A_80] : memref<10240x32xf32, #tpu.memory_space<vmem_shared>> -> memref<10240x32xf32, #tpu.memory_space<vmem_shared>>
    tpu.wait_indirect_dma semaphore(%arg18 : memref<!tpu.dma_semaphore, #tpu.memory_space<semaphore_mem>>) src(%arg9 : memref<128x32xf32, #tpu.memory_space<vmem>>) dst(%dma_wait3A_81 : memref<10240x32xf32, #tpu.memory_space<vmem_shared>>)
    %dma_wait3A_82 = arith.constant 39 : i32
    %dma_wait3A_83 = arith.constant 0 : i32
    %dma_wait3A_84 = tpu.memref_slice %arg7[%dma_wait3A_82, %dma_wait3A_83] : memref<40x128xi32, #tpu.memory_space<vmem>> -> memref<1x128xi32, #tpu.memory_space<vmem>>
    %dma_wait3A_85 = tpu.memref_squeeze %dma_wait3A_84 : memref<1x128xi32, #tpu.memory_space<vmem>> -> memref<128xi32, #tpu.memory_space<vmem>>
    %dma_wait3A_86 = arith.constant 0 : i32
    %dma_wait3A_87 = arith.constant 0 : i32
    %dma_wait3A_88 = tpu.memref_slice %arg2[%dma_wait3A_86, %dma_wait3A_87] : memref<10240x32xf32, #tpu.memory_space<hbm>> -> memref<10240x32xf32, #tpu.memory_space<hbm>>
    tpu.wait_indirect_dma semaphore(%arg17 : memref<!tpu.dma_semaphore, #tpu.memory_space<semaphore_mem>>) src(%dma_wait3A_88 : memref<10240x32xf32, #tpu.memory_space<hbm>>) dst(%arg12 : memref<128x32xf32, #tpu.memory_space<vmem>>)
    %dma_start3A_89 = arith.constant 39 : i32
    %dma_start3A_90 = arith.constant 0 : i32
    %dma_start3A_91 = tpu.memref_slice %arg8[%dma_start3A_89, %dma_start3A_90] : memref<40x128xi32, #tpu.memory_space<vmem>> -> memref<1x128xi32, #tpu.memory_space<vmem>>
    %dma_start3A_92 = tpu.memref_squeeze %dma_start3A_91 : memref<1x128xi32, #tpu.memory_space<vmem>> -> memref<128xi32, #tpu.memory_space<vmem>>
    %dma_start3A_93 = arith.constant 0 : i32
    %dma_start3A_94 = arith.constant 0 : i32
    %dma_start3A_95 = tpu.memref_slice %arg13[%dma_start3A_93, %dma_start3A_94] : memref<10240x32xf32, #tpu.memory_space<vmem_shared>> -> memref<10240x32xf32, #tpu.memory_space<vmem_shared>>
    tpu.enqueue_indirect_dma source(%arg12 : memref<128x32xf32, #tpu.memory_space<vmem>>) target(%dma_start3A_95 : memref<10240x32xf32, #tpu.memory_space<vmem_shared>>) offsets(%dma_start3A_92 : memref<128xi32, #tpu.memory_space<vmem>>) semaphore(%arg21 : memref<!tpu.dma_semaphore, #tpu.memory_space<semaphore_mem>>) {add = true}
    %dma_wait3A_96 = arith.constant 37 : i32
    %dma_wait3A_97 = arith.constant 0 : i32
    %dma_wait3A_98 = tpu.memref_slice %arg8[%dma_wait3A_96, %dma_wait3A_97] : memref<40x128xi32, #tpu.memory_space<vmem>> -> memref<1x128xi32, #tpu.memory_space<vmem>>
    %dma_wait3A_99 = tpu.memref_squeeze %dma_wait3A_98 : memref<1x128xi32, #tpu.memory_space<vmem>> -> memref<128xi32, #tpu.memory_space<vmem>>
    %dma_wait3A_100 = arith.constant 0 : i32
    %dma_wait3A_101 = arith.constant 0 : i32
    %dma_wait3A_102 = tpu.memref_slice %arg13[%dma_wait3A_100, %dma_wait3A_101] : memref<10240x32xf32, #tpu.memory_space<vmem_shared>> -> memref<10240x32xf32, #tpu.memory_space<vmem_shared>>
    tpu.wait_indirect_dma semaphore(%arg19 : memref<!tpu.dma_semaphore, #tpu.memory_space<semaphore_mem>>) src(%arg10 : memref<128x32xf32, #tpu.memory_space<vmem>>) dst(%dma_wait3A_102 : memref<10240x32xf32, #tpu.memory_space<vmem_shared>>)
    %dma_wait3A_103 = arith.constant 38 : i32
    %dma_wait3A_104 = arith.constant 0 : i32
    %dma_wait3A_105 = tpu.memref_slice %arg8[%dma_wait3A_103, %dma_wait3A_104] : memref<40x128xi32, #tpu.memory_space<vmem>> -> memref<1x128xi32, #tpu.memory_space<vmem>>
    %dma_wait3A_106 = tpu.memref_squeeze %dma_wait3A_105 : memref<1x128xi32, #tpu.memory_space<vmem>> -> memref<128xi32, #tpu.memory_space<vmem>>
    %dma_wait3A_107 = arith.constant 0 : i32
    %dma_wait3A_108 = arith.constant 0 : i32
    %dma_wait3A_109 = tpu.memref_slice %arg13[%dma_wait3A_107, %dma_wait3A_108] : memref<10240x32xf32, #tpu.memory_space<vmem_shared>> -> memref<10240x32xf32, #tpu.memory_space<vmem_shared>>
    tpu.wait_indirect_dma semaphore(%arg20 : memref<!tpu.dma_semaphore, #tpu.memory_space<semaphore_mem>>) src(%arg11 : memref<128x32xf32, #tpu.memory_space<vmem>>) dst(%dma_wait3A_109 : memref<10240x32xf32, #tpu.memory_space<vmem_shared>>)
    %dma_wait3A_110 = arith.constant 39 : i32
    %dma_wait3A_111 = arith.constant 0 : i32
    %dma_wait3A_112 = tpu.memref_slice %arg8[%dma_wait3A_110, %dma_wait3A_111] : memref<40x128xi32, #tpu.memory_space<vmem>> -> memref<1x128xi32, #tpu.memory_space<vmem>>
    %dma_wait3A_113 = tpu.memref_squeeze %dma_wait3A_112 : memref<1x128xi32, #tpu.memory_space<vmem>> -> memref<128xi32, #tpu.memory_space<vmem>>
    %dma_wait3A_114 = arith.constant 0 : i32
    %dma_wait3A_115 = arith.constant 0 : i32
    %dma_wait3A_116 = tpu.memref_slice %arg13[%dma_wait3A_114, %dma_wait3A_115] : memref<10240x32xf32, #tpu.memory_space<vmem_shared>> -> memref<10240x32xf32, #tpu.memory_space<vmem_shared>>
    tpu.wait_indirect_dma semaphore(%arg21 : memref<!tpu.dma_semaphore, #tpu.memory_space<semaphore_mem>>) src(%arg12 : memref<128x32xf32, #tpu.memory_space<vmem>>) dst(%dma_wait3A_116 : memref<10240x32xf32, #tpu.memory_space<vmem_shared>>)
    "tpu.region"() ({
      %run_scoped3A = tpu.sem_alloc : memref<!tpu.dma_semaphore, #tpu.memory_space<semaphore_mem>>
      %dma_start3A_235 = arith.constant 0 : i32
      %dma_start3A_236 = arith.constant 0 : i32
      %dma_start3A_237 = tpu.memref_slice %arg3[%add3A, %dma_start3A_235, %dma_start3A_236] : memref<32x80x128xi32, #tpu.memory_space<hbm>> -> memref<1x80x128xi32, #tpu.memory_space<hbm>>
      %dma_start3A_238 = tpu.memref_squeeze %dma_start3A_237 : memref<1x80x128xi32, #tpu.memory_space<hbm>> -> memref<80x128xi32, #tpu.memory_space<hbm>>
      %dma_start3A_239 = arith.constant 40 : i32
      %dma_start3A_240 = arith.constant 0 : i32
      %dma_start3A_241 = tpu.memref_slice %dma_start3A_238[%dma_start3A_239, %dma_start3A_240] : memref<80x128xi32, #tpu.memory_space<hbm>> -> memref<40x128xi32, #tpu.memory_space<hbm>>
      %dma_start3A_242 = arith.constant 0 : i32
      %dma_start3A_243 = arith.constant 0 : i32
      %dma_start3A_244 = tpu.memref_slice %arg3[%add3A, %dma_start3A_242, %dma_start3A_243] : memref<32x80x128xi32, #tpu.memory_space<hbm>> -> memref<1x80x128xi32, #tpu.memory_space<hbm>>
      %dma_start3A_245 = tpu.memref_squeeze %dma_start3A_244 : memref<1x80x128xi32, #tpu.memory_space<hbm>> -> memref<80x128xi32, #tpu.memory_space<hbm>>
      %dma_start3A_246 = arith.constant 40 : i32
      %dma_start3A_247 = arith.constant 0 : i32
      %dma_start3A_248 = tpu.memref_slice %dma_start3A_245[%dma_start3A_246, %dma_start3A_247] : memref<80x128xi32, #tpu.memory_space<hbm>> -> memref<40x128xi32, #tpu.memory_space<hbm>>
      tpu.enqueue_dma source(%dma_start3A_248 : memref<40x128xi32, #tpu.memory_space<hbm>>) target(%arg7 : memref<40x128xi32, #tpu.memory_space<vmem>>) target_semaphore(%run_scoped3A : memref<!tpu.dma_semaphore, #tpu.memory_space<semaphore_mem>>)
      %dma_wait3A_249 = arith.constant 0 : i32
      %dma_wait3A_250 = arith.constant 0 : i32
      %dma_wait3A_251 = tpu.memref_slice %arg3[%add3A, %dma_wait3A_249, %dma_wait3A_250] : memref<32x80x128xi32, #tpu.memory_space<hbm>> -> memref<1x80x128xi32, #tpu.memory_space<hbm>>
      %dma_wait3A_252 = tpu.memref_squeeze %dma_wait3A_251 : memref<1x80x128xi32, #tpu.memory_space<hbm>> -> memref<80x128xi32, #tpu.memory_space<hbm>>
      %dma_wait3A_253 = arith.constant 40 : i32
      %dma_wait3A_254 = arith.constant 0 : i32
      %dma_wait3A_255 = tpu.memref_slice %dma_wait3A_252[%dma_wait3A_253, %dma_wait3A_254] : memref<80x128xi32, #tpu.memory_space<hbm>> -> memref<40x128xi32, #tpu.memory_space<hbm>>
      %dma_wait3A_256 = arith.constant 0 : i32
      %dma_wait3A_257 = arith.constant 0 : i32
      %dma_wait3A_258 = tpu.memref_slice %arg3[%add3A, %dma_wait3A_256, %dma_wait3A_257] : memref<32x80x128xi32, #tpu.memory_space<hbm>> -> memref<1x80x128xi32, #tpu.memory_space<hbm>>
      %dma_wait3A_259 = tpu.memref_squeeze %dma_wait3A_258 : memref<1x80x128xi32, #tpu.memory_space<hbm>> -> memref<80x128xi32, #tpu.memory_space<hbm>>
      %dma_wait3A_260 = arith.constant 40 : i32
      %dma_wait3A_261 = arith.constant 0 : i32
      %dma_wait3A_262 = tpu.memref_slice %dma_wait3A_259[%dma_wait3A_260, %dma_wait3A_261] : memref<80x128xi32, #tpu.memory_space<hbm>> -> memref<40x128xi32, #tpu.memory_space<hbm>>
      tpu.wait_dma2 semaphore(%run_scoped3A : memref<!tpu.dma_semaphore, #tpu.memory_space<semaphore_mem>>) src(%dma_wait3A_262 : memref<40x128xi32, #tpu.memory_space<hbm>>) dst(%arg7 : memref<40x128xi32, #tpu.memory_space<vmem>>)
      tpu.yield
    }) : () -> ()
    "tpu.region"() ({
      %run_scoped3A = tpu.sem_alloc : memref<!tpu.dma_semaphore, #tpu.memory_space<semaphore_mem>>
      %dma_start3A_235 = arith.constant 0 : i32
      %dma_start3A_236 = arith.constant 0 : i32
      %dma_start3A_237 = tpu.memref_slice %arg4[%add3A, %dma_start3A_235, %dma_start3A_236] : memref<32x80x128xi32, #tpu.memory_space<hbm>> -> memref<1x80x128xi32, #tpu.memory_space<hbm>>
      %dma_start3A_238 = tpu.memref_squeeze %dma_start3A_237 : memref<1x80x128xi32, #tpu.memory_space<hbm>> -> memref<80x128xi32, #tpu.memory_space<hbm>>
      %dma_start3A_239 = arith.constant 40 : i32
      %dma_start3A_240 = arith.constant 0 : i32
      %dma_start3A_241 = tpu.memref_slice %dma_start3A_238[%dma_start3A_239, %dma_start3A_240] : memref<80x128xi32, #tpu.memory_space<hbm>> -> memref<40x128xi32, #tpu.memory_space<hbm>>
      %dma_start3A_242 = arith.constant 0 : i32
      %dma_start3A_243 = arith.constant 0 : i32
      %dma_start3A_244 = tpu.memref_slice %arg4[%add3A, %dma_start3A_242, %dma_start3A_243] : memref<32x80x128xi32, #tpu.memory_space<hbm>> -> memref<1x80x128xi32, #tpu.memory_space<hbm>>
      %dma_start3A_245 = tpu.memref_squeeze %dma_start3A_244 : memref<1x80x128xi32, #tpu.memory_space<hbm>> -> memref<80x128xi32, #tpu.memory_space<hbm>>
      %dma_start3A_246 = arith.constant 40 : i32
      %dma_start3A_247 = arith.constant 0 : i32
      %dma_start3A_248 = tpu.memref_slice %dma_start3A_245[%dma_start3A_246, %dma_start3A_247] : memref<80x128xi32, #tpu.memory_space<hbm>> -> memref<40x128xi32, #tpu.memory_space<hbm>>
      tpu.enqueue_dma source(%dma_start3A_248 : memref<40x128xi32, #tpu.memory_space<hbm>>) target(%arg8 : memref<40x128xi32, #tpu.memory_space<vmem>>) target_semaphore(%run_scoped3A : memref<!tpu.dma_semaphore, #tpu.memory_space<semaphore_mem>>)
      %dma_wait3A_249 = arith.constant 0 : i32
      %dma_wait3A_250 = arith.constant 0 : i32
      %dma_wait3A_251 = tpu.memref_slice %arg4[%add3A, %dma_wait3A_249, %dma_wait3A_250] : memref<32x80x128xi32, #tpu.memory_space<hbm>> -> memref<1x80x128xi32, #tpu.memory_space<hbm>>
      %dma_wait3A_252 = tpu.memref_squeeze %dma_wait3A_251 : memref<1x80x128xi32, #tpu.memory_space<hbm>> -> memref<80x128xi32, #tpu.memory_space<hbm>>
      %dma_wait3A_253 = arith.constant 40 : i32
      %dma_wait3A_254 = arith.constant 0 : i32
      %dma_wait3A_255 = tpu.memref_slice %dma_wait3A_252[%dma_wait3A_253, %dma_wait3A_254] : memref<80x128xi32, #tpu.memory_space<hbm>> -> memref<40x128xi32, #tpu.memory_space<hbm>>
      %dma_wait3A_256 = arith.constant 0 : i32
      %dma_wait3A_257 = arith.constant 0 : i32
      %dma_wait3A_258 = tpu.memref_slice %arg4[%add3A, %dma_wait3A_256, %dma_wait3A_257] : memref<32x80x128xi32, #tpu.memory_space<hbm>> -> memref<1x80x128xi32, #tpu.memory_space<hbm>>
      %dma_wait3A_259 = tpu.memref_squeeze %dma_wait3A_258 : memref<1x80x128xi32, #tpu.memory_space<hbm>> -> memref<80x128xi32, #tpu.memory_space<hbm>>
      %dma_wait3A_260 = arith.constant 40 : i32
      %dma_wait3A_261 = arith.constant 0 : i32
      %dma_wait3A_262 = tpu.memref_slice %dma_wait3A_259[%dma_wait3A_260, %dma_wait3A_261] : memref<80x128xi32, #tpu.memory_space<hbm>> -> memref<40x128xi32, #tpu.memory_space<hbm>>
      tpu.wait_dma2 semaphore(%run_scoped3A : memref<!tpu.dma_semaphore, #tpu.memory_space<semaphore_mem>>) src(%dma_wait3A_262 : memref<40x128xi32, #tpu.memory_space<hbm>>) dst(%arg8 : memref<40x128xi32, #tpu.memory_space<vmem>>)
      tpu.yield
    }) : () -> ()
    %dma_start3A_117 = arith.constant 0 : i32
    %dma_start3A_118 = arith.constant 0 : i32
    %dma_start3A_119 = tpu.memref_slice %arg7[%dma_start3A_117, %dma_start3A_118] : memref<40x128xi32, #tpu.memory_space<vmem>> -> memref<1x128xi32, #tpu.memory_space<vmem>>
    %dma_start3A_120 = tpu.memref_squeeze %dma_start3A_119 : memref<1x128xi32, #tpu.memory_space<vmem>> -> memref<128xi32, #tpu.memory_space<vmem>>
    %dma_start3A_121 = arith.constant 0 : i32
    %dma_start3A_122 = arith.constant 0 : i32
    %dma_start3A_123 = tpu.memref_slice %arg2[%dma_start3A_121, %dma_start3A_122] : memref<10240x32xf32, #tpu.memory_space<hbm>> -> memref<10240x32xf32, #tpu.memory_space<hbm>>
    tpu.enqueue_indirect_dma source(%dma_start3A_123 : memref<10240x32xf32, #tpu.memory_space<hbm>>) target(%arg9 : memref<128x32xf32, #tpu.memory_space<vmem>>) offsets(%dma_start3A_120 : memref<128xi32, #tpu.memory_space<vmem>>) semaphore(%arg14 : memref<!tpu.dma_semaphore, #tpu.memory_space<semaphore_mem>>)
    %dma_start3A_124 = arith.constant 1 : i32
    %dma_start3A_125 = arith.constant 0 : i32
    %dma_start3A_126 = tpu.memref_slice %arg7[%dma_start3A_124, %dma_start3A_125] : memref<40x128xi32, #tpu.memory_space<vmem>> -> memref<1x128xi32, #tpu.memory_space<vmem>>
    %dma_start3A_127 = tpu.memref_squeeze %dma_start3A_126 : memref<1x128xi32, #tpu.memory_space<vmem>> -> memref<128xi32, #tpu.memory_space<vmem>>
    %dma_start3A_128 = arith.constant 0 : i32
    %dma_start3A_129 = arith.constant 0 : i32
    %dma_start3A_130 = tpu.memref_slice %arg2[%dma_start3A_128, %dma_start3A_129] : memref<10240x32xf32, #tpu.memory_space<hbm>> -> memref<10240x32xf32, #tpu.memory_space<hbm>>
    tpu.enqueue_indirect_dma source(%dma_start3A_130 : memref<10240x32xf32, #tpu.memory_space<hbm>>) target(%arg10 : memref<128x32xf32, #tpu.memory_space<vmem>>) offsets(%dma_start3A_127 : memref<128xi32, #tpu.memory_space<vmem>>) semaphore(%arg15 : memref<!tpu.dma_semaphore, #tpu.memory_space<semaphore_mem>>)
    %dma_wait3A_131 = arith.constant 0 : i32
    %dma_wait3A_132 = arith.constant 0 : i32
    %dma_wait3A_133 = tpu.memref_slice %arg7[%dma_wait3A_131, %dma_wait3A_132] : memref<40x128xi32, #tpu.memory_space<vmem>> -> memref<1x128xi32, #tpu.memory_space<vmem>>
    %dma_wait3A_134 = tpu.memref_squeeze %dma_wait3A_133 : memref<1x128xi32, #tpu.memory_space<vmem>> -> memref<128xi32, #tpu.memory_space<vmem>>
    %dma_wait3A_135 = arith.constant 0 : i32
    %dma_wait3A_136 = arith.constant 0 : i32
    %dma_wait3A_137 = tpu.memref_slice %arg2[%dma_wait3A_135, %dma_wait3A_136] : memref<10240x32xf32, #tpu.memory_space<hbm>> -> memref<10240x32xf32, #tpu.memory_space<hbm>>
    tpu.wait_indirect_dma semaphore(%arg14 : memref<!tpu.dma_semaphore, #tpu.memory_space<semaphore_mem>>) src(%dma_wait3A_137 : memref<10240x32xf32, #tpu.memory_space<hbm>>) dst(%arg9 : memref<128x32xf32, #tpu.memory_space<vmem>>)
    %dma_start3A_138 = arith.constant 0 : i32
    %dma_start3A_139 = arith.constant 0 : i32
    %dma_start3A_140 = tpu.memref_slice %arg8[%dma_start3A_138, %dma_start3A_139] : memref<40x128xi32, #tpu.memory_space<vmem>> -> memref<1x128xi32, #tpu.memory_space<vmem>>
    %dma_start3A_141 = tpu.memref_squeeze %dma_start3A_140 : memref<1x128xi32, #tpu.memory_space<vmem>> -> memref<128xi32, #tpu.memory_space<vmem>>
    %dma_start3A_142 = arith.constant 0 : i32
    %dma_start3A_143 = arith.constant 0 : i32
    %dma_start3A_144 = tpu.memref_slice %arg13[%dma_start3A_142, %dma_start3A_143] : memref<10240x32xf32, #tpu.memory_space<vmem_shared>> -> memref<10240x32xf32, #tpu.memory_space<vmem_shared>>
    tpu.enqueue_indirect_dma source(%arg9 : memref<128x32xf32, #tpu.memory_space<vmem>>) target(%dma_start3A_144 : memref<10240x32xf32, #tpu.memory_space<vmem_shared>>) offsets(%dma_start3A_141 : memref<128xi32, #tpu.memory_space<vmem>>) semaphore(%arg18 : memref<!tpu.dma_semaphore, #tpu.memory_space<semaphore_mem>>) {add = true}
    %dma_start3A_145 = arith.constant 2 : i32
    %dma_start3A_146 = arith.constant 0 : i32
    %dma_start3A_147 = tpu.memref_slice %arg7[%dma_start3A_145, %dma_start3A_146] : memref<40x128xi32, #tpu.memory_space<vmem>> -> memref<1x128xi32, #tpu.memory_space<vmem>>
    %dma_start3A_148 = tpu.memref_squeeze %dma_start3A_147 : memref<1x128xi32, #tpu.memory_space<vmem>> -> memref<128xi32, #tpu.memory_space<vmem>>
    %dma_start3A_149 = arith.constant 0 : i32
    %dma_start3A_150 = arith.constant 0 : i32
    %dma_start3A_151 = tpu.memref_slice %arg2[%dma_start3A_149, %dma_start3A_150] : memref<10240x32xf32, #tpu.memory_space<hbm>> -> memref<10240x32xf32, #tpu.memory_space<hbm>>
    tpu.enqueue_indirect_dma source(%dma_start3A_151 : memref<10240x32xf32, #tpu.memory_space<hbm>>) target(%arg11 : memref<128x32xf32, #tpu.memory_space<vmem>>) offsets(%dma_start3A_148 : memref<128xi32, #tpu.memory_space<vmem>>) semaphore(%arg16 : memref<!tpu.dma_semaphore, #tpu.memory_space<semaphore_mem>>)
    %dma_wait3A_152 = arith.constant 1 : i32
    %dma_wait3A_153 = arith.constant 0 : i32
    %dma_wait3A_154 = tpu.memref_slice %arg7[%dma_wait3A_152, %dma_wait3A_153] : memref<40x128xi32, #tpu.memory_space<vmem>> -> memref<1x128xi32, #tpu.memory_space<vmem>>
    %dma_wait3A_155 = tpu.memref_squeeze %dma_wait3A_154 : memref<1x128xi32, #tpu.memory_space<vmem>> -> memref<128xi32, #tpu.memory_space<vmem>>
    %dma_wait3A_156 = arith.constant 0 : i32
    %dma_wait3A_157 = arith.constant 0 : i32
    %dma_wait3A_158 = tpu.memref_slice %arg2[%dma_wait3A_156, %dma_wait3A_157] : memref<10240x32xf32, #tpu.memory_space<hbm>> -> memref<10240x32xf32, #tpu.memory_space<hbm>>
    tpu.wait_indirect_dma semaphore(%arg15 : memref<!tpu.dma_semaphore, #tpu.memory_space<semaphore_mem>>) src(%dma_wait3A_158 : memref<10240x32xf32, #tpu.memory_space<hbm>>) dst(%arg10 : memref<128x32xf32, #tpu.memory_space<vmem>>)
    %dma_start3A_159 = arith.constant 1 : i32
    %dma_start3A_160 = arith.constant 0 : i32
    %dma_start3A_161 = tpu.memref_slice %arg8[%dma_start3A_159, %dma_start3A_160] : memref<40x128xi32, #tpu.memory_space<vmem>> -> memref<1x128xi32, #tpu.memory_space<vmem>>
    %dma_start3A_162 = tpu.memref_squeeze %dma_start3A_161 : memref<1x128xi32, #tpu.memory_space<vmem>> -> memref<128xi32, #tpu.memory_space<vmem>>
    %dma_start3A_163 = arith.constant 0 : i32
    %dma_start3A_164 = arith.constant 0 : i32
    %dma_start3A_165 = tpu.memref_slice %arg13[%dma_start3A_163, %dma_start3A_164] : memref<10240x32xf32, #tpu.memory_space<vmem_shared>> -> memref<10240x32xf32, #tpu.memory_space<vmem_shared>>
    tpu.enqueue_indirect_dma source(%arg10 : memref<128x32xf32, #tpu.memory_space<vmem>>) target(%dma_start3A_165 : memref<10240x32xf32, #tpu.memory_space<vmem_shared>>) offsets(%dma_start3A_162 : memref<128xi32, #tpu.memory_space<vmem>>) semaphore(%arg19 : memref<!tpu.dma_semaphore, #tpu.memory_space<semaphore_mem>>) {add = true}
    %dma_start3A_166 = arith.constant 3 : i32
    %dma_start3A_167 = arith.constant 0 : i32
    %dma_start3A_168 = tpu.memref_slice %arg7[%dma_start3A_166, %dma_start3A_167] : memref<40x128xi32, #tpu.memory_space<vmem>> -> memref<1x128xi32, #tpu.memory_space<vmem>>
    %dma_start3A_169 = tpu.memref_squeeze %dma_start3A_168 : memref<1x128xi32, #tpu.memory_space<vmem>> -> memref<128xi32, #tpu.memory_space<vmem>>
    %dma_start3A_170 = arith.constant 0 : i32
    %dma_start3A_171 = arith.constant 0 : i32
    %dma_start3A_172 = tpu.memref_slice %arg2[%dma_start3A_170, %dma_start3A_171] : memref<10240x32xf32, #tpu.memory_space<hbm>> -> memref<10240x32xf32, #tpu.memory_space<hbm>>
    tpu.enqueue_indirect_dma source(%dma_start3A_172 : memref<10240x32xf32, #tpu.memory_space<hbm>>) target(%arg12 : memref<128x32xf32, #tpu.memory_space<vmem>>) offsets(%dma_start3A_169 : memref<128xi32, #tpu.memory_space<vmem>>) semaphore(%arg17 : memref<!tpu.dma_semaphore, #tpu.memory_space<semaphore_mem>>)
    %scan3A_173 = arith.constant 0 : i32
    %scan3A_174 = arith.constant 9 : i32
    %scan3A_175 = arith.addi %scan3A_173, %scan3A_174 : i32
    %scan3A_176 = arith.constant 1 : i32
    scf.for %scan3A_235 = %scan3A_173 to %scan3A_175 step %scan3A_176  : i32 {
      %mul3A_236 = arith.constant 4 : i32
      %mul3A_237 = arith.muli %scan3A_235, %mul3A_236 : i32
      %add3A_238 = arith.constant 2 : i32
      %add3A_239 = arith.addi %add3A_238, %mul3A_237 : i32
      %add3A_240 = arith.constant 0 : i32
      %add3A_241 = arith.addi %add3A_239, %add3A_240 : i32
      %dma_wait3A_242 = arith.constant 0 : i32
      %dma_wait3A_243 = tpu.memref_slice %arg7[%add3A_241, %dma_wait3A_242] : memref<40x128xi32, #tpu.memory_space<vmem>> -> memref<1x128xi32, #tpu.memory_space<vmem>>
      %dma_wait3A_244 = tpu.memref_squeeze %dma_wait3A_243 : memref<1x128xi32, #tpu.memory_space<vmem>> -> memref<128xi32, #tpu.memory_space<vmem>>
      %dma_wait3A_245 = arith.constant 0 : i32
      %dma_wait3A_246 = arith.constant 0 : i32
      %dma_wait3A_247 = tpu.memref_slice %arg2[%dma_wait3A_245, %dma_wait3A_246] : memref<10240x32xf32, #tpu.memory_space<hbm>> -> memref<10240x32xf32, #tpu.memory_space<hbm>>
      tpu.wait_indirect_dma semaphore(%arg16 : memref<!tpu.dma_semaphore, #tpu.memory_space<semaphore_mem>>) src(%dma_wait3A_247 : memref<10240x32xf32, #tpu.memory_space<hbm>>) dst(%arg11 : memref<128x32xf32, #tpu.memory_space<vmem>>)
      %dma_start3A_248 = arith.constant 0 : i32
      %dma_start3A_249 = tpu.memref_slice %arg8[%add3A_241, %dma_start3A_248] : memref<40x128xi32, #tpu.memory_space<vmem>> -> memref<1x128xi32, #tpu.memory_space<vmem>>
      %dma_start3A_250 = tpu.memref_squeeze %dma_start3A_249 : memref<1x128xi32, #tpu.memory_space<vmem>> -> memref<128xi32, #tpu.memory_space<vmem>>
      %dma_start3A_251 = arith.constant 0 : i32
      %dma_start3A_252 = arith.constant 0 : i32
      %dma_start3A_253 = tpu.memref_slice %arg13[%dma_start3A_251, %dma_start3A_252] : memref<10240x32xf32, #tpu.memory_space<vmem_shared>> -> memref<10240x32xf32, #tpu.memory_space<vmem_shared>>
      tpu.enqueue_indirect_dma source(%arg11 : memref<128x32xf32, #tpu.memory_space<vmem>>) target(%dma_start3A_253 : memref<10240x32xf32, #tpu.memory_space<vmem_shared>>) offsets(%dma_start3A_250 : memref<128xi32, #tpu.memory_space<vmem>>) semaphore(%arg20 : memref<!tpu.dma_semaphore, #tpu.memory_space<semaphore_mem>>) {add = true}
      %sub3A = arith.constant 2 : i32
      %sub3A_254 = arith.subi %add3A_241, %sub3A : i32
      %dma_wait3A_255 = arith.constant 0 : i32
      %dma_wait3A_256 = tpu.memref_slice %arg8[%sub3A_254, %dma_wait3A_255] : memref<40x128xi32, #tpu.memory_space<vmem>> -> memref<1x128xi32, #tpu.memory_space<vmem>>
      %dma_wait3A_257 = tpu.memref_squeeze %dma_wait3A_256 : memref<1x128xi32, #tpu.memory_space<vmem>> -> memref<128xi32, #tpu.memory_space<vmem>>
      %dma_wait3A_258 = arith.constant 0 : i32
      %dma_wait3A_259 = arith.constant 0 : i32
      %dma_wait3A_260 = tpu.memref_slice %arg13[%dma_wait3A_258, %dma_wait3A_259] : memref<10240x32xf32, #tpu.memory_space<vmem_shared>> -> memref<10240x32xf32, #tpu.memory_space<vmem_shared>>
      tpu.wait_indirect_dma semaphore(%arg18 : memref<!tpu.dma_semaphore, #tpu.memory_space<semaphore_mem>>) src(%arg9 : memref<128x32xf32, #tpu.memory_space<vmem>>) dst(%dma_wait3A_260 : memref<10240x32xf32, #tpu.memory_space<vmem_shared>>)
      %add3A_261 = arith.constant 2 : i32
      %add3A_262 = arith.addi %add3A_241, %add3A_261 : i32
      %dma_start3A_263 = arith.constant 0 : i32
      %dma_start3A_264 = tpu.memref_slice %arg7[%add3A_262, %dma_start3A_263] : memref<40x128xi32, #tpu.memory_space<vmem>> -> memref<1x128xi32, #tpu.memory_space<vmem>>
      %dma_start3A_265 = tpu.memref_squeeze %dma_start3A_264 : memref<1x128xi32, #tpu.memory_space<vmem>> -> memref<128xi32, #tpu.memory_space<vmem>>
      %dma_start3A_266 = arith.constant 0 : i32
      %dma_start3A_267 = arith.constant 0 : i32
      %dma_start3A_268 = tpu.memref_slice %arg2[%dma_start3A_266, %dma_start3A_267] : memref<10240x32xf32, #tpu.memory_space<hbm>> -> memref<10240x32xf32, #tpu.memory_space<hbm>>
      tpu.enqueue_indirect_dma source(%dma_start3A_268 : memref<10240x32xf32, #tpu.memory_space<hbm>>) target(%arg9 : memref<128x32xf32, #tpu.memory_space<vmem>>) offsets(%dma_start3A_265 : memref<128xi32, #tpu.memory_space<vmem>>) semaphore(%arg14 : memref<!tpu.dma_semaphore, #tpu.memory_space<semaphore_mem>>)
      %mul3A_269 = arith.constant 4 : i32
      %mul3A_270 = arith.muli %scan3A_235, %mul3A_269 : i32
      %add3A_271 = arith.constant 2 : i32
      %add3A_272 = arith.addi %add3A_271, %mul3A_270 : i32
      %add3A_273 = arith.constant 1 : i32
      %add3A_274 = arith.addi %add3A_272, %add3A_273 : i32
      %dma_wait3A_275 = arith.constant 0 : i32
      %dma_wait3A_276 = tpu.memref_slice %arg7[%add3A_274, %dma_wait3A_275] : memref<40x128xi32, #tpu.memory_space<vmem>> -> memref<1x128xi32, #tpu.memory_space<vmem>>
      %dma_wait3A_277 = tpu.memref_squeeze %dma_wait3A_276 : memref<1x128xi32, #tpu.memory_space<vmem>> -> memref<128xi32, #tpu.memory_space<vmem>>
      %dma_wait3A_278 = arith.constant 0 : i32
      %dma_wait3A_279 = arith.constant 0 : i32
      %dma_wait3A_280 = tpu.memref_slice %arg2[%dma_wait3A_278, %dma_wait3A_279] : memref<10240x32xf32, #tpu.memory_space<hbm>> -> memref<10240x32xf32, #tpu.memory_space<hbm>>
      tpu.wait_indirect_dma semaphore(%arg17 : memref<!tpu.dma_semaphore, #tpu.memory_space<semaphore_mem>>) src(%dma_wait3A_280 : memref<10240x32xf32, #tpu.memory_space<hbm>>) dst(%arg12 : memref<128x32xf32, #tpu.memory_space<vmem>>)
      %dma_start3A_281 = arith.constant 0 : i32
      %dma_start3A_282 = tpu.memref_slice %arg8[%add3A_274, %dma_start3A_281] : memref<40x128xi32, #tpu.memory_space<vmem>> -> memref<1x128xi32, #tpu.memory_space<vmem>>
      %dma_start3A_283 = tpu.memref_squeeze %dma_start3A_282 : memref<1x128xi32, #tpu.memory_space<vmem>> -> memref<128xi32, #tpu.memory_space<vmem>>
      %dma_start3A_284 = arith.constant 0 : i32
      %dma_start3A_285 = arith.constant 0 : i32
      %dma_start3A_286 = tpu.memref_slice %arg13[%dma_start3A_284, %dma_start3A_285] : memref<10240x32xf32, #tpu.memory_space<vmem_shared>> -> memref<10240x32xf32, #tpu.memory_space<vmem_shared>>
      tpu.enqueue_indirect_dma source(%arg12 : memref<128x32xf32, #tpu.memory_space<vmem>>) target(%dma_start3A_286 : memref<10240x32xf32, #tpu.memory_space<vmem_shared>>) offsets(%dma_start3A_283 : memref<128xi32, #tpu.memory_space<vmem>>) semaphore(%arg21 : memref<!tpu.dma_semaphore, #tpu.memory_space<semaphore_mem>>) {add = true}
      %sub3A_287 = arith.constant 2 : i32
      %sub3A_288 = arith.subi %add3A_274, %sub3A_287 : i32
      %dma_wait3A_289 = arith.constant 0 : i32
      %dma_wait3A_290 = tpu.memref_slice %arg8[%sub3A_288, %dma_wait3A_289] : memref<40x128xi32, #tpu.memory_space<vmem>> -> memref<1x128xi32, #tpu.memory_space<vmem>>
      %dma_wait3A_291 = tpu.memref_squeeze %dma_wait3A_290 : memref<1x128xi32, #tpu.memory_space<vmem>> -> memref<128xi32, #tpu.memory_space<vmem>>
      %dma_wait3A_292 = arith.constant 0 : i32
      %dma_wait3A_293 = arith.constant 0 : i32
      %dma_wait3A_294 = tpu.memref_slice %arg13[%dma_wait3A_292, %dma_wait3A_293] : memref<10240x32xf32, #tpu.memory_space<vmem_shared>> -> memref<10240x32xf32, #tpu.memory_space<vmem_shared>>
      tpu.wait_indirect_dma semaphore(%arg19 : memref<!tpu.dma_semaphore, #tpu.memory_space<semaphore_mem>>) src(%arg10 : memref<128x32xf32, #tpu.memory_space<vmem>>) dst(%dma_wait3A_294 : memref<10240x32xf32, #tpu.memory_space<vmem_shared>>)
      %add3A_295 = arith.constant 2 : i32
      %add3A_296 = arith.addi %add3A_274, %add3A_295 : i32
      %dma_start3A_297 = arith.constant 0 : i32
      %dma_start3A_298 = tpu.memref_slice %arg7[%add3A_296, %dma_start3A_297] : memref<40x128xi32, #tpu.memory_space<vmem>> -> memref<1x128xi32, #tpu.memory_space<vmem>>
      %dma_start3A_299 = tpu.memref_squeeze %dma_start3A_298 : memref<1x128xi32, #tpu.memory_space<vmem>> -> memref<128xi32, #tpu.memory_space<vmem>>
      %dma_start3A_300 = arith.constant 0 : i32
      %dma_start3A_301 = arith.constant 0 : i32
      %dma_start3A_302 = tpu.memref_slice %arg2[%dma_start3A_300, %dma_start3A_301] : memref<10240x32xf32, #tpu.memory_space<hbm>> -> memref<10240x32xf32, #tpu.memory_space<hbm>>
      tpu.enqueue_indirect_dma source(%dma_start3A_302 : memref<10240x32xf32, #tpu.memory_space<hbm>>) target(%arg10 : memref<128x32xf32, #tpu.memory_space<vmem>>) offsets(%dma_start3A_299 : memref<128xi32, #tpu.memory_space<vmem>>) semaphore(%arg15 : memref<!tpu.dma_semaphore, #tpu.memory_space<semaphore_mem>>)
      %mul3A_303 = arith.constant 4 : i32
      %mul3A_304 = arith.muli %scan3A_235, %mul3A_303 : i32
      %add3A_305 = arith.constant 2 : i32
      %add3A_306 = arith.addi %add3A_305, %mul3A_304 : i32
      %add3A_307 = arith.constant 2 : i32
      %add3A_308 = arith.addi %add3A_306, %add3A_307 : i32
      %dma_wait3A_309 = arith.constant 0 : i32
      %dma_wait3A_310 = tpu.memref_slice %arg7[%add3A_308, %dma_wait3A_309] : memref<40x128xi32, #tpu.memory_space<vmem>> -> memref<1x128xi32, #tpu.memory_space<vmem>>
      %dma_wait3A_311 = tpu.memref_squeeze %dma_wait3A_310 : memref<1x128xi32, #tpu.memory_space<vmem>> -> memref<128xi32, #tpu.memory_space<vmem>>
      %dma_wait3A_312 = arith.constant 0 : i32
      %dma_wait3A_313 = arith.constant 0 : i32
      %dma_wait3A_314 = tpu.memref_slice %arg2[%dma_wait3A_312, %dma_wait3A_313] : memref<10240x32xf32, #tpu.memory_space<hbm>> -> memref<10240x32xf32, #tpu.memory_space<hbm>>
      tpu.wait_indirect_dma semaphore(%arg14 : memref<!tpu.dma_semaphore, #tpu.memory_space<semaphore_mem>>) src(%dma_wait3A_314 : memref<10240x32xf32, #tpu.memory_space<hbm>>) dst(%arg9 : memref<128x32xf32, #tpu.memory_space<vmem>>)
      %dma_start3A_315 = arith.constant 0 : i32
      %dma_start3A_316 = tpu.memref_slice %arg8[%add3A_308, %dma_start3A_315] : memref<40x128xi32, #tpu.memory_space<vmem>> -> memref<1x128xi32, #tpu.memory_space<vmem>>
      %dma_start3A_317 = tpu.memref_squeeze %dma_start3A_316 : memref<1x128xi32, #tpu.memory_space<vmem>> -> memref<128xi32, #tpu.memory_space<vmem>>
      %dma_start3A_318 = arith.constant 0 : i32
      %dma_start3A_319 = arith.constant 0 : i32
      %dma_start3A_320 = tpu.memref_slice %arg13[%dma_start3A_318, %dma_start3A_319] : memref<10240x32xf32, #tpu.memory_space<vmem_shared>> -> memref<10240x32xf32, #tpu.memory_space<vmem_shared>>
      tpu.enqueue_indirect_dma source(%arg9 : memref<128x32xf32, #tpu.memory_space<vmem>>) target(%dma_start3A_320 : memref<10240x32xf32, #tpu.memory_space<vmem_shared>>) offsets(%dma_start3A_317 : memref<128xi32, #tpu.memory_space<vmem>>) semaphore(%arg18 : memref<!tpu.dma_semaphore, #tpu.memory_space<semaphore_mem>>) {add = true}
      %sub3A_321 = arith.constant 2 : i32
      %sub3A_322 = arith.subi %add3A_308, %sub3A_321 : i32
      %dma_wait3A_323 = arith.constant 0 : i32
      %dma_wait3A_324 = tpu.memref_slice %arg8[%sub3A_322, %dma_wait3A_323] : memref<40x128xi32, #tpu.memory_space<vmem>> -> memref<1x128xi32, #tpu.memory_space<vmem>>
      %dma_wait3A_325 = tpu.memref_squeeze %dma_wait3A_324 : memref<1x128xi32, #tpu.memory_space<vmem>> -> memref<128xi32, #tpu.memory_space<vmem>>
      %dma_wait3A_326 = arith.constant 0 : i32
      %dma_wait3A_327 = arith.constant 0 : i32
      %dma_wait3A_328 = tpu.memref_slice %arg13[%dma_wait3A_326, %dma_wait3A_327] : memref<10240x32xf32, #tpu.memory_space<vmem_shared>> -> memref<10240x32xf32, #tpu.memory_space<vmem_shared>>
      tpu.wait_indirect_dma semaphore(%arg20 : memref<!tpu.dma_semaphore, #tpu.memory_space<semaphore_mem>>) src(%arg11 : memref<128x32xf32, #tpu.memory_space<vmem>>) dst(%dma_wait3A_328 : memref<10240x32xf32, #tpu.memory_space<vmem_shared>>)
      %add3A_329 = arith.constant 2 : i32
      %add3A_330 = arith.addi %add3A_308, %add3A_329 : i32
      %dma_start3A_331 = arith.constant 0 : i32
      %dma_start3A_332 = tpu.memref_slice %arg7[%add3A_330, %dma_start3A_331] : memref<40x128xi32, #tpu.memory_space<vmem>> -> memref<1x128xi32, #tpu.memory_space<vmem>>
      %dma_start3A_333 = tpu.memref_squeeze %dma_start3A_332 : memref<1x128xi32, #tpu.memory_space<vmem>> -> memref<128xi32, #tpu.memory_space<vmem>>
      %dma_start3A_334 = arith.constant 0 : i32
      %dma_start3A_335 = arith.constant 0 : i32
      %dma_start3A_336 = tpu.memref_slice %arg2[%dma_start3A_334, %dma_start3A_335] : memref<10240x32xf32, #tpu.memory_space<hbm>> -> memref<10240x32xf32, #tpu.memory_space<hbm>>
      tpu.enqueue_indirect_dma source(%dma_start3A_336 : memref<10240x32xf32, #tpu.memory_space<hbm>>) target(%arg11 : memref<128x32xf32, #tpu.memory_space<vmem>>) offsets(%dma_start3A_333 : memref<128xi32, #tpu.memory_space<vmem>>) semaphore(%arg16 : memref<!tpu.dma_semaphore, #tpu.memory_space<semaphore_mem>>)
      %mul3A_337 = arith.constant 4 : i32
      %mul3A_338 = arith.muli %scan3A_235, %mul3A_337 : i32
      %add3A_339 = arith.constant 2 : i32
      %add3A_340 = arith.addi %add3A_339, %mul3A_338 : i32
      %add3A_341 = arith.constant 3 : i32
      %add3A_342 = arith.addi %add3A_340, %add3A_341 : i32
      %dma_wait3A_343 = arith.constant 0 : i32
      %dma_wait3A_344 = tpu.memref_slice %arg7[%add3A_342, %dma_wait3A_343] : memref<40x128xi32, #tpu.memory_space<vmem>> -> memref<1x128xi32, #tpu.memory_space<vmem>>
      %dma_wait3A_345 = tpu.memref_squeeze %dma_wait3A_344 : memref<1x128xi32, #tpu.memory_space<vmem>> -> memref<128xi32, #tpu.memory_space<vmem>>
      %dma_wait3A_346 = arith.constant 0 : i32
      %dma_wait3A_347 = arith.constant 0 : i32
      %dma_wait3A_348 = tpu.memref_slice %arg2[%dma_wait3A_346, %dma_wait3A_347] : memref<10240x32xf32, #tpu.memory_space<hbm>> -> memref<10240x32xf32, #tpu.memory_space<hbm>>
      tpu.wait_indirect_dma semaphore(%arg15 : memref<!tpu.dma_semaphore, #tpu.memory_space<semaphore_mem>>) src(%dma_wait3A_348 : memref<10240x32xf32, #tpu.memory_space<hbm>>) dst(%arg10 : memref<128x32xf32, #tpu.memory_space<vmem>>)
      %dma_start3A_349 = arith.constant 0 : i32
      %dma_start3A_350 = tpu.memref_slice %arg8[%add3A_342, %dma_start3A_349] : memref<40x128xi32, #tpu.memory_space<vmem>> -> memref<1x128xi32, #tpu.memory_space<vmem>>
      %dma_start3A_351 = tpu.memref_squeeze %dma_start3A_350 : memref<1x128xi32, #tpu.memory_space<vmem>> -> memref<128xi32, #tpu.memory_space<vmem>>
      %dma_start3A_352 = arith.constant 0 : i32
      %dma_start3A_353 = arith.constant 0 : i32
      %dma_start3A_354 = tpu.memref_slice %arg13[%dma_start3A_352, %dma_start3A_353] : memref<10240x32xf32, #tpu.memory_space<vmem_shared>> -> memref<10240x32xf32, #tpu.memory_space<vmem_shared>>
      tpu.enqueue_indirect_dma source(%arg10 : memref<128x32xf32, #tpu.memory_space<vmem>>) target(%dma_start3A_354 : memref<10240x32xf32, #tpu.memory_space<vmem_shared>>) offsets(%dma_start3A_351 : memref<128xi32, #tpu.memory_space<vmem>>) semaphore(%arg19 : memref<!tpu.dma_semaphore, #tpu.memory_space<semaphore_mem>>) {add = true}
      %sub3A_355 = arith.constant 2 : i32
      %sub3A_356 = arith.subi %add3A_342, %sub3A_355 : i32
      %dma_wait3A_357 = arith.constant 0 : i32
      %dma_wait3A_358 = tpu.memref_slice %arg8[%sub3A_356, %dma_wait3A_357] : memref<40x128xi32, #tpu.memory_space<vmem>> -> memref<1x128xi32, #tpu.memory_space<vmem>>
      %dma_wait3A_359 = tpu.memref_squeeze %dma_wait3A_358 : memref<1x128xi32, #tpu.memory_space<vmem>> -> memref<128xi32, #tpu.memory_space<vmem>>
      %dma_wait3A_360 = arith.constant 0 : i32
      %dma_wait3A_361 = arith.constant 0 : i32
      %dma_wait3A_362 = tpu.memref_slice %arg13[%dma_wait3A_360, %dma_wait3A_361] : memref<10240x32xf32, #tpu.memory_space<vmem_shared>> -> memref<10240x32xf32, #tpu.memory_space<vmem_shared>>
      tpu.wait_indirect_dma semaphore(%arg21 : memref<!tpu.dma_semaphore, #tpu.memory_space<semaphore_mem>>) src(%arg12 : memref<128x32xf32, #tpu.memory_space<vmem>>) dst(%dma_wait3A_362 : memref<10240x32xf32, #tpu.memory_space<vmem_shared>>)
      %add3A_363 = arith.constant 2 : i32
      %add3A_364 = arith.addi %add3A_342, %add3A_363 : i32
      %dma_start3A_365 = arith.constant 0 : i32
      %dma_start3A_366 = tpu.memref_slice %arg7[%add3A_364, %dma_start3A_365] : memref<40x128xi32, #tpu.memory_space<vmem>> -> memref<1x128xi32, #tpu.memory_space<vmem>>
      %dma_start3A_367 = tpu.memref_squeeze %dma_start3A_366 : memref<1x128xi32, #tpu.memory_space<vmem>> -> memref<128xi32, #tpu.memory_space<vmem>>
      %dma_start3A_368 = arith.constant 0 : i32
      %dma_start3A_369 = arith.constant 0 : i32
      %dma_start3A_370 = tpu.memref_slice %arg2[%dma_start3A_368, %dma_start3A_369] : memref<10240x32xf32, #tpu.memory_space<hbm>> -> memref<10240x32xf32, #tpu.memory_space<hbm>>
      tpu.enqueue_indirect_dma source(%dma_start3A_370 : memref<10240x32xf32, #tpu.memory_space<hbm>>) target(%arg12 : memref<128x32xf32, #tpu.memory_space<vmem>>) offsets(%dma_start3A_367 : memref<128xi32, #tpu.memory_space<vmem>>) semaphore(%arg17 : memref<!tpu.dma_semaphore, #tpu.memory_space<semaphore_mem>>)
    }
    %scan3A_177 = arith.constant 9 : i32
    %dma_wait3A_178 = arith.constant 38 : i32
    %dma_wait3A_179 = arith.constant 0 : i32
    %dma_wait3A_180 = tpu.memref_slice %arg7[%dma_wait3A_178, %dma_wait3A_179] : memref<40x128xi32, #tpu.memory_space<vmem>> -> memref<1x128xi32, #tpu.memory_space<vmem>>
    %dma_wait3A_181 = tpu.memref_squeeze %dma_wait3A_180 : memref<1x128xi32, #tpu.memory_space<vmem>> -> memref<128xi32, #tpu.memory_space<vmem>>
    %dma_wait3A_182 = arith.constant 0 : i32
    %dma_wait3A_183 = arith.constant 0 : i32
    %dma_wait3A_184 = tpu.memref_slice %arg2[%dma_wait3A_182, %dma_wait3A_183] : memref<10240x32xf32, #tpu.memory_space<hbm>> -> memref<10240x32xf32, #tpu.memory_space<hbm>>
    tpu.wait_indirect_dma semaphore(%arg16 : memref<!tpu.dma_semaphore, #tpu.memory_space<semaphore_mem>>) src(%dma_wait3A_184 : memref<10240x32xf32, #tpu.memory_space<hbm>>) dst(%arg11 : memref<128x32xf32, #tpu.memory_space<vmem>>)
    %dma_start3A_185 = arith.constant 38 : i32
    %dma_start3A_186 = arith.constant 0 : i32
    %dma_start3A_187 = tpu.memref_slice %arg8[%dma_start3A_185, %dma_start3A_186] : memref<40x128xi32, #tpu.memory_space<vmem>> -> memref<1x128xi32, #tpu.memory_space<vmem>>
    %dma_start3A_188 = tpu.memref_squeeze %dma_start3A_187 : memref<1x128xi32, #tpu.memory_space<vmem>> -> memref<128xi32, #tpu.memory_space<vmem>>
    %dma_start3A_189 = arith.constant 0 : i32
    %dma_start3A_190 = arith.constant 0 : i32
    %dma_start3A_191 = tpu.memref_slice %arg13[%dma_start3A_189, %dma_start3A_190] : memref<10240x32xf32, #tpu.memory_space<vmem_shared>> -> memref<10240x32xf32, #tpu.memory_space<vmem_shared>>
    tpu.enqueue_indirect_dma source(%arg11 : memref<128x32xf32, #tpu.memory_space<vmem>>) target(%dma_start3A_191 : memref<10240x32xf32, #tpu.memory_space<vmem_shared>>) offsets(%dma_start3A_188 : memref<128xi32, #tpu.memory_space<vmem>>) semaphore(%arg20 : memref<!tpu.dma_semaphore, #tpu.memory_space<semaphore_mem>>) {add = true}
    %dma_wait3A_192 = arith.constant 36 : i32
    %dma_wait3A_193 = arith.constant 0 : i32
    %dma_wait3A_194 = tpu.memref_slice %arg8[%dma_wait3A_192, %dma_wait3A_193] : memref<40x128xi32, #tpu.memory_space<vmem>> -> memref<1x128xi32, #tpu.memory_space<vmem>>
    %dma_wait3A_195 = tpu.memref_squeeze %dma_wait3A_194 : memref<1x128xi32, #tpu.memory_space<vmem>> -> memref<128xi32, #tpu.memory_space<vmem>>
    %dma_wait3A_196 = arith.constant 0 : i32
    %dma_wait3A_197 = arith.constant 0 : i32
    %dma_wait3A_198 = tpu.memref_slice %arg13[%dma_wait3A_196, %dma_wait3A_197] : memref<10240x32xf32, #tpu.memory_space<vmem_shared>> -> memref<10240x32xf32, #tpu.memory_space<vmem_shared>>
    tpu.wait_indirect_dma semaphore(%arg18 : memref<!tpu.dma_semaphore, #tpu.memory_space<semaphore_mem>>) src(%arg9 : memref<128x32xf32, #tpu.memory_space<vmem>>) dst(%dma_wait3A_198 : memref<10240x32xf32, #tpu.memory_space<vmem_shared>>)
    %dma_wait3A_199 = arith.constant 39 : i32
    %dma_wait3A_200 = arith.constant 0 : i32
    %dma_wait3A_201 = tpu.memref_slice %arg7[%dma_wait3A_199, %dma_wait3A_200] : memref<40x128xi32, #tpu.memory_space<vmem>> -> memref<1x128xi32, #tpu.memory_space<vmem>>
    %dma_wait3A_202 = tpu.memref_squeeze %dma_wait3A_201 : memref<1x128xi32, #tpu.memory_space<vmem>> -> memref<128xi32, #tpu.memory_space<vmem>>
    %dma_wait3A_203 = arith.constant 0 : i32
    %dma_wait3A_204 = arith.constant 0 : i32
    %dma_wait3A_205 = tpu.memref_slice %arg2[%dma_wait3A_203, %dma_wait3A_204] : memref<10240x32xf32, #tpu.memory_space<hbm>> -> memref<10240x32xf32, #tpu.memory_space<hbm>>
    tpu.wait_indirect_dma semaphore(%arg17 : memref<!tpu.dma_semaphore, #tpu.memory_space<semaphore_mem>>) src(%dma_wait3A_205 : memref<10240x32xf32, #tpu.memory_space<hbm>>) dst(%arg12 : memref<128x32xf32, #tpu.memory_space<vmem>>)
    %dma_start3A_206 = arith.constant 39 : i32
    %dma_start3A_207 = arith.constant 0 : i32
    %dma_start3A_208 = tpu.memref_slice %arg8[%dma_start3A_206, %dma_start3A_207] : memref<40x128xi32, #tpu.memory_space<vmem>> -> memref<1x128xi32, #tpu.memory_space<vmem>>
    %dma_start3A_209 = tpu.memref_squeeze %dma_start3A_208 : memref<1x128xi32, #tpu.memory_space<vmem>> -> memref<128xi32, #tpu.memory_space<vmem>>
    %dma_start3A_210 = arith.constant 0 : i32
    %dma_start3A_211 = arith.constant 0 : i32
    %dma_start3A_212 = tpu.memref_slice %arg13[%dma_start3A_210, %dma_start3A_211] : memref<10240x32xf32, #tpu.memory_space<vmem_shared>> -> memref<10240x32xf32, #tpu.memory_space<vmem_shared>>
    tpu.enqueue_indirect_dma source(%arg12 : memref<128x32xf32, #tpu.memory_space<vmem>>) target(%dma_start3A_212 : memref<10240x32xf32, #tpu.memory_space<vmem_shared>>) offsets(%dma_start3A_209 : memref<128xi32, #tpu.memory_space<vmem>>) semaphore(%arg21 : memref<!tpu.dma_semaphore, #tpu.memory_space<semaphore_mem>>) {add = true}
    %dma_wait3A_213 = arith.constant 37 : i32
    %dma_wait3A_214 = arith.constant 0 : i32
    %dma_wait3A_215 = tpu.memref_slice %arg8[%dma_wait3A_213, %dma_wait3A_214] : memref<40x128xi32, #tpu.memory_space<vmem>> -> memref<1x128xi32, #tpu.memory_space<vmem>>
    %dma_wait3A_216 = tpu.memref_squeeze %dma_wait3A_215 : memref<1x128xi32, #tpu.memory_space<vmem>> -> memref<128xi32, #tpu.memory_space<vmem>>
    %dma_wait3A_217 = arith.constant 0 : i32
    %dma_wait3A_218 = arith.constant 0 : i32
    %dma_wait3A_219 = tpu.memref_slice %arg13[%dma_wait3A_217, %dma_wait3A_218] : memref<10240x32xf32, #tpu.memory_space<vmem_shared>> -> memref<10240x32xf32, #tpu.memory_space<vmem_shared>>
    tpu.wait_indirect_dma semaphore(%arg19 : memref<!tpu.dma_semaphore, #tpu.memory_space<semaphore_mem>>) src(%arg10 : memref<128x32xf32, #tpu.memory_space<vmem>>) dst(%dma_wait3A_219 : memref<10240x32xf32, #tpu.memory_space<vmem_shared>>)
    %dma_wait3A_220 = arith.constant 38 : i32
    %dma_wait3A_221 = arith.constant 0 : i32
    %dma_wait3A_222 = tpu.memref_slice %arg8[%dma_wait3A_220, %dma_wait3A_221] : memref<40x128xi32, #tpu.memory_space<vmem>> -> memref<1x128xi32, #tpu.memory_space<vmem>>
    %dma_wait3A_223 = tpu.memref_squeeze %dma_wait3A_222 : memref<1x128xi32, #tpu.memory_space<vmem>> -> memref<128xi32, #tpu.memory_space<vmem>>
    %dma_wait3A_224 = arith.constant 0 : i32
    %dma_wait3A_225 = arith.constant 0 : i32
    %dma_wait3A_226 = tpu.memref_slice %arg13[%dma_wait3A_224, %dma_wait3A_225] : memref<10240x32xf32, #tpu.memory_space<vmem_shared>> -> memref<10240x32xf32, #tpu.memory_space<vmem_shared>>
    tpu.wait_indirect_dma semaphore(%arg20 : memref<!tpu.dma_semaphore, #tpu.memory_space<semaphore_mem>>) src(%arg11 : memref<128x32xf32, #tpu.memory_space<vmem>>) dst(%dma_wait3A_226 : memref<10240x32xf32, #tpu.memory_space<vmem_shared>>)
    %dma_wait3A_227 = arith.constant 39 : i32
    %dma_wait3A_228 = arith.constant 0 : i32
    %dma_wait3A_229 = tpu.memref_slice %arg8[%dma_wait3A_227, %dma_wait3A_228] : memref<40x128xi32, #tpu.memory_space<vmem>> -> memref<1x128xi32, #tpu.memory_space<vmem>>
    %dma_wait3A_230 = tpu.memref_squeeze %dma_wait3A_229 : memref<1x128xi32, #tpu.memory_space<vmem>> -> memref<128xi32, #tpu.memory_space<vmem>>
    %dma_wait3A_231 = arith.constant 0 : i32
    %dma_wait3A_232 = arith.constant 0 : i32
    %dma_wait3A_233 = tpu.memref_slice %arg13[%dma_wait3A_231, %dma_wait3A_232] : memref<10240x32xf32, #tpu.memory_space<vmem_shared>> -> memref<10240x32xf32, #tpu.memory_space<vmem_shared>>
    tpu.wait_indirect_dma semaphore(%arg21 : memref<!tpu.dma_semaphore, #tpu.memory_space<semaphore_mem>>) src(%arg12 : memref<128x32xf32, #tpu.memory_space<vmem>>) dst(%dma_wait3A_233 : memref<10240x32xf32, #tpu.memory_space<vmem_shared>>)
    %barrier3A_234 = arith.constant 0 : index
    tpu.barrier barrier_id(%barrier3A_234)
    "tpu.region"() ({
      %run_scoped3A = tpu.sem_alloc : memref<!tpu.dma_semaphore, #tpu.memory_space<semaphore_mem>>
      %dma_start3A_235 = arith.constant 0 : i32
      %dma_start3A_236 = arith.constant 0 : i32
      %dma_start3A_237 = tpu.memref_slice %arg6[%arg0, %dma_start3A_235, %dma_start3A_236] : memref<2x10240x32xf32, #tpu.memory_space<hbm>> -> memref<1x10240x32xf32, #tpu.memory_space<hbm>>
      %dma_start3A_238 = tpu.memref_squeeze %dma_start3A_237 : memref<1x10240x32xf32, #tpu.memory_space<hbm>> -> memref<10240x32xf32, #tpu.memory_space<hbm>>
      %dma_start3A_239 = arith.constant 0 : i32
      %dma_start3A_240 = tpu.memref_slice %dma_start3A_238[%mul3A_0, %dma_start3A_239] : memref<10240x32xf32, #tpu.memory_space<hbm>> -> memref<640x32xf32, #tpu.memory_space<hbm>>
      %dma_start3A_241 = arith.constant 0 : i32
      %dma_start3A_242 = tpu.memref_slice %arg13[%mul3A_0, %dma_start3A_241] : memref<10240x32xf32, #tpu.memory_space<vmem_shared>> -> memref<640x32xf32, #tpu.memory_space<vmem_shared>>
      tpu.enqueue_dma source(%dma_start3A_242 : memref<640x32xf32, #tpu.memory_space<vmem_shared>>) target(%dma_start3A_240 : memref<640x32xf32, #tpu.memory_space<hbm>>) target_semaphore(%run_scoped3A : memref<!tpu.dma_semaphore, #tpu.memory_space<semaphore_mem>>)
      %dma_wait3A_243 = arith.constant 0 : i32
      %dma_wait3A_244 = arith.constant 0 : i32
      %dma_wait3A_245 = tpu.memref_slice %arg6[%arg0, %dma_wait3A_243, %dma_wait3A_244] : memref<2x10240x32xf32, #tpu.memory_space<hbm>> -> memref<1x10240x32xf32, #tpu.memory_space<hbm>>
      %dma_wait3A_246 = tpu.memref_squeeze %dma_wait3A_245 : memref<1x10240x32xf32, #tpu.memory_space<hbm>> -> memref<10240x32xf32, #tpu.memory_space<hbm>>
      %dma_wait3A_247 = arith.constant 0 : i32
      %dma_wait3A_248 = tpu.memref_slice %dma_wait3A_246[%mul3A_0, %dma_wait3A_247] : memref<10240x32xf32, #tpu.memory_space<hbm>> -> memref<640x32xf32, #tpu.memory_space<hbm>>
      %dma_wait3A_249 = arith.constant 0 : i32
      %dma_wait3A_250 = tpu.memref_slice %arg13[%mul3A_0, %dma_wait3A_249] : memref<10240x32xf32, #tpu.memory_space<vmem_shared>> -> memref<640x32xf32, #tpu.memory_space<vmem_shared>>
      tpu.wait_dma2 semaphore(%run_scoped3A : memref<!tpu.dma_semaphore, #tpu.memory_space<semaphore_mem>>) src(%dma_wait3A_250 : memref<640x32xf32, #tpu.memory_space<vmem_shared>>) dst(%dma_wait3A_248 : memref<640x32xf32, #tpu.memory_space<hbm>>)
      tpu.yield
    }) : () -> ()
    return
  }
}

module attributes {stable_mosaic.version = 14 : i64} {
  func.func @_tc_k1a_body(%arg0: i32, %arg1: memref<512x128xf32, #tpu.memory_space<vmem>>, %arg2: memref<128x128xf32, #tpu.memory_space<vmem>>, %arg3: memref<512x128xf32, #tpu.memory_space<vmem>>) attributes {dimension_semantics = [#tpu.dimension_semantics<arbitrary>], iteration_bounds = array<i64: 20>, scalar_prefetch = 0 : i64, scratch_operands = 0 : i64, tpu.core_type = #tpu.core_type<tc>, window_params = [{transform_indices = @transform_0, window_bounds = array<i64: 512, 128>}, {pipeline_mode = #tpu.pipeline_mode<synchronous>, transform_indices = @transform_1, window_bounds = array<i64: 128, 128>}, {transform_indices = @transform_2, window_bounds = array<i64: 512, 128>}]} {
    %get3A = arith.constant 0 : index
    %get3A_0 = arith.constant 0 : index
    %get3A_1 = vector.load %arg1[%get3A, %get3A_0] : memref<512x128xf32, #tpu.memory_space<vmem>>, vector<512x128xf32>
    %get3A_2 = arith.constant 0 : index
    %get3A_3 = arith.constant 0 : index
    %get3A_4 = vector.load %arg2[%get3A_2, %get3A_3] : memref<128x128xf32, #tpu.memory_space<vmem>>, vector<128x128xf32>
    %dot_general3A = arith.constant dense<0.000000e+00> : vector<512x128xf32>
    %dot_general3A_5 = tpu.matmul %get3A_1, %get3A_4, %dot_general3A {dimension_numbers = #tpu.dot_dimension_numbers<[1], [0], [0], [1], [0, 0, 1, 1], [], []>, transpose_lhs_hint = false} : vector<512x128xf32>, vector<128x128xf32>, vector<512x128xf32> -> vector<512x128xf32>
    %swap3A = arith.constant 0 : index
    %swap3A_6 = arith.constant 0 : index
    %swap3A_7 = vector.load %arg3[%swap3A, %swap3A_6] : memref<512x128xf32, #tpu.memory_space<vmem>>, vector<512x128xf32>
    tpu.vector_store %arg3[%swap3A, %swap3A_6], %dot_general3A_5 {strides = array<i32>} : memref<512x128xf32, #tpu.memory_space<vmem>>, vector<512x128xf32>,
    return
  }
  func.func @transform_0(%arg0: i32) -> (i32, i32) {
    %c0_i32 = arith.constant 0 : i32
    %c0_i32_0 = arith.constant 0 : i32
    return %arg0, %c0_i32 : i32, i32
  }
  func.func @transform_1(%arg0: i32) -> (i32, i32) {
    %c0_i32 = arith.constant 0 : i32
    %c0_i32_0 = arith.constant 0 : i32
    %c0_i32_1 = arith.constant 0 : i32
    return %c0_i32, %c0_i32_0 : i32, i32
  }
  func.func @transform_2(%arg0: i32) -> (i32, i32) {
    %c0_i32 = arith.constant 0 : i32
    %c0_i32_0 = arith.constant 0 : i32
    return %arg0, %c0_i32 : i32, i32
  }
}

module attributes {stable_mosaic.version = 14 : i64} {
  func.func @_tc_k1b_body(%arg0: i32, %arg1: memref<512x1xf32, #tpu.memory_space<vmem>>, %arg2: memref<512x1xf32, #tpu.memory_space<vmem>>, %arg3: memref<512x128xf32, #tpu.memory_space<vmem>>, %arg4: memref<512x1xf32, #tpu.memory_space<vmem>>, %arg5: memref<512x128xf32, #tpu.memory_space<vmem>>) attributes {dimension_semantics = [#tpu.dimension_semantics<arbitrary>], iteration_bounds = array<i64: 20>, scalar_prefetch = 0 : i64, scratch_operands = 0 : i64, tpu.core_type = #tpu.core_type<tc>, window_params = [{transform_indices = @transform_0, window_bounds = array<i64: 512, 1>}, {transform_indices = @transform_1, window_bounds = array<i64: 512, 1>}, {transform_indices = @transform_2, window_bounds = array<i64: 512, 128>}, {transform_indices = @transform_3, window_bounds = array<i64: 512, 1>}, {transform_indices = @transform_4, window_bounds = array<i64: 512, 128>}]} {
    %get3A = arith.constant 0 : index
    %get3A_0 = arith.constant 0 : index
    %get3A_1 = vector.load %arg1[%get3A, %get3A_0] : memref<512x1xf32, #tpu.memory_space<vmem>>, vector<512x1xf32>
    %get3A_2 = arith.constant 0 : index
    %get3A_3 = arith.constant 0 : index
    %get3A_4 = vector.load %arg2[%get3A_2, %get3A_3] : memref<512x1xf32, #tpu.memory_space<vmem>>, vector<512x1xf32>
    %add3A = arith.addf %get3A_1, %get3A_4 : vector<512x1xf32>
    %add3A_5 = arith.constant 1.000000e+00 : f32
    %add3A_6 = vector.broadcast %add3A_5 : f32 to vector<512x1xf32>
    %add3A_7 = arith.addf %add3A, %add3A_6 : vector<512x1xf32>
    %rsqrt3A = math.rsqrt %add3A_7 : vector<512x1xf32>
    %swap3A = arith.constant 0 : index
    %swap3A_8 = arith.constant 0 : index
    %swap3A_9 = vector.load %arg4[%swap3A, %swap3A_8] : memref<512x1xf32, #tpu.memory_space<vmem>>, vector<512x1xf32>
    tpu.vector_store %arg4[%swap3A, %swap3A_8], %rsqrt3A {strides = array<i32>} : memref<512x1xf32, #tpu.memory_space<vmem>>, vector<512x1xf32>,
    %mul3A = arith.constant 512 : i32
    %mul3A_10 = arith.muli %arg0, %mul3A : i32
    %iota3A = tpu.iota {dimensions = array<i32: 0>} : vector<512x1xi32>
    %add3A_11 = vector.broadcast %mul3A_10 : i32 to vector<512x1xi32>
    %add3A_12 = arith.addi %add3A_11, %iota3A : vector<512x1xi32>
    %lt3A = arith.constant 10000 : i32
    %lt3A_13 = vector.broadcast %lt3A : i32 to vector<512x1xi32>
    %lt3A_14 = arith.cmpi slt, %add3A_12, %lt3A_13 : vector<512x1xi32>
    %get3A_15 = arith.constant 0 : index
    %get3A_16 = arith.constant 0 : index
    %get3A_17 = vector.load %arg3[%get3A_15, %get3A_16] : memref<512x128xf32, #tpu.memory_space<vmem>>, vector<512x128xf32>
    %mul3A_18 = vector.broadcast %rsqrt3A : vector<512x1xf32> to vector<512x128xf32>
    %mul3A_19 = arith.mulf %get3A_17, %mul3A_18 : vector<512x128xf32>
    %jit3A = arith.constant 0.000000e+00 : f32
    %broadcast_in_dim3A = vector.shape_cast %lt3A_14 : vector<512x1xi1> to vector<512x1xi1>
    %broadcast_in_dim3A_20 = vector.broadcast %broadcast_in_dim3A : vector<512x1xi1> to vector<512x128xi1>
    %broadcast_in_dim3A_21 = vector.broadcast %jit3A : f32 to vector<512x128xf32>
    %select_n3A = arith.select %broadcast_in_dim3A_20, %mul3A_19, %broadcast_in_dim3A_21 : vector<512x128xi1>, vector<512x128xf32>
    %swap3A_22 = arith.constant 0 : index
    %swap3A_23 = arith.constant 0 : index
    %swap3A_24 = vector.load %arg5[%swap3A_22, %swap3A_23] : memref<512x128xf32, #tpu.memory_space<vmem>>, vector<512x128xf32>
    tpu.vector_store %arg5[%swap3A_22, %swap3A_23], %select_n3A {strides = array<i32>} : memref<512x128xf32, #tpu.memory_space<vmem>>, vector<512x128xf32>,
    return
  }
  func.func @transform_0(%arg0: i32) -> (i32, i32) {
    %c0_i32 = arith.constant 0 : i32
    %c0_i32_0 = arith.constant 0 : i32
    return %arg0, %c0_i32 : i32, i32
  }
  func.func @transform_1(%arg0: i32) -> (i32, i32) {
    %c0_i32 = arith.constant 0 : i32
    %c0_i32_0 = arith.constant 0 : i32
    return %arg0, %c0_i32 : i32, i32
  }
  func.func @transform_2(%arg0: i32) -> (i32, i32) {
    %c0_i32 = arith.constant 0 : i32
    %c0_i32_0 = arith.constant 0 : i32
    return %arg0, %c0_i32 : i32, i32
  }
  func.func @transform_3(%arg0: i32) -> (i32, i32) {
    %c0_i32 = arith.constant 0 : i32
    %c0_i32_0 = arith.constant 0 : i32
    return %arg0, %c0_i32 : i32, i32
  }
  func.func @transform_4(%arg0: i32) -> (i32, i32) {
    %c0_i32 = arith.constant 0 : i32
    %c0_i32_0 = arith.constant 0 : i32
    return %arg0, %c0_i32 : i32, i32
  }
}

module attributes {stable_mosaic.version = 14 : i64} {
  func.func @body(%arg0: i32, %arg1: memref<512x128xf32, #tpu.memory_space<vmem>>, %arg2: memref<512x128xf32, #tpu.memory_space<vmem>>, %arg3: memref<512x128xf32, #tpu.memory_space<vmem>>, %arg4: memref<512x1xf32, #tpu.memory_space<vmem>>, %arg5: memref<1x128xf32, #tpu.memory_space<vmem>>, %arg6: memref<128x32xf32, #tpu.memory_space<vmem>>, %arg7: memref<512x32xf32, #tpu.memory_space<vmem>>) attributes {dimension_semantics = [#tpu.dimension_semantics<arbitrary>], iteration_bounds = array<i64: 20>, scalar_prefetch = 0 : i64, scratch_operands = 0 : i64, tpu.core_type = #tpu.core_type<tc>, window_params = [{transform_indices = @transform_0, window_bounds = array<i64: 512, 128>}, {transform_indices = @transform_1, window_bounds = array<i64: 512, 128>}, {transform_indices = @transform_2, window_bounds = array<i64: 512, 128>}, {transform_indices = @transform_3, window_bounds = array<i64: 512, 1>}, {pipeline_mode = #tpu.pipeline_mode<synchronous>, transform_indices = @transform_4, window_bounds = array<i64: 1, 128>}, {pipeline_mode = #tpu.pipeline_mode<synchronous>, transform_indices = @transform_5, window_bounds = array<i64: 128, 32>}, {transform_indices = @transform_6, window_bounds = array<i64: 512, 32>}]} {
    %get3A = arith.constant 0 : index
    %get3A_0 = arith.constant 0 : index
    %get3A_1 = vector.load %arg4[%get3A, %get3A_0] : memref<512x1xf32, #tpu.memory_space<vmem>>, vector<512x1xf32>
    %get3A_2 = arith.constant 0 : index
    %get3A_3 = arith.constant 0 : index
    %get3A_4 = vector.load %arg1[%get3A_2, %get3A_3] : memref<512x128xf32, #tpu.memory_space<vmem>>, vector<512x128xf32>
    %get3A_5 = arith.constant 0 : index
    %get3A_6 = arith.constant 0 : index
    %get3A_7 = vector.load %arg2[%get3A_5, %get3A_6] : memref<512x128xf32, #tpu.memory_space<vmem>>, vector<512x128xf32>
    %add3A = arith.addf %get3A_4, %get3A_7 : vector<512x128xf32>
    %get3A_8 = arith.constant 0 : index
    %get3A_9 = arith.constant 0 : index
    %get3A_10 = vector.load %arg3[%get3A_8, %get3A_9] : memref<512x128xf32, #tpu.memory_space<vmem>>, vector<512x128xf32>
    %add3A_11 = arith.addf %add3A, %get3A_10 : vector<512x128xf32>
    %mul3A = vector.broadcast %get3A_1 : vector<512x1xf32> to vector<512x128xf32>
    %mul3A_12 = arith.mulf %mul3A, %add3A_11 : vector<512x128xf32>
    %get3A_13 = arith.constant 0 : index
    %get3A_14 = arith.constant 0 : index
    %get3A_15 = vector.load %arg5[%get3A_13, %get3A_14] : memref<1x128xf32, #tpu.memory_space<vmem>>, vector<1x128xf32>
    %add3A_16 = vector.broadcast %get3A_15 : vector<1x128xf32> to vector<512x128xf32>
    %add3A_17 = arith.addf %mul3A_12, %add3A_16 : vector<512x128xf32>
    %max3A = arith.constant 0.000000e+00 : f32
    %max3A_18 = vector.broadcast %max3A : f32 to vector<512x128xf32>
    %max3A_19 = arith.maximumf %add3A_17, %max3A_18 : vector<512x128xf32>
    %get3A_20 = arith.constant 0 : index
    %get3A_21 = arith.constant 0 : index
    %get3A_22 = vector.load %arg6[%get3A_20, %get3A_21] : memref<128x32xf32, #tpu.memory_space<vmem>>, vector<128x32xf32>
    %dot_general3A = arith.constant dense<0.000000e+00> : vector<512x32xf32>
    %dot_general3A_23 = tpu.matmul %max3A_19, %get3A_22, %dot_general3A {dimension_numbers = #tpu.dot_dimension_numbers<[1], [0], [0], [1], [0, 0, 1, 1], [], []>, transpose_lhs_hint = false} : vector<512x128xf32>, vector<128x32xf32>, vector<512x32xf32> -> vector<512x32xf32>
    %mul3A_24 = arith.constant 512 : i32
    %mul3A_25 = arith.muli %arg0, %mul3A_24 : i32
    %iota3A = tpu.iota {dimensions = array<i32: 0>} : vector<512x1xi32>
    %add3A_26 = vector.broadcast %mul3A_25 : i32 to vector<512x1xi32>
    %add3A_27 = arith.addi %add3A_26, %iota3A : vector<512x1xi32>
    %lt3A = arith.constant 10000 : i32
    %lt3A_28 = vector.broadcast %lt3A : i32 to vector<512x1xi32>
    %lt3A_29 = arith.cmpi slt, %add3A_27, %lt3A_28 : vector<512x1xi32>
    %mul3A_30 = vector.broadcast %get3A_1 : vector<512x1xf32> to vector<512x32xf32>
    %mul3A_31 = arith.mulf %dot_general3A_23, %mul3A_30 : vector<512x32xf32>
    %jit3A = arith.constant 0.000000e+00 : f32
    %broadcast_in_dim3A = vector.shape_cast %lt3A_29 : vector<512x1xi1> to vector<512x1xi1>
    %broadcast_in_dim3A_32 = vector.broadcast %broadcast_in_dim3A : vector<512x1xi1> to vector<512x32xi1>
    %broadcast_in_dim3A_33 = vector.broadcast %jit3A : f32 to vector<512x32xf32>
    %select_n3A = arith.select %broadcast_in_dim3A_32, %mul3A_31, %broadcast_in_dim3A_33 : vector<512x32xi1>, vector<512x32xf32>
    %swap3A = arith.constant 0 : index
    %swap3A_34 = arith.constant 0 : index
    %swap3A_35 = vector.load %arg7[%swap3A, %swap3A_34] : memref<512x32xf32, #tpu.memory_space<vmem>>, vector<512x32xf32>
    tpu.vector_store %arg7[%swap3A, %swap3A_34], %select_n3A {strides = array<i32>} : memref<512x32xf32, #tpu.memory_space<vmem>>, vector<512x32xf32>,
    return
  }
  func.func @transform_0(%arg0: i32) -> (i32, i32) {
    %c0_i32 = arith.constant 0 : i32
    %c0_i32_0 = arith.constant 0 : i32
    return %arg0, %c0_i32 : i32, i32
  }
  func.func @transform_1(%arg0: i32) -> (i32, i32) {
    %c0_i32 = arith.constant 0 : i32
    %c0_i32_0 = arith.constant 0 : i32
    return %arg0, %c0_i32 : i32, i32
  }
  func.func @transform_2(%arg0: i32) -> (i32, i32) {
    %c0_i32 = arith.constant 0 : i32
    %c0_i32_0 = arith.constant 0 : i32
    return %arg0, %c0_i32 : i32, i32
  }
  func.func @transform_3(%arg0: i32) -> (i32, i32) {
    %c0_i32 = arith.constant 0 : i32
    %c0_i32_0 = arith.constant 0 : i32
    return %arg0, %c0_i32 : i32, i32
  }
  func.func @transform_4(%arg0: i32) -> (i32, i32) {
    %c0_i32 = arith.constant 0 : i32
    %c0_i32_0 = arith.constant 0 : i32
    %c0_i32_1 = arith.constant 0 : i32
    return %c0_i32, %c0_i32_0 : i32, i32
  }
  func.func @transform_5(%arg0: i32) -> (i32, i32) {
    %c0_i32 = arith.constant 0 : i32
    %c0_i32_0 = arith.constant 0 : i32
    %c0_i32_1 = arith.constant 0 : i32
    return %c0_i32, %c0_i32_0 : i32, i32
  }
  func.func @transform_6(%arg0: i32) -> (i32, i32) {
    %c0_i32 = arith.constant 0 : i32
    %c0_i32_0 = arith.constant 0 : i32
    return %arg0, %c0_i32 : i32, i32
  }
}

module attributes {stable_mosaic.version = 14 : i64} {
  func.func @body(%arg0: i32, %arg1: memref<512x32xf32, #tpu.memory_space<vmem>>, %arg2: memref<512x32xf32, #tpu.memory_space<vmem>>, %arg3: memref<512x32xf32, #tpu.memory_space<vmem>>, %arg4: memref<512x1xf32, #tpu.memory_space<vmem>>, %arg5: memref<1x32xf32, #tpu.memory_space<vmem>>, %arg6: memref<32x16xf32, #tpu.memory_space<vmem>>, %arg7: memref<512x16xf32, #tpu.memory_space<vmem>>) attributes {dimension_semantics = [#tpu.dimension_semantics<arbitrary>], iteration_bounds = array<i64: 20>, scalar_prefetch = 0 : i64, scratch_operands = 0 : i64, tpu.core_type = #tpu.core_type<tc>, window_params = [{transform_indices = @transform_0, window_bounds = array<i64: 512, 32>}, {transform_indices = @transform_1, window_bounds = array<i64: 512, 32>}, {transform_indices = @transform_2, window_bounds = array<i64: 512, 32>}, {transform_indices = @transform_3, window_bounds = array<i64: 512, 1>}, {pipeline_mode = #tpu.pipeline_mode<synchronous>, transform_indices = @transform_4, window_bounds = array<i64: 1, 32>}, {pipeline_mode = #tpu.pipeline_mode<synchronous>, transform_indices = @transform_5, window_bounds = array<i64: 32, 16>}, {transform_indices = @transform_6, window_bounds = array<i64: 512, 16>}]} {
    %get3A = arith.constant 0 : index
    %get3A_0 = arith.constant 0 : index
    %get3A_1 = vector.load %arg4[%get3A, %get3A_0] : memref<512x1xf32, #tpu.memory_space<vmem>>, vector<512x1xf32>
    %get3A_2 = arith.constant 0 : index
    %get3A_3 = arith.constant 0 : index
    %get3A_4 = vector.load %arg1[%get3A_2, %get3A_3] : memref<512x32xf32, #tpu.memory_space<vmem>>, vector<512x32xf32>
    %get3A_5 = arith.constant 0 : index
    %get3A_6 = arith.constant 0 : index
    %get3A_7 = vector.load %arg2[%get3A_5, %get3A_6] : memref<512x32xf32, #tpu.memory_space<vmem>>, vector<512x32xf32>
    %add3A = arith.addf %get3A_4, %get3A_7 : vector<512x32xf32>
    %get3A_8 = arith.constant 0 : index
    %get3A_9 = arith.constant 0 : index
    %get3A_10 = vector.load %arg3[%get3A_8, %get3A_9] : memref<512x32xf32, #tpu.memory_space<vmem>>, vector<512x32xf32>
    %add3A_11 = arith.addf %add3A, %get3A_10 : vector<512x32xf32>
    %mul3A = vector.broadcast %get3A_1 : vector<512x1xf32> to vector<512x32xf32>
    %mul3A_12 = arith.mulf %mul3A, %add3A_11 : vector<512x32xf32>
    %get3A_13 = arith.constant 0 : index
    %get3A_14 = arith.constant 0 : index
    %get3A_15 = vector.load %arg5[%get3A_13, %get3A_14] : memref<1x32xf32, #tpu.memory_space<vmem>>, vector<1x32xf32>
    %add3A_16 = vector.broadcast %get3A_15 : vector<1x32xf32> to vector<512x32xf32>
    %add3A_17 = arith.addf %mul3A_12, %add3A_16 : vector<512x32xf32>
    %max3A = arith.constant 0.000000e+00 : f32
    %max3A_18 = vector.broadcast %max3A : f32 to vector<512x32xf32>
    %max3A_19 = arith.maximumf %add3A_17, %max3A_18 : vector<512x32xf32>
    %get3A_20 = arith.constant 0 : index
    %get3A_21 = arith.constant 0 : index
    %get3A_22 = vector.load %arg6[%get3A_20, %get3A_21] : memref<32x16xf32, #tpu.memory_space<vmem>>, vector<32x16xf32>
    %dot_general3A = arith.constant dense<0.000000e+00> : vector<512x16xf32>
    %dot_general3A_23 = tpu.matmul %max3A_19, %get3A_22, %dot_general3A {dimension_numbers = #tpu.dot_dimension_numbers<[1], [0], [0], [1], [0, 0, 1, 1], [], []>, transpose_lhs_hint = false} : vector<512x32xf32>, vector<32x16xf32>, vector<512x16xf32> -> vector<512x16xf32>
    %mul3A_24 = arith.constant 512 : i32
    %mul3A_25 = arith.muli %arg0, %mul3A_24 : i32
    %iota3A = tpu.iota {dimensions = array<i32: 0>} : vector<512x1xi32>
    %add3A_26 = vector.broadcast %mul3A_25 : i32 to vector<512x1xi32>
    %add3A_27 = arith.addi %add3A_26, %iota3A : vector<512x1xi32>
    %lt3A = arith.constant 10000 : i32
    %lt3A_28 = vector.broadcast %lt3A : i32 to vector<512x1xi32>
    %lt3A_29 = arith.cmpi slt, %add3A_27, %lt3A_28 : vector<512x1xi32>
    %mul3A_30 = vector.broadcast %get3A_1 : vector<512x1xf32> to vector<512x16xf32>
    %mul3A_31 = arith.mulf %dot_general3A_23, %mul3A_30 : vector<512x16xf32>
    %jit3A = arith.constant 0.000000e+00 : f32
    %broadcast_in_dim3A = vector.shape_cast %lt3A_29 : vector<512x1xi1> to vector<512x1xi1>
    %broadcast_in_dim3A_32 = vector.broadcast %broadcast_in_dim3A : vector<512x1xi1> to vector<512x16xi1>
    %broadcast_in_dim3A_33 = vector.broadcast %jit3A : f32 to vector<512x16xf32>
    %select_n3A = arith.select %broadcast_in_dim3A_32, %mul3A_31, %broadcast_in_dim3A_33 : vector<512x16xi1>, vector<512x16xf32>
    %swap3A = arith.constant 0 : index
    %swap3A_34 = arith.constant 0 : index
    %swap3A_35 = vector.load %arg7[%swap3A, %swap3A_34] : memref<512x16xf32, #tpu.memory_space<vmem>>, vector<512x16xf32>
    tpu.vector_store %arg7[%swap3A, %swap3A_34], %select_n3A {strides = array<i32>} : memref<512x16xf32, #tpu.memory_space<vmem>>, vector<512x16xf32>,
    return
  }
  func.func @transform_0(%arg0: i32) -> (i32, i32) {
    %c0_i32 = arith.constant 0 : i32
    %c0_i32_0 = arith.constant 0 : i32
    return %arg0, %c0_i32 : i32, i32
  }
  func.func @transform_1(%arg0: i32) -> (i32, i32) {
    %c0_i32 = arith.constant 0 : i32
    %c0_i32_0 = arith.constant 0 : i32
    return %arg0, %c0_i32 : i32, i32
  }
  func.func @transform_2(%arg0: i32) -> (i32, i32) {
    %c0_i32 = arith.constant 0 : i32
    %c0_i32_0 = arith.constant 0 : i32
    return %arg0, %c0_i32 : i32, i32
  }
  func.func @transform_3(%arg0: i32) -> (i32, i32) {
    %c0_i32 = arith.constant 0 : i32
    %c0_i32_0 = arith.constant 0 : i32
    return %arg0, %c0_i32 : i32, i32
  }
  func.func @transform_4(%arg0: i32) -> (i32, i32) {
    %c0_i32 = arith.constant 0 : i32
    %c0_i32_0 = arith.constant 0 : i32
    %c0_i32_1 = arith.constant 0 : i32
    return %c0_i32, %c0_i32_0 : i32, i32
  }
  func.func @transform_5(%arg0: i32) -> (i32, i32) {
    %c0_i32 = arith.constant 0 : i32
    %c0_i32_0 = arith.constant 0 : i32
    %c0_i32_1 = arith.constant 0 : i32
    return %c0_i32, %c0_i32_0 : i32, i32
  }
  func.func @transform_6(%arg0: i32) -> (i32, i32) {
    %c0_i32 = arith.constant 0 : i32
    %c0_i32_0 = arith.constant 0 : i32
    return %arg0, %c0_i32 : i32, i32
  }
}

module attributes {stable_mosaic.version = 14 : i64} {
  func.func @_tc_k4_body(%arg0: i32, %arg1: memref<400x16xf32, #tpu.memory_space<vmem>>, %arg2: memref<400x16xf32, #tpu.memory_space<vmem>>, %arg3: memref<400x16xf32, #tpu.memory_space<vmem>>, %arg4: memref<400x1xf32, #tpu.memory_space<vmem>>, %arg5: memref<1x16xf32, #tpu.memory_space<vmem>>, %arg6: memref<400x16xf32, #tpu.memory_space<vmem>>) attributes {dimension_semantics = [#tpu.dimension_semantics<arbitrary>], iteration_bounds = array<i64: 25>, scalar_prefetch = 0 : i64, scratch_operands = 0 : i64, tpu.core_type = #tpu.core_type<tc>, window_params = [{transform_indices = @transform_0, window_bounds = array<i64: 400, 16>}, {transform_indices = @transform_1, window_bounds = array<i64: 400, 16>}, {transform_indices = @transform_2, window_bounds = array<i64: 400, 16>}, {transform_indices = @transform_3, window_bounds = array<i64: 400, 1>}, {pipeline_mode = #tpu.pipeline_mode<synchronous>, transform_indices = @transform_4, window_bounds = array<i64: 1, 16>}, {transform_indices = @transform_5, window_bounds = array<i64: 400, 16>}]} {
    %get3A = arith.constant 0 : index
    %get3A_0 = arith.constant 0 : index
    %get3A_1 = vector.load %arg4[%get3A, %get3A_0] : memref<400x1xf32, #tpu.memory_space<vmem>>, vector<400x1xf32>
    %get3A_2 = arith.constant 0 : index
    %get3A_3 = arith.constant 0 : index
    %get3A_4 = vector.load %arg1[%get3A_2, %get3A_3] : memref<400x16xf32, #tpu.memory_space<vmem>>, vector<400x16xf32>
    %get3A_5 = arith.constant 0 : index
    %get3A_6 = arith.constant 0 : index
    %get3A_7 = vector.load %arg2[%get3A_5, %get3A_6] : memref<400x16xf32, #tpu.memory_space<vmem>>, vector<400x16xf32>
    %add3A = arith.addf %get3A_4, %get3A_7 : vector<400x16xf32>
    %get3A_8 = arith.constant 0 : index
    %get3A_9 = arith.constant 0 : index
    %get3A_10 = vector.load %arg3[%get3A_8, %get3A_9] : memref<400x16xf32, #tpu.memory_space<vmem>>, vector<400x16xf32>
    %add3A_11 = arith.addf %add3A, %get3A_10 : vector<400x16xf32>
    %mul3A = vector.broadcast %get3A_1 : vector<400x1xf32> to vector<400x16xf32>
    %mul3A_12 = arith.mulf %mul3A, %add3A_11 : vector<400x16xf32>
    %get3A_13 = arith.constant 0 : index
    %get3A_14 = arith.constant 0 : index
    %get3A_15 = vector.load %arg5[%get3A_13, %get3A_14] : memref<1x16xf32, #tpu.memory_space<vmem>>, vector<1x16xf32>
    %add3A_16 = vector.broadcast %get3A_15 : vector<1x16xf32> to vector<400x16xf32>
    %add3A_17 = arith.addf %mul3A_12, %add3A_16 : vector<400x16xf32>
    %reduce_max3A = arith.constant dense<0xFF800000> : vector<400xf32>
    %reduce_max3A_18 = vector.multi_reduction <maximumf>, %add3A_17, %reduce_max3A [1] : vector<400x16xf32> to vector<400xf32>
    %broadcast_in_dim3A = vector.shape_cast %reduce_max3A_18 : vector<400xf32> to vector<400x1xf32>
    %sub3A = vector.broadcast %broadcast_in_dim3A : vector<400x1xf32> to vector<400x16xf32>
    %sub3A_19 = arith.subf %add3A_17, %sub3A : vector<400x16xf32>
    %exp3A = math.exp %sub3A_19 : vector<400x16xf32>
    %reduce_sum3A = arith.constant dense<0.000000e+00> : vector<400xf32>
    %reduce_sum3A_20 = vector.multi_reduction <add>, %exp3A, %reduce_sum3A [1] : vector<400x16xf32> to vector<400xf32>
    %broadcast_in_dim3A_21 = vector.shape_cast %reduce_sum3A_20 : vector<400xf32> to vector<400x1xf32>
    %log3A = math.log %broadcast_in_dim3A_21 : vector<400x1xf32>
    %add3A_22 = arith.addf %broadcast_in_dim3A, %log3A : vector<400x1xf32>
    %sub3A_23 = vector.broadcast %add3A_22 : vector<400x1xf32> to vector<400x16xf32>
    %sub3A_24 = arith.subf %add3A_17, %sub3A_23 : vector<400x16xf32>
    %swap3A = arith.constant 0 : index
    %swap3A_25 = arith.constant 0 : index
    %swap3A_26 = vector.load %arg6[%swap3A, %swap3A_25] : memref<400x16xf32, #tpu.memory_space<vmem>>, vector<400x16xf32>
    tpu.vector_store %arg6[%swap3A, %swap3A_25], %sub3A_24 {strides = array<i32>} : memref<400x16xf32, #tpu.memory_space<vmem>>, vector<400x16xf32>,
    return
  }
  func.func @transform_0(%arg0: i32) -> (i32, i32) {
    %c0_i32 = arith.constant 0 : i32
    %c0_i32_0 = arith.constant 0 : i32
    return %arg0, %c0_i32 : i32, i32
  }
  func.func @transform_1(%arg0: i32) -> (i32, i32) {
    %c0_i32 = arith.constant 0 : i32
    %c0_i32_0 = arith.constant 0 : i32
    return %arg0, %c0_i32 : i32, i32
  }
  func.func @transform_2(%arg0: i32) -> (i32, i32) {
    %c0_i32 = arith.constant 0 : i32
    %c0_i32_0 = arith.constant 0 : i32
    return %arg0, %c0_i32 : i32, i32
  }
  func.func @transform_3(%arg0: i32) -> (i32, i32) {
    %c0_i32 = arith.constant 0 : i32
    %c0_i32_0 = arith.constant 0 : i32
    return %arg0, %c0_i32 : i32, i32
  }
  func.func @transform_4(%arg0: i32) -> (i32, i32) {
    %c0_i32 = arith.constant 0 : i32
    %c0_i32_0 = arith.constant 0 : i32
    %c0_i32_1 = arith.constant 0 : i32
    return %c0_i32, %c0_i32_0 : i32, i32
  }
  func.func @transform_5(%arg0: i32) -> (i32, i32) {
    %c0_i32 = arith.constant 0 : i32
    %c0_i32_0 = arith.constant 0 : i32
    return %arg0, %c0_i32 : i32, i32
  }
}

</mosaic_0001>

<sc_bundles>
// kernel: kernel.11.cloned.1.call-start
scs
__scs_entry_jumppad:
0x0: {  	(pc) =	sbr.rel $0x88, $3  }
0x1: {  	(tag) =	ssettag $0x0;
	lr =	simm.s32 $0x1  }
0x2: {  	[smem:$0x3F99] =	sst lr;
	_ =	strace $0xD0000000  }
0x3: {  	_ = 	snop  }
0x4: {  	_ = 	snop  }
0x5: {  	_ = 	snop  }
0x6: {  	_ = 	snop  }
0x7: {  	_ = 	snop  }
__scs_overlays_trampoline_lowered:
0x8: {  	[smem:$0x3FA8] =	sst s0  }
0x9: {  	[smem:$0x3FA9] =	sst s1  }
0xa: {  	[smem:$0x3FAA] =	sst s2  }
0xb: {  	[smem:$0x3FAB] =	sst s3  }
0xc: {  	[smem:$0x3FAC] =	sst s4  }
0xd: {  	[smem:$0x3FAD] =	sst s5  }
0xe: {  	[smem:$0x3FAE] =	sst s6  }
0xf: {  	[smem:$0x3FAF] =	sst s7  }
0x10: {  	[smem:$0x3FB0] =	sst s8  }
0x11: {  	[smem:$0x3FB1] =	sst s9;
	s0 =	simm.s32 @!p0 $0x0  }
0x12: {  	s1 =	sld [smem:$0x3F97];
	s0 =	simm.s32 @p0 $0x1  }
0x13: {  	[smem:$0x3FB2] =	sst s0;
	s0 =	simm.s32 @!p1 $0x0  }
0x14: {  	s2 =	sld [smem:$0x3F96];
	s0 =	simm.s32 @p1 $0x1  }
0x15: {  	[smem:$0x3FB3] =	sst s0;
	s0 =	simm.s32 @!p2 $0x0  }
0x16: {  	s3 =	sld [smem:$0x3FDB];
	s0 =	simm.s32 @p2 $0x1  }
0x17: {  	s4 =	simm.s32 $0x1BF5;
	[smem:$0x3FB5] =	sst s0  }
0x18: {  	s0 =	sld [smem:$0x3F98];
	_ =	swait.ge [sflag:s4], $0x0  }
0x19: {  	s7 =	sld [smem:$0x3F99]  }
0x1a: {  	s8 =	sadd.s32 $0xFFFFE003, lr  }
0x1b: {  	s9 =	sadd.s32 $0xFFFFFEF7, lr;
	s5 =	simm.s32 $0xFFFFFFFF;
	p2 =	slt.u32 s8, $0xFFFFF086  }
0x1c: {  	p1 =	slt.u32 s9, $0xF7A;
	s5 =	simm.s32 @!p2 $0x0  }
0x1d: {  	s5 =	simm.s32 @p1 $0x1;
	p0 =	seq.s32 s7, s2  }
0x1e: {  	s7 =	smul.u32 @!p0 $0xF7A, s2;
	p2 =	seq.s32 @!p0 s5, $0x0  }
0x1f: {  	s9 =	smul.u32 $0xF7A, s1;
	s8 =	simm.s32 @!p0 $0x1BF5;
	p2 =	por !p2, p0  }
0x20: {  	[sflag:s8] =	ssyncset.s32 @!p0 $0xFFFFF086;
	s6 =	sadd.s32 @!p0 s3, s7;
	s7 =	simm.s32 @!p0 $0x108  }
0x21: {  	s3 =	sadd.s32 s3, s9;
	s6 =	sadd.s32 @!p0 $0x88, s6;
	s7 =	simm.s32 @p2 $0x1082  }
0x22: {  	[simem:s7], [sflag:s8] =	dma.local @!p0 [hbm:s6], $0xF7A  }
0x23: {  	s9 =	sor.u32 $0xD0000000, s2;
	s6 =	simm.s32 $0x108;
	_ =	swait.ge @!p0 [sflag:s8], $0x0  }
0x24: {  	s3 =	sadd.s32 $0x88, s3;
	s6 =	simm.s32 @!p1 $0x1082;
	[sflag:s4] =	ssyncset.s32 $0xFFFFF086  }
0x25: {  	[simem:s6], [sflag:s4] =	dma.local [hbm:s3], $0xF7A  }
0x26: {  	[smem:$0x3F99] =	sst s1;
	(tag) =	ssettag s2;
	_ =	strace s9  }
0x27: {  	s1 =	sld [smem:$0x3FA9]  }
0x28: {  	s2 =	sld [smem:$0x3FAA]  }
0x29: {  	s4 =	sld [smem:$0x3FAC]  }
0x2a: {  	p0 =	seq.s32 s5, $0x0;
	s5 =	sld [smem:$0x3FAD]  }
0x2b: {  	s6 =	sld [smem:$0x3FAE]  }
0x2c: {  	s7 =	sld [smem:$0x3FAF]  }
0x2d: {  	s3 =	simm.s32 $0x108;
	s8 =	sld [smem:$0x3FB0]  }
0x2e: {  	s3 =	simm.s32 @!p0 $0x1082;
	s9 =	sld [smem:$0x3FB1]  }
0x2f: {  	lr =	sadd.s32 s0, s3;
	s0 =	sld [smem:$0x3FA8]  }
0x30: {  	s3 =	sld [smem:$0x3FAB]  }
0x31: {  	[smem:$0x3FB4] =	sst s10  }
0x32: {  	s10 =	sld [smem:$0x3FB2];
	_ =	sdelay $0x3  }
0x33: {  	p0 =	seq.s32 s10, $0x1;
	s10 =	sld [smem:$0x3FB4];
	_ =	sdelay $0x3  }
0x34: {  	[smem:$0x3FB4] =	sst s10  }
0x35: {  	s10 =	sld [smem:$0x3FB3];
	_ =	sdelay $0x3  }
0x36: {  	p1 =	seq.s32 s10, $0x1;
	s10 =	sld [smem:$0x3FB4];
	_ =	sdelay $0x3  }
0x37: {  	[smem:$0x3FB4] =	sst s10  }
0x38: {  	s10 =	sld [smem:$0x3FB5]  }
0x39: {  	_ = 	snop;
	(pc) =	sbr.ind lr, $3  }
0x3a: {  	_ = 	snop  }
0x3b: {  	_ = 	snop  }
0x3c: {  	p2 =	seq.s32 s10, $0x1;
	s10 =	sld [smem:$0x3FB4]  }
0x3d: {  	_ =	shalt  }
0x3e: {  	_ =	shalt  }
0x3f: {  	_ =	shalt  }
0x40: {  	_ =	shalt  }
0x41: {  	_ =	shalt  }
0x42: {  	_ =	shalt  }
0x43: {  	_ =	shalt  }
0x44: {  	_ =	shalt  }
0x45: {  	_ =	shalt  }
0x46: {  	_ =	shalt  }
0x47: {  	_ =	shalt  }
0x48: {  	_ =	shalt  }
0x49: {  	_ =	shalt  }
0x4a: {  	_ =	shalt  }
0x4b: {  	_ =	shalt  }
0x4c: {  	_ =	shalt  }
0x4d: {  	_ =	shalt  }
0x4e: {  	_ =	shalt  }
0x4f: {  	_ =	shalt  }
0x50: {  	_ =	shalt  }
0x51: {  	_ =	shalt  }
0x52: {  	_ =	shalt  }
0x53: {  	_ =	shalt  }
0x54: {  	_ =	shalt  }
0x55: {  	_ =	shalt  }
0x56: {  	_ =	shalt  }
0x57: {  	_ =	shalt  }
0x58: {  	_ =	shalt  }
0x59: {  	_ =	shalt  }
0x5a: {  	_ =	shalt  }
0x5b: {  	_ =	shalt  }
0x5c: {  	_ =	shalt  }
0x5d: {  	_ =	shalt  }
0x5e: {  	_ =	shalt  }
0x5f: {  	_ =	shalt  }
0x60: {  	_ =	shalt  }
0x61: {  	_ =	shalt  }
0x62: {  	_ =	shalt  }
0x63: {  	_ =	shalt  }
0x64: {  	_ =	shalt  }
0x65: {  	_ =	shalt  }
0x66: {  	_ =	shalt  }
0x67: {  	_ =	shalt  }
0x68: {  	_ =	shalt  }
0x69: {  	_ =	shalt  }
0x6a: {  	_ =	shalt  }
0x6b: {  	_ =	shalt  }
0x6c: {  	_ =	shalt  }
0x6d: {  	_ =	shalt  }
0x6e: {  	_ =	shalt  }
0x6f: {  	_ =	shalt  }
0x70: {  	_ =	shalt  }
0x71: {  	_ =	shalt  }
0x72: {  	_ =	shalt  }
0x73: {  	_ =	shalt  }
0x74: {  	_ =	shalt  }
0x75: {  	_ =	shalt  }
0x76: {  	_ =	shalt  }
0x77: {  	_ =	shalt  }
0x78: {  	_ =	shalt  }
0x79: {  	_ =	shalt  }
0x7a: {  	_ =	shalt  }
0x7b: {  	_ =	shalt  }
0x7c: {  	_ =	shalt  }
0x7d: {  	_ =	shalt  }
0x7e: {  	_ =	shalt  }
0x7f: {  	_ =	shalt  }
0x80: {  	_ =	shalt  }
0x81: {  	_ =	shalt  }
0x82: {  	_ =	shalt  }
0x83: {  	_ =	shalt  }
0x84: {  	_ =	shalt  }
0x85: {  	_ =	shalt  }
0x86: {  	_ =	shalt  }
0x87: {  	_ =	shalt  }
.Lfunc_end0:
.L_simem_size_0:
called_computation_lowered:
.L_overlay_start_0:
0x88: {  	s2 =	sld [smem:$0x3FD9]  }
0x89: {  	s3 =	sld [smem:$0x3FFE];
	_ =	sdelay $0x1  }
0x8a: {  	s1 =	srdreg.scid  }
0x8b: {  	s0 =	sand.u32 $0x1, s1  }
0x8c: {  	s17 =	sshll.u32 s0, $0xA;
	s2 =	sadd.s32 s3, s2  }
0x8d: {  	s2 =	sadd.s32 s2, s17  }
0x8e: {  	[smem:$0x3FC0] =	sst s2  }
0x8f: {  	_ = 	snop  }
0x90: {  	s2 =	sld [smem:$0x3FD0];
	(tm) =	ssettm $0x1  }
0x91: {  	s18 =	sld [smem:$0x3FFB];
	_ =	sdelay $0x3  }
0x92: {  	_ =	strace s18  }
0x93: {  	s3 =	sld [smem:$0x3FFC];
	_ =	sdelay $0x3  }
0x94: {  	_ =	strace s3  }
0x95: {  	s3 =	sld [smem:$0x3FFD];
	_ =	sdelay $0x3  }
0x96: {  	_ =	strace s3  }
0x97: {  	_ =	strace $0x8FFFFFFF  }
0x98: {  	s19 =	sld [smem:$0x3FDB];
	_ =	sdelay $0x1  }
0x99: {  	s4 =	simm.s32 $_scs_section_size  }
0x9a: {  	s5 =	simm.s32 $_size__tile_overlayer_lowered;
	s6 =	simm.s32 $_tile_overlayer_lowered  }
0x9b: {  	s22 =	simm.s32 $0x1BFF;
	s21 =	sshll.u32 s6, $0x1;
	s3 =	sadd.s32 s4, s19  }
0x9c: {  	s7 =	simm.s32 $0x0;
	s20 =	sshll.u32 s5, $0x1;
	s5 =	sadd.s32 s21, s3  }
0x9d: {  	[timem:s7], [sflag:s22] =	dma.local [hbm:s5], s20  }
0x9e: {  	_ =	swait.ge [sflag:s22], s20  }
0x9f: {  	s4 =	ssub.s32 $0x0, s20;
	[sflag:s22] =	ssyncset.done $0x0  }
0xa0: {  	[sflag:s22] =	ssyncadd.s32 s4;
	_ =	sdelay $0x1  }
0xa1: {  	s23 =	simm.s32 $0x1B8B  }
0xa2: {  	_ =	swait.ge [sflag:s23], $0x1  }
0xa3: {  	[sflag:s23] =	ssyncset.done $0x0  }
0xa4: {  	s25 =	simm.s32 $0x1B8E;
	s24 =	sld [smem:$0x3FFE];
	[sflag:s23] =	ssyncadd.s32 $0xFFFFFFFF  }
0xa5: {  	s26 =	simm.s32 $execute0_lowered;
	[smem:$0x3FD2] =	sst s25  }
0xa6: {  	s5 =	sshll.u32 s26, $0x1;
	_ =	strace $0x80000046;
	[dreg:$0x1] =	wrdreg $0xFFFFFFFF  }
0xa7: {  	s28 =	simm.s32 $_size_execute0_lowered;
	s3 =	sadd.s32 s3, s5;
	[dreg:$0x0] =	wrdreg $0x0  }
0xa8: {  	s5 =	sshll.u32 s28, $0x1;
	[dreg:$0x2] =	wrdreg s3  }
0xa9: {  	[dreg:$0x3] =	wrdreg s5  }
0xaa: {  	[dreg:$0x4] =	wrdreg $0xC0  }
0xab: {  	_ =	task [dreg:s7], $0x5FFFF  }
0xac: {  	[dreg:$0x1] =	wrdreg $0xFFFFFFFF  }
0xad: {  	[dreg:$0x0] =	wrdreg $0x60  }
0xae: {  	[dreg:$0x2] =	wrdreg s24  }
0xaf: {  	[dreg:$0x3] =	wrdreg s2  }
0xb0: {  	[dreg:$0x4] =	wrdreg $0x30000  }
0xb1: {  	[dreg:$0x5] =	wrdreg $0x9  }
0xb2: {  	_ =	task.clear_ibuf [dreg:s7], $0x6FFFF;
	_ =	strace $0x90000046  }
0xb3: {  	s29 =	simm.s32 $0x9;
	_ =	strace $0x80000048  }
0xb4: {  	_ =	swait.ge [sflag:s29], $0x1  }
0xb5: {  	[sflag:s29] =	ssyncadd.s32 $0xFFFFFFFF  }
0xb6: {  	_ =	strace $0x90000048  }
0xb7: {  	_ =	sfence  }
0xb8: {  	s30 =	sld [smem:$0x0];
	_ =	sdelay $0x2  }
0xb9: {  	s31 =	sshll.u32 s1, $0xD;
	s1 =	sshrl.u32 s1, $0x2  }
0xba: {  	s3 =	sand.u32 $0x4000, s31;
	s1 =	sadd.s32 s1, s30  }
0xbb: {  	s0 =	sor.u32 s3, s0;
	s1 =	sshll.u32 s1, $0x11  }
0xbc: {  	s0 =	sor.u32 s1, s0  }
0xbd: {  	s0 =	sadd.s32 $0x8F2B, s0  }
0xbe: {  	[sflag:s0] =	ssyncadd.remote.s32 $0x1  }
0xbf: {  	_ =	sfence.sel $0xFFFF  }
0xc0: {  	[dreg:$0x0] =	wrdreg $0xFFFFFFFF;
	(pc) =	sbr.abs _section_cstart, $3  }
0xc1: {  	[dreg:$0x1] =	wrdreg $0xFFFFFFFF  }
0xc2: {  	_ =	task.clear_ibuf [dreg:s7], $0x2FFFF;
	_ =	strace $0x9FFFFFFF  }
0xc3: {  	(tm) =	ssettm $0x7FFFFFFF  }
tec
execute0_lowered:
.L_overlay_start_1:
0x0: {  	(tag) =	ssettag $0x1  }
0x1: {  	s5 =	rddreg [dreg:$0x0]  }
0x2: {  	s0 =	srdreg.scid;
	s2 =	rddreg [dreg:$0x1]  }
0x3: {  	s3 =	rddreg [dreg:$0x2];
	s6 =	sand.u32 $0x1, s0;
	s0 =	stileid.u32  }
0x4: {  	s4 =	simm.s32 $0x0;
	s13 =	simm.s32 $0x1;
	s8 =	smul.u32 $0x2800, s0  }
0x5: {  	[smem:$0x7FF] =	sst s4;
	s1 =	sshll.u32 s6, $0x4;
	s9 =	smul.u32 $0x5000, s6  }
0x6: {  	s6 =	ssub.s32 $0x2, s6;
	s31 =	sshll.u32 s0, $0x6;
	s7 =	sor.u32 s0, s1  }
0x7: {  	s1 =	rddreg [dreg:$0x3];
	_ =	strace $0x80000047;
	s30 =	sshrl.u32 s6, $0x1  }
0x8: {  	s7 =	smul.u32 $0x500, s7;
	s14 =	sshrl.u32 s8, $0x3;
	s9 =	sadd.s32 s9, s5  }
0x9: {  	s11 =	ssub.s32 s6, s30;
	s12 =	sadd.s32 s8, s3;
	s8 =	simm.s32 $0x2  }
0xa: {  	s10 =	sadd.s32 s14, s5;
	s15 =	sadd.s32 $0x12000, s9;
	s9 =	simm.s32 $0x2800  }
0xb: {  	s7 =	sadd.s32 s7, s5;
	s6 =	sadd.s32 $0xD000, s10;
	s10 =	sor.u32 $0x1C02, s31  }
0xc: {  	s14 =	sadd.s32 s14, s15;
	s15 =	simm.s32 $0x0;
	s5 =	sadd.s32 $0x3000, s7  }
0xd: {  	s7 =	smax.u32 s11, $0x1;
	s11 =	sshrl.u32 s12, $0x3;
	s12 =	simm.s32 $0x80  }
.LBB2_1:
0xe: {  	[tilespmem:s4], [sflag:$0x2] =	stream.linear.gather [hbm4b:s5+s4], $0x2800, $0x38;
	[tilespmem:$0x5800] =	vst v63  }
0xf: {  	_ =	swait.ge [sflag:s8], $0x2800  }
0x10: {  	[sflag:s8] =	ssyncset.done $0x0  }
0x11: {  	[sflag:s8] =	ssyncadd.s32 $0xFFFFD800  }
0x12: {  	[tilespmem:s9], [sflag:$0x2] =	stream.linear.gather [hbm4b:s2+s4], $0x800, $0x38;
	[tilespmem:$0x5800] =	vst v63  }
0x13: {  	_ =	swait.ge [sflag:s8], $0x800  }
0x14: {  	[sflag:s8] =	ssyncset.done $0x0  }
0x15: {  	[sflag:s8] =	ssyncadd.s32 $0xFFFFF800  }
0x16: {  	[spmem:s11], [sflag:s10] =	dma.local [hbm:s6], $0x500  }
0x17: {  	_ =	swait.ge [sflag:s8], $0x500  }
0x18: {  	[sflag:s8] =	ssyncset.done $0x0  }
0x19: {  	[sflag:s8] =	ssyncadd.s32 $0xFFFFFB00  }
0x1a: {  	s16 =	simm.s32 $0x0;
	[bflag:$0x0] =	sbarrier.arrive $0xFFFF  }
0x1b: {  	[spmem:s3] =	stream.indirect.scatter.add.f32 [tilespmem:s9], [sflag:$0x1], $0x10, s16, s12, $0xb8;
	[tilespmem:$0x5800] =	vst v63  }
0x1c: {  	s24 =	simm.s32 $0x80  }
0x1d: {  	[spmem:s3] =	stream.indirect.scatter.add.f32 [tilespmem:s9], [sflag:$0x1], $0x10, s24, s12, $0xb8;
	[tilespmem:$0x5800] =	vst v63  }
0x1e: {  	s25 =	simm.s32 $0x100  }
0x1f: {  	[spmem:s3] =	stream.indirect.scatter.add.f32 [tilespmem:s9], [sflag:$0x1], $0x10, s25, s12, $0xb8;
	[tilespmem:$0x5800] =	vst v63  }
0x20: {  	s26 =	simm.s32 $0x180  }
0x21: {  	[spmem:s3] =	stream.indirect.scatter.add.f32 [tilespmem:s9], [sflag:$0x1], $0x10, s26, s12, $0xb8;
	[tilespmem:$0x5800] =	vst v63  }
0x22: {  	s28 =	simm.s32 $0x200  }
0x23: {  	[spmem:s3] =	stream.indirect.scatter.add.f32 [tilespmem:s9], [sflag:$0x1], $0x10, s28, s12, $0xb8;
	[tilespmem:$0x5800] =	vst v63  }
0x24: {  	s29 =	simm.s32 $0x280  }
0x25: {  	[spmem:s3] =	stream.indirect.scatter.add.f32 [tilespmem:s9], [sflag:$0x1], $0x10, s29, s12, $0xb8;
	[tilespmem:$0x5800] =	vst v63  }
0x26: {  	s30 =	simm.s32 $0x300  }
0x27: {  	[spmem:s3] =	stream.indirect.scatter.add.f32 [tilespmem:s9], [sflag:$0x1], $0x10, s30, s12, $0xb8;
	[tilespmem:$0x5800] =	vst v63  }
0x28: {  	s31 =	simm.s32 $0x380  }
0x29: {  	[spmem:s3] =	stream.indirect.scatter.add.f32 [tilespmem:s9], [sflag:$0x1], $0x10, s31, s12, $0xb8;
	[tilespmem:$0x5800] =	vst v63  }
0x2a: {  	_ =	swait.ge [sflag:s13], $0x800  }
0x2b: {  	[sflag:s13] =	ssyncset.done $0x0  }
0x2c: {  	[sflag:s13] =	ssyncadd.s32 $0xFFFFF800  }
0x2d: {  	_ =	swait.ge [sflag:s13], $0x800  }
0x2e: {  	[sflag:s13] =	ssyncset.done $0x0  }
0x2f: {  	[sflag:s13] =	ssyncadd.s32 $0xFFFFF800  }
0x30: {  	_ =	swait.ge [sflag:s13], $0x800  }
0x31: {  	[sflag:s13] =	ssyncset.done $0x0  }
0x32: {  	[sflag:s13] =	ssyncadd.s32 $0xFFFFF800  }
0x33: {  	_ =	swait.ge [sflag:s13], $0x800  }
0x34: {  	[sflag:s13] =	ssyncset.done $0x0  }
0x35: {  	[sflag:s13] =	ssyncadd.s32 $0xFFFFF800  }
0x36: {  	_ =	swait.ge [sflag:s13], $0x800  }
0x37: {  	[sflag:s13] =	ssyncset.done $0x0  }
0x38: {  	[sflag:s13] =	ssyncadd.s32 $0xFFFFF800  }
0x39: {  	_ =	swait.ge [sflag:s13], $0x800  }
0x3a: {  	[sflag:s13] =	ssyncset.done $0x0  }
0x3b: {  	[sflag:s13] =	ssyncadd.s32 $0xFFFFF800  }
0x3c: {  	_ =	swait.ge [sflag:s13], $0x800  }
0x3d: {  	[sflag:s13] =	ssyncset.done $0x0  }
0x3e: {  	[sflag:s13] =	ssyncadd.s32 $0xFFFFF800  }
0x3f: {  	_ =	swait.ge [sflag:s13], $0x800  }
0x40: {  	s18 =	simm.s32 $0x2000;
	s16 =	simm.s32 $0x1000;
	[sflag:s13] =	ssyncset.done $0x0  }
.LBB2_2:
0x41: {  	s19 =	sshra.s32 s16, $0x2  }
0x42: {  	[sflag:s13] =	ssyncadd.s32 $0xFFFFF800;
	s16 =	smov.u32 s18;
	s17 =	sadd.s32 $0x1000, s18  }
0x43: {  	[spmem:s3] =	stream.indirect.scatter.add.f32 [tilespmem:s9], [sflag:$0x1], $0x10, s19, s12, $0xb8;
	[tilespmem:$0x5800] =	vst v63  }
0x44: {  	p0 =	sne.s32 s18, $0x9000;
	s18 =	sadd.s32 $0x80, s19  }
0x45: {  	[spmem:s3] =	stream.indirect.scatter.add.f32 [tilespmem:s9], [sflag:$0x1], $0x10, s18, s12, $0xb8;
	[tilespmem:$0x5800] =	vst v63  }
0x46: {  	s18 =	sadd.s32 $0x100, s19  }
0x47: {  	[spmem:s3] =	stream.indirect.scatter.add.f32 [tilespmem:s9], [sflag:$0x1], $0x10, s18, s12, $0xb8;
	[tilespmem:$0x5800] =	vst v63  }
0x48: {  	s18 =	sadd.s32 $0x180, s19  }
0x49: {  	[spmem:s3] =	stream.indirect.scatter.add.f32 [tilespmem:s9], [sflag:$0x1], $0x10, s18, s12, $0xb8;
	[tilespmem:$0x5800] =	vst v63  }
0x4a: {  	s18 =	sadd.s32 $0x200, s19  }
0x4b: {  	[spmem:s3] =	stream.indirect.scatter.add.f32 [tilespmem:s9], [sflag:$0x1], $0x10, s18, s12, $0xb8;
	[tilespmem:$0x5800] =	vst v63  }
0x4c: {  	s18 =	sadd.s32 $0x280, s19  }
0x4d: {  	[spmem:s3] =	stream.indirect.scatter.add.f32 [tilespmem:s9], [sflag:$0x1], $0x10, s18, s12, $0xb8;
	[tilespmem:$0x5800] =	vst v63  }
0x4e: {  	s18 =	sadd.s32 $0x300, s19  }
0x4f: {  	[spmem:s3] =	stream.indirect.scatter.add.f32 [tilespmem:s9], [sflag:$0x1], $0x10, s18, s12, $0xb8;
	[tilespmem:$0x5800] =	vst v63  }
0x50: {  	s18 =	sadd.s32 $0x380, s19  }
0x51: {  	[spmem:s3] =	stream.indirect.scatter.add.f32 [tilespmem:s9], [sflag:$0x1], $0x10, s18, s12, $0xb8;
	[tilespmem:$0x5800] =	vst v63  }
0x52: {  	_ =	swait.ge [sflag:s13], $0x800  }
0x53: {  	[sflag:s13] =	ssyncset.done $0x0  }
0x54: {  	[sflag:s13] =	ssyncadd.s32 $0xFFFFF800  }
0x55: {  	_ =	swait.ge [sflag:s13], $0x800  }
0x56: {  	[sflag:s13] =	ssyncset.done $0x0  }
0x57: {  	[sflag:s13] =	ssyncadd.s32 $0xFFFFF800  }
0x58: {  	_ =	swait.ge [sflag:s13], $0x800  }
0x59: {  	[sflag:s13] =	ssyncset.done $0x0  }
0x5a: {  	[sflag:s13] =	ssyncadd.s32 $0xFFFFF800  }
0x5b: {  	_ =	swait.ge [sflag:s13], $0x800  }
0x5c: {  	[sflag:s13] =	ssyncset.done $0x0  }
0x5d: {  	[sflag:s13] =	ssyncadd.s32 $0xFFFFF800  }
0x5e: {  	_ =	swait.ge [sflag:s13], $0x800  }
0x5f: {  	[sflag:s13] =	ssyncset.done $0x0  }
0x60: {  	[sflag:s13] =	ssyncadd.s32 $0xFFFFF800  }
0x61: {  	_ =	swait.ge [sflag:s13], $0x800  }
0x62: {  	[sflag:s13] =	ssyncset.done $0x0  }
0x63: {  	[sflag:s13] =	ssyncadd.s32 $0xFFFFF800  }
.Ltmp0:
0x64: {  	_ =	swait.ge [sflag:s13], $0x800;
	(pc) =	sbr.rel @p0 .LBB2_2-.Ltmp0, $4  }
0x65: {  	[sflag:s13] =	ssyncset.done $0x0  }
0x66: {  	[sflag:s13] =	ssyncadd.s32 $0xFFFFF800  }
0x67: {  	_ =	swait.ge [sflag:s13], $0x800  }
0x68: {  	s18 =	smov.u32 s17;
	[sflag:s13] =	ssyncset.done $0x0  }
0x69: {  	s16 =	sshra.s32 s16, $0x2;
	[sflag:s13] =	ssyncadd.s32 $0xFFFFF800  }
0x6a: {  	[spmem:s3] =	stream.indirect.scatter.add.f32 [tilespmem:s9], [sflag:$0x1], $0x10, s16, s12, $0xb8;
	[tilespmem:$0x5800] =	vst v63  }
0x6b: {  	s17 =	sadd.s32 $0x80, s16  }
0x6c: {  	[spmem:s3] =	stream.indirect.scatter.add.f32 [tilespmem:s9], [sflag:$0x1], $0x10, s17, s12, $0xb8;
	[tilespmem:$0x5800] =	vst v63  }
0x6d: {  	s26 =	sadd.s32 $0x100, s16  }
0x6e: {  	[spmem:s3] =	stream.indirect.scatter.add.f32 [tilespmem:s9], [sflag:$0x1], $0x10, s26, s12, $0xb8;
	[tilespmem:$0x5800] =	vst v63  }
0x6f: {  	s28 =	sadd.s32 $0x180, s16  }
0x70: {  	[spmem:s3] =	stream.indirect.scatter.add.f32 [tilespmem:s9], [sflag:$0x1], $0x10, s28, s12, $0xb8;
	[tilespmem:$0x5800] =	vst v63  }
0x71: {  	s29 =	sadd.s32 $0x200, s16  }
0x72: {  	[spmem:s3] =	stream.indirect.scatter.add.f32 [tilespmem:s9], [sflag:$0x1], $0x10, s29, s12, $0xb8;
	[tilespmem:$0x5800] =	vst v63  }
0x73: {  	s30 =	sadd.s32 $0x280, s16  }
0x74: {  	[spmem:s3] =	stream.indirect.scatter.add.f32 [tilespmem:s9], [sflag:$0x1], $0x10, s30, s12, $0xb8;
	[tilespmem:$0x5800] =	vst v63  }
0x75: {  	s31 =	sadd.s32 $0x300, s16  }
0x76: {  	[spmem:s3] =	stream.indirect.scatter.add.f32 [tilespmem:s9], [sflag:$0x1], $0x10, s31, s12, $0xb8;
	[tilespmem:$0x5800] =	vst v63  }
0x77: {  	s16 =	sadd.s32 $0x380, s16  }
0x78: {  	[spmem:s3] =	stream.indirect.scatter.add.f32 [tilespmem:s9], [sflag:$0x1], $0x10, s16, s12, $0xb8;
	[tilespmem:$0x5800] =	vst v63  }
0x79: {  	_ =	swait.ge [sflag:s13], $0x800  }
0x7a: {  	[sflag:s13] =	ssyncset.done $0x0  }
0x7b: {  	[sflag:s13] =	ssyncadd.s32 $0xFFFFF800  }
0x7c: {  	_ =	swait.ge [sflag:s13], $0x800  }
0x7d: {  	[sflag:s13] =	ssyncset.done $0x0  }
0x7e: {  	[sflag:s13] =	ssyncadd.s32 $0xFFFFF800  }
0x7f: {  	_ =	swait.ge [sflag:s13], $0x800  }
0x80: {  	[sflag:s13] =	ssyncset.done $0x0  }
0x81: {  	[sflag:s13] =	ssyncadd.s32 $0xFFFFF800  }
0x82: {  	_ =	swait.ge [sflag:s13], $0x800  }
0x83: {  	[sflag:s13] =	ssyncset.done $0x0  }
0x84: {  	[sflag:s13] =	ssyncadd.s32 $0xFFFFF800  }
0x85: {  	_ =	swait.ge [sflag:s13], $0x800  }
0x86: {  	[sflag:s13] =	ssyncset.done $0x0  }
0x87: {  	[sflag:s13] =	ssyncadd.s32 $0xFFFFF800  }
0x88: {  	_ =	swait.ge [sflag:s13], $0x800  }
0x89: {  	[sflag:s13] =	ssyncset.done $0x0  }
0x8a: {  	[sflag:s13] =	ssyncadd.s32 $0xFFFFF800  }
0x8b: {  	_ =	swait.ge [sflag:s13], $0x800  }
0x8c: {  	[sflag:s13] =	ssyncset.done $0x0  }
0x8d: {  	[sflag:s13] =	ssyncadd.s32 $0xFFFFF800  }
0x8e: {  	_ =	swait.ge [sflag:s13], $0x800  }
0x8f: {  	s15 =	sadd.s32 $0x1, s15;
	[sflag:s13] =	ssyncset.done $0x0  }
0x90: {  	p0 =	sne.s32 s15, s7;
	[sflag:s13] =	ssyncadd.s32 $0xFFFFF800  }
.Ltmp1:
0x91: {  	[bflag:$0x0] =	sbarrier.arrive $0xFFFF;
	(pc) =	sbr.rel @p0 .LBB2_1-.Ltmp1, $4  }
0x92: {  	[hbm:s14], [sflag:s10] =	dma.local [spmem:s11], $0x500  }
0x93: {  	_ =	swait.ge [sflag:s8], $0x500  }
0x94: {  	[sflag:s8] =	ssyncset.done $0x0  }
0x95: {  	[sflag:s8] =	ssyncadd.s32 $0xFFFFFB00  }
0x96: {  	_ =	sfence.sel $0x180000  }
0x97: {  	[bflag:$0x0] =	sbarrier.arrive $0xFFFF  }
0x98: {  	p0 =	sne.s32 s0, $0x0;
	_ =	strace $0x90000047  }
0x99: {  	s0 =	sadd.s32 @!p0 $0x100000, s1;
	[bflag:$0x2] =	sbarrier.arrive $0xFFFF  }
0x9a: {  	[sflag:s0] =	ssyncadd.tile.s32 @!p0 $0x1;
	_ =	shalt  }
.Lfunc_end2:
_tile_overlayer_lowered:
.L_overlay_start_2:
0x9b: {  	(tag) =	ssettag $0x2  }
0x9c: {  	s0 =	rddreg [dreg:$0x0];
	s2 =	stileid.u32  }
0x9d: {  	s1 =	rddreg [dreg:$0x1];
	p0 =	sne.s32 s2, $0x0  }
0x9e: {  	s3 =	rddreg [dreg:$0x2];
	[bflag:$0x3] =	sbarrier.arrive $0xFFFF;
	s2 =	simm.s32 @!p0 $0x1C02  }
0x9f: {  	[timem:s3], [sflag:s2] =	dma.local @!p0 [hbm:s0], s1  }
0xa0: {  	s0 =	simm.s32 @!p0 $0x2  }
0xa1: {  	_ =	swait.ge @!p0 [sflag:s0], s1  }
0xa2: {  	s1 =	ssub.s32 @!p0 $0x0, s1;
	[sflag:s0] =	ssyncset.done @!p0 $0x0  }
0xa3: {  	[sflag:s0] =	ssyncadd.s32 @!p0 s1  }
0xa4: {  	[bflag:$0x3] =	sbarrier.arrive $0xFFFF  }
0xa5: {  	_ =	shalt  }

// kernel: kernel.14.cloned.1.call-start
scs
__scs_entry_jumppad:
0x0: {  	(pc) =	sbr.rel $0x88, $3  }
0x1: {  	(tag) =	ssettag $0x0;
	lr =	simm.s32 $0x1  }
0x2: {  	[smem:$0x3F99] =	sst lr;
	_ =	strace $0xD0000000  }
0x3: {  	_ = 	snop  }
0x4: {  	_ = 	snop  }
0x5: {  	_ = 	snop  }
0x6: {  	_ = 	snop  }
0x7: {  	_ = 	snop  }
__scs_overlays_trampoline_lowered:
0x8: {  	[smem:$0x3FA8] =	sst s0  }
0x9: {  	[smem:$0x3FA9] =	sst s1  }
0xa: {  	[smem:$0x3FAA] =	sst s2  }
0xb: {  	[smem:$0x3FAB] =	sst s3  }
0xc: {  	[smem:$0x3FAC] =	sst s4  }
0xd: {  	[smem:$0x3FAD] =	sst s5  }
0xe: {  	[smem:$0x3FAE] =	sst s6  }
0xf: {  	[smem:$0x3FAF] =	sst s7  }
0x10: {  	[smem:$0x3FB0] =	sst s8  }
0x11: {  	[smem:$0x3FB1] =	sst s9;
	s0 =	simm.s32 @!p0 $0x0  }
0x12: {  	s1 =	sld [smem:$0x3F97];
	s0 =	simm.s32 @p0 $0x1  }
0x13: {  	[smem:$0x3FB2] =	sst s0;
	s0 =	simm.s32 @!p1 $0x0  }
0x14: {  	s2 =	sld [smem:$0x3F96];
	s0 =	simm.s32 @p1 $0x1  }
0x15: {  	[smem:$0x3FB3] =	sst s0;
	s0 =	simm.s32 @!p2 $0x0  }
0x16: {  	s3 =	sld [smem:$0x3FDB];
	s0 =	simm.s32 @p2 $0x1  }
0x17: {  	s4 =	simm.s32 $0x1BF5;
	[smem:$0x3FB5] =	sst s0  }
0x18: {  	s0 =	sld [smem:$0x3F98];
	_ =	swait.ge [sflag:s4], $0x0  }
0x19: {  	s7 =	sld [smem:$0x3F99]  }
0x1a: {  	s8 =	sadd.s32 $0xFFFFE003, lr  }
0x1b: {  	s9 =	sadd.s32 $0xFFFFFEF7, lr;
	s5 =	simm.s32 $0xFFFFFFFF;
	p2 =	slt.u32 s8, $0xFFFFF086  }
0x1c: {  	p1 =	slt.u32 s9, $0xF7A;
	s5 =	simm.s32 @!p2 $0x0  }
0x1d: {  	s5 =	simm.s32 @p1 $0x1;
	p0 =	seq.s32 s7, s2  }
0x1e: {  	s7 =	smul.u32 @!p0 $0xF7A, s2;
	p2 =	seq.s32 @!p0 s5, $0x0  }
0x1f: {  	s9 =	smul.u32 $0xF7A, s1;
	s8 =	simm.s32 @!p0 $0x1BF5;
	p2 =	por !p2, p0  }
0x20: {  	[sflag:s8] =	ssyncset.s32 @!p0 $0xFFFFF086;
	s6 =	sadd.s32 @!p0 s3, s7;
	s7 =	simm.s32 @!p0 $0x108  }
0x21: {  	s3 =	sadd.s32 s3, s9;
	s6 =	sadd.s32 @!p0 $0x88, s6;
	s7 =	simm.s32 @p2 $0x1082  }
0x22: {  	[simem:s7], [sflag:s8] =	dma.local @!p0 [hbm:s6], $0xF7A  }
0x23: {  	s9 =	sor.u32 $0xD0000000, s2;
	s6 =	simm.s32 $0x108;
	_ =	swait.ge @!p0 [sflag:s8], $0x0  }
0x24: {  	s3 =	sadd.s32 $0x88, s3;
	s6 =	simm.s32 @!p1 $0x1082;
	[sflag:s4] =	ssyncset.s32 $0xFFFFF086  }
0x25: {  	[simem:s6], [sflag:s4] =	dma.local [hbm:s3], $0xF7A  }
0x26: {  	[smem:$0x3F99] =	sst s1;
	(tag) =	ssettag s2;
	_ =	strace s9  }
0x27: {  	s1 =	sld [smem:$0x3FA9]  }
0x28: {  	s2 =	sld [smem:$0x3FAA]  }
0x29: {  	s4 =	sld [smem:$0x3FAC]  }
0x2a: {  	p0 =	seq.s32 s5, $0x0;
	s5 =	sld [smem:$0x3FAD]  }
0x2b: {  	s6 =	sld [smem:$0x3FAE]  }
0x2c: {  	s7 =	sld [smem:$0x3FAF]  }
0x2d: {  	s3 =	simm.s32 $0x108;
	s8 =	sld [smem:$0x3FB0]  }
0x2e: {  	s3 =	simm.s32 @!p0 $0x1082;
	s9 =	sld [smem:$0x3FB1]  }
0x2f: {  	lr =	sadd.s32 s0, s3;
	s0 =	sld [smem:$0x3FA8]  }
0x30: {  	s3 =	sld [smem:$0x3FAB]  }
0x31: {  	[smem:$0x3FB4] =	sst s10  }
0x32: {  	s10 =	sld [smem:$0x3FB2];
	_ =	sdelay $0x3  }
0x33: {  	p0 =	seq.s32 s10, $0x1;
	s10 =	sld [smem:$0x3FB4];
	_ =	sdelay $0x3  }
0x34: {  	[smem:$0x3FB4] =	sst s10  }
0x35: {  	s10 =	sld [smem:$0x3FB3];
	_ =	sdelay $0x3  }
0x36: {  	p1 =	seq.s32 s10, $0x1;
	s10 =	sld [smem:$0x3FB4];
	_ =	sdelay $0x3  }
0x37: {  	[smem:$0x3FB4] =	sst s10  }
0x38: {  	s10 =	sld [smem:$0x3FB5]  }
0x39: {  	_ = 	snop;
	(pc) =	sbr.ind lr, $3  }
0x3a: {  	_ = 	snop  }
0x3b: {  	_ = 	snop  }
0x3c: {  	p2 =	seq.s32 s10, $0x1;
	s10 =	sld [smem:$0x3FB4]  }
0x3d: {  	_ =	shalt  }
0x3e: {  	_ =	shalt  }
0x3f: {  	_ =	shalt  }
0x40: {  	_ =	shalt  }
0x41: {  	_ =	shalt  }
0x42: {  	_ =	shalt  }
0x43: {  	_ =	shalt  }
0x44: {  	_ =	shalt  }
0x45: {  	_ =	shalt  }
0x46: {  	_ =	shalt  }
0x47: {  	_ =	shalt  }
0x48: {  	_ =	shalt  }
0x49: {  	_ =	shalt  }
0x4a: {  	_ =	shalt  }
0x4b: {  	_ =	shalt  }
0x4c: {  	_ =	shalt  }
0x4d: {  	_ =	shalt  }
0x4e: {  	_ =	shalt  }
0x4f: {  	_ =	shalt  }
0x50: {  	_ =	shalt  }
0x51: {  	_ =	shalt  }
0x52: {  	_ =	shalt  }
0x53: {  	_ =	shalt  }
0x54: {  	_ =	shalt  }
0x55: {  	_ =	shalt  }
0x56: {  	_ =	shalt  }
0x57: {  	_ =	shalt  }
0x58: {  	_ =	shalt  }
0x59: {  	_ =	shalt  }
0x5a: {  	_ =	shalt  }
0x5b: {  	_ =	shalt  }
0x5c: {  	_ =	shalt  }
0x5d: {  	_ =	shalt  }
0x5e: {  	_ =	shalt  }
0x5f: {  	_ =	shalt  }
0x60: {  	_ =	shalt  }
0x61: {  	_ =	shalt  }
0x62: {  	_ =	shalt  }
0x63: {  	_ =	shalt  }
0x64: {  	_ =	shalt  }
0x65: {  	_ =	shalt  }
0x66: {  	_ =	shalt  }
0x67: {  	_ =	shalt  }
0x68: {  	_ =	shalt  }
0x69: {  	_ =	shalt  }
0x6a: {  	_ =	shalt  }
0x6b: {  	_ =	shalt  }
0x6c: {  	_ =	shalt  }
0x6d: {  	_ =	shalt  }
0x6e: {  	_ =	shalt  }
0x6f: {  	_ =	shalt  }
0x70: {  	_ =	shalt  }
0x71: {  	_ =	shalt  }
0x72: {  	_ =	shalt  }
0x73: {  	_ =	shalt  }
0x74: {  	_ =	shalt  }
0x75: {  	_ =	shalt  }
0x76: {  	_ =	shalt  }
0x77: {  	_ =	shalt  }
0x78: {  	_ =	shalt  }
0x79: {  	_ =	shalt  }
0x7a: {  	_ =	shalt  }
0x7b: {  	_ =	shalt  }
0x7c: {  	_ =	shalt  }
0x7d: {  	_ =	shalt  }
0x7e: {  	_ =	shalt  }
0x7f: {  	_ =	shalt  }
0x80: {  	_ =	shalt  }
0x81: {  	_ =	shalt  }
0x82: {  	_ =	shalt  }
0x83: {  	_ =	shalt  }
0x84: {  	_ =	shalt  }
0x85: {  	_ =	shalt  }
0x86: {  	_ =	shalt  }
0x87: {  	_ =	shalt  }
.Lfunc_end0:
.L_simem_size_0:
called_computation.1_lowered:
.L_overlay_start_0:
0x88: {  	s2 =	sld [smem:$0x3FD9]  }
0x89: {  	s3 =	sld [smem:$0x3FFE];
	_ =	sdelay $0x1  }
0x8a: {  	s1 =	srdreg.scid  }
0x8b: {  	s0 =	sand.u32 $0x1, s1  }
0x8c: {  	s16 =	sshll.u32 s0, $0xA;
	s2 =	sadd.s32 s3, s2  }
0x8d: {  	s2 =	sadd.s32 s2, s16  }
0x8e: {  	[smem:$0x3FC0] =	sst s2  }
0x8f: {  	_ = 	snop  }
0x90: {  	(tm) =	ssettm $0x1  }
0x91: {  	s17 =	sld [smem:$0x3FFB];
	_ =	sdelay $0x3  }
0x92: {  	_ =	strace s17  }
0x93: {  	s2 =	sld [smem:$0x3FFC];
	_ =	sdelay $0x3  }
0x94: {  	_ =	strace s2  }
0x95: {  	s2 =	sld [smem:$0x3FFD];
	_ =	sdelay $0x3  }
0x96: {  	_ =	strace s2  }
0x97: {  	_ =	strace $0x8FFFFFFF  }
0x98: {  	s18 =	sld [smem:$0x3FDB];
	_ =	sdelay $0x1  }
0x99: {  	s19 =	simm.s32 $_scs_section_size  }
0x9a: {  	s4 =	simm.s32 $_size__tile_overlayer_lowered;
	s5 =	simm.s32 $_tile_overlayer_lowered  }
0x9b: {  	s22 =	simm.s32 $0x1BFF;
	s21 =	sshll.u32 s5, $0x1;
	s2 =	sadd.s32 s19, s18  }
0x9c: {  	s6 =	simm.s32 $0x0;
	s20 =	sshll.u32 s4, $0x1;
	s4 =	sadd.s32 s21, s2  }
0x9d: {  	[timem:s6], [sflag:s22] =	dma.local [hbm:s4], s20  }
0x9e: {  	_ =	swait.ge [sflag:s22], s20  }
0x9f: {  	s3 =	ssub.s32 $0x0, s20;
	[sflag:s22] =	ssyncset.done $0x0  }
0xa0: {  	[sflag:s22] =	ssyncadd.s32 s3;
	_ =	sdelay $0x1  }
0xa1: {  	s23 =	simm.s32 $0x1B8B  }
0xa2: {  	_ =	swait.ge [sflag:s23], $0x1  }
0xa3: {  	[sflag:s23] =	ssyncset.done $0x0  }
0xa4: {  	s25 =	simm.s32 $0x1B8E;
	s24 =	sld [smem:$0x3FFE];
	[sflag:s23] =	ssyncadd.s32 $0xFFFFFFFF  }
0xa5: {  	s26 =	simm.s32 $execute0_lowered;
	[smem:$0x3FD2] =	sst s25  }
0xa6: {  	s4 =	sshll.u32 s26, $0x1;
	_ =	strace $0x80000049;
	[dreg:$0x1] =	wrdreg $0xFFFFFFFF  }
0xa7: {  	s28 =	simm.s32 $_size_execute0_lowered;
	s2 =	sadd.s32 s2, s4;
	[dreg:$0x0] =	wrdreg $0x0  }
0xa8: {  	s4 =	sshll.u32 s28, $0x1;
	[dreg:$0x2] =	wrdreg s2  }
0xa9: {  	[dreg:$0x3] =	wrdreg s4  }
0xaa: {  	[dreg:$0x4] =	wrdreg $0xC0  }
0xab: {  	_ =	task [dreg:s6], $0x5FFFF  }
0xac: {  	[dreg:$0x1] =	wrdreg $0xFFFFFFFF  }
0xad: {  	[dreg:$0x0] =	wrdreg $0x60  }
0xae: {  	[dreg:$0x2] =	wrdreg s24  }
0xaf: {  	[dreg:$0x3] =	wrdreg $0xA8000  }
0xb0: {  	[dreg:$0x4] =	wrdreg $0x9  }
0xb1: {  	_ =	task.clear_ibuf [dreg:s6], $0x5FFFF;
	_ =	strace $0x90000049  }
0xb2: {  	s29 =	simm.s32 $0x9;
	_ =	strace $0x8000004B  }
0xb3: {  	_ =	swait.ge [sflag:s29], $0x1  }
0xb4: {  	[sflag:s29] =	ssyncadd.s32 $0xFFFFFFFF  }
0xb5: {  	_ =	strace $0x9000004B  }
0xb6: {  	_ =	sfence  }
0xb7: {  	s30 =	sld [smem:$0x0];
	_ =	sdelay $0x2  }
0xb8: {  	s31 =	sshll.u32 s1, $0xD;
	s1 =	sshrl.u32 s1, $0x2  }
0xb9: {  	s3 =	sand.u32 $0x4000, s31;
	s1 =	sadd.s32 s1, s30  }
0xba: {  	s0 =	sor.u32 s3, s0;
	s1 =	sshll.u32 s1, $0x11  }
0xbb: {  	s0 =	sor.u32 s1, s0  }
0xbc: {  	s0 =	sadd.s32 $0x8F2B, s0  }
0xbd: {  	[sflag:s0] =	ssyncadd.remote.s32 $0x1  }
0xbe: {  	_ =	sfence.sel $0xFFFF  }
0xbf: {  	[dreg:$0x0] =	wrdreg $0xFFFFFFFF;
	(pc) =	sbr.abs _section_cstart, $3  }
0xc0: {  	[dreg:$0x1] =	wrdreg $0xFFFFFFFF  }
0xc1: {  	_ =	task.clear_ibuf [dreg:s6], $0x2FFFF;
	_ =	strace $0x9FFFFFFF  }
0xc2: {  	(tm) =	ssettm $0x7FFFFFFF  }
0xc3: {  	_ =	shalt  }
tec
execute0_lowered:
.L_overlay_start_1:
0x0: {  	(tag) =	ssettag $0x1  }
0x1: {  	s0 =	srdreg.scid;
	s5 =	rddreg [dreg:$0x0]  }
0x2: {  	s2 =	rddreg [dreg:$0x1];
	s1 =	stileid.u32  }
0x3: {  	s3 =	simm.s32 $0x0;
	s14 =	simm.s32 $0x2800;
	s15 =	simm.s32 $0x1  }
0x4: {  	s16 =	simm.s32 $0x6800;
	s17 =	simm.s32 $0x2;
	s18 =	simm.s32 $0x3  }
0x5: {  	s19 =	simm.s32 $0x4;
	s6 =	sand.u32 $0x1, s0;
	s0 =	rddreg [dreg:$0x2]  }
0x6: {  	s20 =	simm.s32 $0x2780;
	[smem:$0x7FF] =	sst s3;
	s8 =	smul.u32 $0x14000, s1  }
0x7: {  	s31 =	sshll.u32 s1, $0x6;
	s4 =	sshll.u32 s6, $0x4;
	_ =	strace $0x8000004A  }
0x8: {  	s9 =	smul.u32 $0x28000, s6;
	s6 =	ssub.s32 $0x2, s6;
	s4 =	sor.u32 s1, s4  }
0x9: {  	s21 =	sshrl.u32 s8, $0x3;
	s30 =	sshrl.u32 s6, $0x1;
	s13 =	sadd.s32 s8, s2  }
0xa: {  	s7 =	smul.u32 $0x500, s4;
	s4 =	sadd.s32 $0x30000, s5;
	s11 =	sadd.s32 s21, s5  }
0xb: {  	s9 =	sadd.s32 s9, s5;
	s12 =	ssub.s32 s6, s30;
	s6 =	sor.u32 $0x1C05, s31  }
0xc: {  	s22 =	sadd.s32 $0xA8000, s9;
	s9 =	smax.u32 s12, $0x1;
	s12 =	simm.s32 $0x1400  }
0xd: {  	s10 =	sadd.s32 s7, s5;
	s5 =	sadd.s32 $0x80000, s11;
	s11 =	simm.s32 $0x5  }
0xe: {  	s21 =	sadd.s32 s21, s22;
	s22 =	simm.s32 $0x0;
	s7 =	sadd.s32 $0x26000, s10  }
0xf: {  	s8 =	sadd.s32 $0x1C000, s10;
	s10 =	sshrl.u32 s13, $0x3;
	s13 =	simm.s32 $0x80  }
.LBB2_1:
0x10: {  	[spmem:s10], [sflag:s6] =	dma.local [hbm:s5], $0x2800  }
0x11: {  	_ =	swait.ge [sflag:s11], $0x2800  }
0x12: {  	[sflag:s11] =	ssyncset.done $0x0  }
0x13: {  	[sflag:s11] =	ssyncadd.s32 $0xFFFFD800  }
0x14: {  	[bflag:$0x0] =	sbarrier.arrive $0xFFFF  }
0x15: {  	[tilespmem:s3], [sflag:$0x5] =	stream.linear.gather [hbm4b:s7+s3], $0x1400, $0x38;
	[tilespmem:$0x1E800] =	vst v63  }
0x16: {  	_ =	swait.ge [sflag:s11], $0x1400  }
0x17: {  	[sflag:s11] =	ssyncset.done $0x0  }
0x18: {  	[sflag:s11] =	ssyncadd.s32 $0xFFFFEC00  }
0x19: {  	[tilespmem:s12], [sflag:$0x5] =	stream.linear.gather [hbm4b:s8+s3], $0x1400, $0x38;
	[tilespmem:$0x1E800] =	vst v63  }
0x1a: {  	_ =	swait.ge [sflag:s11], $0x1400  }
0x1b: {  	[sflag:s11] =	ssyncset.done $0x0  }
0x1c: {  	[sflag:s11] =	ssyncadd.s32 $0xFFFFEC00  }
0x1d: {  	[tilespmem:s14], [sflag:$0x1] =	stream.indirect.gather [hbm4b:s4+s13], $0x80, s3, s13, $0xb8;
	[tilespmem:$0x1E800] =	vst v63  }
0x1e: {  	_ =	swait.ge [sflag:s15], $0x4000  }
0x1f: {  	[sflag:s15] =	ssyncset.done $0x0  }
0x20: {  	[sflag:s15] =	ssyncadd.s32 $0xFFFFC000  }
0x21: {  	[spmem:s2] =	stream.indirect.scatter.add.f32 [tilespmem:s14], [sflag:$0x3], $0x80, s12, s13, $0xb8;
	[tilespmem:$0x1E800] =	vst v63  }
0x22: {  	_ = 	snop  }
0x23: {  	[tilespmem:s16], [sflag:$0x2] =	stream.indirect.gather [hbm4b:s4+s13], $0x80, s13, s13, $0xb8;
	[tilespmem:$0x1E800] =	vst v63  }
0x24: {  	_ =	swait.ge [sflag:s17], $0x4000  }
0x25: {  	[sflag:s17] =	ssyncset.done $0x0  }
0x26: {  	s23 =	simm.s32 $0x1480;
	[sflag:s17] =	ssyncadd.s32 $0xFFFFC000  }
0x27: {  	[spmem:s2] =	stream.indirect.scatter.add.f32 [tilespmem:s16], [sflag:$0x4], $0x80, s23, s13, $0xb8;
	[tilespmem:$0x1E800] =	vst v63  }
0x28: {  	_ =	swait.ge [sflag:s18], $0x4000  }
0x29: {  	[sflag:s18] =	ssyncset.done $0x0  }
0x2a: {  	s30 =	simm.s32 $0x100;
	[sflag:s18] =	ssyncadd.s32 $0xFFFFC000  }
0x2b: {  	[tilespmem:s14], [sflag:$0x1] =	stream.indirect.gather [hbm4b:s4+s13], $0x80, s30, s13, $0xb8;
	[tilespmem:$0x1E800] =	vst v63  }
0x2c: {  	_ =	swait.ge [sflag:s15], $0x4000  }
0x2d: {  	[sflag:s15] =	ssyncset.done $0x0  }
0x2e: {  	s31 =	simm.s32 $0x1500;
	[sflag:s15] =	ssyncadd.s32 $0xFFFFC000  }
0x2f: {  	[spmem:s2] =	stream.indirect.scatter.add.f32 [tilespmem:s14], [sflag:$0x3], $0x80, s31, s13, $0xb8;
	[tilespmem:$0x1E800] =	vst v63  }
0x30: {  	_ =	swait.ge [sflag:s19], $0x4000  }
0x31: {  	[sflag:s19] =	ssyncset.done $0x0  }
0x32: {  	s24 =	simm.s32 $0x180;
	s23 =	simm.s32 $0xFFFFB800;
	[sflag:s19] =	ssyncadd.s32 $0xFFFFC000  }
.LBB2_2:
0x33: {  	[tilespmem:s16], [sflag:$0x2] =	stream.indirect.gather [hbm4b:s4+s13], $0x80, s24, s13, $0xb8;
	[tilespmem:$0x1E800] =	vst v63  }
0x34: {  	s24 =	smov.u32 s23  }
0x35: {  	p0 =	sne.s32 s23, $0xFFFFFC00;
	s23 =	sadd.s32 $0x400, s23;
	_ =	swait.ge [sflag:s17], $0x4000  }
0x36: {  	s24 =	sshra.s32 s24, $0x2;
	[sflag:s17] =	ssyncset.done $0x0  }
0x37: {  	s25 =	sadd.s32 $0x2780, s24;
	[sflag:s17] =	ssyncadd.s32 $0xFFFFC000  }
0x38: {  	[spmem:s2] =	stream.indirect.scatter.add.f32 [tilespmem:s16], [sflag:$0x4], $0x80, s25, s13, $0xb8;
	[tilespmem:$0x1E800] =	vst v63  }
0x39: {  	_ =	swait.ge [sflag:s18], $0x4000  }
0x3a: {  	[sflag:s18] =	ssyncset.done $0x0  }
0x3b: {  	s25 =	sadd.s32 $0x1400, s24;
	[sflag:s18] =	ssyncadd.s32 $0xFFFFC000  }
0x3c: {  	[tilespmem:s14], [sflag:$0x1] =	stream.indirect.gather [hbm4b:s4+s13], $0x80, s25, s13, $0xb8;
	[tilespmem:$0x1E800] =	vst v63  }
0x3d: {  	_ =	swait.ge [sflag:s15], $0x4000  }
0x3e: {  	[sflag:s15] =	ssyncset.done $0x0  }
.Ltmp0:
0x3f: {  	s25 =	sadd.s32 $0x2800, s24;
	[sflag:s15] =	ssyncadd.s32 $0xFFFFC000;
	(pc) =	sbr.rel @p0 .LBB2_2-.Ltmp0, $4  }
0x40: {  	[spmem:s2] =	stream.indirect.scatter.add.f32 [tilespmem:s14], [sflag:$0x3], $0x80, s25, s13, $0xb8;
	[tilespmem:$0x1E800] =	vst v63  }
0x41: {  	_ =	swait.ge [sflag:s19], $0x4000  }
0x42: {  	[sflag:s19] =	ssyncset.done $0x0  }
0x43: {  	s24 =	sadd.s32 $0x1480, s24;
	[sflag:s19] =	ssyncadd.s32 $0xFFFFC000  }
0x44: {  	[tilespmem:s16], [sflag:$0x2] =	stream.indirect.gather [hbm4b:s4+s13], $0x80, s24, s13, $0xb8;
	[tilespmem:$0x1E800] =	vst v63  }
0x45: {  	_ =	swait.ge [sflag:s17], $0x4000  }
0x46: {  	[sflag:s17] =	ssyncset.done $0x0  }
0x47: {  	[sflag:s17] =	ssyncadd.s32 $0xFFFFC000  }
0x48: {  	[spmem:s2] =	stream.indirect.scatter.add.f32 [tilespmem:s16], [sflag:$0x4], $0x80, s20, s13, $0xb8;
	[tilespmem:$0x1E800] =	vst v63  }
0x49: {  	_ =	swait.ge [sflag:s18], $0x4000  }
0x4a: {  	[sflag:s18] =	ssyncset.done $0x0  }
0x4b: {  	[sflag:s18] =	ssyncadd.s32 $0xFFFFC000  }
0x4c: {  	_ =	swait.ge [sflag:s19], $0x4000  }
0x4d: {  	[sflag:s19] =	ssyncset.done $0x0  }
0x4e: {  	s23 =	sadd.s32 $0x280, s7;
	[sflag:s19] =	ssyncadd.s32 $0xFFFFC000  }
0x4f: {  	[tilespmem:s3], [sflag:$0x5] =	stream.linear.gather [hbm4b:s23+s3], $0x1400, $0x38;
	[tilespmem:$0x1E800] =	vst v63  }
0x50: {  	_ =	swait.ge [sflag:s11], $0x1400  }
0x51: {  	[sflag:s11] =	ssyncset.done $0x0  }
0x52: {  	s28 =	sadd.s32 $0x280, s8;
	[sflag:s11] =	ssyncadd.s32 $0xFFFFEC00  }
0x53: {  	[tilespmem:s12], [sflag:$0x5] =	stream.linear.gather [hbm4b:s28+s3], $0x1400, $0x38;
	[tilespmem:$0x1E800] =	vst v63  }
0x54: {  	_ =	swait.ge [sflag:s11], $0x1400  }
0x55: {  	[sflag:s11] =	ssyncset.done $0x0  }
0x56: {  	[sflag:s11] =	ssyncadd.s32 $0xFFFFEC00  }
0x57: {  	[tilespmem:s14], [sflag:$0x1] =	stream.indirect.gather [hbm4b:s4+s13], $0x80, s3, s13, $0xb8;
	[tilespmem:$0x1E800] =	vst v63  }
0x58: {  	_ =	swait.ge [sflag:s15], $0x4000  }
0x59: {  	[sflag:s15] =	ssyncset.done $0x0  }
0x5a: {  	[sflag:s15] =	ssyncadd.s32 $0xFFFFC000  }
0x5b: {  	[spmem:s2] =	stream.indirect.scatter.add.f32 [tilespmem:s14], [sflag:$0x3], $0x80, s12, s13, $0xb8;
	[tilespmem:$0x1E800] =	vst v63  }
0x5c: {  	_ = 	snop  }
0x5d: {  	[tilespmem:s16], [sflag:$0x2] =	stream.indirect.gather [hbm4b:s4+s13], $0x80, s13, s13, $0xb8;
	[tilespmem:$0x1E800] =	vst v63  }
0x5e: {  	_ =	swait.ge [sflag:s17], $0x4000  }
0x5f: {  	[sflag:s17] =	ssyncset.done $0x0  }
0x60: {  	s29 =	simm.s32 $0x1480;
	[sflag:s17] =	ssyncadd.s32 $0xFFFFC000  }
0x61: {  	[spmem:s2] =	stream.indirect.scatter.add.f32 [tilespmem:s16], [sflag:$0x4], $0x80, s29, s13, $0xb8;
	[tilespmem:$0x1E800] =	vst v63  }
0x62: {  	_ =	swait.ge [sflag:s18], $0x4000  }
0x63: {  	[sflag:s18] =	ssyncset.done $0x0  }
0x64: {  	s30 =	simm.s32 $0x100;
	[sflag:s18] =	ssyncadd.s32 $0xFFFFC000  }
0x65: {  	[tilespmem:s14], [sflag:$0x1] =	stream.indirect.gather [hbm4b:s4+s13], $0x80, s30, s13, $0xb8;
	[tilespmem:$0x1E800] =	vst v63  }
0x66: {  	_ =	swait.ge [sflag:s15], $0x4000  }
0x67: {  	[sflag:s15] =	ssyncset.done $0x0  }
0x68: {  	s31 =	simm.s32 $0x1500;
	[sflag:s15] =	ssyncadd.s32 $0xFFFFC000  }
0x69: {  	[spmem:s2] =	stream.indirect.scatter.add.f32 [tilespmem:s14], [sflag:$0x3], $0x80, s31, s13, $0xb8;
	[tilespmem:$0x1E800] =	vst v63  }
0x6a: {  	_ =	swait.ge [sflag:s19], $0x4000  }
0x6b: {  	[sflag:s19] =	ssyncset.done $0x0  }
0x6c: {  	s24 =	simm.s32 $0x180;
	s23 =	simm.s32 $0xFFFFB800;
	[sflag:s19] =	ssyncadd.s32 $0xFFFFC000  }
.LBB2_4:
0x6d: {  	[tilespmem:s16], [sflag:$0x2] =	stream.indirect.gather [hbm4b:s4+s13], $0x80, s24, s13, $0xb8;
	[tilespmem:$0x1E800] =	vst v63  }
0x6e: {  	s24 =	smov.u32 s23  }
0x6f: {  	p0 =	sne.s32 s23, $0xFFFFFC00;
	s23 =	sadd.s32 $0x400, s23;
	_ =	swait.ge [sflag:s17], $0x4000  }
0x70: {  	s24 =	sshra.s32 s24, $0x2;
	[sflag:s17] =	ssyncset.done $0x0  }
0x71: {  	s25 =	sadd.s32 $0x2780, s24;
	[sflag:s17] =	ssyncadd.s32 $0xFFFFC000  }
0x72: {  	[spmem:s2] =	stream.indirect.scatter.add.f32 [tilespmem:s16], [sflag:$0x4], $0x80, s25, s13, $0xb8;
	[tilespmem:$0x1E800] =	vst v63  }
0x73: {  	_ =	swait.ge [sflag:s18], $0x4000  }
0x74: {  	[sflag:s18] =	ssyncset.done $0x0  }
0x75: {  	s25 =	sadd.s32 $0x1400, s24;
	[sflag:s18] =	ssyncadd.s32 $0xFFFFC000  }
0x76: {  	[tilespmem:s14], [sflag:$0x1] =	stream.indirect.gather [hbm4b:s4+s13], $0x80, s25, s13, $0xb8;
	[tilespmem:$0x1E800] =	vst v63  }
0x77: {  	_ =	swait.ge [sflag:s15], $0x4000  }
0x78: {  	[sflag:s15] =	ssyncset.done $0x0  }
.Ltmp1:
0x79: {  	s25 =	sadd.s32 $0x2800, s24;
	[sflag:s15] =	ssyncadd.s32 $0xFFFFC000;
	(pc) =	sbr.rel @p0 .LBB2_4-.Ltmp1, $4  }
0x7a: {  	[spmem:s2] =	stream.indirect.scatter.add.f32 [tilespmem:s14], [sflag:$0x3], $0x80, s25, s13, $0xb8;
	[tilespmem:$0x1E800] =	vst v63  }
0x7b: {  	_ =	swait.ge [sflag:s19], $0x4000  }
0x7c: {  	[sflag:s19] =	ssyncset.done $0x0  }
0x7d: {  	s24 =	sadd.s32 $0x1480, s24;
	[sflag:s19] =	ssyncadd.s32 $0xFFFFC000  }
0x7e: {  	[tilespmem:s16], [sflag:$0x2] =	stream.indirect.gather [hbm4b:s4+s13], $0x80, s24, s13, $0xb8;
	[tilespmem:$0x1E800] =	vst v63  }
0x7f: {  	_ =	swait.ge [sflag:s17], $0x4000  }
0x80: {  	[sflag:s17] =	ssyncset.done $0x0  }
0x81: {  	[sflag:s17] =	ssyncadd.s32 $0xFFFFC000  }
0x82: {  	[spmem:s2] =	stream.indirect.scatter.add.f32 [tilespmem:s16], [sflag:$0x4], $0x80, s20, s13, $0xb8;
	[tilespmem:$0x1E800] =	vst v63  }
0x83: {  	_ =	swait.ge [sflag:s18], $0x4000  }
0x84: {  	[sflag:s18] =	ssyncset.done $0x0  }
0x85: {  	[sflag:s18] =	ssyncadd.s32 $0xFFFFC000  }
0x86: {  	_ =	swait.ge [sflag:s19], $0x4000  }
0x87: {  	s22 =	sadd.s32 $0x1, s22;
	[sflag:s19] =	ssyncset.done $0x0  }
0x88: {  	p0 =	sne.s32 s22, s9;
	[sflag:s19] =	ssyncadd.s32 $0xFFFFC000  }
.Ltmp2:
0x89: {  	[bflag:$0x0] =	sbarrier.arrive $0xFFFF;
	(pc) =	sbr.rel @p0 .LBB2_1-.Ltmp2, $4  }
0x8a: {  	[hbm:s21], [sflag:s6] =	dma.local [spmem:s10], $0x2800  }
0x8b: {  	_ =	swait.ge [sflag:s11], $0x2800  }
0x8c: {  	[sflag:s11] =	ssyncset.done $0x0  }
0x8d: {  	[sflag:s11] =	ssyncadd.s32 $0xFFFFD800  }
0x8e: {  	_ =	sfence.sel $0x180000  }
0x8f: {  	[bflag:$0x0] =	sbarrier.arrive $0xFFFF  }
0x90: {  	p0 =	sne.s32 s1, $0x0;
	_ =	strace $0x9000004A  }
0x91: {  	s0 =	sadd.s32 @!p0 $0x100000, s0;
	[bflag:$0x2] =	sbarrier.arrive $0xFFFF  }
0x92: {  	[sflag:s0] =	ssyncadd.tile.s32 @!p0 $0x1;
	_ =	shalt  }
.Lfunc_end2:
_tile_overlayer_lowered:
.L_overlay_start_2:
0x93: {  	(tag) =	ssettag $0x2  }
0x94: {  	s0 =	rddreg [dreg:$0x0];
	s2 =	stileid.u32  }
0x95: {  	s1 =	rddreg [dreg:$0x1];
	p0 =	sne.s32 s2, $0x0  }
0x96: {  	s3 =	rddreg [dreg:$0x2];
	[bflag:$0x3] =	sbarrier.arrive $0xFFFF;
	s2 =	simm.s32 @!p0 $0x1C05  }
0x97: {  	[timem:s3], [sflag:s2] =	dma.local @!p0 [hbm:s0], s1  }
0x98: {  	s0 =	simm.s32 @!p0 $0x5  }
0x99: {  	_ =	swait.ge @!p0 [sflag:s0], s1  }
0x9a: {  	s1 =	ssub.s32 @!p0 $0x0, s1;
	[sflag:s0] =	ssyncset.done @!p0 $0x0  }
0x9b: {  	[sflag:s0] =	ssyncadd.s32 @!p0 s1  }
0x9c: {  	[bflag:$0x3] =	sbarrier.arrive $0xFFFF  }
0x9d: {  	_ =	shalt  }

// kernel: kernel.17.cloned.1.call-start
scs
__scs_entry_jumppad:
0x0: {  	(pc) =	sbr.rel $0x88, $3  }
0x1: {  	(tag) =	ssettag $0x0;
	lr =	simm.s32 $0x1  }
0x2: {  	[smem:$0x3F99] =	sst lr;
	_ =	strace $0xD0000000  }
0x3: {  	_ = 	snop  }
0x4: {  	_ = 	snop  }
0x5: {  	_ = 	snop  }
0x6: {  	_ = 	snop  }
0x7: {  	_ = 	snop  }
__scs_overlays_trampoline_lowered:
0x8: {  	[smem:$0x3FA8] =	sst s0  }
0x9: {  	[smem:$0x3FA9] =	sst s1  }
0xa: {  	[smem:$0x3FAA] =	sst s2  }
0xb: {  	[smem:$0x3FAB] =	sst s3  }
0xc: {  	[smem:$0x3FAC] =	sst s4  }
0xd: {  	[smem:$0x3FAD] =	sst s5  }
0xe: {  	[smem:$0x3FAE] =	sst s6  }
0xf: {  	[smem:$0x3FAF] =	sst s7  }
0x10: {  	[smem:$0x3FB0] =	sst s8  }
0x11: {  	[smem:$0x3FB1] =	sst s9;
	s0 =	simm.s32 @!p0 $0x0  }
0x12: {  	s1 =	sld [smem:$0x3F97];
	s0 =	simm.s32 @p0 $0x1  }
0x13: {  	[smem:$0x3FB2] =	sst s0;
	s0 =	simm.s32 @!p1 $0x0  }
0x14: {  	s2 =	sld [smem:$0x3F96];
	s0 =	simm.s32 @p1 $0x1  }
0x15: {  	[smem:$0x3FB3] =	sst s0;
	s0 =	simm.s32 @!p2 $0x0  }
0x16: {  	s3 =	sld [smem:$0x3FDB];
	s0 =	simm.s32 @p2 $0x1  }
0x17: {  	s4 =	simm.s32 $0x1BF5;
	[smem:$0x3FB5] =	sst s0  }
0x18: {  	s0 =	sld [smem:$0x3F98];
	_ =	swait.ge [sflag:s4], $0x0  }
0x19: {  	s7 =	sld [smem:$0x3F99]  }
0x1a: {  	s8 =	sadd.s32 $0xFFFFE003, lr  }
0x1b: {  	s9 =	sadd.s32 $0xFFFFFEF7, lr;
	s5 =	simm.s32 $0xFFFFFFFF;
	p2 =	slt.u32 s8, $0xFFFFF086  }
0x1c: {  	p1 =	slt.u32 s9, $0xF7A;
	s5 =	simm.s32 @!p2 $0x0  }
0x1d: {  	s5 =	simm.s32 @p1 $0x1;
	p0 =	seq.s32 s7, s2  }
0x1e: {  	s7 =	smul.u32 @!p0 $0xF7A, s2;
	p2 =	seq.s32 @!p0 s5, $0x0  }
0x1f: {  	s9 =	smul.u32 $0xF7A, s1;
	s8 =	simm.s32 @!p0 $0x1BF5;
	p2 =	por !p2, p0  }
0x20: {  	[sflag:s8] =	ssyncset.s32 @!p0 $0xFFFFF086;
	s6 =	sadd.s32 @!p0 s3, s7;
	s7 =	simm.s32 @!p0 $0x108  }
0x21: {  	s3 =	sadd.s32 s3, s9;
	s6 =	sadd.s32 @!p0 $0x88, s6;
	s7 =	simm.s32 @p2 $0x1082  }
0x22: {  	[simem:s7], [sflag:s8] =	dma.local @!p0 [hbm:s6], $0xF7A  }
0x23: {  	s9 =	sor.u32 $0xD0000000, s2;
	s6 =	simm.s32 $0x108;
	_ =	swait.ge @!p0 [sflag:s8], $0x0  }
0x24: {  	s3 =	sadd.s32 $0x88, s3;
	s6 =	simm.s32 @!p1 $0x1082;
	[sflag:s4] =	ssyncset.s32 $0xFFFFF086  }
0x25: {  	[simem:s6], [sflag:s4] =	dma.local [hbm:s3], $0xF7A  }
0x26: {  	[smem:$0x3F99] =	sst s1;
	(tag) =	ssettag s2;
	_ =	strace s9  }
0x27: {  	s1 =	sld [smem:$0x3FA9]  }
0x28: {  	s2 =	sld [smem:$0x3FAA]  }
0x29: {  	s4 =	sld [smem:$0x3FAC]  }
0x2a: {  	p0 =	seq.s32 s5, $0x0;
	s5 =	sld [smem:$0x3FAD]  }
0x2b: {  	s6 =	sld [smem:$0x3FAE]  }
0x2c: {  	s7 =	sld [smem:$0x3FAF]  }
0x2d: {  	s3 =	simm.s32 $0x108;
	s8 =	sld [smem:$0x3FB0]  }
0x2e: {  	s3 =	simm.s32 @!p0 $0x1082;
	s9 =	sld [smem:$0x3FB1]  }
0x2f: {  	lr =	sadd.s32 s0, s3;
	s0 =	sld [smem:$0x3FA8]  }
0x30: {  	s3 =	sld [smem:$0x3FAB]  }
0x31: {  	[smem:$0x3FB4] =	sst s10  }
0x32: {  	s10 =	sld [smem:$0x3FB2];
	_ =	sdelay $0x3  }
0x33: {  	p0 =	seq.s32 s10, $0x1;
	s10 =	sld [smem:$0x3FB4];
	_ =	sdelay $0x3  }
0x34: {  	[smem:$0x3FB4] =	sst s10  }
0x35: {  	s10 =	sld [smem:$0x3FB3];
	_ =	sdelay $0x3  }
0x36: {  	p1 =	seq.s32 s10, $0x1;
	s10 =	sld [smem:$0x3FB4];
	_ =	sdelay $0x3  }
0x37: {  	[smem:$0x3FB4] =	sst s10  }
0x38: {  	s10 =	sld [smem:$0x3FB5]  }
0x39: {  	_ = 	snop;
	(pc) =	sbr.ind lr, $3  }
0x3a: {  	_ = 	snop  }
0x3b: {  	_ = 	snop  }
0x3c: {  	p2 =	seq.s32 s10, $0x1;
	s10 =	sld [smem:$0x3FB4]  }
0x3d: {  	_ =	shalt  }
0x3e: {  	_ =	shalt  }
0x3f: {  	_ =	shalt  }
0x40: {  	_ =	shalt  }
0x41: {  	_ =	shalt  }
0x42: {  	_ =	shalt  }
0x43: {  	_ =	shalt  }
0x44: {  	_ =	shalt  }
0x45: {  	_ =	shalt  }
0x46: {  	_ =	shalt  }
0x47: {  	_ =	shalt  }
0x48: {  	_ =	shalt  }
0x49: {  	_ =	shalt  }
0x4a: {  	_ =	shalt  }
0x4b: {  	_ =	shalt  }
0x4c: {  	_ =	shalt  }
0x4d: {  	_ =	shalt  }
0x4e: {  	_ =	shalt  }
0x4f: {  	_ =	shalt  }
0x50: {  	_ =	shalt  }
0x51: {  	_ =	shalt  }
0x52: {  	_ =	shalt  }
0x53: {  	_ =	shalt  }
0x54: {  	_ =	shalt  }
0x55: {  	_ =	shalt  }
0x56: {  	_ =	shalt  }
0x57: {  	_ =	shalt  }
0x58: {  	_ =	shalt  }
0x59: {  	_ =	shalt  }
0x5a: {  	_ =	shalt  }
0x5b: {  	_ =	shalt  }
0x5c: {  	_ =	shalt  }
0x5d: {  	_ =	shalt  }
0x5e: {  	_ =	shalt  }
0x5f: {  	_ =	shalt  }
0x60: {  	_ =	shalt  }
0x61: {  	_ =	shalt  }
0x62: {  	_ =	shalt  }
0x63: {  	_ =	shalt  }
0x64: {  	_ =	shalt  }
0x65: {  	_ =	shalt  }
0x66: {  	_ =	shalt  }
0x67: {  	_ =	shalt  }
0x68: {  	_ =	shalt  }
0x69: {  	_ =	shalt  }
0x6a: {  	_ =	shalt  }
0x6b: {  	_ =	shalt  }
0x6c: {  	_ =	shalt  }
0x6d: {  	_ =	shalt  }
0x6e: {  	_ =	shalt  }
0x6f: {  	_ =	shalt  }
0x70: {  	_ =	shalt  }
0x71: {  	_ =	shalt  }
0x72: {  	_ =	shalt  }
0x73: {  	_ =	shalt  }
0x74: {  	_ =	shalt  }
0x75: {  	_ =	shalt  }
0x76: {  	_ =	shalt  }
0x77: {  	_ =	shalt  }
0x78: {  	_ =	shalt  }
0x79: {  	_ =	shalt  }
0x7a: {  	_ =	shalt  }
0x7b: {  	_ =	shalt  }
0x7c: {  	_ =	shalt  }
0x7d: {  	_ =	shalt  }
0x7e: {  	_ =	shalt  }
0x7f: {  	_ =	shalt  }
0x80: {  	_ =	shalt  }
0x81: {  	_ =	shalt  }
0x82: {  	_ =	shalt  }
0x83: {  	_ =	shalt  }
0x84: {  	_ =	shalt  }
0x85: {  	_ =	shalt  }
0x86: {  	_ =	shalt  }
0x87: {  	_ =	shalt  }
.Lfunc_end0:
.L_simem_size_0:
called_computation.2_lowered:
.L_overlay_start_0:
0x88: {  	s2 =	sld [smem:$0x3FD9]  }
0x89: {  	s3 =	sld [smem:$0x3FFE];
	_ =	sdelay $0x1  }
0x8a: {  	s1 =	srdreg.scid  }
0x8b: {  	s0 =	sand.u32 $0x1, s1  }
0x8c: {  	s16 =	sshll.u32 s0, $0xA;
	s2 =	sadd.s32 s3, s2  }
0x8d: {  	s2 =	sadd.s32 s2, s16  }
0x8e: {  	[smem:$0x3FC0] =	sst s2  }
0x8f: {  	_ = 	snop  }
0x90: {  	(tm) =	ssettm $0x1  }
0x91: {  	s17 =	sld [smem:$0x3FFB];
	_ =	sdelay $0x3  }
0x92: {  	_ =	strace s17  }
0x93: {  	s2 =	sld [smem:$0x3FFC];
	_ =	sdelay $0x3  }
0x94: {  	_ =	strace s2  }
0x95: {  	s2 =	sld [smem:$0x3FFD];
	_ =	sdelay $0x3  }
0x96: {  	_ =	strace s2  }
0x97: {  	_ =	strace $0x8FFFFFFF  }
0x98: {  	s18 =	sld [smem:$0x3FDB];
	_ =	sdelay $0x1  }
0x99: {  	s19 =	simm.s32 $_scs_section_size  }
0x9a: {  	s4 =	simm.s32 $_size__tile_overlayer_lowered;
	s5 =	simm.s32 $_tile_overlayer_lowered  }
0x9b: {  	s22 =	simm.s32 $0x1BFF;
	s21 =	sshll.u32 s5, $0x1;
	s2 =	sadd.s32 s19, s18  }
0x9c: {  	s6 =	simm.s32 $0x0;
	s20 =	sshll.u32 s4, $0x1;
	s4 =	sadd.s32 s21, s2  }
0x9d: {  	[timem:s6], [sflag:s22] =	dma.local [hbm:s4], s20  }
0x9e: {  	_ =	swait.ge [sflag:s22], s20  }
0x9f: {  	s3 =	ssub.s32 $0x0, s20;
	[sflag:s22] =	ssyncset.done $0x0  }
0xa0: {  	[sflag:s22] =	ssyncadd.s32 s3;
	_ =	sdelay $0x1  }
0xa1: {  	s23 =	simm.s32 $0x1B8B  }
0xa2: {  	_ =	swait.ge [sflag:s23], $0x1  }
0xa3: {  	[sflag:s23] =	ssyncset.done $0x0  }
0xa4: {  	s25 =	simm.s32 $0x1B8E;
	s24 =	sld [smem:$0x3FFE];
	[sflag:s23] =	ssyncadd.s32 $0xFFFFFFFF  }
0xa5: {  	s26 =	simm.s32 $execute0_lowered;
	[smem:$0x3FD2] =	sst s25  }
0xa6: {  	s4 =	sshll.u32 s26, $0x1;
	_ =	strace $0x8000004C;
	[dreg:$0x1] =	wrdreg $0xFFFFFFFF  }
0xa7: {  	s28 =	simm.s32 $_size_execute0_lowered;
	s2 =	sadd.s32 s2, s4;
	[dreg:$0x0] =	wrdreg $0x0  }
0xa8: {  	s4 =	sshll.u32 s28, $0x1;
	[dreg:$0x2] =	wrdreg s2  }
0xa9: {  	[dreg:$0x3] =	wrdreg s4  }
0xaa: {  	[dreg:$0x4] =	wrdreg $0xC0  }
0xab: {  	_ =	task [dreg:s6], $0x5FFFF  }
0xac: {  	[dreg:$0x1] =	wrdreg $0xFFFFFFFF  }
0xad: {  	[dreg:$0x0] =	wrdreg $0x60  }
0xae: {  	[dreg:$0x2] =	wrdreg s24  }
0xaf: {  	[dreg:$0x3] =	wrdreg $0x68000  }
0xb0: {  	[dreg:$0x4] =	wrdreg $0x9  }
0xb1: {  	_ =	task.clear_ibuf [dreg:s6], $0x5FFFF;
	_ =	strace $0x9000004C  }
0xb2: {  	s29 =	simm.s32 $0x9;
	_ =	strace $0x8000004E  }
0xb3: {  	_ =	swait.ge [sflag:s29], $0x1  }
0xb4: {  	[sflag:s29] =	ssyncadd.s32 $0xFFFFFFFF  }
0xb5: {  	_ =	strace $0x9000004E  }
0xb6: {  	_ =	sfence  }
0xb7: {  	s30 =	sld [smem:$0x0];
	_ =	sdelay $0x2  }
0xb8: {  	s31 =	sshll.u32 s1, $0xD;
	s1 =	sshrl.u32 s1, $0x2  }
0xb9: {  	s3 =	sand.u32 $0x4000, s31;
	s1 =	sadd.s32 s1, s30  }
0xba: {  	s0 =	sor.u32 s3, s0;
	s1 =	sshll.u32 s1, $0x11  }
0xbb: {  	s0 =	sor.u32 s1, s0  }
0xbc: {  	s0 =	sadd.s32 $0x8F2B, s0  }
0xbd: {  	[sflag:s0] =	ssyncadd.remote.s32 $0x1  }
0xbe: {  	_ =	sfence.sel $0xFFFF  }
0xbf: {  	[dreg:$0x0] =	wrdreg $0xFFFFFFFF;
	(pc) =	sbr.abs _section_cstart, $3  }
0xc0: {  	[dreg:$0x1] =	wrdreg $0xFFFFFFFF  }
0xc1: {  	_ =	task.clear_ibuf [dreg:s6], $0x2FFFF;
	_ =	strace $0x9FFFFFFF  }
0xc2: {  	(tm) =	ssettm $0x7FFFFFFF  }
0xc3: {  	_ =	shalt  }
tec
execute0_lowered:
.L_overlay_start_1:
0x0: {  	(tag) =	ssettag $0x1  }
0x1: {  	s0 =	rddreg [dreg:$0x0]  }
0x2: {  	s1 =	rddreg [dreg:$0x1]  }
0x3: {  	s2 =	srdreg.scid;
	s3 =	simm.s32 $0x0;
	s11 =	stileid.u32  }
0x4: {  	s12 =	simm.s32 $0x1400;
	s13 =	simm.s32 $0x80;
	s14 =	simm.s32 $0x2800  }
0x5: {  	s15 =	simm.s32 $0x3800;
	s16 =	simm.s32 $0x1;
	s18 =	simm.s32 $0x4800  }
0x6: {  	s19 =	simm.s32 $0x2;
	s20 =	simm.s32 $0x1480;
	s21 =	simm.s32 $0x180  }
0x7: {  	s22 =	simm.s32 $0x5800;
	s23 =	simm.s32 $0x3;
	s28 =	simm.s32 $0x6  }
0x8: {  	s29 =	simm.s32 $0x7;
	s30 =	simm.s32 $0x8;
	s31 =	simm.s32 $0x2700  }
0x9: {  	s2 =	sand.u32 $0x1, s2;
	[smem:$0x7FF] =	sst s3;
	s6 =	smul.u32 $0x5000, s11  }
0xa: {  	s24 =	sshll.u32 s11, $0x6;
	s4 =	sshll.u32 s2, $0x4;
	_ =	strace $0x8000004D  }
0xb: {  	s7 =	smul.u32 $0xA000, s2;
	s2 =	ssub.s32 $0x2, s2;
	s5 =	sor.u32 s11, s4  }
0xc: {  	s4 =	sadd.s32 $0x3000, s0;
	s9 =	sshrl.u32 s6, $0x3;
	s10 =	sshrl.u32 s2, $0x1  }
0xd: {  	s25 =	sadd.s32 s6, s1;
	s6 =	sor.u32 $0x1C09, s24;
	s11 =	simm.s32 $0x9  }
0xe: {  	s5 =	smul.u32 $0x500, s5;
	s8 =	sadd.s32 s9, s0;
	s2 =	ssub.s32 s2, s10  }
0xf: {  	s10 =	sshrl.u32 s25, $0x3;
	s25 =	simm.s32 $0x5;
	s26 =	sadd.s32 $0x12000, s8  }
0x10: {  	s2 =	smax.u32 s2, $0x1;
	s5 =	sadd.s32 s5, s0;
	[dreg:$0x3] =	wrdreg s26  }
0x11: {  	s0 =	sadd.s32 s7, s0;
	[dreg:$0x4] =	wrdreg s2;
	s26 =	simm.s32 $0x4  }
0x12: {  	s2 =	simm.s32 $0x0;
	s7 =	sadd.s32 $0x26000, s5;
	s0 =	sadd.s32 $0x30000, s0  }
0x13: {  	s8 =	sadd.s32 $0x1C000, s5;
	s24 =	sadd.s32 s9, s0;
	s0 =	simm.s32 $0x2780  }
.LBB2_1:
0x14: {  	s5 =	rddreg [dreg:$0x3]  }
0x15: {  	[spmem:s10], [sflag:s6] =	dma.local [hbm:s5], $0xA00  }
0x16: {  	_ =	swait.ge [sflag:s11], $0xA00  }
0x17: {  	[sflag:s11] =	ssyncset.done $0x0  }
0x18: {  	[sflag:s11] =	ssyncadd.s32 $0xFFFFF600  }
0x19: {  	[bflag:$0x0] =	sbarrier.arrive $0xFFFF  }
0x1a: {  	[tilespmem:s3], [sflag:$0x9] =	stream.linear.gather [hbm4b:s7+s3], $0x1400, $0x38;
	[tilespmem:$0xB800] =	vst v63  }
0x1b: {  	_ =	swait.ge [sflag:s11], $0x1400  }
0x1c: {  	[sflag:s11] =	ssyncset.done $0x0  }
0x1d: {  	[sflag:s11] =	ssyncadd.s32 $0xFFFFEC00  }
0x1e: {  	[tilespmem:s12], [sflag:$0x9] =	stream.linear.gather [hbm4b:s8+s3], $0x1400, $0x38;
	[tilespmem:$0xB800] =	vst v63  }
0x1f: {  	_ =	swait.ge [sflag:s11], $0x1400  }
0x20: {  	[sflag:s11] =	ssyncset.done $0x0  }
0x21: {  	[sflag:s11] =	ssyncadd.s32 $0xFFFFEC00  }
0x22: {  	[tilespmem:s14], [sflag:$0x1] =	stream.indirect.gather [hbm4b:s4+s13], $0x20, s3, s13, $0xb8;
	[tilespmem:$0xB800] =	vst v63  }
0x23: {  	_ = 	snop  }
0x24: {  	[tilespmem:s15], [sflag:$0x2] =	stream.indirect.gather [hbm4b:s4+s13], $0x20, s13, s13, $0xb8;
	[tilespmem:$0xB800] =	vst v63  }
0x25: {  	_ =	swait.ge [sflag:s16], $0x1000  }
0x26: {  	[sflag:s16] =	ssyncset.done $0x0  }
0x27: {  	[sflag:s16] =	ssyncadd.s32 $0xFFFFF000  }
0x28: {  	[spmem:s1] =	stream.indirect.scatter.add.f32 [tilespmem:s14], [sflag:$0x5], $0x20, s12, s13, $0xb8;
	[tilespmem:$0xB800] =	vst v63  }
0x29: {  	s9 =	simm.s32 $0x100  }
0x2a: {  	[tilespmem:s18], [sflag:$0x3] =	stream.indirect.gather [hbm4b:s4+s13], $0x20, s9, s13, $0xb8;
	[tilespmem:$0xB800] =	vst v63  }
0x2b: {  	_ =	swait.ge [sflag:s19], $0x1000  }
0x2c: {  	[sflag:s19] =	ssyncset.done $0x0  }
0x2d: {  	[sflag:s19] =	ssyncadd.s32 $0xFFFFF000  }
0x2e: {  	[spmem:s1] =	stream.indirect.scatter.add.f32 [tilespmem:s15], [sflag:$0x6], $0x20, s20, s13, $0xb8;
	[tilespmem:$0xB800] =	vst v63  }
0x2f: {  	_ = 	snop  }
0x30: {  	[tilespmem:s22], [sflag:$0x4] =	stream.indirect.gather [hbm4b:s4+s13], $0x20, s21, s13, $0xb8;
	[tilespmem:$0xB800] =	vst v63  }
0x31: {  	_ =	swait.ge [sflag:s23], $0x1000  }
0x32: {  	[sflag:s23] =	ssyncset.done $0x0  }
0x33: {  	s17 =	simm.s32 $0x1500;
	[sflag:s23] =	ssyncadd.s32 $0xFFFFF000  }
0x34: {  	[spmem:s1] =	stream.indirect.scatter.add.f32 [tilespmem:s18], [sflag:$0x7], $0x20, s17, s13, $0xb8;
	[tilespmem:$0xB800] =	vst v63  }
0x35: {  	_ =	swait.ge [sflag:s25], $0x1000  }
0x36: {  	[sflag:s25] =	ssyncset.done $0x0  }
0x37: {  	s9 =	simm.s32 $0x200;
	[sflag:s25] =	ssyncadd.s32 $0xFFFFF000  }
0x38: {  	[tilespmem:s14], [sflag:$0x1] =	stream.indirect.gather [hbm4b:s4+s13], $0x20, s9, s13, $0xb8;
	[tilespmem:$0xB800] =	vst v63  }
0x39: {  	_ =	swait.ge [sflag:s26], $0x1000  }
0x3a: {  	[sflag:s26] =	ssyncset.done $0x0  }
0x3b: {  	s17 =	simm.s32 $0x1580;
	[sflag:s26] =	ssyncadd.s32 $0xFFFFF000  }
0x3c: {  	[spmem:s1] =	stream.indirect.scatter.add.f32 [tilespmem:s22], [sflag:$0x8], $0x20, s17, s13, $0xb8;
	[tilespmem:$0xB800] =	vst v63  }
0x3d: {  	_ =	swait.ge [sflag:s28], $0x1000  }
0x3e: {  	[sflag:s28] =	ssyncset.done $0x0  }
0x3f: {  	s9 =	simm.s32 $0x280;
	[sflag:s28] =	ssyncadd.s32 $0xFFFFF000  }
0x40: {  	[tilespmem:s15], [sflag:$0x2] =	stream.indirect.gather [hbm4b:s4+s13], $0x20, s9, s13, $0xb8;
	[tilespmem:$0xB800] =	vst v63  }
0x41: {  	_ =	swait.ge [sflag:s16], $0x1000  }
0x42: {  	[sflag:s16] =	ssyncset.done $0x0  }
0x43: {  	s17 =	simm.s32 $0x1600;
	[sflag:s16] =	ssyncadd.s32 $0xFFFFF000  }
0x44: {  	[spmem:s1] =	stream.indirect.scatter.add.f32 [tilespmem:s14], [sflag:$0x5], $0x20, s17, s13, $0xb8;
	[tilespmem:$0xB800] =	vst v63  }
0x45: {  	_ =	swait.ge [sflag:s29], $0x1000  }
0x46: {  	[sflag:s29] =	ssyncset.done $0x0  }
0x47: {  	s9 =	simm.s32 $0x300;
	[sflag:s29] =	ssyncadd.s32 $0xFFFFF000  }
0x48: {  	[tilespmem:s18], [sflag:$0x3] =	stream.indirect.gather [hbm4b:s4+s13], $0x20, s9, s13, $0xb8;
	[tilespmem:$0xB800] =	vst v63  }
0x49: {  	_ =	swait.ge [sflag:s19], $0x1000  }
0x4a: {  	[sflag:s19] =	ssyncset.done $0x0  }
0x4b: {  	s17 =	simm.s32 $0x1680;
	[sflag:s19] =	ssyncadd.s32 $0xFFFFF000  }
0x4c: {  	[spmem:s1] =	stream.indirect.scatter.add.f32 [tilespmem:s15], [sflag:$0x6], $0x20, s17, s13, $0xb8;
	[tilespmem:$0xB800] =	vst v63  }
0x4d: {  	_ =	swait.ge [sflag:s30], $0x1000  }
0x4e: {  	[sflag:s30] =	ssyncset.done $0x0  }
0x4f: {  	s5 =	simm.s32 $0x800;
	s9 =	simm.s32 $0x380;
	[sflag:s30] =	ssyncadd.s32 $0xFFFFF000  }
.LBB2_2:
0x50: {  	[tilespmem:s22], [sflag:$0x4] =	stream.indirect.gather [hbm4b:s4+s13], $0x20, s9, s13, $0xb8;
	[tilespmem:$0xB800] =	vst v63  }
0x51: {  	s9 =	smov.u32 s5  }
0x52: {  	p0 =	sne.s32 s5, $0x4000;
	s5 =	sadd.s32 $0x800, s5;
	_ =	swait.ge [sflag:s23], $0x1000  }
0x53: {  	s9 =	sshra.s32 s9, $0x2;
	[sflag:s23] =	ssyncset.done $0x0  }
0x54: {  	s17 =	sadd.s32 $0x1500, s9;
	[sflag:s23] =	ssyncadd.s32 $0xFFFFF000  }
0x55: {  	[spmem:s1] =	stream.indirect.scatter.add.f32 [tilespmem:s18], [sflag:$0x7], $0x20, s17, s13, $0xb8;
	[tilespmem:$0xB800] =	vst v63  }
0x56: {  	_ =	swait.ge [sflag:s25], $0x1000  }
0x57: {  	[sflag:s25] =	ssyncset.done $0x0  }
0x58: {  	s17 =	sadd.s32 $0x200, s9;
	[sflag:s25] =	ssyncadd.s32 $0xFFFFF000  }
0x59: {  	[tilespmem:s14], [sflag:$0x1] =	stream.indirect.gather [hbm4b:s4+s13], $0x20, s17, s13, $0xb8;
	[tilespmem:$0xB800] =	vst v63  }
0x5a: {  	_ =	swait.ge [sflag:s26], $0x1000  }
0x5b: {  	[sflag:s26] =	ssyncset.done $0x0  }
0x5c: {  	s17 =	sadd.s32 $0x1580, s9;
	[sflag:s26] =	ssyncadd.s32 $0xFFFFF000  }
0x5d: {  	[spmem:s1] =	stream.indirect.scatter.add.f32 [tilespmem:s22], [sflag:$0x8], $0x20, s17, s13, $0xb8;
	[tilespmem:$0xB800] =	vst v63  }
0x5e: {  	_ =	swait.ge [sflag:s28], $0x1000  }
0x5f: {  	[sflag:s28] =	ssyncset.done $0x0  }
0x60: {  	s17 =	sadd.s32 $0x280, s9;
	[sflag:s28] =	ssyncadd.s32 $0xFFFFF000  }
0x61: {  	[tilespmem:s15], [sflag:$0x2] =	stream.indirect.gather [hbm4b:s4+s13], $0x20, s17, s13, $0xb8;
	[tilespmem:$0xB800] =	vst v63  }
0x62: {  	_ =	swait.ge [sflag:s16], $0x1000  }
0x63: {  	[sflag:s16] =	ssyncset.done $0x0  }
0x64: {  	s17 =	sadd.s32 $0x1600, s9;
	[sflag:s16] =	ssyncadd.s32 $0xFFFFF000  }
0x65: {  	[spmem:s1] =	stream.indirect.scatter.add.f32 [tilespmem:s14], [sflag:$0x5], $0x20, s17, s13, $0xb8;
	[tilespmem:$0xB800] =	vst v63  }
0x66: {  	_ =	swait.ge [sflag:s29], $0x1000  }
0x67: {  	[sflag:s29] =	ssyncset.done $0x0  }
0x68: {  	s17 =	sadd.s32 $0x300, s9;
	[sflag:s29] =	ssyncadd.s32 $0xFFFFF000  }
0x69: {  	[tilespmem:s18], [sflag:$0x3] =	stream.indirect.gather [hbm4b:s4+s13], $0x20, s17, s13, $0xb8;
	[tilespmem:$0xB800] =	vst v63  }
0x6a: {  	_ =	swait.ge [sflag:s19], $0x1000  }
0x6b: {  	[sflag:s19] =	ssyncset.done $0x0  }
.Ltmp0:
0x6c: {  	s17 =	sadd.s32 $0x1680, s9;
	[sflag:s19] =	ssyncadd.s32 $0xFFFFF000;
	(pc) =	sbr.rel @p0 .LBB2_2-.Ltmp0, $4  }
0x6d: {  	[spmem:s1] =	stream.indirect.scatter.add.f32 [tilespmem:s15], [sflag:$0x6], $0x20, s17, s13, $0xb8;
	[tilespmem:$0xB800] =	vst v63  }
0x6e: {  	_ =	swait.ge [sflag:s30], $0x1000  }
0x6f: {  	[sflag:s30] =	ssyncset.done $0x0  }
0x70: {  	s9 =	sadd.s32 $0x380, s9;
	[sflag:s30] =	ssyncadd.s32 $0xFFFFF000  }
0x71: {  	[tilespmem:s22], [sflag:$0x4] =	stream.indirect.gather [hbm4b:s4+s13], $0x20, s9, s13, $0xb8;
	[tilespmem:$0xB800] =	vst v63  }
0x72: {  	_ =	swait.ge [sflag:s23], $0x1000  }
0x73: {  	[sflag:s23] =	ssyncset.done $0x0  }
0x74: {  	[sflag:s23] =	ssyncadd.s32 $0xFFFFF000  }
0x75: {  	[spmem:s1] =	stream.indirect.scatter.add.f32 [tilespmem:s18], [sflag:$0x7], $0x20, s31, s13, $0xb8;
	[tilespmem:$0xB800] =	vst v63  }
0x76: {  	_ =	swait.ge [sflag:s25], $0x1000  }
0x77: {  	[sflag:s25] =	ssyncset.done $0x0  }
0x78: {  	[sflag:s25] =	ssyncadd.s32 $0xFFFFF000  }
0x79: {  	_ =	swait.ge [sflag:s26], $0x1000  }
0x7a: {  	[sflag:s26] =	ssyncset.done $0x0  }
0x7b: {  	[sflag:s26] =	ssyncadd.s32 $0xFFFFF000  }
0x7c: {  	[spmem:s1] =	stream.indirect.scatter.add.f32 [tilespmem:s22], [sflag:$0x8], $0x20, s0, s13, $0xb8;
	[tilespmem:$0xB800] =	vst v63  }
0x7d: {  	_ =	swait.ge [sflag:s28], $0x1000  }
0x7e: {  	[sflag:s28] =	ssyncset.done $0x0  }
0x7f: {  	[sflag:s28] =	ssyncadd.s32 $0xFFFFF000  }
0x80: {  	_ =	swait.ge [sflag:s29], $0x1000  }
0x81: {  	[sflag:s29] =	ssyncset.done $0x0  }
0x82: {  	[sflag:s29] =	ssyncadd.s32 $0xFFFFF000  }
0x83: {  	_ =	swait.ge [sflag:s30], $0x1000  }
0x84: {  	[sflag:s30] =	ssyncset.done $0x0  }
0x85: {  	s5 =	sadd.s32 $0x280, s7;
	s9 =	simm.s32 $0x0;
	[sflag:s30] =	ssyncadd.s32 $0xFFFFF000  }
0x86: {  	[tilespmem:s9], [sflag:$0x9] =	stream.linear.gather [hbm4b:s5+s9], $0x1400, $0x38;
	[tilespmem:$0xB800] =	vst v63  }
0x87: {  	_ =	swait.ge [sflag:s11], $0x1400  }
0x88: {  	[sflag:s11] =	ssyncset.done $0x0  }
0x89: {  	s17 =	sadd.s32 $0x280, s8;
	[sflag:s11] =	ssyncadd.s32 $0xFFFFEC00  }
0x8a: {  	[tilespmem:s12], [sflag:$0x9] =	stream.linear.gather [hbm4b:s17+s9], $0x1400, $0x38;
	[tilespmem:$0xB800] =	vst v63  }
0x8b: {  	_ =	swait.ge [sflag:s11], $0x1400  }
0x8c: {  	[sflag:s11] =	ssyncset.done $0x0  }
0x8d: {  	[sflag:s11] =	ssyncadd.s32 $0xFFFFEC00  }
0x8e: {  	[tilespmem:s14], [sflag:$0x1] =	stream.indirect.gather [hbm4b:s4+s13], $0x20, s9, s13, $0xb8;
	[tilespmem:$0xB800] =	vst v63  }
0x8f: {  	_ = 	snop  }
0x90: {  	[tilespmem:s15], [sflag:$0x2] =	stream.indirect.gather [hbm4b:s4+s13], $0x20, s13, s13, $0xb8;
	[tilespmem:$0xB800] =	vst v63  }
0x91: {  	_ =	swait.ge [sflag:s16], $0x1000  }
0x92: {  	[sflag:s16] =	ssyncset.done $0x0  }
0x93: {  	[sflag:s16] =	ssyncadd.s32 $0xFFFFF000  }
0x94: {  	[spmem:s1] =	stream.indirect.scatter.add.f32 [tilespmem:s14], [sflag:$0x5], $0x20, s12, s13, $0xb8;
	[tilespmem:$0xB800] =	vst v63  }
0x95: {  	s9 =	simm.s32 $0x100  }
0x96: {  	[tilespmem:s18], [sflag:$0x3] =	stream.indirect.gather [hbm4b:s4+s13], $0x20, s9, s13, $0xb8;
	[tilespmem:$0xB800] =	vst v63  }
0x97: {  	_ =	swait.ge [sflag:s19], $0x1000  }
0x98: {  	[sflag:s19] =	ssyncset.done $0x0  }
0x99: {  	[sflag:s19] =	ssyncadd.s32 $0xFFFFF000  }
0x9a: {  	[spmem:s1] =	stream.indirect.scatter.add.f32 [tilespmem:s15], [sflag:$0x6], $0x20, s20, s13, $0xb8;
	[tilespmem:$0xB800] =	vst v63  }
0x9b: {  	_ = 	snop  }
0x9c: {  	[tilespmem:s22], [sflag:$0x4] =	stream.indirect.gather [hbm4b:s4+s13], $0x20, s21, s13, $0xb8;
	[tilespmem:$0xB800] =	vst v63  }
0x9d: {  	_ =	swait.ge [sflag:s23], $0x1000  }
0x9e: {  	[sflag:s23] =	ssyncset.done $0x0  }
0x9f: {  	s17 =	simm.s32 $0x1500;
	[sflag:s23] =	ssyncadd.s32 $0xFFFFF000  }
0xa0: {  	[spmem:s1] =	stream.indirect.scatter.add.f32 [tilespmem:s18], [sflag:$0x7], $0x20, s17, s13, $0xb8;
	[tilespmem:$0xB800] =	vst v63  }
0xa1: {  	_ =	swait.ge [sflag:s25], $0x1000  }
0xa2: {  	[sflag:s25] =	ssyncset.done $0x0  }
0xa3: {  	s9 =	simm.s32 $0x200;
	[sflag:s25] =	ssyncadd.s32 $0xFFFFF000  }
0xa4: {  	[tilespmem:s14], [sflag:$0x1] =	stream.indirect.gather [hbm4b:s4+s13], $0x20, s9, s13, $0xb8;
	[tilespmem:$0xB800] =	vst v63  }
0xa5: {  	_ =	swait.ge [sflag:s26], $0x1000  }
0xa6: {  	[sflag:s26] =	ssyncset.done $0x0  }
0xa7: {  	s17 =	simm.s32 $0x1580;
	[sflag:s26] =	ssyncadd.s32 $0xFFFFF000  }
0xa8: {  	[spmem:s1] =	stream.indirect.scatter.add.f32 [tilespmem:s22], [sflag:$0x8], $0x20, s17, s13, $0xb8;
	[tilespmem:$0xB800] =	vst v63  }
0xa9: {  	_ =	swait.ge [sflag:s28], $0x1000  }
0xaa: {  	[sflag:s28] =	ssyncset.done $0x0  }
0xab: {  	s9 =	simm.s32 $0x280;
	[sflag:s28] =	ssyncadd.s32 $0xFFFFF000  }
0xac: {  	[tilespmem:s15], [sflag:$0x2] =	stream.indirect.gather [hbm4b:s4+s13], $0x20, s9, s13, $0xb8;
	[tilespmem:$0xB800] =	vst v63  }
0xad: {  	_ =	swait.ge [sflag:s16], $0x1000  }
0xae: {  	[sflag:s16] =	ssyncset.done $0x0  }
0xaf: {  	s17 =	simm.s32 $0x1600;
	[sflag:s16] =	ssyncadd.s32 $0xFFFFF000  }
0xb0: {  	[spmem:s1] =	stream.indirect.scatter.add.f32 [tilespmem:s14], [sflag:$0x5], $0x20, s17, s13, $0xb8;
	[tilespmem:$0xB800] =	vst v63  }
0xb1: {  	_ =	swait.ge [sflag:s29], $0x1000  }
0xb2: {  	[sflag:s29] =	ssyncset.done $0x0  }
0xb3: {  	s9 =	simm.s32 $0x300;
	[sflag:s29] =	ssyncadd.s32 $0xFFFFF000  }
0xb4: {  	[tilespmem:s18], [sflag:$0x3] =	stream.indirect.gather [hbm4b:s4+s13], $0x20, s9, s13, $0xb8;
	[tilespmem:$0xB800] =	vst v63  }
0xb5: {  	_ =	swait.ge [sflag:s19], $0x1000  }
0xb6: {  	[sflag:s19] =	ssyncset.done $0x0  }
0xb7: {  	s17 =	simm.s32 $0x1680;
	[sflag:s19] =	ssyncadd.s32 $0xFFFFF000  }
0xb8: {  	[spmem:s1] =	stream.indirect.scatter.add.f32 [tilespmem:s15], [sflag:$0x6], $0x20, s17, s13, $0xb8;
	[tilespmem:$0xB800] =	vst v63  }
0xb9: {  	_ =	swait.ge [sflag:s30], $0x1000  }
0xba: {  	[sflag:s30] =	ssyncset.done $0x0  }
0xbb: {  	s5 =	simm.s32 $0x800;
	s9 =	simm.s32 $0x380;
	[sflag:s30] =	ssyncadd.s32 $0xFFFFF000  }
.LBB2_4:
0xbc: {  	[tilespmem:s22], [sflag:$0x4] =	stream.indirect.gather [hbm4b:s4+s13], $0x20, s9, s13, $0xb8;
	[tilespmem:$0xB800] =	vst v63  }
0xbd: {  	s9 =	smov.u32 s5  }
0xbe: {  	p0 =	sne.s32 s5, $0x4000;
	s5 =	sadd.s32 $0x800, s5;
	_ =	swait.ge [sflag:s23], $0x1000  }
0xbf: {  	s9 =	sshra.s32 s9, $0x2;
	[sflag:s23] =	ssyncset.done $0x0  }
0xc0: {  	s17 =	sadd.s32 $0x1500, s9;
	[sflag:s23] =	ssyncadd.s32 $0xFFFFF000  }
0xc1: {  	[spmem:s1] =	stream.indirect.scatter.add.f32 [tilespmem:s18], [sflag:$0x7], $0x20, s17, s13, $0xb8;
	[tilespmem:$0xB800] =	vst v63  }
0xc2: {  	_ =	swait.ge [sflag:s25], $0x1000  }
0xc3: {  	[sflag:s25] =	ssyncset.done $0x0  }
0xc4: {  	s17 =	sadd.s32 $0x200, s9;
	[sflag:s25] =	ssyncadd.s32 $0xFFFFF000  }
0xc5: {  	[tilespmem:s14], [sflag:$0x1] =	stream.indirect.gather [hbm4b:s4+s13], $0x20, s17, s13, $0xb8;
	[tilespmem:$0xB800] =	vst v63  }
0xc6: {  	_ =	swait.ge [sflag:s26], $0x1000  }
0xc7: {  	[sflag:s26] =	ssyncset.done $0x0  }
0xc8: {  	s17 =	sadd.s32 $0x1580, s9;
	[sflag:s26] =	ssyncadd.s32 $0xFFFFF000  }
0xc9: {  	[spmem:s1] =	stream.indirect.scatter.add.f32 [tilespmem:s22], [sflag:$0x8], $0x20, s17, s13, $0xb8;
	[tilespmem:$0xB800] =	vst v63  }
0xca: {  	_ =	swait.ge [sflag:s28], $0x1000  }
0xcb: {  	[sflag:s28] =	ssyncset.done $0x0  }
0xcc: {  	s17 =	sadd.s32 $0x280, s9;
	[sflag:s28] =	ssyncadd.s32 $0xFFFFF000  }
0xcd: {  	[tilespmem:s15], [sflag:$0x2] =	stream.indirect.gather [hbm4b:s4+s13], $0x20, s17, s13, $0xb8;
	[tilespmem:$0xB800] =	vst v63  }
0xce: {  	_ =	swait.ge [sflag:s16], $0x1000  }
0xcf: {  	[sflag:s16] =	ssyncset.done $0x0  }
0xd0: {  	s17 =	sadd.s32 $0x1600, s9;
	[sflag:s16] =	ssyncadd.s32 $0xFFFFF000  }
0xd1: {  	[spmem:s1] =	stream.indirect.scatter.add.f32 [tilespmem:s14], [sflag:$0x5], $0x20, s17, s13, $0xb8;
	[tilespmem:$0xB800] =	vst v63  }
0xd2: {  	_ =	swait.ge [sflag:s29], $0x1000  }
0xd3: {  	[sflag:s29] =	ssyncset.done $0x0  }
0xd4: {  	s17 =	sadd.s32 $0x300, s9;
	[sflag:s29] =	ssyncadd.s32 $0xFFFFF000  }
0xd5: {  	[tilespmem:s18], [sflag:$0x3] =	stream.indirect.gather [hbm4b:s4+s13], $0x20, s17, s13, $0xb8;
	[tilespmem:$0xB800] =	vst v63  }
0xd6: {  	_ =	swait.ge [sflag:s19], $0x1000  }
0xd7: {  	[sflag:s19] =	ssyncset.done $0x0  }
.Ltmp1:
0xd8: {  	s17 =	sadd.s32 $0x1680, s9;
	[sflag:s19] =	ssyncadd.s32 $0xFFFFF000;
	(pc) =	sbr.rel @p0 .LBB2_4-.Ltmp1, $4  }
0xd9: {  	[spmem:s1] =	stream.indirect.scatter.add.f32 [tilespmem:s15], [sflag:$0x6], $0x20, s17, s13, $0xb8;
	[tilespmem:$0xB800] =	vst v63  }
0xda: {  	_ =	swait.ge [sflag:s30], $0x1000  }
0xdb: {  	[sflag:s30] =	ssyncset.done $0x0  }
0xdc: {  	s9 =	sadd.s32 $0x380, s9;
	[sflag:s30] =	ssyncadd.s32 $0xFFFFF000  }
0xdd: {  	[tilespmem:s22], [sflag:$0x4] =	stream.indirect.gather [hbm4b:s4+s13], $0x20, s9, s13, $0xb8;
	[tilespmem:$0xB800] =	vst v63  }
0xde: {  	_ =	swait.ge [sflag:s23], $0x1000  }
0xdf: {  	[sflag:s23] =	ssyncset.done $0x0  }
0xe0: {  	[sflag:s23] =	ssyncadd.s32 $0xFFFFF000  }
0xe1: {  	[spmem:s1] =	stream.indirect.scatter.add.f32 [tilespmem:s18], [sflag:$0x7], $0x20, s31, s13, $0xb8;
	[tilespmem:$0xB800] =	vst v63  }
0xe2: {  	_ =	swait.ge [sflag:s25], $0x1000  }
0xe3: {  	[sflag:s25] =	ssyncset.done $0x0  }
0xe4: {  	[sflag:s25] =	ssyncadd.s32 $0xFFFFF000  }
0xe5: {  	_ =	swait.ge [sflag:s26], $0x1000  }
0xe6: {  	[sflag:s26] =	ssyncset.done $0x0  }
0xe7: {  	[sflag:s26] =	ssyncadd.s32 $0xFFFFF000  }
0xe8: {  	[spmem:s1] =	stream.indirect.scatter.add.f32 [tilespmem:s22], [sflag:$0x8], $0x20, s0, s13, $0xb8;
	[tilespmem:$0xB800] =	vst v63  }
0xe9: {  	_ =	swait.ge [sflag:s28], $0x1000  }
0xea: {  	[sflag:s28] =	ssyncset.done $0x0  }
0xeb: {  	[sflag:s28] =	ssyncadd.s32 $0xFFFFF000  }
0xec: {  	_ =	swait.ge [sflag:s29], $0x1000  }
0xed: {  	[sflag:s29] =	ssyncset.done $0x0  }
0xee: {  	[sflag:s29] =	ssyncadd.s32 $0xFFFFF000  }
0xef: {  	_ =	swait.ge [sflag:s30], $0x1000  }
0xf0: {  	[sflag:s30] =	ssyncset.done $0x0  }
0xf1: {  	[sflag:s30] =	ssyncadd.s32 $0xFFFFF000  }
0xf2: {  	[bflag:$0x0] =	sbarrier.arrive $0xFFFF  }
0xf3: {  	[hbm:s24], [sflag:s6] =	dma.local [spmem:s10], $0xA00  }
0xf4: {  	_ =	swait.ge [sflag:s11], $0xA00  }
0xf5: {  	s2 =	sadd.s32 $0x1, s2;
	s5 =	rddreg [dreg:$0x4]  }
0xf6: {  	p0 =	sne.s32 s2, s5  }
.Ltmp2:
0xf7: {  	_ = 	snop;
	(pc) =	sbr.rel @p0 .LBB2_1-.Ltmp2, $3  }
0xf8: {  	_ =	sdelay $0x1  }
0xf9: {  	[sflag:s11] =	ssyncset.done $0x0  }
0xfa: {  	[sflag:s11] =	ssyncadd.s32 $0xFFFFF600  }
0xfb: {  	_ =	sfence.sel $0x180000  }
0xfc: {  	[bflag:$0x0] =	sbarrier.arrive $0xFFFF  }
0xfd: {  	_ =	strace $0x9000004D  }
0xfe: {  	s0 =	stileid.u32;
	[bflag:$0x2] =	sbarrier.arrive $0xFFFF  }
0xff: {  	p0 =	sne.s32 s0, $0x0;
	s0 =	rddreg [dreg:$0x2]  }
0x100: {  	s0 =	sadd.s32 @!p0 $0x100000, s0  }
0x101: {  	[sflag:s0] =	ssyncadd.tile.s32 @!p0 $0x1;
	_ =	shalt  }
.Lfunc_end2:
_tile_overlayer_lowered:
.L_overlay_start_2:
0x102: {  	(tag) =	ssettag $0x2  }
0x103: {  	s0 =	rddreg [dreg:$0x0];
	s2 =	stileid.u32  }
0x104: {  	s1 =	rddreg [dreg:$0x1];
	p0 =	sne.s32 s2, $0x0  }
0x105: {  	s3 =	rddreg [dreg:$0x2];
	[bflag:$0x3] =	sbarrier.arrive $0xFFFF;
	s2 =	simm.s32 @!p0 $0x1C09  }
0x106: {  	[timem:s3], [sflag:s2] =	dma.local @!p0 [hbm:s0], s1  }
0x107: {  	s0 =	simm.s32 @!p0 $0x9  }
0x108: {  	_ =	swait.ge @!p0 [sflag:s0], s1  }
0x109: {  	s1 =	ssub.s32 @!p0 $0x0, s1;
	[sflag:s0] =	ssyncset.done @!p0 $0x0  }
0x10a: {  	[sflag:s0] =	ssyncadd.s32 @!p0 s1  }
0x10b: {  	[bflag:$0x3] =	sbarrier.arrive $0xFFFF  }
0x10c: {  	_ =	shalt  }

// kernel: kernel.20.cloned.1.call-start
scs
__scs_entry_jumppad:
0x0: {  	(pc) =	sbr.rel $0x88, $3  }
0x1: {  	(tag) =	ssettag $0x0;
	lr =	simm.s32 $0x1  }
0x2: {  	[smem:$0x3F99] =	sst lr;
	_ =	strace $0xD0000000  }
0x3: {  	_ = 	snop  }
0x4: {  	_ = 	snop  }
0x5: {  	_ = 	snop  }
0x6: {  	_ = 	snop  }
0x7: {  	_ = 	snop  }
__scs_overlays_trampoline_lowered:
0x8: {  	[smem:$0x3FA8] =	sst s0  }
0x9: {  	[smem:$0x3FA9] =	sst s1  }
0xa: {  	[smem:$0x3FAA] =	sst s2  }
0xb: {  	[smem:$0x3FAB] =	sst s3  }
0xc: {  	[smem:$0x3FAC] =	sst s4  }
0xd: {  	[smem:$0x3FAD] =	sst s5  }
0xe: {  	[smem:$0x3FAE] =	sst s6  }
0xf: {  	[smem:$0x3FAF] =	sst s7  }
0x10: {  	[smem:$0x3FB0] =	sst s8  }
0x11: {  	[smem:$0x3FB1] =	sst s9;
	s0 =	simm.s32 @!p0 $0x0  }
0x12: {  	s1 =	sld [smem:$0x3F97];
	s0 =	simm.s32 @p0 $0x1  }
0x13: {  	[smem:$0x3FB2] =	sst s0;
	s0 =	simm.s32 @!p1 $0x0  }
0x14: {  	s2 =	sld [smem:$0x3F96];
	s0 =	simm.s32 @p1 $0x1  }
0x15: {  	[smem:$0x3FB3] =	sst s0;
	s0 =	simm.s32 @!p2 $0x0  }
0x16: {  	s3 =	sld [smem:$0x3FDB];
	s0 =	simm.s32 @p2 $0x1  }
0x17: {  	s4 =	simm.s32 $0x1BF5;
	[smem:$0x3FB5] =	sst s0  }
0x18: {  	s0 =	sld [smem:$0x3F98];
	_ =	swait.ge [sflag:s4], $0x0  }
0x19: {  	s7 =	sld [smem:$0x3F99]  }
0x1a: {  	s8 =	sadd.s32 $0xFFFFE003, lr  }
0x1b: {  	s9 =	sadd.s32 $0xFFFFFEF7, lr;
	s5 =	simm.s32 $0xFFFFFFFF;
	p2 =	slt.u32 s8, $0xFFFFF086  }
0x1c: {  	p1 =	slt.u32 s9, $0xF7A;
	s5 =	simm.s32 @!p2 $0x0  }
0x1d: {  	s5 =	simm.s32 @p1 $0x1;
	p0 =	seq.s32 s7, s2  }
0x1e: {  	s7 =	smul.u32 @!p0 $0xF7A, s2;
	p2 =	seq.s32 @!p0 s5, $0x0  }
0x1f: {  	s9 =	smul.u32 $0xF7A, s1;
	s8 =	simm.s32 @!p0 $0x1BF5;
	p2 =	por !p2, p0  }
0x20: {  	[sflag:s8] =	ssyncset.s32 @!p0 $0xFFFFF086;
	s6 =	sadd.s32 @!p0 s3, s7;
	s7 =	simm.s32 @!p0 $0x108  }
0x21: {  	s3 =	sadd.s32 s3, s9;
	s6 =	sadd.s32 @!p0 $0x88, s6;
	s7 =	simm.s32 @p2 $0x1082  }
0x22: {  	[simem:s7], [sflag:s8] =	dma.local @!p0 [hbm:s6], $0xF7A  }
0x23: {  	s9 =	sor.u32 $0xD0000000, s2;
	s6 =	simm.s32 $0x108;
	_ =	swait.ge @!p0 [sflag:s8], $0x0  }
0x24: {  	s3 =	sadd.s32 $0x88, s3;
	s6 =	simm.s32 @!p1 $0x1082;
	[sflag:s4] =	ssyncset.s32 $0xFFFFF086  }
0x25: {  	[simem:s6], [sflag:s4] =	dma.local [hbm:s3], $0xF7A  }
0x26: {  	[smem:$0x3F99] =	sst s1;
	(tag) =	ssettag s2;
	_ =	strace s9  }
0x27: {  	s1 =	sld [smem:$0x3FA9]  }
0x28: {  	s2 =	sld [smem:$0x3FAA]  }
0x29: {  	s4 =	sld [smem:$0x3FAC]  }
0x2a: {  	p0 =	seq.s32 s5, $0x0;
	s5 =	sld [smem:$0x3FAD]  }
0x2b: {  	s6 =	sld [smem:$0x3FAE]  }
0x2c: {  	s7 =	sld [smem:$0x3FAF]  }
0x2d: {  	s3 =	simm.s32 $0x108;
	s8 =	sld [smem:$0x3FB0]  }
0x2e: {  	s3 =	simm.s32 @!p0 $0x1082;
	s9 =	sld [smem:$0x3FB1]  }
0x2f: {  	lr =	sadd.s32 s0, s3;
	s0 =	sld [smem:$0x3FA8]  }
0x30: {  	s3 =	sld [smem:$0x3FAB]  }
0x31: {  	[smem:$0x3FB4] =	sst s10  }
0x32: {  	s10 =	sld [smem:$0x3FB2];
	_ =	sdelay $0x3  }
0x33: {  	p0 =	seq.s32 s10, $0x1;
	s10 =	sld [smem:$0x3FB4];
	_ =	sdelay $0x3  }
0x34: {  	[smem:$0x3FB4] =	sst s10  }
0x35: {  	s10 =	sld [smem:$0x3FB3];
	_ =	sdelay $0x3  }
0x36: {  	p1 =	seq.s32 s10, $0x1;
	s10 =	sld [smem:$0x3FB4];
	_ =	sdelay $0x3  }
0x37: {  	[smem:$0x3FB4] =	sst s10  }
0x38: {  	s10 =	sld [smem:$0x3FB5]  }
0x39: {  	_ = 	snop;
	(pc) =	sbr.ind lr, $3  }
0x3a: {  	_ = 	snop  }
0x3b: {  	_ = 	snop  }
0x3c: {  	p2 =	seq.s32 s10, $0x1;
	s10 =	sld [smem:$0x3FB4]  }
0x3d: {  	_ =	shalt  }
0x3e: {  	_ =	shalt  }
0x3f: {  	_ =	shalt  }
0x40: {  	_ =	shalt  }
0x41: {  	_ =	shalt  }
0x42: {  	_ =	shalt  }
0x43: {  	_ =	shalt  }
0x44: {  	_ =	shalt  }
0x45: {  	_ =	shalt  }
0x46: {  	_ =	shalt  }
0x47: {  	_ =	shalt  }
0x48: {  	_ =	shalt  }
0x49: {  	_ =	shalt  }
0x4a: {  	_ =	shalt  }
0x4b: {  	_ =	shalt  }
0x4c: {  	_ =	shalt  }
0x4d: {  	_ =	shalt  }
0x4e: {  	_ =	shalt  }
0x4f: {  	_ =	shalt  }
0x50: {  	_ =	shalt  }
0x51: {  	_ =	shalt  }
0x52: {  	_ =	shalt  }
0x53: {  	_ =	shalt  }
0x54: {  	_ =	shalt  }
0x55: {  	_ =	shalt  }
0x56: {  	_ =	shalt  }
0x57: {  	_ =	shalt  }
0x58: {  	_ =	shalt  }
0x59: {  	_ =	shalt  }
0x5a: {  	_ =	shalt  }
0x5b: {  	_ =	shalt  }
0x5c: {  	_ =	shalt  }
0x5d: {  	_ =	shalt  }
0x5e: {  	_ =	shalt  }
0x5f: {  	_ =	shalt  }
0x60: {  	_ =	shalt  }
0x61: {  	_ =	shalt  }
0x62: {  	_ =	shalt  }
0x63: {  	_ =	shalt  }
0x64: {  	_ =	shalt  }
0x65: {  	_ =	shalt  }
0x66: {  	_ =	shalt  }
0x67: {  	_ =	shalt  }
0x68: {  	_ =	shalt  }
0x69: {  	_ =	shalt  }
0x6a: {  	_ =	shalt  }
0x6b: {  	_ =	shalt  }
0x6c: {  	_ =	shalt  }
0x6d: {  	_ =	shalt  }
0x6e: {  	_ =	shalt  }
0x6f: {  	_ =	shalt  }
0x70: {  	_ =	shalt  }
0x71: {  	_ =	shalt  }
0x72: {  	_ =	shalt  }
0x73: {  	_ =	shalt  }
0x74: {  	_ =	shalt  }
0x75: {  	_ =	shalt  }
0x76: {  	_ =	shalt  }
0x77: {  	_ =	shalt  }
0x78: {  	_ =	shalt  }
0x79: {  	_ =	shalt  }
0x7a: {  	_ =	shalt  }
0x7b: {  	_ =	shalt  }
0x7c: {  	_ =	shalt  }
0x7d: {  	_ =	shalt  }
0x7e: {  	_ =	shalt  }
0x7f: {  	_ =	shalt  }
0x80: {  	_ =	shalt  }
0x81: {  	_ =	shalt  }
0x82: {  	_ =	shalt  }
0x83: {  	_ =	shalt  }
0x84: {  	_ =	shalt  }
0x85: {  	_ =	shalt  }
0x86: {  	_ =	shalt  }
0x87: {  	_ =	shalt  }
.Lfunc_end0:
.L_simem_size_0:
called_computation.3_lowered:
.L_overlay_start_0:
0x88: {  	s2 =	sld [smem:$0x3FD9]  }
0x89: {  	s3 =	sld [smem:$0x3FFE];
	_ =	sdelay $0x1  }
0x8a: {  	s1 =	srdreg.scid  }
0x8b: {  	s0 =	sand.u32 $0x1, s1  }
0x8c: {  	s16 =	sshll.u32 s0, $0xA;
	s2 =	sadd.s32 s3, s2  }
0x8d: {  	s2 =	sadd.s32 s2, s16  }
0x8e: {  	[smem:$0x3FC0] =	sst s2  }
0x8f: {  	_ = 	snop  }
0x90: {  	(tm) =	ssettm $0x1  }
0x91: {  	s17 =	sld [smem:$0x3FFB];
	_ =	sdelay $0x3  }
0x92: {  	_ =	strace s17  }
0x93: {  	s2 =	sld [smem:$0x3FFC];
	_ =	sdelay $0x3  }
0x94: {  	_ =	strace s2  }
0x95: {  	s2 =	sld [smem:$0x3FFD];
	_ =	sdelay $0x3  }
0x96: {  	_ =	strace s2  }
0x97: {  	_ =	strace $0x8FFFFFFF  }
0x98: {  	s18 =	sld [smem:$0x3FDB];
	_ =	sdelay $0x1  }
0x99: {  	s19 =	simm.s32 $_scs_section_size  }
0x9a: {  	s4 =	simm.s32 $_size__tile_overlayer_lowered;
	s5 =	simm.s32 $_tile_overlayer_lowered  }
0x9b: {  	s22 =	simm.s32 $0x1BFF;
	s21 =	sshll.u32 s5, $0x1;
	s2 =	sadd.s32 s19, s18  }
0x9c: {  	s6 =	simm.s32 $0x0;
	s20 =	sshll.u32 s4, $0x1;
	s4 =	sadd.s32 s21, s2  }
0x9d: {  	[timem:s6], [sflag:s22] =	dma.local [hbm:s4], s20  }
0x9e: {  	_ =	swait.ge [sflag:s22], s20  }
0x9f: {  	s3 =	ssub.s32 $0x0, s20;
	[sflag:s22] =	ssyncset.done $0x0  }
0xa0: {  	[sflag:s22] =	ssyncadd.s32 s3;
	_ =	sdelay $0x1  }
0xa1: {  	s23 =	simm.s32 $0x1B8B  }
0xa2: {  	_ =	swait.ge [sflag:s23], $0x1  }
0xa3: {  	[sflag:s23] =	ssyncset.done $0x0  }
0xa4: {  	s25 =	simm.s32 $0x1B8E;
	s24 =	sld [smem:$0x3FFE];
	[sflag:s23] =	ssyncadd.s32 $0xFFFFFFFF  }
0xa5: {  	s26 =	simm.s32 $execute0_lowered;
	[smem:$0x3FD2] =	sst s25  }
0xa6: {  	s4 =	sshll.u32 s26, $0x1;
	_ =	strace $0x8000004F;
	[dreg:$0x1] =	wrdreg $0xFFFFFFFF  }
0xa7: {  	s28 =	simm.s32 $_size_execute0_lowered;
	s2 =	sadd.s32 s2, s4;
	[dreg:$0x0] =	wrdreg $0x0  }
0xa8: {  	s4 =	sshll.u32 s28, $0x1;
	[dreg:$0x2] =	wrdreg s2  }
0xa9: {  	[dreg:$0x3] =	wrdreg s4  }
0xaa: {  	[dreg:$0x4] =	wrdreg $0xC0  }
0xab: {  	_ =	task [dreg:s6], $0x5FFFF  }
0xac: {  	[dreg:$0x1] =	wrdreg $0xFFFFFFFF  }
0xad: {  	[dreg:$0x0] =	wrdreg $0x60  }
0xae: {  	[dreg:$0x2] =	wrdreg s24  }
0xaf: {  	[dreg:$0x3] =	wrdreg $0x48000  }
0xb0: {  	[dreg:$0x4] =	wrdreg $0x9  }
0xb1: {  	_ =	task.clear_ibuf [dreg:s6], $0x5FFFF;
	_ =	strace $0x9000004F  }
0xb2: {  	s29 =	simm.s32 $0x9;
	_ =	strace $0x80000051  }
0xb3: {  	_ =	swait.ge [sflag:s29], $0x1  }
0xb4: {  	[sflag:s29] =	ssyncadd.s32 $0xFFFFFFFF  }
0xb5: {  	_ =	strace $0x90000051  }
0xb6: {  	_ =	sfence  }
0xb7: {  	s30 =	sld [smem:$0x0];
	_ =	sdelay $0x2  }
0xb8: {  	s31 =	sshll.u32 s1, $0xD;
	s1 =	sshrl.u32 s1, $0x2  }
0xb9: {  	s3 =	sand.u32 $0x4000, s31;
	s1 =	sadd.s32 s1, s30  }
0xba: {  	s0 =	sor.u32 s3, s0;
	s1 =	sshll.u32 s1, $0x11  }
0xbb: {  	s0 =	sor.u32 s1, s0  }
0xbc: {  	s0 =	sadd.s32 $0x8F2B, s0  }
0xbd: {  	[sflag:s0] =	ssyncadd.remote.s32 $0x1  }
0xbe: {  	_ =	sfence.sel $0xFFFF  }
0xbf: {  	[dreg:$0x0] =	wrdreg $0xFFFFFFFF;
	(pc) =	sbr.abs _section_cstart, $3  }
0xc0: {  	[dreg:$0x1] =	wrdreg $0xFFFFFFFF  }
0xc1: {  	_ =	task.clear_ibuf [dreg:s6], $0x2FFFF;
	_ =	strace $0x9FFFFFFF  }
0xc2: {  	(tm) =	ssettm $0x7FFFFFFF  }
0xc3: {  	_ =	shalt  }
tec
execute0_lowered:
.L_overlay_start_1:
0x0: {  	(tag) =	ssettag $0x1  }
0x1: {  	s0 =	rddreg [dreg:$0x0]  }
0x2: {  	s1 =	rddreg [dreg:$0x1]  }
0x3: {  	s2 =	srdreg.scid;
	s3 =	simm.s32 $0x0;
	s11 =	stileid.u32  }
0x4: {  	s12 =	simm.s32 $0x1400;
	s13 =	simm.s32 $0x80;
	s14 =	simm.s32 $0x2800  }
0x5: {  	s15 =	simm.s32 $0x3000;
	s16 =	simm.s32 $0x1;
	s18 =	simm.s32 $0x3800  }
0x6: {  	s19 =	simm.s32 $0x2;
	s20 =	simm.s32 $0x1480;
	s21 =	simm.s32 $0x180  }
0x7: {  	s22 =	simm.s32 $0x4000;
	s23 =	simm.s32 $0x3;
	s28 =	simm.s32 $0x6  }
0x8: {  	s29 =	simm.s32 $0x7;
	s30 =	simm.s32 $0x8;
	s31 =	simm.s32 $0x2700  }
0x9: {  	s2 =	sand.u32 $0x1, s2;
	[smem:$0x7FF] =	sst s3;
	s6 =	smul.u32 $0x2800, s11  }
0xa: {  	s24 =	sshll.u32 s11, $0x6;
	s4 =	sshll.u32 s2, $0x4;
	_ =	strace $0x80000050  }
0xb: {  	s7 =	smul.u32 $0x5000, s2;
	s2 =	ssub.s32 $0x2, s2;
	s5 =	sor.u32 s11, s4  }
0xc: {  	s4 =	sadd.s32 $0x3000, s0;
	s9 =	sshrl.u32 s6, $0x3;
	s10 =	sshrl.u32 s2, $0x1  }
0xd: {  	s25 =	sadd.s32 s6, s1;
	s6 =	sor.u32 $0x1C09, s24;
	s11 =	simm.s32 $0x9  }
0xe: {  	s5 =	smul.u32 $0x500, s5;
	s8 =	sadd.s32 s9, s0;
	s2 =	ssub.s32 s2, s10  }
0xf: {  	s10 =	sshrl.u32 s25, $0x3;
	s25 =	simm.s32 $0x5;
	s26 =	sadd.s32 $0xD000, s8  }
0x10: {  	s2 =	smax.u32 s2, $0x1;
	s5 =	sadd.s32 s5, s0;
	[dreg:$0x3] =	wrdreg s26  }
0x11: {  	s0 =	sadd.s32 s7, s0;
	[dreg:$0x4] =	wrdreg s2;
	s26 =	simm.s32 $0x4  }
0x12: {  	s2 =	simm.s32 $0x0;
	s7 =	sadd.s32 $0x26000, s5;
	s0 =	sadd.s32 $0x12000, s0  }
0x13: {  	s8 =	sadd.s32 $0x1C000, s5;
	s24 =	sadd.s32 s9, s0;
	s0 =	simm.s32 $0x2780  }
.LBB2_1:
0x14: {  	s5 =	rddreg [dreg:$0x3]  }
0x15: {  	[spmem:s10], [sflag:s6] =	dma.local [hbm:s5], $0x500  }
0x16: {  	_ =	swait.ge [sflag:s11], $0x500  }
0x17: {  	[sflag:s11] =	ssyncset.done $0x0  }
0x18: {  	[sflag:s11] =	ssyncadd.s32 $0xFFFFFB00  }
0x19: {  	[bflag:$0x0] =	sbarrier.arrive $0xFFFF  }
0x1a: {  	[tilespmem:s3], [sflag:$0x9] =	stream.linear.gather [hbm4b:s7+s3], $0x1400, $0x38;
	[tilespmem:$0x7000] =	vst v63  }
0x1b: {  	_ =	swait.ge [sflag:s11], $0x1400  }
0x1c: {  	[sflag:s11] =	ssyncset.done $0x0  }
0x1d: {  	[sflag:s11] =	ssyncadd.s32 $0xFFFFEC00  }
0x1e: {  	[tilespmem:s12], [sflag:$0x9] =	stream.linear.gather [hbm4b:s8+s3], $0x1400, $0x38;
	[tilespmem:$0x7000] =	vst v63  }
0x1f: {  	_ =	swait.ge [sflag:s11], $0x1400  }
0x20: {  	[sflag:s11] =	ssyncset.done $0x0  }
0x21: {  	[sflag:s11] =	ssyncadd.s32 $0xFFFFEC00  }
0x22: {  	[tilespmem:s14], [sflag:$0x1] =	stream.indirect.gather [hbm4b:s4+s13], $0x10, s3, s13, $0xb8;
	[tilespmem:$0x7000] =	vst v63  }
0x23: {  	_ = 	snop  }
0x24: {  	[tilespmem:s15], [sflag:$0x2] =	stream.indirect.gather [hbm4b:s4+s13], $0x10, s13, s13, $0xb8;
	[tilespmem:$0x7000] =	vst v63  }
0x25: {  	_ =	swait.ge [sflag:s16], $0x800  }
0x26: {  	[sflag:s16] =	ssyncset.done $0x0  }
0x27: {  	[sflag:s16] =	ssyncadd.s32 $0xFFFFF800  }
0x28: {  	[spmem:s1] =	stream.indirect.scatter.add.f32 [tilespmem:s14], [sflag:$0x5], $0x10, s12, s13, $0xb8;
	[tilespmem:$0x7000] =	vst v63  }
0x29: {  	s9 =	simm.s32 $0x100  }
0x2a: {  	[tilespmem:s18], [sflag:$0x3] =	stream.indirect.gather [hbm4b:s4+s13], $0x10, s9, s13, $0xb8;
	[tilespmem:$0x7000] =	vst v63  }
0x2b: {  	_ =	swait.ge [sflag:s19], $0x800  }
0x2c: {  	[sflag:s19] =	ssyncset.done $0x0  }
0x2d: {  	[sflag:s19] =	ssyncadd.s32 $0xFFFFF800  }
0x2e: {  	[spmem:s1] =	stream.indirect.scatter.add.f32 [tilespmem:s15], [sflag:$0x6], $0x10, s20, s13, $0xb8;
	[tilespmem:$0x7000] =	vst v63  }
0x2f: {  	_ = 	snop  }
0x30: {  	[tilespmem:s22], [sflag:$0x4] =	stream.indirect.gather [hbm4b:s4+s13], $0x10, s21, s13, $0xb8;
	[tilespmem:$0x7000] =	vst v63  }
0x31: {  	_ =	swait.ge [sflag:s23], $0x800  }
0x32: {  	[sflag:s23] =	ssyncset.done $0x0  }
0x33: {  	s17 =	simm.s32 $0x1500;
	[sflag:s23] =	ssyncadd.s32 $0xFFFFF800  }
0x34: {  	[spmem:s1] =	stream.indirect.scatter.add.f32 [tilespmem:s18], [sflag:$0x7], $0x10, s17, s13, $0xb8;
	[tilespmem:$0x7000] =	vst v63  }
0x35: {  	_ =	swait.ge [sflag:s25], $0x800  }
0x36: {  	[sflag:s25] =	ssyncset.done $0x0  }
0x37: {  	s9 =	simm.s32 $0x200;
	[sflag:s25] =	ssyncadd.s32 $0xFFFFF800  }
0x38: {  	[tilespmem:s14], [sflag:$0x1] =	stream.indirect.gather [hbm4b:s4+s13], $0x10, s9, s13, $0xb8;
	[tilespmem:$0x7000] =	vst v63  }
0x39: {  	_ =	swait.ge [sflag:s26], $0x800  }
0x3a: {  	[sflag:s26] =	ssyncset.done $0x0  }
0x3b: {  	s17 =	simm.s32 $0x1580;
	[sflag:s26] =	ssyncadd.s32 $0xFFFFF800  }
0x3c: {  	[spmem:s1] =	stream.indirect.scatter.add.f32 [tilespmem:s22], [sflag:$0x8], $0x10, s17, s13, $0xb8;
	[tilespmem:$0x7000] =	vst v63  }
0x3d: {  	_ =	swait.ge [sflag:s28], $0x800  }
0x3e: {  	[sflag:s28] =	ssyncset.done $0x0  }
0x3f: {  	s9 =	simm.s32 $0x280;
	[sflag:s28] =	ssyncadd.s32 $0xFFFFF800  }
0x40: {  	[tilespmem:s15], [sflag:$0x2] =	stream.indirect.gather [hbm4b:s4+s13], $0x10, s9, s13, $0xb8;
	[tilespmem:$0x7000] =	vst v63  }
0x41: {  	_ =	swait.ge [sflag:s16], $0x800  }
0x42: {  	[sflag:s16] =	ssyncset.done $0x0  }
0x43: {  	s17 =	simm.s32 $0x1600;
	[sflag:s16] =	ssyncadd.s32 $0xFFFFF800  }
0x44: {  	[spmem:s1] =	stream.indirect.scatter.add.f32 [tilespmem:s14], [sflag:$0x5], $0x10, s17, s13, $0xb8;
	[tilespmem:$0x7000] =	vst v63  }
0x45: {  	_ =	swait.ge [sflag:s29], $0x800  }
0x46: {  	[sflag:s29] =	ssyncset.done $0x0  }
0x47: {  	s9 =	simm.s32 $0x300;
	[sflag:s29] =	ssyncadd.s32 $0xFFFFF800  }
0x48: {  	[tilespmem:s18], [sflag:$0x3] =	stream.indirect.gather [hbm4b:s4+s13], $0x10, s9, s13, $0xb8;
	[tilespmem:$0x7000] =	vst v63  }
0x49: {  	_ =	swait.ge [sflag:s19], $0x800  }
0x4a: {  	[sflag:s19] =	ssyncset.done $0x0  }
0x4b: {  	s17 =	simm.s32 $0x1680;
	[sflag:s19] =	ssyncadd.s32 $0xFFFFF800  }
0x4c: {  	[spmem:s1] =	stream.indirect.scatter.add.f32 [tilespmem:s15], [sflag:$0x6], $0x10, s17, s13, $0xb8;
	[tilespmem:$0x7000] =	vst v63  }
0x4d: {  	_ =	swait.ge [sflag:s30], $0x800  }
0x4e: {  	[sflag:s30] =	ssyncset.done $0x0  }
0x4f: {  	s5 =	simm.s32 $0x800;
	s9 =	simm.s32 $0x380;
	[sflag:s30] =	ssyncadd.s32 $0xFFFFF800  }
.LBB2_2:
0x50: {  	[tilespmem:s22], [sflag:$0x4] =	stream.indirect.gather [hbm4b:s4+s13], $0x10, s9, s13, $0xb8;
	[tilespmem:$0x7000] =	vst v63  }
0x51: {  	s9 =	smov.u32 s5  }
0x52: {  	p0 =	sne.s32 s5, $0x4000;
	s5 =	sadd.s32 $0x800, s5;
	_ =	swait.ge [sflag:s23], $0x800  }
0x53: {  	s9 =	sshra.s32 s9, $0x2;
	[sflag:s23] =	ssyncset.done $0x0  }
0x54: {  	s17 =	sadd.s32 $0x1500, s9;
	[sflag:s23] =	ssyncadd.s32 $0xFFFFF800  }
0x55: {  	[spmem:s1] =	stream.indirect.scatter.add.f32 [tilespmem:s18], [sflag:$0x7], $0x10, s17, s13, $0xb8;
	[tilespmem:$0x7000] =	vst v63  }
0x56: {  	_ =	swait.ge [sflag:s25], $0x800  }
0x57: {  	[sflag:s25] =	ssyncset.done $0x0  }
0x58: {  	s17 =	sadd.s32 $0x200, s9;
	[sflag:s25] =	ssyncadd.s32 $0xFFFFF800  }
0x59: {  	[tilespmem:s14], [sflag:$0x1] =	stream.indirect.gather [hbm4b:s4+s13], $0x10, s17, s13, $0xb8;
	[tilespmem:$0x7000] =	vst v63  }
0x5a: {  	_ =	swait.ge [sflag:s26], $0x800  }
0x5b: {  	[sflag:s26] =	ssyncset.done $0x0  }
0x5c: {  	s17 =	sadd.s32 $0x1580, s9;
	[sflag:s26] =	ssyncadd.s32 $0xFFFFF800  }
0x5d: {  	[spmem:s1] =	stream.indirect.scatter.add.f32 [tilespmem:s22], [sflag:$0x8], $0x10, s17, s13, $0xb8;
	[tilespmem:$0x7000] =	vst v63  }
0x5e: {  	_ =	swait.ge [sflag:s28], $0x800  }
0x5f: {  	[sflag:s28] =	ssyncset.done $0x0  }
0x60: {  	s17 =	sadd.s32 $0x280, s9;
	[sflag:s28] =	ssyncadd.s32 $0xFFFFF800  }
0x61: {  	[tilespmem:s15], [sflag:$0x2] =	stream.indirect.gather [hbm4b:s4+s13], $0x10, s17, s13, $0xb8;
	[tilespmem:$0x7000] =	vst v63  }
0x62: {  	_ =	swait.ge [sflag:s16], $0x800  }
0x63: {  	[sflag:s16] =	ssyncset.done $0x0  }
0x64: {  	s17 =	sadd.s32 $0x1600, s9;
	[sflag:s16] =	ssyncadd.s32 $0xFFFFF800  }
0x65: {  	[spmem:s1] =	stream.indirect.scatter.add.f32 [tilespmem:s14], [sflag:$0x5], $0x10, s17, s13, $0xb8;
	[tilespmem:$0x7000] =	vst v63  }
0x66: {  	_ =	swait.ge [sflag:s29], $0x800  }
0x67: {  	[sflag:s29] =	ssyncset.done $0x0  }
0x68: {  	s17 =	sadd.s32 $0x300, s9;
	[sflag:s29] =	ssyncadd.s32 $0xFFFFF800  }
0x69: {  	[tilespmem:s18], [sflag:$0x3] =	stream.indirect.gather [hbm4b:s4+s13], $0x10, s17, s13, $0xb8;
	[tilespmem:$0x7000] =	vst v63  }
0x6a: {  	_ =	swait.ge [sflag:s19], $0x800  }
0x6b: {  	[sflag:s19] =	ssyncset.done $0x0  }
.Ltmp0:
0x6c: {  	s17 =	sadd.s32 $0x1680, s9;
	[sflag:s19] =	ssyncadd.s32 $0xFFFFF800;
	(pc) =	sbr.rel @p0 .LBB2_2-.Ltmp0, $4  }
0x6d: {  	[spmem:s1] =	stream.indirect.scatter.add.f32 [tilespmem:s15], [sflag:$0x6], $0x10, s17, s13, $0xb8;
	[tilespmem:$0x7000] =	vst v63  }
0x6e: {  	_ =	swait.ge [sflag:s30], $0x800  }
0x6f: {  	[sflag:s30] =	ssyncset.done $0x0  }
0x70: {  	s9 =	sadd.s32 $0x380, s9;
	[sflag:s30] =	ssyncadd.s32 $0xFFFFF800  }
0x71: {  	[tilespmem:s22], [sflag:$0x4] =	stream.indirect.gather [hbm4b:s4+s13], $0x10, s9, s13, $0xb8;
	[tilespmem:$0x7000] =	vst v63  }
0x72: {  	_ =	swait.ge [sflag:s23], $0x800  }
0x73: {  	[sflag:s23] =	ssyncset.done $0x0  }
0x74: {  	[sflag:s23] =	ssyncadd.s32 $0xFFFFF800  }
0x75: {  	[spmem:s1] =	stream.indirect.scatter.add.f32 [tilespmem:s18], [sflag:$0x7], $0x10, s31, s13, $0xb8;
	[tilespmem:$0x7000] =	vst v63  }
0x76: {  	_ =	swait.ge [sflag:s25], $0x800  }
0x77: {  	[sflag:s25] =	ssyncset.done $0x0  }
0x78: {  	[sflag:s25] =	ssyncadd.s32 $0xFFFFF800  }
0x79: {  	_ =	swait.ge [sflag:s26], $0x800  }
0x7a: {  	[sflag:s26] =	ssyncset.done $0x0  }
0x7b: {  	[sflag:s26] =	ssyncadd.s32 $0xFFFFF800  }
0x7c: {  	[spmem:s1] =	stream.indirect.scatter.add.f32 [tilespmem:s22], [sflag:$0x8], $0x10, s0, s13, $0xb8;
	[tilespmem:$0x7000] =	vst v63  }
0x7d: {  	_ =	swait.ge [sflag:s28], $0x800  }
0x7e: {  	[sflag:s28] =	ssyncset.done $0x0  }
0x7f: {  	[sflag:s28] =	ssyncadd.s32 $0xFFFFF800  }
0x80: {  	_ =	swait.ge [sflag:s29], $0x800  }
0x81: {  	[sflag:s29] =	ssyncset.done $0x0  }
0x82: {  	[sflag:s29] =	ssyncadd.s32 $0xFFFFF800  }
0x83: {  	_ =	swait.ge [sflag:s30], $0x800  }
0x84: {  	[sflag:s30] =	ssyncset.done $0x0  }
0x85: {  	s5 =	sadd.s32 $0x280, s7;
	s9 =	simm.s32 $0x0;
	[sflag:s30] =	ssyncadd.s32 $0xFFFFF800  }
0x86: {  	[tilespmem:s9], [sflag:$0x9] =	stream.linear.gather [hbm4b:s5+s9], $0x1400, $0x38;
	[tilespmem:$0x7000] =	vst v63  }
0x87: {  	_ =	swait.ge [sflag:s11], $0x1400  }
0x88: {  	[sflag:s11] =	ssyncset.done $0x0  }
0x89: {  	s17 =	sadd.s32 $0x280, s8;
	[sflag:s11] =	ssyncadd.s32 $0xFFFFEC00  }
0x8a: {  	[tilespmem:s12], [sflag:$0x9] =	stream.linear.gather [hbm4b:s17+s9], $0x1400, $0x38;
	[tilespmem:$0x7000] =	vst v63  }
0x8b: {  	_ =	swait.ge [sflag:s11], $0x1400  }
0x8c: {  	[sflag:s11] =	ssyncset.done $0x0  }
0x8d: {  	[sflag:s11] =	ssyncadd.s32 $0xFFFFEC00  }
0x8e: {  	[tilespmem:s14], [sflag:$0x1] =	stream.indirect.gather [hbm4b:s4+s13], $0x10, s9, s13, $0xb8;
	[tilespmem:$0x7000] =	vst v63  }
0x8f: {  	_ = 	snop  }
0x90: {  	[tilespmem:s15], [sflag:$0x2] =	stream.indirect.gather [hbm4b:s4+s13], $0x10, s13, s13, $0xb8;
	[tilespmem:$0x7000] =	vst v63  }
0x91: {  	_ =	swait.ge [sflag:s16], $0x800  }
0x92: {  	[sflag:s16] =	ssyncset.done $0x0  }
0x93: {  	[sflag:s16] =	ssyncadd.s32 $0xFFFFF800  }
0x94: {  	[spmem:s1] =	stream.indirect.scatter.add.f32 [tilespmem:s14], [sflag:$0x5], $0x10, s12, s13, $0xb8;
	[tilespmem:$0x7000] =	vst v63  }
0x95: {  	s9 =	simm.s32 $0x100  }
0x96: {  	[tilespmem:s18], [sflag:$0x3] =	stream.indirect.gather [hbm4b:s4+s13], $0x10, s9, s13, $0xb8;
	[tilespmem:$0x7000] =	vst v63  }
0x97: {  	_ =	swait.ge [sflag:s19], $0x800  }
0x98: {  	[sflag:s19] =	ssyncset.done $0x0  }
0x99: {  	[sflag:s19] =	ssyncadd.s32 $0xFFFFF800  }
0x9a: {  	[spmem:s1] =	stream.indirect.scatter.add.f32 [tilespmem:s15], [sflag:$0x6], $0x10, s20, s13, $0xb8;
	[tilespmem:$0x7000] =	vst v63  }
0x9b: {  	_ = 	snop  }
0x9c: {  	[tilespmem:s22], [sflag:$0x4] =	stream.indirect.gather [hbm4b:s4+s13], $0x10, s21, s13, $0xb8;
	[tilespmem:$0x7000] =	vst v63  }
0x9d: {  	_ =	swait.ge [sflag:s23], $0x800  }
0x9e: {  	[sflag:s23] =	ssyncset.done $0x0  }
0x9f: {  	s17 =	simm.s32 $0x1500;
	[sflag:s23] =	ssyncadd.s32 $0xFFFFF800  }
0xa0: {  	[spmem:s1] =	stream.indirect.scatter.add.f32 [tilespmem:s18], [sflag:$0x7], $0x10, s17, s13, $0xb8;
	[tilespmem:$0x7000] =	vst v63  }
0xa1: {  	_ =	swait.ge [sflag:s25], $0x800  }
0xa2: {  	[sflag:s25] =	ssyncset.done $0x0  }
0xa3: {  	s9 =	simm.s32 $0x200;
	[sflag:s25] =	ssyncadd.s32 $0xFFFFF800  }
0xa4: {  	[tilespmem:s14], [sflag:$0x1] =	stream.indirect.gather [hbm4b:s4+s13], $0x10, s9, s13, $0xb8;
	[tilespmem:$0x7000] =	vst v63  }
0xa5: {  	_ =	swait.ge [sflag:s26], $0x800  }
0xa6: {  	[sflag:s26] =	ssyncset.done $0x0  }
0xa7: {  	s17 =	simm.s32 $0x1580;
	[sflag:s26] =	ssyncadd.s32 $0xFFFFF800  }
0xa8: {  	[spmem:s1] =	stream.indirect.scatter.add.f32 [tilespmem:s22], [sflag:$0x8], $0x10, s17, s13, $0xb8;
	[tilespmem:$0x7000] =	vst v63  }
0xa9: {  	_ =	swait.ge [sflag:s28], $0x800  }
0xaa: {  	[sflag:s28] =	ssyncset.done $0x0  }
0xab: {  	s9 =	simm.s32 $0x280;
	[sflag:s28] =	ssyncadd.s32 $0xFFFFF800  }
0xac: {  	[tilespmem:s15], [sflag:$0x2] =	stream.indirect.gather [hbm4b:s4+s13], $0x10, s9, s13, $0xb8;
	[tilespmem:$0x7000] =	vst v63  }
0xad: {  	_ =	swait.ge [sflag:s16], $0x800  }
0xae: {  	[sflag:s16] =	ssyncset.done $0x0  }
0xaf: {  	s17 =	simm.s32 $0x1600;
	[sflag:s16] =	ssyncadd.s32 $0xFFFFF800  }
0xb0: {  	[spmem:s1] =	stream.indirect.scatter.add.f32 [tilespmem:s14], [sflag:$0x5], $0x10, s17, s13, $0xb8;
	[tilespmem:$0x7000] =	vst v63  }
0xb1: {  	_ =	swait.ge [sflag:s29], $0x800  }
0xb2: {  	[sflag:s29] =	ssyncset.done $0x0  }
0xb3: {  	s9 =	simm.s32 $0x300;
	[sflag:s29] =	ssyncadd.s32 $0xFFFFF800  }
0xb4: {  	[tilespmem:s18], [sflag:$0x3] =	stream.indirect.gather [hbm4b:s4+s13], $0x10, s9, s13, $0xb8;
	[tilespmem:$0x7000] =	vst v63  }
0xb5: {  	_ =	swait.ge [sflag:s19], $0x800  }
0xb6: {  	[sflag:s19] =	ssyncset.done $0x0  }
0xb7: {  	s17 =	simm.s32 $0x1680;
	[sflag:s19] =	ssyncadd.s32 $0xFFFFF800  }
0xb8: {  	[spmem:s1] =	stream.indirect.scatter.add.f32 [tilespmem:s15], [sflag:$0x6], $0x10, s17, s13, $0xb8;
	[tilespmem:$0x7000] =	vst v63  }
0xb9: {  	_ =	swait.ge [sflag:s30], $0x800  }
0xba: {  	[sflag:s30] =	ssyncset.done $0x0  }
0xbb: {  	s5 =	simm.s32 $0x800;
	s9 =	simm.s32 $0x380;
	[sflag:s30] =	ssyncadd.s32 $0xFFFFF800  }
.LBB2_4:
0xbc: {  	[tilespmem:s22], [sflag:$0x4] =	stream.indirect.gather [hbm4b:s4+s13], $0x10, s9, s13, $0xb8;
	[tilespmem:$0x7000] =	vst v63  }
0xbd: {  	s9 =	smov.u32 s5  }
0xbe: {  	p0 =	sne.s32 s5, $0x4000;
	s5 =	sadd.s32 $0x800, s5;
	_ =	swait.ge [sflag:s23], $0x800  }
0xbf: {  	s9 =	sshra.s32 s9, $0x2;
	[sflag:s23] =	ssyncset.done $0x0  }
0xc0: {  	s17 =	sadd.s32 $0x1500, s9;
	[sflag:s23] =	ssyncadd.s32 $0xFFFFF800  }
0xc1: {  	[spmem:s1] =	stream.indirect.scatter.add.f32 [tilespmem:s18], [sflag:$0x7], $0x10, s17, s13, $0xb8;
	[tilespmem:$0x7000] =	vst v63  }
0xc2: {  	_ =	swait.ge [sflag:s25], $0x800  }
0xc3: {  	[sflag:s25] =	ssyncset.done $0x0  }
0xc4: {  	s17 =	sadd.s32 $0x200, s9;
	[sflag:s25] =	ssyncadd.s32 $0xFFFFF800  }
0xc5: {  	[tilespmem:s14], [sflag:$0x1] =	stream.indirect.gather [hbm4b:s4+s13], $0x10, s17, s13, $0xb8;
	[tilespmem:$0x7000] =	vst v63  }
0xc6: {  	_ =	swait.ge [sflag:s26], $0x800  }
0xc7: {  	[sflag:s26] =	ssyncset.done $0x0  }
0xc8: {  	s17 =	sadd.s32 $0x1580, s9;
	[sflag:s26] =	ssyncadd.s32 $0xFFFFF800  }
0xc9: {  	[spmem:s1] =	stream.indirect.scatter.add.f32 [tilespmem:s22], [sflag:$0x8], $0x10, s17, s13, $0xb8;
	[tilespmem:$0x7000] =	vst v63  }
0xca: {  	_ =	swait.ge [sflag:s28], $0x800  }
0xcb: {  	[sflag:s28] =	ssyncset.done $0x0  }
0xcc: {  	s17 =	sadd.s32 $0x280, s9;
	[sflag:s28] =	ssyncadd.s32 $0xFFFFF800  }
0xcd: {  	[tilespmem:s15], [sflag:$0x2] =	stream.indirect.gather [hbm4b:s4+s13], $0x10, s17, s13, $0xb8;
	[tilespmem:$0x7000] =	vst v63  }
0xce: {  	_ =	swait.ge [sflag:s16], $0x800  }
0xcf: {  	[sflag:s16] =	ssyncset.done $0x0  }
0xd0: {  	s17 =	sadd.s32 $0x1600, s9;
	[sflag:s16] =	ssyncadd.s32 $0xFFFFF800  }
0xd1: {  	[spmem:s1] =	stream.indirect.scatter.add.f32 [tilespmem:s14], [sflag:$0x5], $0x10, s17, s13, $0xb8;
	[tilespmem:$0x7000] =	vst v63  }
0xd2: {  	_ =	swait.ge [sflag:s29], $0x800  }
0xd3: {  	[sflag:s29] =	ssyncset.done $0x0  }
0xd4: {  	s17 =	sadd.s32 $0x300, s9;
	[sflag:s29] =	ssyncadd.s32 $0xFFFFF800  }
0xd5: {  	[tilespmem:s18], [sflag:$0x3] =	stream.indirect.gather [hbm4b:s4+s13], $0x10, s17, s13, $0xb8;
	[tilespmem:$0x7000] =	vst v63  }
0xd6: {  	_ =	swait.ge [sflag:s19], $0x800  }
0xd7: {  	[sflag:s19] =	ssyncset.done $0x0  }
.Ltmp1:
0xd8: {  	s17 =	sadd.s32 $0x1680, s9;
	[sflag:s19] =	ssyncadd.s32 $0xFFFFF800;
	(pc) =	sbr.rel @p0 .LBB2_4-.Ltmp1, $4  }
0xd9: {  	[spmem:s1] =	stream.indirect.scatter.add.f32 [tilespmem:s15], [sflag:$0x6], $0x10, s17, s13, $0xb8;
	[tilespmem:$0x7000] =	vst v63  }
0xda: {  	_ =	swait.ge [sflag:s30], $0x800  }
0xdb: {  	[sflag:s30] =	ssyncset.done $0x0  }
0xdc: {  	s9 =	sadd.s32 $0x380, s9;
	[sflag:s30] =	ssyncadd.s32 $0xFFFFF800  }
0xdd: {  	[tilespmem:s22], [sflag:$0x4] =	stream.indirect.gather [hbm4b:s4+s13], $0x10, s9, s13, $0xb8;
	[tilespmem:$0x7000] =	vst v63  }
0xde: {  	_ =	swait.ge [sflag:s23], $0x800  }
0xdf: {  	[sflag:s23] =	ssyncset.done $0x0  }
0xe0: {  	[sflag:s23] =	ssyncadd.s32 $0xFFFFF800  }
0xe1: {  	[spmem:s1] =	stream.indirect.scatter.add.f32 [tilespmem:s18], [sflag:$0x7], $0x10, s31, s13, $0xb8;
	[tilespmem:$0x7000] =	vst v63  }
0xe2: {  	_ =	swait.ge [sflag:s25], $0x800  }
0xe3: {  	[sflag:s25] =	ssyncset.done $0x0  }
0xe4: {  	[sflag:s25] =	ssyncadd.s32 $0xFFFFF800  }
0xe5: {  	_ =	swait.ge [sflag:s26], $0x800  }
0xe6: {  	[sflag:s26] =	ssyncset.done $0x0  }
0xe7: {  	[sflag:s26] =	ssyncadd.s32 $0xFFFFF800  }
0xe8: {  	[spmem:s1] =	stream.indirect.scatter.add.f32 [tilespmem:s22], [sflag:$0x8], $0x10, s0, s13, $0xb8;
	[tilespmem:$0x7000] =	vst v63  }
0xe9: {  	_ =	swait.ge [sflag:s28], $0x800  }
0xea: {  	[sflag:s28] =	ssyncset.done $0x0  }
0xeb: {  	[sflag:s28] =	ssyncadd.s32 $0xFFFFF800  }
0xec: {  	_ =	swait.ge [sflag:s29], $0x800  }
0xed: {  	[sflag:s29] =	ssyncset.done $0x0  }
0xee: {  	[sflag:s29] =	ssyncadd.s32 $0xFFFFF800  }
0xef: {  	_ =	swait.ge [sflag:s30], $0x800  }
0xf0: {  	[sflag:s30] =	ssyncset.done $0x0  }
0xf1: {  	[sflag:s30] =	ssyncadd.s32 $0xFFFFF800  }
0xf2: {  	[bflag:$0x0] =	sbarrier.arrive $0xFFFF  }
0xf3: {  	[hbm:s24], [sflag:s6] =	dma.local [spmem:s10], $0x500  }
0xf4: {  	_ =	swait.ge [sflag:s11], $0x500  }
0xf5: {  	s2 =	sadd.s32 $0x1, s2;
	s5 =	rddreg [dreg:$0x4]  }
0xf6: {  	p0 =	sne.s32 s2, s5  }
.Ltmp2:
0xf7: {  	_ = 	snop;
	(pc) =	sbr.rel @p0 .LBB2_1-.Ltmp2, $3  }
0xf8: {  	_ =	sdelay $0x1  }
0xf9: {  	[sflag:s11] =	ssyncset.done $0x0  }
0xfa: {  	[sflag:s11] =	ssyncadd.s32 $0xFFFFFB00  }
0xfb: {  	_ =	sfence.sel $0x180000  }
0xfc: {  	[bflag:$0x0] =	sbarrier.arrive $0xFFFF  }
0xfd: {  	_ =	strace $0x90000050  }
0xfe: {  	s0 =	stileid.u32;
	[bflag:$0x2] =	sbarrier.arrive $0xFFFF  }
0xff: {  	p0 =	sne.s32 s0, $0x0;
	s0 =	rddreg [dreg:$0x2]  }
0x100: {  	s0 =	sadd.s32 @!p0 $0x100000, s0  }
0x101: {  	[sflag:s0] =	ssyncadd.tile.s32 @!p0 $0x1;
	_ =	shalt  }
.Lfunc_end2:
_tile_overlayer_lowered:
.L_overlay_start_2:
0x102: {  	(tag) =	ssettag $0x2  }
0x103: {  	s0 =	rddreg [dreg:$0x0];
	s2 =	stileid.u32  }
0x104: {  	s1 =	rddreg [dreg:$0x1];
	p0 =	sne.s32 s2, $0x0  }
0x105: {  	s3 =	rddreg [dreg:$0x2];
	[bflag:$0x3] =	sbarrier.arrive $0xFFFF;
	s2 =	simm.s32 @!p0 $0x1C09  }
0x106: {  	[timem:s3], [sflag:s2] =	dma.local @!p0 [hbm:s0], s1  }
0x107: {  	s0 =	simm.s32 @!p0 $0x9  }
0x108: {  	_ =	swait.ge @!p0 [sflag:s0], s1  }
0x109: {  	s1 =	ssub.s32 @!p0 $0x0, s1;
	[sflag:s0] =	ssyncset.done @!p0 $0x0  }
0x10a: {  	[sflag:s0] =	ssyncadd.s32 @!p0 s1  }
0x10b: {  	[bflag:$0x3] =	sbarrier.arrive $0xFFFF  }
0x10c: {  	_ =	shalt  }

</sc_bundles>
